<compile_context>
chip_gen: v7x
topology: tpu7x:2x2x1
jax: 0.10.2.dev20260603
libtpu: 0.0.44.dev20260713+nightly
codegen_flags: <defaults>
</compile_context>

<pallas_src>
import functools

import jax
import jax.numpy as jnp
from jax import lax
from jax.experimental import pallas as pl
from jax.experimental.pallas import tpu as pltpu
from jax.experimental.pallas import tpu_sc as plsc

_N, _D, _B, _DG = 100000, 128, 512, 64
_L = 16
_NS = 16
_NG = _N // _L
_GPT = _NG // _NS
_REM = _NG - _GPT * _NS
_NBG = 13
_BLK_ROWS = _NBG * _L
_BLK_ELEMS = _BLK_ROWS * _D
_RCH = 128
_NRCH = _B // _RCH


def _gather16(vec, idx):
    dnums = lax.GatherDimensionNumbers(
        offset_dims=(), collapsed_slice_dims=(0,), start_index_map=(0,))
    return lax.gather(vec, idx.reshape(_L, 1), dnums, (1,),
                      mode=lax.GatherScatterMode.PROMISE_IN_BOUNDS)


def _process(sid, f_hbm, ids_hbm, w_hbm, b_hbm, out_hbm,
             acc, inbufs, sems, idsbuf, wbuf, bbuf, idxv, shared):
    sg = _GPT * sid + jnp.minimum(sid, _REM)
    ng = jnp.where(sid < _REM, _GPT + 1, _GPT)
    nb = jnp.where(sid < _REM, _GPT // _NBG + 1, _GPT // _NBG)

    pltpu.sync_copy(ids_hbm.at[pl.ds(sg * _L, _GPT * _L)],
                    idsbuf.at[pl.ds(0, _GPT * _L)])

    @pl.when(sid < _REM)
    def _():
        pltpu.sync_copy(ids_hbm.at[pl.ds(sg * _L + _GPT * _L, _L * _NBG)],
                        idsbuf.at[pl.ds(_GPT * _L, _L * _NBG)])

    pltpu.sync_copy(w_hbm, wbuf)
    pltpu.sync_copy(b_hbm, bbuf)
    wc = [wbuf[pl.ds(_L * c, _L)] for c in range(_D // _L)]
    bv = bbuf[...]
    zero = jnp.zeros((_L,), jnp.float32)
    colv = [lax.iota(jnp.int32, _L) + _L * c for c in range(_D // _L)]
    bfly_idx = {k: lax.iota(jnp.int32, _L) ^ k for k in (1, 2, 4, 8)}

    @plsc.parallel_loop(0, _B, unroll=2)
    def _zrow(i):
        for c in range(_D // _L):
            acc[i, pl.ds(_L * c, _L)] = zero

    @pl.when(sid == 0)
    def _():
        pltpu.sync_copy(acc, shared)
    plsc.subcore_barrier()

    def _start(blk, buf, sem):
        row0 = (sg + blk * _NBG) * _L
        pltpu.async_copy(f_hbm.at[pl.ds(row0 * _D, _BLK_ELEMS)], buf, sem)

    def _proc(blk, buf):
        nrows = jnp.minimum(ng - blk * _NBG, _NBG) * _L

        @plsc.parallel_loop(0, nrows, unroll=4)
        def _row(i):
            rid = plsc.load_gather(
                idsbuf, [jnp.full((_L,), blk * _BLK_ROWS + i, jnp.int32)])
            fbase = i * _D
            t = [buf[pl.ds(fbase + _L * c, _L)] * wc[c]
                 for c in range(_D // _L)]
            while len(t) > 1:
                t = [t[j] + t[j + 1] for j in range(0, len(t), 2)]
            p = t[0]
            for bx in bfly_idx.values():
                p = p + _gather16(p, bx)
            w = 1.0 / (1.0 + jnp.exp(-(p + bv)))
            for c in range(_D // _L):
                v = buf[pl.ds(fbase + _L * c, _L)] * w
                plsc.addupdate_scatter(acc, [rid, colv[c]], v)

    _start(0, inbufs[0], sems[0])

    @pl.when(nb > 1)
    def _():
        _start(1, inbufs[1], sems[1])

    def _pair(p, _):
        for b in range(2):
            blk = p * 2 + b

            @pl.when(blk < nb)
            def _():
                pltpu.make_async_copy(
                    f_hbm.at[pl.ds(0, _BLK_ELEMS)], inbufs[b],
                    sems[b]).wait()
                _proc(blk, inbufs[b])

                @pl.when(blk + 2 < nb)
                def _():
                    _start(blk + 2, inbufs[b], sems[b])
        return 0

    lax.fori_loop(0, (_GPT // _NBG + 2) // 2, _pair, 0)

    for j in range(_NRCH):
        pltpu.sync_copy(acc.at[pl.ds(j * _RCH, _RCH)],
                        shared.at[idxv[j]], add=True)
    plsc.subcore_barrier()

    rows = _B // _NS
    pltpu.sync_copy(shared.at[pl.ds(sid * rows, rows)],
                    out_hbm.at[pl.ds(sid * rows, rows)])


def _sc_body(fa, ia, fb, ib, wa, ba, wb, bb, idx_hbm, out_a, out_b,
             acc, inbuf0, inbuf1, sem0, sem1, idsbuf, wbuf, bbuf,
             idxv0, idxv1, idxv2, idxv3, shared):
    cid = lax.axis_index("c")
    sid = lax.axis_index("s")
    idxv = (idxv0, idxv1, idxv2, idxv3)
    for j in range(_NRCH):
        pltpu.sync_copy(idx_hbm.at[j], idxv[j])

    @pl.when(cid == 0)
    def _():
        _process(sid, fa, ia, wa, ba, out_a,
                 acc, (inbuf0, inbuf1), (sem0, sem1), idsbuf, wbuf, bbuf,
                 idxv, shared)

    @pl.when(cid == 1)
    def _():
        _process(sid, fb, ib, wb, bb, out_b,
                 acc, (inbuf0, inbuf1), (sem0, sem1), idsbuf, wbuf, bbuf,
                 idxv, shared)


def kernel(feats_atom, feats_bond, feats_global, batch_atom, batch_bond,
           W_atom, b_atom, W_bond, b_bond):
    fa = feats_atom.reshape(_N * _D)
    fb = feats_bond.reshape(_N * _D)
    ia = batch_atom.astype(jnp.int32)
    ib = batch_bond.astype(jnp.int32)
    wa = W_atom.reshape(_D)
    wb = W_bond.reshape(_D)
    ba = jnp.broadcast_to(b_atom.reshape(1), (_L,))
    bb = jnp.broadcast_to(b_bond.reshape(1), (_L,))
    idx = jnp.arange(_B, dtype=jnp.int32).reshape(_NRCH, _RCH)

    sc_fn = pl.kernel(
        _sc_body,
        out_type=(jax.ShapeDtypeStruct((_B, _D), jnp.float32),
                  jax.ShapeDtypeStruct((_B, _D), jnp.float32)),
        mesh=plsc.VectorSubcoreMesh(core_axis_name="c", subcore_axis_name="s"),
        compiler_params=pltpu.CompilerParams(needs_layout_passes=False),
        scratch_types=[
            pltpu.VMEM((_B, _D), jnp.float32),
            pltpu.VMEM((_BLK_ELEMS,), jnp.float32),
            pltpu.VMEM((_BLK_ELEMS,), jnp.float32),
            pltpu.SemaphoreType.DMA,
            pltpu.SemaphoreType.DMA,
            pltpu.VMEM(((_GPT + _NBG) * _L,), jnp.int32),
            pltpu.VMEM((_D,), jnp.float32),
            pltpu.VMEM((_L,), jnp.float32),
            pltpu.VMEM((_RCH,), jnp.int32),
            pltpu.VMEM((_RCH,), jnp.int32),
            pltpu.VMEM((_RCH,), jnp.int32),
            pltpu.VMEM((_RCH,), jnp.int32),
            pltpu.VMEM_SHARED((_B, _D), jnp.float32),
        ],
    )

    pa, pb = sc_fn(fa, ia, fb, ib, wa, ba, wb, bb, idx)
    return jnp.concatenate([pa, pb, feats_global], axis=-1)

# --- scband reference (transcript-rebuilt; emitter-appended) ---
"""Pipeline reference for scband-weight-and-sum-then-cat-77635828843232 (READ-ONLY COPY).

The authoritative reference and input builder live on the scoring server;
editing this copy changes nothing except your own understanding.
"""

import jax, jax.numpy as jnp
import numpy as np

N = 100000
D = 128
B = 512
DG = 64

def setup_inputs(seed: int = 0) -> dict:
    key = jax.random.key(seed)
    ks = jax.random.split(key, 9)
    feats_atom = jax.random.normal(ks[0], (N, D), dtype=jnp.float32)
    feats_bond = jax.random.normal(ks[1], (N, D), dtype=jnp.float32)
    feats_global = jax.random.normal(ks[2], (B, DG), dtype=jnp.float32)
    batch_atom = jnp.sort(jax.random.randint(ks[3], (N,), 0, B, dtype=jnp.int32)).astype(jnp.int64)
    batch_bond = jnp.sort(jax.random.randint(ks[4], (N,), 0, B, dtype=jnp.int32)).astype(jnp.int64)
    W_atom = jax.random.normal(ks[5], (D, 1), dtype=jnp.float32) * (1.0 / np.sqrt(D))
    b_atom = jnp.zeros((1,), dtype=jnp.float32)
    W_bond = jax.random.normal(ks[6], (D, 1), dtype=jnp.float32) * (1.0 / np.sqrt(D))
    b_bond = jnp.zeros((1,), dtype=jnp.float32)
    return {
        "feats_atom": feats_atom,
        "feats_bond": feats_bond,
        "feats_global": feats_global,
        "batch_atom": batch_atom,
        "batch_bond": batch_bond,
        "W_atom": W_atom,
        "b_atom": b_atom,
        "W_bond": W_bond,
        "b_bond": b_bond,
    }

def reference(feats_atom, feats_bond, feats_global, batch_atom, batch_bond, W_atom, b_atom, W_bond, b_bond):
    num_graphs = feats_global.shape[0]
    # WeightAndSum for 'atom' nodes
    w_a = jax.nn.sigmoid(feats_atom @ W_atom + b_atom)  # [N, 1]
    weighted_a = feats_atom * w_a
    pooled_a = jax.ops.segment_sum(weighted_a, batch_atom, num_segments=num_graphs)
    # WeightAndSum for 'bond' nodes
    w_b = jax.nn.sigmoid(feats_bond @ W_bond + b_bond)  # [N, 1]
    weighted_b = feats_bond * w_b
    pooled_b = jax.ops.segment_sum(weighted_b, batch_bond, num_segments=num_graphs)
    # direct concat of 'global' features
    return jnp.concatenate([pooled_a, pooled_b, feats_global], axis=-1)

if __name__ == "__main__":
    import jax
    _d = setup_inputs()
    print(jax.jit(kernel)(*tuple(_d.values())))

</pallas_src>

<mosaic_0001>
#map = affine_map<(d0, d1) -> (0)>
#map1 = affine_map<(d0, d1) -> (0, 0)>
module attributes {stable_mosaic.version = 14 : i64} {
  func.func @_sc_body(%arg0: i32, %arg1: i32, %arg2: memref<12800000xf32, #tpu.memory_space<hbm>>, %arg3: memref<100000xi32, #tpu.memory_space<hbm>>, %arg4: memref<12800000xf32, #tpu.memory_space<hbm>>, %arg5: memref<100000xi32, #tpu.memory_space<hbm>>, %arg6: memref<128xf32, #tpu.memory_space<hbm>>, %arg7: memref<16xf32, #tpu.memory_space<hbm>>, %arg8: memref<128xf32, #tpu.memory_space<hbm>>, %arg9: memref<16xf32, #tpu.memory_space<hbm>>, %arg10: memref<4x128xi32, #tpu.memory_space<hbm>>, %arg11: memref<512x128xf32, #tpu.memory_space<hbm>>, %arg12: memref<512x128xf32, #tpu.memory_space<hbm>>, %arg13: memref<512x128xf32, #tpu.memory_space<vmem>>, %arg14: memref<26624xf32, #tpu.memory_space<vmem>>, %arg15: memref<26624xf32, #tpu.memory_space<vmem>>, %arg16: memref<!tpu.dma_semaphore, #tpu.memory_space<semaphore_mem>>, %arg17: memref<!tpu.dma_semaphore, #tpu.memory_space<semaphore_mem>>, %arg18: memref<6448xi32, #tpu.memory_space<vmem>>, %arg19: memref<128xf32, #tpu.memory_space<vmem>>, %arg20: memref<16xf32, #tpu.memory_space<vmem>>, %arg21: memref<128xi32, #tpu.memory_space<vmem>>, %arg22: memref<128xi32, #tpu.memory_space<vmem>>, %arg23: memref<128xi32, #tpu.memory_space<vmem>>, %arg24: memref<128xi32, #tpu.memory_space<vmem>>, %arg25: memref<512x128xf32, #tpu.memory_space<vmem_shared>>) attributes {dimension_semantics = [#tpu.dimension_semantics<core_parallel>, #tpu.dimension_semantics<subcore_parallel>], iteration_bounds = array<i64: 2, 16>, scalar_prefetch = 0 : i64, scratch_operands = 13 : i64, tpu.core_type = #tpu.core_type<sc_vector_subcore>, window_params = [{transform_indices = #map}, {transform_indices = #map}, {transform_indices = #map}, {transform_indices = #map}, {transform_indices = #map}, {transform_indices = #map}, {transform_indices = #map}, {transform_indices = #map}, {transform_indices = #map1}, {transform_indices = #map1}, {transform_indices = #map1}]} {
    %run_scoped3A = arith.constant 0 : i32
    "tpu.region"() ({
      %run_scoped3A_10 = tpu.sem_alloc : memref<!tpu.dma_semaphore, #tpu.memory_space<semaphore_mem>>
      %dma_start3A = arith.constant 0 : i32
      %dma_start3A_11 = tpu.memref_slice %arg10[%run_scoped3A, %dma_start3A] : memref<4x128xi32, #tpu.memory_space<hbm>> -> memref<1x128xi32, #tpu.memory_space<hbm>>
      %dma_start3A_12 = tpu.memref_squeeze %dma_start3A_11 : memref<1x128xi32, #tpu.memory_space<hbm>> -> memref<128xi32, #tpu.memory_space<hbm>>
      %dma_start3A_13 = arith.constant 0 : i32
      %dma_start3A_14 = tpu.memref_slice %arg10[%run_scoped3A, %dma_start3A_13] : memref<4x128xi32, #tpu.memory_space<hbm>> -> memref<1x128xi32, #tpu.memory_space<hbm>>
      %dma_start3A_15 = tpu.memref_squeeze %dma_start3A_14 : memref<1x128xi32, #tpu.memory_space<hbm>> -> memref<128xi32, #tpu.memory_space<hbm>>
      tpu.enqueue_dma source(%dma_start3A_15 : memref<128xi32, #tpu.memory_space<hbm>>) target(%arg21 : memref<128xi32, #tpu.memory_space<vmem>>) target_semaphore(%run_scoped3A_10 : memref<!tpu.dma_semaphore, #tpu.memory_space<semaphore_mem>>)
      %dma_wait3A = arith.constant 0 : i32
      %dma_wait3A_16 = tpu.memref_slice %arg10[%run_scoped3A, %dma_wait3A] : memref<4x128xi32, #tpu.memory_space<hbm>> -> memref<1x128xi32, #tpu.memory_space<hbm>>
      %dma_wait3A_17 = tpu.memref_squeeze %dma_wait3A_16 : memref<1x128xi32, #tpu.memory_space<hbm>> -> memref<128xi32, #tpu.memory_space<hbm>>
      %dma_wait3A_18 = arith.constant 0 : i32
      %dma_wait3A_19 = tpu.memref_slice %arg10[%run_scoped3A, %dma_wait3A_18] : memref<4x128xi32, #tpu.memory_space<hbm>> -> memref<1x128xi32, #tpu.memory_space<hbm>>
      %dma_wait3A_20 = tpu.memref_squeeze %dma_wait3A_19 : memref<1x128xi32, #tpu.memory_space<hbm>> -> memref<128xi32, #tpu.memory_space<hbm>>
      tpu.wait_dma2 semaphore(%run_scoped3A_10 : memref<!tpu.dma_semaphore, #tpu.memory_space<semaphore_mem>>) src(%dma_wait3A_20 : memref<128xi32, #tpu.memory_space<hbm>>) dst(%arg21 : memref<128xi32, #tpu.memory_space<vmem>>)
      tpu.yield
    }) : () -> ()
    %run_scoped3A_0 = arith.constant 1 : i32
    "tpu.region"() ({
      %run_scoped3A_10 = tpu.sem_alloc : memref<!tpu.dma_semaphore, #tpu.memory_space<semaphore_mem>>
      %dma_start3A = arith.constant 0 : i32
      %dma_start3A_11 = tpu.memref_slice %arg10[%run_scoped3A_0, %dma_start3A] : memref<4x128xi32, #tpu.memory_space<hbm>> -> memref<1x128xi32, #tpu.memory_space<hbm>>
      %dma_start3A_12 = tpu.memref_squeeze %dma_start3A_11 : memref<1x128xi32, #tpu.memory_space<hbm>> -> memref<128xi32, #tpu.memory_space<hbm>>
      %dma_start3A_13 = arith.constant 0 : i32
      %dma_start3A_14 = tpu.memref_slice %arg10[%run_scoped3A_0, %dma_start3A_13] : memref<4x128xi32, #tpu.memory_space<hbm>> -> memref<1x128xi32, #tpu.memory_space<hbm>>
      %dma_start3A_15 = tpu.memref_squeeze %dma_start3A_14 : memref<1x128xi32, #tpu.memory_space<hbm>> -> memref<128xi32, #tpu.memory_space<hbm>>
      tpu.enqueue_dma source(%dma_start3A_15 : memref<128xi32, #tpu.memory_space<hbm>>) target(%arg22 : memref<128xi32, #tpu.memory_space<vmem>>) target_semaphore(%run_scoped3A_10 : memref<!tpu.dma_semaphore, #tpu.memory_space<semaphore_mem>>)
      %dma_wait3A = arith.constant 0 : i32
      %dma_wait3A_16 = tpu.memref_slice %arg10[%run_scoped3A_0, %dma_wait3A] : memref<4x128xi32, #tpu.memory_space<hbm>> -> memref<1x128xi32, #tpu.memory_space<hbm>>
      %dma_wait3A_17 = tpu.memref_squeeze %dma_wait3A_16 : memref<1x128xi32, #tpu.memory_space<hbm>> -> memref<128xi32, #tpu.memory_space<hbm>>
      %dma_wait3A_18 = arith.constant 0 : i32
      %dma_wait3A_19 = tpu.memref_slice %arg10[%run_scoped3A_0, %dma_wait3A_18] : memref<4x128xi32, #tpu.memory_space<hbm>> -> memref<1x128xi32, #tpu.memory_space<hbm>>
      %dma_wait3A_20 = tpu.memref_squeeze %dma_wait3A_19 : memref<1x128xi32, #tpu.memory_space<hbm>> -> memref<128xi32, #tpu.memory_space<hbm>>
      tpu.wait_dma2 semaphore(%run_scoped3A_10 : memref<!tpu.dma_semaphore, #tpu.memory_space<semaphore_mem>>) src(%dma_wait3A_20 : memref<128xi32, #tpu.memory_space<hbm>>) dst(%arg22 : memref<128xi32, #tpu.memory_space<vmem>>)
      tpu.yield
    }) : () -> ()
    %run_scoped3A_1 = arith.constant 2 : i32
    "tpu.region"() ({
      %run_scoped3A_10 = tpu.sem_alloc : memref<!tpu.dma_semaphore, #tpu.memory_space<semaphore_mem>>
      %dma_start3A = arith.constant 0 : i32
      %dma_start3A_11 = tpu.memref_slice %arg10[%run_scoped3A_1, %dma_start3A] : memref<4x128xi32, #tpu.memory_space<hbm>> -> memref<1x128xi32, #tpu.memory_space<hbm>>
      %dma_start3A_12 = tpu.memref_squeeze %dma_start3A_11 : memref<1x128xi32, #tpu.memory_space<hbm>> -> memref<128xi32, #tpu.memory_space<hbm>>
      %dma_start3A_13 = arith.constant 0 : i32
      %dma_start3A_14 = tpu.memref_slice %arg10[%run_scoped3A_1, %dma_start3A_13] : memref<4x128xi32, #tpu.memory_space<hbm>> -> memref<1x128xi32, #tpu.memory_space<hbm>>
      %dma_start3A_15 = tpu.memref_squeeze %dma_start3A_14 : memref<1x128xi32, #tpu.memory_space<hbm>> -> memref<128xi32, #tpu.memory_space<hbm>>
      tpu.enqueue_dma source(%dma_start3A_15 : memref<128xi32, #tpu.memory_space<hbm>>) target(%arg23 : memref<128xi32, #tpu.memory_space<vmem>>) target_semaphore(%run_scoped3A_10 : memref<!tpu.dma_semaphore, #tpu.memory_space<semaphore_mem>>)
      %dma_wait3A = arith.constant 0 : i32
      %dma_wait3A_16 = tpu.memref_slice %arg10[%run_scoped3A_1, %dma_wait3A] : memref<4x128xi32, #tpu.memory_space<hbm>> -> memref<1x128xi32, #tpu.memory_space<hbm>>
      %dma_wait3A_17 = tpu.memref_squeeze %dma_wait3A_16 : memref<1x128xi32, #tpu.memory_space<hbm>> -> memref<128xi32, #tpu.memory_space<hbm>>
      %dma_wait3A_18 = arith.constant 0 : i32
      %dma_wait3A_19 = tpu.memref_slice %arg10[%run_scoped3A_1, %dma_wait3A_18] : memref<4x128xi32, #tpu.memory_space<hbm>> -> memref<1x128xi32, #tpu.memory_space<hbm>>
      %dma_wait3A_20 = tpu.memref_squeeze %dma_wait3A_19 : memref<1x128xi32, #tpu.memory_space<hbm>> -> memref<128xi32, #tpu.memory_space<hbm>>
      tpu.wait_dma2 semaphore(%run_scoped3A_10 : memref<!tpu.dma_semaphore, #tpu.memory_space<semaphore_mem>>) src(%dma_wait3A_20 : memref<128xi32, #tpu.memory_space<hbm>>) dst(%arg23 : memref<128xi32, #tpu.memory_space<vmem>>)
      tpu.yield
    }) : () -> ()
    %run_scoped3A_2 = arith.constant 3 : i32
    "tpu.region"() ({
      %run_scoped3A_10 = tpu.sem_alloc : memref<!tpu.dma_semaphore, #tpu.memory_space<semaphore_mem>>
      %dma_start3A = arith.constant 0 : i32
      %dma_start3A_11 = tpu.memref_slice %arg10[%run_scoped3A_2, %dma_start3A] : memref<4x128xi32, #tpu.memory_space<hbm>> -> memref<1x128xi32, #tpu.memory_space<hbm>>
      %dma_start3A_12 = tpu.memref_squeeze %dma_start3A_11 : memref<1x128xi32, #tpu.memory_space<hbm>> -> memref<128xi32, #tpu.memory_space<hbm>>
      %dma_start3A_13 = arith.constant 0 : i32
      %dma_start3A_14 = tpu.memref_slice %arg10[%run_scoped3A_2, %dma_start3A_13] : memref<4x128xi32, #tpu.memory_space<hbm>> -> memref<1x128xi32, #tpu.memory_space<hbm>>
      %dma_start3A_15 = tpu.memref_squeeze %dma_start3A_14 : memref<1x128xi32, #tpu.memory_space<hbm>> -> memref<128xi32, #tpu.memory_space<hbm>>
      tpu.enqueue_dma source(%dma_start3A_15 : memref<128xi32, #tpu.memory_space<hbm>>) target(%arg24 : memref<128xi32, #tpu.memory_space<vmem>>) target_semaphore(%run_scoped3A_10 : memref<!tpu.dma_semaphore, #tpu.memory_space<semaphore_mem>>)
      %dma_wait3A = arith.constant 0 : i32
      %dma_wait3A_16 = tpu.memref_slice %arg10[%run_scoped3A_2, %dma_wait3A] : memref<4x128xi32, #tpu.memory_space<hbm>> -> memref<1x128xi32, #tpu.memory_space<hbm>>
      %dma_wait3A_17 = tpu.memref_squeeze %dma_wait3A_16 : memref<1x128xi32, #tpu.memory_space<hbm>> -> memref<128xi32, #tpu.memory_space<hbm>>
      %dma_wait3A_18 = arith.constant 0 : i32
      %dma_wait3A_19 = tpu.memref_slice %arg10[%run_scoped3A_2, %dma_wait3A_18] : memref<4x128xi32, #tpu.memory_space<hbm>> -> memref<1x128xi32, #tpu.memory_space<hbm>>
      %dma_wait3A_20 = tpu.memref_squeeze %dma_wait3A_19 : memref<1x128xi32, #tpu.memory_space<hbm>> -> memref<128xi32, #tpu.memory_space<hbm>>
      tpu.wait_dma2 semaphore(%run_scoped3A_10 : memref<!tpu.dma_semaphore, #tpu.memory_space<semaphore_mem>>) src(%dma_wait3A_20 : memref<128xi32, #tpu.memory_space<hbm>>) dst(%arg24 : memref<128xi32, #tpu.memory_space<vmem>>)
      tpu.yield
    }) : () -> ()
    %eq3A = arith.constant 0 : i32
    %eq3A_3 = arith.cmpi eq, %arg0, %eq3A : i32
    %convert_element_type3A = arith.extui %eq3A_3 : i1 to i32
    %cond3A = arith.constant 0 : i32
    %cond3A_4 = arith.cmpi ne, %convert_element_type3A, %cond3A : i32
    scf.if %cond3A_4 {
      %mul3A = arith.constant 390 : i32
      %mul3A_10 = arith.muli %mul3A, %arg1 : i32
      %min3A = arith.constant 10 : i32
      %min3A_11 = arith.minsi %arg1, %min3A : i32
      %add3A = arith.addi %mul3A_10, %min3A_11 : i32
      %lt3A = arith.constant 10 : i32
      %lt3A_12 = arith.cmpi slt, %arg1, %lt3A : i32
      %jit3A = arith.constant 391 : i32
      %jit3A_13 = arith.constant 390 : i32
      %select_n3A = arith.select %lt3A_12, %jit3A, %jit3A_13 : i32
      %lt3A_14 = arith.constant 10 : i32
      %lt3A_15 = arith.cmpi slt, %arg1, %lt3A_14 : i32
      %jit3A_16 = arith.constant 31 : i32
      %jit3A_17 = arith.constant 30 : i32
      %select_n3A_18 = arith.select %lt3A_15, %jit3A_16, %jit3A_17 : i32
      %mul3A_19 = arith.constant 16 : i32
      %mul3A_20 = arith.muli %add3A, %mul3A_19 : i32
      "tpu.region"() ({
        %run_scoped3A_119 = tpu.sem_alloc : memref<!tpu.dma_semaphore, #tpu.memory_space<semaphore_mem>>
        %dma_start3A_120 = arith.constant 0 : i32
        %dma_start3A_121 = tpu.memref_slice %arg18[%dma_start3A_120] : memref<6448xi32, #tpu.memory_space<vmem>> -> memref<6240xi32, #tpu.memory_space<vmem>>
        %dma_start3A_122 = tpu.memref_slice %arg3[%mul3A_20] : memref<100000xi32, #tpu.memory_space<hbm>> -> memref<6240xi32, #tpu.memory_space<hbm>>
        %dma_start3A_123 = arith.constant 0 : i32
        %dma_start3A_124 = tpu.memref_slice %arg18[%dma_start3A_123] : memref<6448xi32, #tpu.memory_space<vmem>> -> memref<6240xi32, #tpu.memory_space<vmem>>
        %dma_start3A_125 = tpu.memref_slice %arg3[%mul3A_20] : memref<100000xi32, #tpu.memory_space<hbm>> -> memref<6240xi32, #tpu.memory_space<hbm>>
        tpu.enqueue_dma source(%dma_start3A_125 : memref<6240xi32, #tpu.memory_space<hbm>>) target(%dma_start3A_124 : memref<6240xi32, #tpu.memory_space<vmem>>) target_semaphore(%run_scoped3A_119 : memref<!tpu.dma_semaphore, #tpu.memory_space<semaphore_mem>>)
        %dma_wait3A = arith.constant 0 : i32
        %dma_wait3A_126 = tpu.memref_slice %arg18[%dma_wait3A] : memref<6448xi32, #tpu.memory_space<vmem>> -> memref<6240xi32, #tpu.memory_space<vmem>>
        %dma_wait3A_127 = tpu.memref_slice %arg3[%mul3A_20] : memref<100000xi32, #tpu.memory_space<hbm>> -> memref<6240xi32, #tpu.memory_space<hbm>>
        %dma_wait3A_128 = arith.constant 0 : i32
        %dma_wait3A_129 = tpu.memref_slice %arg18[%dma_wait3A_128] : memref<6448xi32, #tpu.memory_space<vmem>> -> memref<6240xi32, #tpu.memory_space<vmem>>
        %dma_wait3A_130 = tpu.memref_slice %arg3[%mul3A_20] : memref<100000xi32, #tpu.memory_space<hbm>> -> memref<6240xi32, #tpu.memory_space<hbm>>
        tpu.wait_dma2 semaphore(%run_scoped3A_119 : memref<!tpu.dma_semaphore, #tpu.memory_space<semaphore_mem>>) src(%dma_wait3A_130 : memref<6240xi32, #tpu.memory_space<hbm>>) dst(%dma_wait3A_129 : memref<6240xi32, #tpu.memory_space<vmem>>)
        tpu.yield
      }) : () -> ()
      %lt3A_21 = arith.constant 10 : i32
      %lt3A_22 = arith.cmpi slt, %arg1, %lt3A_21 : i32
      %convert_element_type3A_23 = arith.extui %lt3A_22 : i1 to i32
      %cond3A_24 = arith.constant 0 : i32
      %cond3A_25 = arith.cmpi ne, %convert_element_type3A_23, %cond3A_24 : i32
      scf.if %cond3A_25 {
        %mul3A_119 = arith.constant 16 : i32
        %mul3A_120 = arith.muli %add3A, %mul3A_119 : i32
        %add3A_121 = arith.constant 6240 : i32
        %add3A_122 = arith.addi %mul3A_120, %add3A_121 : i32
        "tpu.region"() ({
          %run_scoped3A_123 = tpu.sem_alloc : memref<!tpu.dma_semaphore, #tpu.memory_space<semaphore_mem>>
          %dma_start3A_124 = arith.constant 6240 : i32
          %dma_start3A_125 = tpu.memref_slice %arg18[%dma_start3A_124] : memref<6448xi32, #tpu.memory_space<vmem>> -> memref<208xi32, #tpu.memory_space<vmem>>
          %dma_start3A_126 = tpu.memref_slice %arg3[%add3A_122] : memref<100000xi32, #tpu.memory_space<hbm>> -> memref<208xi32, #tpu.memory_space<hbm>>
          %dma_start3A_127 = arith.constant 6240 : i32
          %dma_start3A_128 = tpu.memref_slice %arg18[%dma_start3A_127] : memref<6448xi32, #tpu.memory_space<vmem>> -> memref<208xi32, #tpu.memory_space<vmem>>
          %dma_start3A_129 = tpu.memref_slice %arg3[%add3A_122] : memref<100000xi32, #tpu.memory_space<hbm>> -> memref<208xi32, #tpu.memory_space<hbm>>
          tpu.enqueue_dma source(%dma_start3A_129 : memref<208xi32, #tpu.memory_space<hbm>>) target(%dma_start3A_128 : memref<208xi32, #tpu.memory_space<vmem>>) target_semaphore(%run_scoped3A_123 : memref<!tpu.dma_semaphore, #tpu.memory_space<semaphore_mem>>)
          %dma_wait3A = arith.constant 6240 : i32
          %dma_wait3A_130 = tpu.memref_slice %arg18[%dma_wait3A] : memref<6448xi32, #tpu.memory_space<vmem>> -> memref<208xi32, #tpu.memory_space<vmem>>
          %dma_wait3A_131 = tpu.memref_slice %arg3[%add3A_122] : memref<100000xi32, #tpu.memory_space<hbm>> -> memref<208xi32, #tpu.memory_space<hbm>>
          %dma_wait3A_132 = arith.constant 6240 : i32
          %dma_wait3A_133 = tpu.memref_slice %arg18[%dma_wait3A_132] : memref<6448xi32, #tpu.memory_space<vmem>> -> memref<208xi32, #tpu.memory_space<vmem>>
          %dma_wait3A_134 = tpu.memref_slice %arg3[%add3A_122] : memref<100000xi32, #tpu.memory_space<hbm>> -> memref<208xi32, #tpu.memory_space<hbm>>
          tpu.wait_dma2 semaphore(%run_scoped3A_123 : memref<!tpu.dma_semaphore, #tpu.memory_space<semaphore_mem>>) src(%dma_wait3A_134 : memref<208xi32, #tpu.memory_space<hbm>>) dst(%dma_wait3A_133 : memref<208xi32, #tpu.memory_space<vmem>>)
          tpu.yield
        }) : () -> ()
      } else {
      }
      "tpu.region"() ({
        %run_scoped3A_119 = tpu.sem_alloc : memref<!tpu.dma_semaphore, #tpu.memory_space<semaphore_mem>>
        tpu.enqueue_dma source(%arg6 : memref<128xf32, #tpu.memory_space<hbm>>) target(%arg19 : memref<128xf32, #tpu.memory_space<vmem>>) target_semaphore(%run_scoped3A_119 : memref<!tpu.dma_semaphore, #tpu.memory_space<semaphore_mem>>)
        tpu.wait_dma2 semaphore(%run_scoped3A_119 : memref<!tpu.dma_semaphore, #tpu.memory_space<semaphore_mem>>) src(%arg6 : memref<128xf32, #tpu.memory_space<hbm>>) dst(%arg19 : memref<128xf32, #tpu.memory_space<vmem>>)
        tpu.yield
      }) : () -> ()
      "tpu.region"() ({
        %run_scoped3A_119 = tpu.sem_alloc : memref<!tpu.dma_semaphore, #tpu.memory_space<semaphore_mem>>
        tpu.enqueue_dma source(%arg7 : memref<16xf32, #tpu.memory_space<hbm>>) target(%arg20 : memref<16xf32, #tpu.memory_space<vmem>>) target_semaphore(%run_scoped3A_119 : memref<!tpu.dma_semaphore, #tpu.memory_space<semaphore_mem>>)
        tpu.wait_dma2 semaphore(%run_scoped3A_119 : memref<!tpu.dma_semaphore, #tpu.memory_space<semaphore_mem>>) src(%arg7 : memref<16xf32, #tpu.memory_space<hbm>>) dst(%arg20 : memref<16xf32, #tpu.memory_space<vmem>>)
        tpu.yield
      }) : () -> ()
      %get3A = arith.constant 0 : index
      %get3A_26 = tpu.vector_load %arg19[%get3A] {strides = array<i32>} : memref<128xf32, #tpu.memory_space<vmem>>, vector<16xf32>,
      %get3A_27 = arith.constant 16 : index
      %get3A_28 = tpu.vector_load %arg19[%get3A_27] {strides = array<i32>} : memref<128xf32, #tpu.memory_space<vmem>>, vector<16xf32>,
      %get3A_29 = arith.constant 32 : index
      %get3A_30 = tpu.vector_load %arg19[%get3A_29] {strides = array<i32>} : memref<128xf32, #tpu.memory_space<vmem>>, vector<16xf32>,
      %get3A_31 = arith.constant 48 : index
      %get3A_32 = tpu.vector_load %arg19[%get3A_31] {strides = array<i32>} : memref<128xf32, #tpu.memory_space<vmem>>, vector<16xf32>,
      %get3A_33 = arith.constant 64 : index
      %get3A_34 = tpu.vector_load %arg19[%get3A_33] {strides = array<i32>} : memref<128xf32, #tpu.memory_space<vmem>>, vector<16xf32>,
      %get3A_35 = arith.constant 80 : index
      %get3A_36 = tpu.vector_load %arg19[%get3A_35] {strides = array<i32>} : memref<128xf32, #tpu.memory_space<vmem>>, vector<16xf32>,
      %get3A_37 = arith.constant 96 : index
      %get3A_38 = tpu.vector_load %arg19[%get3A_37] {strides = array<i32>} : memref<128xf32, #tpu.memory_space<vmem>>, vector<16xf32>,
      %get3A_39 = arith.constant 112 : index
      %get3A_40 = tpu.vector_load %arg19[%get3A_39] {strides = array<i32>} : memref<128xf32, #tpu.memory_space<vmem>>, vector<16xf32>,
      %get3A_41 = arith.constant 0 : index
      %get3A_42 = tpu.vector_load %arg20[%get3A_41] {strides = array<i32>} : memref<16xf32, #tpu.memory_space<vmem>>, vector<16xf32>,
      %broadcast_in_dim3A = arith.constant 0.000000e+00 : f32
      %broadcast_in_dim3A_43 = vector.broadcast %broadcast_in_dim3A : f32 to vector<16xf32>
      %iota3A = tpu.iota {dimensions = array<i32: 0>} : vector<16xi32>
      %add3A_44 = arith.constant 0 : i32
      %add3A_45 = vector.broadcast %add3A_44 : i32 to vector<16xi32>
      %add3A_46 = arith.addi %iota3A, %add3A_45 : vector<16xi32>
      %iota3A_47 = tpu.iota {dimensions = array<i32: 0>} : vector<16xi32>
      %add3A_48 = arith.constant 16 : i32
      %add3A_49 = vector.broadcast %add3A_48 : i32 to vector<16xi32>
      %add3A_50 = arith.addi %iota3A_47, %add3A_49 : vector<16xi32>
      %iota3A_51 = tpu.iota {dimensions = array<i32: 0>} : vector<16xi32>
      %add3A_52 = arith.constant 32 : i32
      %add3A_53 = vector.broadcast %add3A_52 : i32 to vector<16xi32>
      %add3A_54 = arith.addi %iota3A_51, %add3A_53 : vector<16xi32>
      %iota3A_55 = tpu.iota {dimensions = array<i32: 0>} : vector<16xi32>
      %add3A_56 = arith.constant 48 : i32
      %add3A_57 = vector.broadcast %add3A_56 : i32 to vector<16xi32>
      %add3A_58 = arith.addi %iota3A_55, %add3A_57 : vector<16xi32>
      %iota3A_59 = tpu.iota {dimensions = array<i32: 0>} : vector<16xi32>
      %add3A_60 = arith.constant 64 : i32
      %add3A_61 = vector.broadcast %add3A_60 : i32 to vector<16xi32>
      %add3A_62 = arith.addi %iota3A_59, %add3A_61 : vector<16xi32>
      %iota3A_63 = tpu.iota {dimensions = array<i32: 0>} : vector<16xi32>
      %add3A_64 = arith.constant 80 : i32
      %add3A_65 = vector.broadcast %add3A_64 : i32 to vector<16xi32>
      %add3A_66 = arith.addi %iota3A_63, %add3A_65 : vector<16xi32>
      %iota3A_67 = tpu.iota {dimensions = array<i32: 0>} : vector<16xi32>
      %add3A_68 = arith.constant 96 : i32
      %add3A_69 = vector.broadcast %add3A_68 : i32 to vector<16xi32>
      %add3A_70 = arith.addi %iota3A_67, %add3A_69 : vector<16xi32>
      %iota3A_71 = tpu.iota {dimensions = array<i32: 0>} : vector<16xi32>
      %add3A_72 = arith.constant 112 : i32
      %add3A_73 = vector.broadcast %add3A_72 : i32 to vector<16xi32>
      %add3A_74 = arith.addi %iota3A_71, %add3A_73 : vector<16xi32>
      %iota3A_75 = tpu.iota {dimensions = array<i32: 0>} : vector<16xi32>
      %xor3A = arith.constant 1 : i32
      %xor3A_76 = vector.broadcast %xor3A : i32 to vector<16xi32>
      %xor3A_77 = arith.xori %iota3A_75, %xor3A_76 : vector<16xi32>
      %iota3A_78 = tpu.iota {dimensions = array<i32: 0>} : vector<16xi32>
      %xor3A_79 = arith.constant 2 : i32
      %xor3A_80 = vector.broadcast %xor3A_79 : i32 to vector<16xi32>
      %xor3A_81 = arith.xori %iota3A_78, %xor3A_80 : vector<16xi32>
      %iota3A_82 = tpu.iota {dimensions = array<i32: 0>} : vector<16xi32>
      %xor3A_83 = arith.constant 4 : i32
      %xor3A_84 = vector.broadcast %xor3A_83 : i32 to vector<16xi32>
      %xor3A_85 = arith.xori %iota3A_82, %xor3A_84 : vector<16xi32>
      %iota3A_86 = tpu.iota {dimensions = array<i32: 0>} : vector<16xi32>
      %xor3A_87 = arith.constant 8 : i32
      %xor3A_88 = vector.broadcast %xor3A_87 : i32 to vector<16xi32>
      %xor3A_89 = arith.xori %iota3A_86, %xor3A_88 : vector<16xi32>
      %parallel_loop3A = arith.constant 0 : i32
      %parallel_loop3A_90 = arith.constant 512 : i32
      %parallel_loop3A_91 = arith.constant 1 : i32
      scf.for %parallel_loop3A_119 = %parallel_loop3A to %parallel_loop3A_90 step %parallel_loop3A_91  : i32 {
        %parallel_loop3A_120 = arith.index_cast %parallel_loop3A_119 : i32 to index
        %parallel_loop3A_121 = arith.constant 0 : index
        %parallel_loop3A_122 = tpu.vector_load %arg13[%parallel_loop3A_120, %parallel_loop3A_121] {strides = array<i32>} : memref<512x128xf32, #tpu.memory_space<vmem>>, vector<16xf32>,
        tpu.vector_store %arg13[%parallel_loop3A_120, %parallel_loop3A_121], %broadcast_in_dim3A_43 {strides = array<i32>} : memref<512x128xf32, #tpu.memory_space<vmem>>, vector<16xf32>,
        %parallel_loop3A_123 = arith.index_cast %parallel_loop3A_119 : i32 to index
        %parallel_loop3A_124 = arith.constant 16 : index
        %parallel_loop3A_125 = tpu.vector_load %arg13[%parallel_loop3A_123, %parallel_loop3A_124] {strides = array<i32>} : memref<512x128xf32, #tpu.memory_space<vmem>>, vector<16xf32>,
        tpu.vector_store %arg13[%parallel_loop3A_123, %parallel_loop3A_124], %broadcast_in_dim3A_43 {strides = array<i32>} : memref<512x128xf32, #tpu.memory_space<vmem>>, vector<16xf32>,
        %parallel_loop3A_126 = arith.index_cast %parallel_loop3A_119 : i32 to index
        %parallel_loop3A_127 = arith.constant 32 : index
        %parallel_loop3A_128 = tpu.vector_load %arg13[%parallel_loop3A_126, %parallel_loop3A_127] {strides = array<i32>} : memref<512x128xf32, #tpu.memory_space<vmem>>, vector<16xf32>,
        tpu.vector_store %arg13[%parallel_loop3A_126, %parallel_loop3A_127], %broadcast_in_dim3A_43 {strides = array<i32>} : memref<512x128xf32, #tpu.memory_space<vmem>>, vector<16xf32>,
        %parallel_loop3A_129 = arith.index_cast %parallel_loop3A_119 : i32 to index
        %parallel_loop3A_130 = arith.constant 48 : index
        %parallel_loop3A_131 = tpu.vector_load %arg13[%parallel_loop3A_129, %parallel_loop3A_130] {strides = array<i32>} : memref<512x128xf32, #tpu.memory_space<vmem>>, vector<16xf32>,
        tpu.vector_store %arg13[%parallel_loop3A_129, %parallel_loop3A_130], %broadcast_in_dim3A_43 {strides = array<i32>} : memref<512x128xf32, #tpu.memory_space<vmem>>, vector<16xf32>,
        %parallel_loop3A_132 = arith.index_cast %parallel_loop3A_119 : i32 to index
        %parallel_loop3A_133 = arith.constant 64 : index
        %parallel_loop3A_134 = tpu.vector_load %arg13[%parallel_loop3A_132, %parallel_loop3A_133] {strides = array<i32>} : memref<512x128xf32, #tpu.memory_space<vmem>>, vector<16xf32>,
        tpu.vector_store %arg13[%parallel_loop3A_132, %parallel_loop3A_133], %broadcast_in_dim3A_43 {strides = array<i32>} : memref<512x128xf32, #tpu.memory_space<vmem>>, vector<16xf32>,
        %parallel_loop3A_135 = arith.index_cast %parallel_loop3A_119 : i32 to index
        %parallel_loop3A_136 = arith.constant 80 : index
        %parallel_loop3A_137 = tpu.vector_load %arg13[%parallel_loop3A_135, %parallel_loop3A_136] {strides = array<i32>} : memref<512x128xf32, #tpu.memory_space<vmem>>, vector<16xf32>,
        tpu.vector_store %arg13[%parallel_loop3A_135, %parallel_loop3A_136], %broadcast_in_dim3A_43 {strides = array<i32>} : memref<512x128xf32, #tpu.memory_space<vmem>>, vector<16xf32>,
        %parallel_loop3A_138 = arith.index_cast %parallel_loop3A_119 : i32 to index
        %parallel_loop3A_139 = arith.constant 96 : index
        %parallel_loop3A_140 = tpu.vector_load %arg13[%parallel_loop3A_138, %parallel_loop3A_139] {strides = array<i32>} : memref<512x128xf32, #tpu.memory_space<vmem>>, vector<16xf32>,
        tpu.vector_store %arg13[%parallel_loop3A_138, %parallel_loop3A_139], %broadcast_in_dim3A_43 {strides = array<i32>} : memref<512x128xf32, #tpu.memory_space<vmem>>, vector<16xf32>,
        %parallel_loop3A_141 = arith.index_cast %parallel_loop3A_119 : i32 to index
        %parallel_loop3A_142 = arith.constant 112 : index
        %parallel_loop3A_143 = tpu.vector_load %arg13[%parallel_loop3A_141, %parallel_loop3A_142] {strides = array<i32>} : memref<512x128xf32, #tpu.memory_space<vmem>>, vector<16xf32>,
        tpu.vector_store %arg13[%parallel_loop3A_141, %parallel_loop3A_142], %broadcast_in_dim3A_43 {strides = array<i32>} : memref<512x128xf32, #tpu.memory_space<vmem>>, vector<16xf32>,
      } {sc.loop_unroll_factor = 2 : i64, sc.parallel_access}
      %eq3A_92 = arith.constant 0 : i32
      %eq3A_93 = arith.cmpi eq, %arg1, %eq3A_92 : i32
      %convert_element_type3A_94 = arith.extui %eq3A_93 : i1 to i32
      %cond3A_95 = arith.constant 0 : i32
      %cond3A_96 = arith.cmpi ne, %convert_element_type3A_94, %cond3A_95 : i32
      scf.if %cond3A_96 {
        "tpu.region"() ({
          %run_scoped3A_119 = tpu.sem_alloc : memref<!tpu.dma_semaphore, #tpu.memory_space<semaphore_mem>>
          tpu.enqueue_dma source(%arg13 : memref<512x128xf32, #tpu.memory_space<vmem>>) target(%arg25 : memref<512x128xf32, #tpu.memory_space<vmem_shared>>) target_semaphore(%run_scoped3A_119 : memref<!tpu.dma_semaphore, #tpu.memory_space<semaphore_mem>>)
          tpu.wait_dma2 semaphore(%run_scoped3A_119 : memref<!tpu.dma_semaphore, #tpu.memory_space<semaphore_mem>>) src(%arg13 : memref<512x128xf32, #tpu.memory_space<vmem>>) dst(%arg25 : memref<512x128xf32, #tpu.memory_space<vmem_shared>>)
          tpu.yield
        }) : () -> ()
      } else {
      }
      %barrier3A = arith.constant 0 : index
      tpu.barrier barrier_id(%barrier3A)
      %add3A_97 = arith.constant 0 : i32
      %add3A_98 = arith.addi %add3A, %add3A_97 : i32
      %mul3A_99 = arith.constant 16 : i32
      %mul3A_100 = arith.muli %add3A_98, %mul3A_99 : i32
      %mul3A_101 = arith.constant 128 : i32
      %mul3A_102 = arith.muli %mul3A_100, %mul3A_101 : i32
      %dma_start3A = tpu.memref_slice %arg2[%mul3A_102] : memref<12800000xf32, #tpu.memory_space<hbm>> -> memref<26624xf32, #tpu.memory_space<hbm>>
      %dma_start3A_103 = tpu.memref_slice %arg2[%mul3A_102] : memref<12800000xf32, #tpu.memory_space<hbm>> -> memref<26624xf32, #tpu.memory_space<hbm>>
      tpu.enqueue_dma source(%dma_start3A_103 : memref<26624xf32, #tpu.memory_space<hbm>>) target(%arg14 : memref<26624xf32, #tpu.memory_space<vmem>>) target_semaphore(%arg16 : memref<!tpu.dma_semaphore, #tpu.memory_space<semaphore_mem>>)
      %gt3A = arith.constant 1 : i32
      %gt3A_104 = arith.cmpi sgt, %select_n3A_18, %gt3A : i32
      %convert_element_type3A_105 = arith.extui %gt3A_104 : i1 to i32
      %cond3A_106 = arith.constant 0 : i32
      %cond3A_107 = arith.cmpi ne, %convert_element_type3A_105, %cond3A_106 : i32
      scf.if %cond3A_107 {
        %add3A_119 = arith.constant 13 : i32
        %add3A_120 = arith.addi %add3A, %add3A_119 : i32
        %mul3A_121 = arith.constant 16 : i32
        %mul3A_122 = arith.muli %add3A_120, %mul3A_121 : i32
        %mul3A_123 = arith.constant 128 : i32
        %mul3A_124 = arith.muli %mul3A_122, %mul3A_123 : i32
        %dma_start3A_125 = tpu.memref_slice %arg2[%mul3A_124] : memref<12800000xf32, #tpu.memory_space<hbm>> -> memref<26624xf32, #tpu.memory_space<hbm>>
        %dma_start3A_126 = tpu.memref_slice %arg2[%mul3A_124] : memref<12800000xf32, #tpu.memory_space<hbm>> -> memref<26624xf32, #tpu.memory_space<hbm>>
        tpu.enqueue_dma source(%dma_start3A_126 : memref<26624xf32, #tpu.memory_space<hbm>>) target(%arg15 : memref<26624xf32, #tpu.memory_space<vmem>>) target_semaphore(%arg17 : memref<!tpu.dma_semaphore, #tpu.memory_space<semaphore_mem>>)
      } else {
      }
      %scan3A = arith.constant 0 : i32
      %scan3A_108 = arith.constant 0 : i32
      %scan3A_109 = arith.constant 16 : i32
      %scan3A_110 = arith.addi %scan3A_108, %scan3A_109 : i32
      %scan3A_111 = arith.constant 1 : i32
      %scan3A_112 = scf.for %scan3A_119 = %scan3A_108 to %scan3A_110 step %scan3A_111 iter_args(%scan3A_120 = %scan3A) -> (i32)  : i32 {
        %mul3A_121 = arith.constant 2 : i32
        %mul3A_122 = arith.muli %scan3A_119, %mul3A_121 : i32
        %add3A_123 = arith.constant 0 : i32
        %add3A_124 = arith.addi %mul3A_122, %add3A_123 : i32
        %lt3A_125 = arith.cmpi slt, %add3A_124, %select_n3A_18 : i32
        %convert_element_type3A_126 = arith.extui %lt3A_125 : i1 to i32
        %cond3A_127 = arith.constant 0 : i32
        %cond3A_128 = arith.cmpi ne, %convert_element_type3A_126, %cond3A_127 : i32
        scf.if %cond3A_128 {
          %dma_wait3A = arith.constant 0 : i32
          %dma_wait3A_138 = tpu.memref_slice %arg2[%dma_wait3A] : memref<12800000xf32, #tpu.memory_space<hbm>> -> memref<26624xf32, #tpu.memory_space<hbm>>
          %dma_wait3A_139 = arith.constant 0 : i32
          %dma_wait3A_140 = tpu.memref_slice %arg2[%dma_wait3A_139] : memref<12800000xf32, #tpu.memory_space<hbm>> -> memref<26624xf32, #tpu.memory_space<hbm>>
          tpu.wait_dma2 semaphore(%arg16 : memref<!tpu.dma_semaphore, #tpu.memory_space<semaphore_mem>>) src(%dma_wait3A_140 : memref<26624xf32, #tpu.memory_space<hbm>>) dst(%arg14 : memref<26624xf32, #tpu.memory_space<vmem>>)
          %mul3A_141 = arith.constant 13 : i32
          %mul3A_142 = arith.muli %add3A_124, %mul3A_141 : i32
          %sub3A = arith.subi %select_n3A, %mul3A_142 : i32
          %min3A_143 = arith.constant 13 : i32
          %min3A_144 = arith.minsi %sub3A, %min3A_143 : i32
          %mul3A_145 = arith.constant 16 : i32
          %mul3A_146 = arith.muli %min3A_144, %mul3A_145 : i32
          %parallel_loop3A_147 = arith.constant 0 : i32
          %parallel_loop3A_148 = arith.constant 1 : i32
          scf.for %parallel_loop3A_155 = %parallel_loop3A_147 to %mul3A_146 step %parallel_loop3A_148  : i32 {
            %parallel_loop3A_156 = arith.constant 208 : i32
            %parallel_loop3A_157 = arith.muli %add3A_124, %parallel_loop3A_156 : i32
            %parallel_loop3A_158 = arith.addi %parallel_loop3A_157, %parallel_loop3A_155 : i32
            %parallel_loop3A_159 = vector.broadcast %parallel_loop3A_158 : i32 to vector<16xi32>
            %parallel_loop3A_160 = tpu.vector_load_idx %arg18[%parallel_loop3A_159] : memref<6448xi32, #tpu.memory_space<vmem>>[vector<16xi32>], vector<16xi32>,
            %parallel_loop3A_161 = arith.constant 128 : i32
            %parallel_loop3A_162 = arith.muli %parallel_loop3A_155, %parallel_loop3A_161 : i32
            %parallel_loop3A_163 = arith.constant 0 : i32
            %parallel_loop3A_164 = arith.addi %parallel_loop3A_162, %parallel_loop3A_163 : i32
            %parallel_loop3A_165 = arith.index_cast %parallel_loop3A_164 : i32 to index
            %parallel_loop3A_166 = tpu.vector_load %arg14[%parallel_loop3A_165] {strides = array<i32>} : memref<26624xf32, #tpu.memory_space<vmem>>, vector<16xf32>,
            %parallel_loop3A_167 = arith.mulf %parallel_loop3A_166, %get3A_26 : vector<16xf32>
            %parallel_loop3A_168 = arith.constant 16 : i32
            %parallel_loop3A_169 = arith.addi %parallel_loop3A_162, %parallel_loop3A_168 : i32
            %parallel_loop3A_170 = arith.index_cast %parallel_loop3A_169 : i32 to index
            %parallel_loop3A_171 = tpu.vector_load %arg14[%parallel_loop3A_170] {strides = array<i32>} : memref<26624xf32, #tpu.memory_space<vmem>>, vector<16xf32>,
            %parallel_loop3A_172 = arith.mulf %parallel_loop3A_171, %get3A_28 : vector<16xf32>
            %parallel_loop3A_173 = arith.constant 32 : i32
            %parallel_loop3A_174 = arith.addi %parallel_loop3A_162, %parallel_loop3A_173 : i32
            %parallel_loop3A_175 = arith.index_cast %parallel_loop3A_174 : i32 to index
            %parallel_loop3A_176 = tpu.vector_load %arg14[%parallel_loop3A_175] {strides = array<i32>} : memref<26624xf32, #tpu.memory_space<vmem>>, vector<16xf32>,
            %parallel_loop3A_177 = arith.mulf %parallel_loop3A_176, %get3A_30 : vector<16xf32>
            %parallel_loop3A_178 = arith.constant 48 : i32
            %parallel_loop3A_179 = arith.addi %parallel_loop3A_162, %parallel_loop3A_178 : i32
            %parallel_loop3A_180 = arith.index_cast %parallel_loop3A_179 : i32 to index
            %parallel_loop3A_181 = tpu.vector_load %arg14[%parallel_loop3A_180] {strides = array<i32>} : memref<26624xf32, #tpu.memory_space<vmem>>, vector<16xf32>,
            %parallel_loop3A_182 = arith.mulf %parallel_loop3A_181, %get3A_32 : vector<16xf32>
            %parallel_loop3A_183 = arith.constant 64 : i32
            %parallel_loop3A_184 = arith.addi %parallel_loop3A_162, %parallel_loop3A_183 : i32
            %parallel_loop3A_185 = arith.index_cast %parallel_loop3A_184 : i32 to index
            %parallel_loop3A_186 = tpu.vector_load %arg14[%parallel_loop3A_185] {strides = array<i32>} : memref<26624xf32, #tpu.memory_space<vmem>>, vector<16xf32>,
            %parallel_loop3A_187 = arith.mulf %parallel_loop3A_186, %get3A_34 : vector<16xf32>
            %parallel_loop3A_188 = arith.constant 80 : i32
            %parallel_loop3A_189 = arith.addi %parallel_loop3A_162, %parallel_loop3A_188 : i32
            %parallel_loop3A_190 = arith.index_cast %parallel_loop3A_189 : i32 to index
            %parallel_loop3A_191 = tpu.vector_load %arg14[%parallel_loop3A_190] {strides = array<i32>} : memref<26624xf32, #tpu.memory_space<vmem>>, vector<16xf32>,
            %parallel_loop3A_192 = arith.mulf %parallel_loop3A_191, %get3A_36 : vector<16xf32>
            %parallel_loop3A_193 = arith.constant 96 : i32
            %parallel_loop3A_194 = arith.addi %parallel_loop3A_162, %parallel_loop3A_193 : i32
            %parallel_loop3A_195 = arith.index_cast %parallel_loop3A_194 : i32 to index
            %parallel_loop3A_196 = tpu.vector_load %arg14[%parallel_loop3A_195] {strides = array<i32>} : memref<26624xf32, #tpu.memory_space<vmem>>, vector<16xf32>,
            %parallel_loop3A_197 = arith.mulf %parallel_loop3A_196, %get3A_38 : vector<16xf32>
            %parallel_loop3A_198 = arith.constant 112 : i32
            %parallel_loop3A_199 = arith.addi %parallel_loop3A_162, %parallel_loop3A_198 : i32
            %parallel_loop3A_200 = arith.index_cast %parallel_loop3A_199 : i32 to index
            %parallel_loop3A_201 = tpu.vector_load %arg14[%parallel_loop3A_200] {strides = array<i32>} : memref<26624xf32, #tpu.memory_space<vmem>>, vector<16xf32>,
            %parallel_loop3A_202 = arith.mulf %parallel_loop3A_201, %get3A_40 : vector<16xf32>
            %parallel_loop3A_203 = arith.addf %parallel_loop3A_167, %parallel_loop3A_172 : vector<16xf32>
            %parallel_loop3A_204 = arith.addf %parallel_loop3A_177, %parallel_loop3A_182 : vector<16xf32>
            %parallel_loop3A_205 = arith.addf %parallel_loop3A_187, %parallel_loop3A_192 : vector<16xf32>
            %parallel_loop3A_206 = arith.addf %parallel_loop3A_197, %parallel_loop3A_202 : vector<16xf32>
            %parallel_loop3A_207 = arith.addf %parallel_loop3A_203, %parallel_loop3A_204 : vector<16xf32>
            %parallel_loop3A_208 = arith.addf %parallel_loop3A_205, %parallel_loop3A_206 : vector<16xf32>
            %parallel_loop3A_209 = arith.addf %parallel_loop3A_207, %parallel_loop3A_208 : vector<16xf32>
            %parallel_loop3A_210 = vector.shape_cast %xor3A_77 : vector<16xi32> to vector<16x1xi32>
            %parallel_loop3A_211 = vector.shape_cast %parallel_loop3A_210 : vector<16x1xi32> to vector<16xi32>
            %parallel_loop3A_212 = tpu.dynamic_gather %parallel_loop3A_209[%parallel_loop3A_211] in [0] : vector<16xf32>, vector<16xi32> -> vector<16xf32>
            %parallel_loop3A_213 = arith.addf %parallel_loop3A_209, %parallel_loop3A_212 : vector<16xf32>
            %parallel_loop3A_214 = vector.shape_cast %xor3A_81 : vector<16xi32> to vector<16x1xi32>
            %parallel_loop3A_215 = vector.shape_cast %parallel_loop3A_214 : vector<16x1xi32> to vector<16xi32>
            %parallel_loop3A_216 = tpu.dynamic_gather %parallel_loop3A_213[%parallel_loop3A_215] in [0] : vector<16xf32>, vector<16xi32> -> vector<16xf32>
            %parallel_loop3A_217 = arith.addf %parallel_loop3A_213, %parallel_loop3A_216 : vector<16xf32>
            %parallel_loop3A_218 = vector.shape_cast %xor3A_85 : vector<16xi32> to vector<16x1xi32>
            %parallel_loop3A_219 = vector.shape_cast %parallel_loop3A_218 : vector<16x1xi32> to vector<16xi32>
            %parallel_loop3A_220 = tpu.dynamic_gather %parallel_loop3A_217[%parallel_loop3A_219] in [0] : vector<16xf32>, vector<16xi32> -> vector<16xf32>
            %parallel_loop3A_221 = arith.addf %parallel_loop3A_217, %parallel_loop3A_220 : vector<16xf32>
            %parallel_loop3A_222 = vector.shape_cast %xor3A_89 : vector<16xi32> to vector<16x1xi32>
            %parallel_loop3A_223 = vector.shape_cast %parallel_loop3A_222 : vector<16x1xi32> to vector<16xi32>
            %parallel_loop3A_224 = tpu.dynamic_gather %parallel_loop3A_221[%parallel_loop3A_223] in [0] : vector<16xf32>, vector<16xi32> -> vector<16xf32>
            %parallel_loop3A_225 = arith.addf %parallel_loop3A_221, %parallel_loop3A_224 : vector<16xf32>
            %parallel_loop3A_226 = arith.addf %parallel_loop3A_225, %get3A_42 : vector<16xf32>
            %parallel_loop3A_227 = arith.constant 0.000000e+00 : f32
            %parallel_loop3A_228 = vector.broadcast %parallel_loop3A_227 : f32 to vector<16xf32>
            %parallel_loop3A_229 = arith.subf %parallel_loop3A_228, %parallel_loop3A_226 : vector<16xf32>
            %parallel_loop3A_230 = math.exp %parallel_loop3A_229 : vector<16xf32>
            %parallel_loop3A_231 = arith.constant 1.000000e+00 : f32
            %parallel_loop3A_232 = vector.broadcast %parallel_loop3A_231 : f32 to vector<16xf32>
            %parallel_loop3A_233 = arith.addf %parallel_loop3A_232, %parallel_loop3A_230 : vector<16xf32>
            %parallel_loop3A_234 = arith.constant 1.000000e+00 : f32
            %parallel_loop3A_235 = vector.broadcast %parallel_loop3A_234 : f32 to vector<16xf32>
            %parallel_loop3A_236 = arith.divf %parallel_loop3A_235, %parallel_loop3A_233 : vector<16xf32>
            %parallel_loop3A_237 = arith.constant 0 : i32
            %parallel_loop3A_238 = arith.addi %parallel_loop3A_162, %parallel_loop3A_237 : i32
            %parallel_loop3A_239 = arith.index_cast %parallel_loop3A_238 : i32 to index
            %parallel_loop3A_240 = tpu.vector_load %arg14[%parallel_loop3A_239] {strides = array<i32>} : memref<26624xf32, #tpu.memory_space<vmem>>, vector<16xf32>,
            %parallel_loop3A_241 = arith.mulf %parallel_loop3A_240, %parallel_loop3A_236 : vector<16xf32>
            tpu.vector_store_idx %arg13[%parallel_loop3A_160, %add3A_46], %parallel_loop3A_241 {add = true} : memref<512x128xf32, #tpu.memory_space<vmem>>[vector<16xi32>, vector<16xi32>], vector<16xf32>,
            %parallel_loop3A_242 = arith.constant 16 : i32
            %parallel_loop3A_243 = arith.addi %parallel_loop3A_162, %parallel_loop3A_242 : i32
            %parallel_loop3A_244 = arith.index_cast %parallel_loop3A_243 : i32 to index
            %parallel_loop3A_245 = tpu.vector_load %arg14[%parallel_loop3A_244] {strides = array<i32>} : memref<26624xf32, #tpu.memory_space<vmem>>, vector<16xf32>,
            %parallel_loop3A_246 = arith.mulf %parallel_loop3A_245, %parallel_loop3A_236 : vector<16xf32>
            tpu.vector_store_idx %arg13[%parallel_loop3A_160, %add3A_50], %parallel_loop3A_246 {add = true} : memref<512x128xf32, #tpu.memory_space<vmem>>[vector<16xi32>, vector<16xi32>], vector<16xf32>,
            %parallel_loop3A_247 = arith.constant 32 : i32
            %parallel_loop3A_248 = arith.addi %parallel_loop3A_162, %parallel_loop3A_247 : i32
            %parallel_loop3A_249 = arith.index_cast %parallel_loop3A_248 : i32 to index
            %parallel_loop3A_250 = tpu.vector_load %arg14[%parallel_loop3A_249] {strides = array<i32>} : memref<26624xf32, #tpu.memory_space<vmem>>, vector<16xf32>,
            %parallel_loop3A_251 = arith.mulf %parallel_loop3A_250, %parallel_loop3A_236 : vector<16xf32>
            tpu.vector_store_idx %arg13[%parallel_loop3A_160, %add3A_54], %parallel_loop3A_251 {add = true} : memref<512x128xf32, #tpu.memory_space<vmem>>[vector<16xi32>, vector<16xi32>], vector<16xf32>,
            %parallel_loop3A_252 = arith.constant 48 : i32
            %parallel_loop3A_253 = arith.addi %parallel_loop3A_162, %parallel_loop3A_252 : i32
            %parallel_loop3A_254 = arith.index_cast %parallel_loop3A_253 : i32 to index
            %parallel_loop3A_255 = tpu.vector_load %arg14[%parallel_loop3A_254] {strides = array<i32>} : memref<26624xf32, #tpu.memory_space<vmem>>, vector<16xf32>,
            %parallel_loop3A_256 = arith.mulf %parallel_loop3A_255, %parallel_loop3A_236 : vector<16xf32>
            tpu.vector_store_idx %arg13[%parallel_loop3A_160, %add3A_58], %parallel_loop3A_256 {add = true} : memref<512x128xf32, #tpu.memory_space<vmem>>[vector<16xi32>, vector<16xi32>], vector<16xf32>,
            %parallel_loop3A_257 = arith.constant 64 : i32
            %parallel_loop3A_258 = arith.addi %parallel_loop3A_162, %parallel_loop3A_257 : i32
            %parallel_loop3A_259 = arith.index_cast %parallel_loop3A_258 : i32 to index
            %parallel_loop3A_260 = tpu.vector_load %arg14[%parallel_loop3A_259] {strides = array<i32>} : memref<26624xf32, #tpu.memory_space<vmem>>, vector<16xf32>,
            %parallel_loop3A_261 = arith.mulf %parallel_loop3A_260, %parallel_loop3A_236 : vector<16xf32>
            tpu.vector_store_idx %arg13[%parallel_loop3A_160, %add3A_62], %parallel_loop3A_261 {add = true} : memref<512x128xf32, #tpu.memory_space<vmem>>[vector<16xi32>, vector<16xi32>], vector<16xf32>,
            %parallel_loop3A_262 = arith.constant 80 : i32
            %parallel_loop3A_263 = arith.addi %parallel_loop3A_162, %parallel_loop3A_262 : i32
            %parallel_loop3A_264 = arith.index_cast %parallel_loop3A_263 : i32 to index
            %parallel_loop3A_265 = tpu.vector_load %arg14[%parallel_loop3A_264] {strides = array<i32>} : memref<26624xf32, #tpu.memory_space<vmem>>, vector<16xf32>,
            %parallel_loop3A_266 = arith.mulf %parallel_loop3A_265, %parallel_loop3A_236 : vector<16xf32>
            tpu.vector_store_idx %arg13[%parallel_loop3A_160, %add3A_66], %parallel_loop3A_266 {add = true} : memref<512x128xf32, #tpu.memory_space<vmem>>[vector<16xi32>, vector<16xi32>], vector<16xf32>,
            %parallel_loop3A_267 = arith.constant 96 : i32
            %parallel_loop3A_268 = arith.addi %parallel_loop3A_162, %parallel_loop3A_267 : i32
            %parallel_loop3A_269 = arith.index_cast %parallel_loop3A_268 : i32 to index
            %parallel_loop3A_270 = tpu.vector_load %arg14[%parallel_loop3A_269] {strides = array<i32>} : memref<26624xf32, #tpu.memory_space<vmem>>, vector<16xf32>,
            %parallel_loop3A_271 = arith.mulf %parallel_loop3A_270, %parallel_loop3A_236 : vector<16xf32>
            tpu.vector_store_idx %arg13[%parallel_loop3A_160, %add3A_70], %parallel_loop3A_271 {add = true} : memref<512x128xf32, #tpu.memory_space<vmem>>[vector<16xi32>, vector<16xi32>], vector<16xf32>,
            %parallel_loop3A_272 = arith.constant 112 : i32
            %parallel_loop3A_273 = arith.addi %parallel_loop3A_162, %parallel_loop3A_272 : i32
            %parallel_loop3A_274 = arith.index_cast %parallel_loop3A_273 : i32 to index
            %parallel_loop3A_275 = tpu.vector_load %arg14[%parallel_loop3A_274] {strides = array<i32>} : memref<26624xf32, #tpu.memory_space<vmem>>, vector<16xf32>,
            %parallel_loop3A_276 = arith.mulf %parallel_loop3A_275, %parallel_loop3A_236 : vector<16xf32>
            tpu.vector_store_idx %arg13[%parallel_loop3A_160, %add3A_74], %parallel_loop3A_276 {add = true} : memref<512x128xf32, #tpu.memory_space<vmem>>[vector<16xi32>, vector<16xi32>], vector<16xf32>,
          } {sc.loop_unroll_factor = 4 : i64, sc.parallel_access}
          %add3A_149 = arith.constant 2 : i32
          %add3A_150 = arith.addi %add3A_124, %add3A_149 : i32
          %lt3A_151 = arith.cmpi slt, %add3A_150, %select_n3A_18 : i32
          %convert_element_type3A_152 = arith.extui %lt3A_151 : i1 to i32
          %cond3A_153 = arith.constant 0 : i32
          %cond3A_154 = arith.cmpi ne, %convert_element_type3A_152, %cond3A_153 : i32
          scf.if %cond3A_154 {
            %add3A_155 = arith.constant 2 : i32
            %add3A_156 = arith.addi %add3A_124, %add3A_155 : i32
            %mul3A_157 = arith.constant 13 : i32
            %mul3A_158 = arith.muli %add3A_156, %mul3A_157 : i32
            %add3A_159 = arith.addi %add3A, %mul3A_158 : i32
            %mul3A_160 = arith.constant 16 : i32
            %mul3A_161 = arith.muli %add3A_159, %mul3A_160 : i32
            %mul3A_162 = arith.constant 128 : i32
            %mul3A_163 = arith.muli %mul3A_161, %mul3A_162 : i32
            %dma_start3A_164 = tpu.memref_slice %arg2[%mul3A_163] : memref<12800000xf32, #tpu.memory_space<hbm>> -> memref<26624xf32, #tpu.memory_space<hbm>>
            %dma_start3A_165 = tpu.memref_slice %arg2[%mul3A_163] : memref<12800000xf32, #tpu.memory_space<hbm>> -> memref<26624xf32, #tpu.memory_space<hbm>>
            tpu.enqueue_dma source(%dma_start3A_165 : memref<26624xf32, #tpu.memory_space<hbm>>) target(%arg14 : memref<26624xf32, #tpu.memory_space<vmem>>) target_semaphore(%arg16 : memref<!tpu.dma_semaphore, #tpu.memory_space<semaphore_mem>>)
          } else {
          }
        } else {
        }
        %mul3A_129 = arith.constant 2 : i32
        %mul3A_130 = arith.muli %scan3A_119, %mul3A_129 : i32
        %add3A_131 = arith.constant 1 : i32
        %add3A_132 = arith.addi %mul3A_130, %add3A_131 : i32
        %lt3A_133 = arith.cmpi slt, %add3A_132, %select_n3A_18 : i32
        %convert_element_type3A_134 = arith.extui %lt3A_133 : i1 to i32
        %cond3A_135 = arith.constant 0 : i32
        %cond3A_136 = arith.cmpi ne, %convert_element_type3A_134, %cond3A_135 : i32
        scf.if %cond3A_136 {
          %dma_wait3A = arith.constant 0 : i32
          %dma_wait3A_138 = tpu.memref_slice %arg2[%dma_wait3A] : memref<12800000xf32, #tpu.memory_space<hbm>> -> memref<26624xf32, #tpu.memory_space<hbm>>
          %dma_wait3A_139 = arith.constant 0 : i32
          %dma_wait3A_140 = tpu.memref_slice %arg2[%dma_wait3A_139] : memref<12800000xf32, #tpu.memory_space<hbm>> -> memref<26624xf32, #tpu.memory_space<hbm>>
          tpu.wait_dma2 semaphore(%arg17 : memref<!tpu.dma_semaphore, #tpu.memory_space<semaphore_mem>>) src(%dma_wait3A_140 : memref<26624xf32, #tpu.memory_space<hbm>>) dst(%arg15 : memref<26624xf32, #tpu.memory_space<vmem>>)
          %mul3A_141 = arith.constant 13 : i32
          %mul3A_142 = arith.muli %add3A_132, %mul3A_141 : i32
          %sub3A = arith.subi %select_n3A, %mul3A_142 : i32
          %min3A_143 = arith.constant 13 : i32
          %min3A_144 = arith.minsi %sub3A, %min3A_143 : i32
          %mul3A_145 = arith.constant 16 : i32
          %mul3A_146 = arith.muli %min3A_144, %mul3A_145 : i32
          %parallel_loop3A_147 = arith.constant 0 : i32
          %parallel_loop3A_148 = arith.constant 1 : i32
          scf.for %parallel_loop3A_155 = %parallel_loop3A_147 to %mul3A_146 step %parallel_loop3A_148  : i32 {
            %parallel_loop3A_156 = arith.constant 208 : i32
            %parallel_loop3A_157 = arith.muli %add3A_132, %parallel_loop3A_156 : i32
            %parallel_loop3A_158 = arith.addi %parallel_loop3A_157, %parallel_loop3A_155 : i32
            %parallel_loop3A_159 = vector.broadcast %parallel_loop3A_158 : i32 to vector<16xi32>
            %parallel_loop3A_160 = tpu.vector_load_idx %arg18[%parallel_loop3A_159] : memref<6448xi32, #tpu.memory_space<vmem>>[vector<16xi32>], vector<16xi32>,
            %parallel_loop3A_161 = arith.constant 128 : i32
            %parallel_loop3A_162 = arith.muli %parallel_loop3A_155, %parallel_loop3A_161 : i32
            %parallel_loop3A_163 = arith.constant 0 : i32
            %parallel_loop3A_164 = arith.addi %parallel_loop3A_162, %parallel_loop3A_163 : i32
            %parallel_loop3A_165 = arith.index_cast %parallel_loop3A_164 : i32 to index
            %parallel_loop3A_166 = tpu.vector_load %arg15[%parallel_loop3A_165] {strides = array<i32>} : memref<26624xf32, #tpu.memory_space<vmem>>, vector<16xf32>,
            %parallel_loop3A_167 = arith.mulf %parallel_loop3A_166, %get3A_26 : vector<16xf32>
            %parallel_loop3A_168 = arith.constant 16 : i32
            %parallel_loop3A_169 = arith.addi %parallel_loop3A_162, %parallel_loop3A_168 : i32
            %parallel_loop3A_170 = arith.index_cast %parallel_loop3A_169 : i32 to index
            %parallel_loop3A_171 = tpu.vector_load %arg15[%parallel_loop3A_170] {strides = array<i32>} : memref<26624xf32, #tpu.memory_space<vmem>>, vector<16xf32>,
            %parallel_loop3A_172 = arith.mulf %parallel_loop3A_171, %get3A_28 : vector<16xf32>
            %parallel_loop3A_173 = arith.constant 32 : i32
            %parallel_loop3A_174 = arith.addi %parallel_loop3A_162, %parallel_loop3A_173 : i32
            %parallel_loop3A_175 = arith.index_cast %parallel_loop3A_174 : i32 to index
            %parallel_loop3A_176 = tpu.vector_load %arg15[%parallel_loop3A_175] {strides = array<i32>} : memref<26624xf32, #tpu.memory_space<vmem>>, vector<16xf32>,
            %parallel_loop3A_177 = arith.mulf %parallel_loop3A_176, %get3A_30 : vector<16xf32>
            %parallel_loop3A_178 = arith.constant 48 : i32
            %parallel_loop3A_179 = arith.addi %parallel_loop3A_162, %parallel_loop3A_178 : i32
            %parallel_loop3A_180 = arith.index_cast %parallel_loop3A_179 : i32 to index
            %parallel_loop3A_181 = tpu.vector_load %arg15[%parallel_loop3A_180] {strides = array<i32>} : memref<26624xf32, #tpu.memory_space<vmem>>, vector<16xf32>,
            %parallel_loop3A_182 = arith.mulf %parallel_loop3A_181, %get3A_32 : vector<16xf32>
            %parallel_loop3A_183 = arith.constant 64 : i32
            %parallel_loop3A_184 = arith.addi %parallel_loop3A_162, %parallel_loop3A_183 : i32
            %parallel_loop3A_185 = arith.index_cast %parallel_loop3A_184 : i32 to index
            %parallel_loop3A_186 = tpu.vector_load %arg15[%parallel_loop3A_185] {strides = array<i32>} : memref<26624xf32, #tpu.memory_space<vmem>>, vector<16xf32>,
            %parallel_loop3A_187 = arith.mulf %parallel_loop3A_186, %get3A_34 : vector<16xf32>
            %parallel_loop3A_188 = arith.constant 80 : i32
            %parallel_loop3A_189 = arith.addi %parallel_loop3A_162, %parallel_loop3A_188 : i32
            %parallel_loop3A_190 = arith.index_cast %parallel_loop3A_189 : i32 to index
            %parallel_loop3A_191 = tpu.vector_load %arg15[%parallel_loop3A_190] {strides = array<i32>} : memref<26624xf32, #tpu.memory_space<vmem>>, vector<16xf32>,
            %parallel_loop3A_192 = arith.mulf %parallel_loop3A_191, %get3A_36 : vector<16xf32>
            %parallel_loop3A_193 = arith.constant 96 : i32
            %parallel_loop3A_194 = arith.addi %parallel_loop3A_162, %parallel_loop3A_193 : i32
            %parallel_loop3A_195 = arith.index_cast %parallel_loop3A_194 : i32 to index
            %parallel_loop3A_196 = tpu.vector_load %arg15[%parallel_loop3A_195] {strides = array<i32>} : memref<26624xf32, #tpu.memory_space<vmem>>, vector<16xf32>,
            %parallel_loop3A_197 = arith.mulf %parallel_loop3A_196, %get3A_38 : vector<16xf32>
            %parallel_loop3A_198 = arith.constant 112 : i32
            %parallel_loop3A_199 = arith.addi %parallel_loop3A_162, %parallel_loop3A_198 : i32
            %parallel_loop3A_200 = arith.index_cast %parallel_loop3A_199 : i32 to index
            %parallel_loop3A_201 = tpu.vector_load %arg15[%parallel_loop3A_200] {strides = array<i32>} : memref<26624xf32, #tpu.memory_space<vmem>>, vector<16xf32>,
            %parallel_loop3A_202 = arith.mulf %parallel_loop3A_201, %get3A_40 : vector<16xf32>
            %parallel_loop3A_203 = arith.addf %parallel_loop3A_167, %parallel_loop3A_172 : vector<16xf32>
            %parallel_loop3A_204 = arith.addf %parallel_loop3A_177, %parallel_loop3A_182 : vector<16xf32>
            %parallel_loop3A_205 = arith.addf %parallel_loop3A_187, %parallel_loop3A_192 : vector<16xf32>
            %parallel_loop3A_206 = arith.addf %parallel_loop3A_197, %parallel_loop3A_202 : vector<16xf32>
            %parallel_loop3A_207 = arith.addf %parallel_loop3A_203, %parallel_loop3A_204 : vector<16xf32>
            %parallel_loop3A_208 = arith.addf %parallel_loop3A_205, %parallel_loop3A_206 : vector<16xf32>
            %parallel_loop3A_209 = arith.addf %parallel_loop3A_207, %parallel_loop3A_208 : vector<16xf32>
            %parallel_loop3A_210 = vector.shape_cast %xor3A_77 : vector<16xi32> to vector<16x1xi32>
            %parallel_loop3A_211 = vector.shape_cast %parallel_loop3A_210 : vector<16x1xi32> to vector<16xi32>
            %parallel_loop3A_212 = tpu.dynamic_gather %parallel_loop3A_209[%parallel_loop3A_211] in [0] : vector<16xf32>, vector<16xi32> -> vector<16xf32>
            %parallel_loop3A_213 = arith.addf %parallel_loop3A_209, %parallel_loop3A_212 : vector<16xf32>
            %parallel_loop3A_214 = vector.shape_cast %xor3A_81 : vector<16xi32> to vector<16x1xi32>
            %parallel_loop3A_215 = vector.shape_cast %parallel_loop3A_214 : vector<16x1xi32> to vector<16xi32>
            %parallel_loop3A_216 = tpu.dynamic_gather %parallel_loop3A_213[%parallel_loop3A_215] in [0] : vector<16xf32>, vector<16xi32> -> vector<16xf32>
            %parallel_loop3A_217 = arith.addf %parallel_loop3A_213, %parallel_loop3A_216 : vector<16xf32>
            %parallel_loop3A_218 = vector.shape_cast %xor3A_85 : vector<16xi32> to vector<16x1xi32>
            %parallel_loop3A_219 = vector.shape_cast %parallel_loop3A_218 : vector<16x1xi32> to vector<16xi32>
            %parallel_loop3A_220 = tpu.dynamic_gather %parallel_loop3A_217[%parallel_loop3A_219] in [0] : vector<16xf32>, vector<16xi32> -> vector<16xf32>
            %parallel_loop3A_221 = arith.addf %parallel_loop3A_217, %parallel_loop3A_220 : vector<16xf32>
            %parallel_loop3A_222 = vector.shape_cast %xor3A_89 : vector<16xi32> to vector<16x1xi32>
            %parallel_loop3A_223 = vector.shape_cast %parallel_loop3A_222 : vector<16x1xi32> to vector<16xi32>
            %parallel_loop3A_224 = tpu.dynamic_gather %parallel_loop3A_221[%parallel_loop3A_223] in [0] : vector<16xf32>, vector<16xi32> -> vector<16xf32>
            %parallel_loop3A_225 = arith.addf %parallel_loop3A_221, %parallel_loop3A_224 : vector<16xf32>
            %parallel_loop3A_226 = arith.addf %parallel_loop3A_225, %get3A_42 : vector<16xf32>
            %parallel_loop3A_227 = arith.constant 0.000000e+00 : f32
            %parallel_loop3A_228 = vector.broadcast %parallel_loop3A_227 : f32 to vector<16xf32>
            %parallel_loop3A_229 = arith.subf %parallel_loop3A_228, %parallel_loop3A_226 : vector<16xf32>
            %parallel_loop3A_230 = math.exp %parallel_loop3A_229 : vector<16xf32>
            %parallel_loop3A_231 = arith.constant 1.000000e+00 : f32
            %parallel_loop3A_232 = vector.broadcast %parallel_loop3A_231 : f32 to vector<16xf32>
            %parallel_loop3A_233 = arith.addf %parallel_loop3A_232, %parallel_loop3A_230 : vector<16xf32>
            %parallel_loop3A_234 = arith.constant 1.000000e+00 : f32
            %parallel_loop3A_235 = vector.broadcast %parallel_loop3A_234 : f32 to vector<16xf32>
            %parallel_loop3A_236 = arith.divf %parallel_loop3A_235, %parallel_loop3A_233 : vector<16xf32>
            %parallel_loop3A_237 = arith.constant 0 : i32
            %parallel_loop3A_238 = arith.addi %parallel_loop3A_162, %parallel_loop3A_237 : i32
            %parallel_loop3A_239 = arith.index_cast %parallel_loop3A_238 : i32 to index
            %parallel_loop3A_240 = tpu.vector_load %arg15[%parallel_loop3A_239] {strides = array<i32>} : memref<26624xf32, #tpu.memory_space<vmem>>, vector<16xf32>,
            %parallel_loop3A_241 = arith.mulf %parallel_loop3A_240, %parallel_loop3A_236 : vector<16xf32>
            tpu.vector_store_idx %arg13[%parallel_loop3A_160, %add3A_46], %parallel_loop3A_241 {add = true} : memref<512x128xf32, #tpu.memory_space<vmem>>[vector<16xi32>, vector<16xi32>], vector<16xf32>,
            %parallel_loop3A_242 = arith.constant 16 : i32
            %parallel_loop3A_243 = arith.addi %parallel_loop3A_162, %parallel_loop3A_242 : i32
            %parallel_loop3A_244 = arith.index_cast %parallel_loop3A_243 : i32 to index
            %parallel_loop3A_245 = tpu.vector_load %arg15[%parallel_loop3A_244] {strides = array<i32>} : memref<26624xf32, #tpu.memory_space<vmem>>, vector<16xf32>,
            %parallel_loop3A_246 = arith.mulf %parallel_loop3A_245, %parallel_loop3A_236 : vector<16xf32>
            tpu.vector_store_idx %arg13[%parallel_loop3A_160, %add3A_50], %parallel_loop3A_246 {add = true} : memref<512x128xf32, #tpu.memory_space<vmem>>[vector<16xi32>, vector<16xi32>], vector<16xf32>,
            %parallel_loop3A_247 = arith.constant 32 : i32
            %parallel_loop3A_248 = arith.addi %parallel_loop3A_162, %parallel_loop3A_247 : i32
            %parallel_loop3A_249 = arith.index_cast %parallel_loop3A_248 : i32 to index
            %parallel_loop3A_250 = tpu.vector_load %arg15[%parallel_loop3A_249] {strides = array<i32>} : memref<26624xf32, #tpu.memory_space<vmem>>, vector<16xf32>,
            %parallel_loop3A_251 = arith.mulf %parallel_loop3A_250, %parallel_loop3A_236 : vector<16xf32>
            tpu.vector_store_idx %arg13[%parallel_loop3A_160, %add3A_54], %parallel_loop3A_251 {add = true} : memref<512x128xf32, #tpu.memory_space<vmem>>[vector<16xi32>, vector<16xi32>], vector<16xf32>,
            %parallel_loop3A_252 = arith.constant 48 : i32
            %parallel_loop3A_253 = arith.addi %parallel_loop3A_162, %parallel_loop3A_252 : i32
            %parallel_loop3A_254 = arith.index_cast %parallel_loop3A_253 : i32 to index
            %parallel_loop3A_255 = tpu.vector_load %arg15[%parallel_loop3A_254] {strides = array<i32>} : memref<26624xf32, #tpu.memory_space<vmem>>, vector<16xf32>,
            %parallel_loop3A_256 = arith.mulf %parallel_loop3A_255, %parallel_loop3A_236 : vector<16xf32>
            tpu.vector_store_idx %arg13[%parallel_loop3A_160, %add3A_58], %parallel_loop3A_256 {add = true} : memref<512x128xf32, #tpu.memory_space<vmem>>[vector<16xi32>, vector<16xi32>], vector<16xf32>,
            %parallel_loop3A_257 = arith.constant 64 : i32
            %parallel_loop3A_258 = arith.addi %parallel_loop3A_162, %parallel_loop3A_257 : i32
            %parallel_loop3A_259 = arith.index_cast %parallel_loop3A_258 : i32 to index
            %parallel_loop3A_260 = tpu.vector_load %arg15[%parallel_loop3A_259] {strides = array<i32>} : memref<26624xf32, #tpu.memory_space<vmem>>, vector<16xf32>,
            %parallel_loop3A_261 = arith.mulf %parallel_loop3A_260, %parallel_loop3A_236 : vector<16xf32>
            tpu.vector_store_idx %arg13[%parallel_loop3A_160, %add3A_62], %parallel_loop3A_261 {add = true} : memref<512x128xf32, #tpu.memory_space<vmem>>[vector<16xi32>, vector<16xi32>], vector<16xf32>,
            %parallel_loop3A_262 = arith.constant 80 : i32
            %parallel_loop3A_263 = arith.addi %parallel_loop3A_162, %parallel_loop3A_262 : i32
            %parallel_loop3A_264 = arith.index_cast %parallel_loop3A_263 : i32 to index
            %parallel_loop3A_265 = tpu.vector_load %arg15[%parallel_loop3A_264] {strides = array<i32>} : memref<26624xf32, #tpu.memory_space<vmem>>, vector<16xf32>,
            %parallel_loop3A_266 = arith.mulf %parallel_loop3A_265, %parallel_loop3A_236 : vector<16xf32>
            tpu.vector_store_idx %arg13[%parallel_loop3A_160, %add3A_66], %parallel_loop3A_266 {add = true} : memref<512x128xf32, #tpu.memory_space<vmem>>[vector<16xi32>, vector<16xi32>], vector<16xf32>,
            %parallel_loop3A_267 = arith.constant 96 : i32
            %parallel_loop3A_268 = arith.addi %parallel_loop3A_162, %parallel_loop3A_267 : i32
            %parallel_loop3A_269 = arith.index_cast %parallel_loop3A_268 : i32 to index
            %parallel_loop3A_270 = tpu.vector_load %arg15[%parallel_loop3A_269] {strides = array<i32>} : memref<26624xf32, #tpu.memory_space<vmem>>, vector<16xf32>,
            %parallel_loop3A_271 = arith.mulf %parallel_loop3A_270, %parallel_loop3A_236 : vector<16xf32>
            tpu.vector_store_idx %arg13[%parallel_loop3A_160, %add3A_70], %parallel_loop3A_271 {add = true} : memref<512x128xf32, #tpu.memory_space<vmem>>[vector<16xi32>, vector<16xi32>], vector<16xf32>,
            %parallel_loop3A_272 = arith.constant 112 : i32
            %parallel_loop3A_273 = arith.addi %parallel_loop3A_162, %parallel_loop3A_272 : i32
            %parallel_loop3A_274 = arith.index_cast %parallel_loop3A_273 : i32 to index
            %parallel_loop3A_275 = tpu.vector_load %arg15[%parallel_loop3A_274] {strides = array<i32>} : memref<26624xf32, #tpu.memory_space<vmem>>, vector<16xf32>,
            %parallel_loop3A_276 = arith.mulf %parallel_loop3A_275, %parallel_loop3A_236 : vector<16xf32>
            tpu.vector_store_idx %arg13[%parallel_loop3A_160, %add3A_74], %parallel_loop3A_276 {add = true} : memref<512x128xf32, #tpu.memory_space<vmem>>[vector<16xi32>, vector<16xi32>], vector<16xf32>,
          } {sc.loop_unroll_factor = 4 : i64, sc.parallel_access}
          %add3A_149 = arith.constant 2 : i32
          %add3A_150 = arith.addi %add3A_132, %add3A_149 : i32
          %lt3A_151 = arith.cmpi slt, %add3A_150, %select_n3A_18 : i32
          %convert_element_type3A_152 = arith.extui %lt3A_151 : i1 to i32
          %cond3A_153 = arith.constant 0 : i32
          %cond3A_154 = arith.cmpi ne, %convert_element_type3A_152, %cond3A_153 : i32
          scf.if %cond3A_154 {
            %add3A_155 = arith.constant 2 : i32
            %add3A_156 = arith.addi %add3A_132, %add3A_155 : i32
            %mul3A_157 = arith.constant 13 : i32
            %mul3A_158 = arith.muli %add3A_156, %mul3A_157 : i32
            %add3A_159 = arith.addi %add3A, %mul3A_158 : i32
            %mul3A_160 = arith.constant 16 : i32
            %mul3A_161 = arith.muli %add3A_159, %mul3A_160 : i32
            %mul3A_162 = arith.constant 128 : i32
            %mul3A_163 = arith.muli %mul3A_161, %mul3A_162 : i32
            %dma_start3A_164 = tpu.memref_slice %arg2[%mul3A_163] : memref<12800000xf32, #tpu.memory_space<hbm>> -> memref<26624xf32, #tpu.memory_space<hbm>>
            %dma_start3A_165 = tpu.memref_slice %arg2[%mul3A_163] : memref<12800000xf32, #tpu.memory_space<hbm>> -> memref<26624xf32, #tpu.memory_space<hbm>>
            tpu.enqueue_dma source(%dma_start3A_165 : memref<26624xf32, #tpu.memory_space<hbm>>) target(%arg15 : memref<26624xf32, #tpu.memory_space<vmem>>) target_semaphore(%arg17 : memref<!tpu.dma_semaphore, #tpu.memory_space<semaphore_mem>>)
          } else {
          }
        } else {
        }
        %scan3A_137 = arith.constant 0 : i32
        scf.yield %scan3A_137 : i32
      }
      %scan3A_113 = arith.constant 16 : i32
      "tpu.region"() ({
        %run_scoped3A_119 = tpu.sem_alloc : memref<!tpu.dma_semaphore, #tpu.memory_space<semaphore_mem>>
        %dma_start3A_120 = arith.constant 0 : i32
        %dma_start3A_121 = arith.constant 0 : i32
        %dma_start3A_122 = tpu.memref_slice %arg13[%dma_start3A_120, %dma_start3A_121] : memref<512x128xf32, #tpu.memory_space<vmem>> -> memref<128x128xf32, #tpu.memory_space<vmem>>
        %dma_start3A_123 = arith.constant 0 : i32
        %dma_start3A_124 = arith.constant 0 : i32
        %dma_start3A_125 = tpu.memref_slice %arg25[%dma_start3A_123, %dma_start3A_124] : memref<512x128xf32, #tpu.memory_space<vmem_shared>> -> memref<512x128xf32, #tpu.memory_space<vmem_shared>>
        tpu.enqueue_indirect_dma source(%dma_start3A_122 : memref<128x128xf32, #tpu.memory_space<vmem>>) target(%dma_start3A_125 : memref<512x128xf32, #tpu.memory_space<vmem_shared>>) offsets(%arg21 : memref<128xi32, #tpu.memory_space<vmem>>) semaphore(%run_scoped3A_119 : memref<!tpu.dma_semaphore, #tpu.memory_space<semaphore_mem>>) {add = true}
        %dma_wait3A = arith.constant 0 : i32
        %dma_wait3A_126 = arith.constant 0 : i32
        %dma_wait3A_127 = tpu.memref_slice %arg13[%dma_wait3A, %dma_wait3A_126] : memref<512x128xf32, #tpu.memory_space<vmem>> -> memref<128x128xf32, #tpu.memory_space<vmem>>
        %dma_wait3A_128 = arith.constant 0 : i32
        %dma_wait3A_129 = arith.constant 0 : i32
        %dma_wait3A_130 = tpu.memref_slice %arg25[%dma_wait3A_128, %dma_wait3A_129] : memref<512x128xf32, #tpu.memory_space<vmem_shared>> -> memref<512x128xf32, #tpu.memory_space<vmem_shared>>
        tpu.wait_indirect_dma semaphore(%run_scoped3A_119 : memref<!tpu.dma_semaphore, #tpu.memory_space<semaphore_mem>>) src(%dma_wait3A_127 : memref<128x128xf32, #tpu.memory_space<vmem>>) dst(%dma_wait3A_130 : memref<512x128xf32, #tpu.memory_space<vmem_shared>>)
        tpu.yield
      }) : () -> ()
      "tpu.region"() ({
        %run_scoped3A_119 = tpu.sem_alloc : memref<!tpu.dma_semaphore, #tpu.memory_space<semaphore_mem>>
        %dma_start3A_120 = arith.constant 128 : i32
        %dma_start3A_121 = arith.constant 0 : i32
        %dma_start3A_122 = tpu.memref_slice %arg13[%dma_start3A_120, %dma_start3A_121] : memref<512x128xf32, #tpu.memory_space<vmem>> -> memref<128x128xf32, #tpu.memory_space<vmem>>
        %dma_start3A_123 = arith.constant 0 : i32
        %dma_start3A_124 = arith.constant 0 : i32
        %dma_start3A_125 = tpu.memref_slice %arg25[%dma_start3A_123, %dma_start3A_124] : memref<512x128xf32, #tpu.memory_space<vmem_shared>> -> memref<512x128xf32, #tpu.memory_space<vmem_shared>>
        tpu.enqueue_indirect_dma source(%dma_start3A_122 : memref<128x128xf32, #tpu.memory_space<vmem>>) target(%dma_start3A_125 : memref<512x128xf32, #tpu.memory_space<vmem_shared>>) offsets(%arg22 : memref<128xi32, #tpu.memory_space<vmem>>) semaphore(%run_scoped3A_119 : memref<!tpu.dma_semaphore, #tpu.memory_space<semaphore_mem>>) {add = true}
        %dma_wait3A = arith.constant 128 : i32
        %dma_wait3A_126 = arith.constant 0 : i32
        %dma_wait3A_127 = tpu.memref_slice %arg13[%dma_wait3A, %dma_wait3A_126] : memref<512x128xf32, #tpu.memory_space<vmem>> -> memref<128x128xf32, #tpu.memory_space<vmem>>
        %dma_wait3A_128 = arith.constant 0 : i32
        %dma_wait3A_129 = arith.constant 0 : i32
        %dma_wait3A_130 = tpu.memref_slice %arg25[%dma_wait3A_128, %dma_wait3A_129] : memref<512x128xf32, #tpu.memory_space<vmem_shared>> -> memref<512x128xf32, #tpu.memory_space<vmem_shared>>
        tpu.wait_indirect_dma semaphore(%run_scoped3A_119 : memref<!tpu.dma_semaphore, #tpu.memory_space<semaphore_mem>>) src(%dma_wait3A_127 : memref<128x128xf32, #tpu.memory_space<vmem>>) dst(%dma_wait3A_130 : memref<512x128xf32, #tpu.memory_space<vmem_shared>>)
        tpu.yield
      }) : () -> ()
      "tpu.region"() ({
        %run_scoped3A_119 = tpu.sem_alloc : memref<!tpu.dma_semaphore, #tpu.memory_space<semaphore_mem>>
        %dma_start3A_120 = arith.constant 256 : i32
        %dma_start3A_121 = arith.constant 0 : i32
        %dma_start3A_122 = tpu.memref_slice %arg13[%dma_start3A_120, %dma_start3A_121] : memref<512x128xf32, #tpu.memory_space<vmem>> -> memref<128x128xf32, #tpu.memory_space<vmem>>
        %dma_start3A_123 = arith.constant 0 : i32
        %dma_start3A_124 = arith.constant 0 : i32
        %dma_start3A_125 = tpu.memref_slice %arg25[%dma_start3A_123, %dma_start3A_124] : memref<512x128xf32, #tpu.memory_space<vmem_shared>> -> memref<512x128xf32, #tpu.memory_space<vmem_shared>>
        tpu.enqueue_indirect_dma source(%dma_start3A_122 : memref<128x128xf32, #tpu.memory_space<vmem>>) target(%dma_start3A_125 : memref<512x128xf32, #tpu.memory_space<vmem_shared>>) offsets(%arg23 : memref<128xi32, #tpu.memory_space<vmem>>) semaphore(%run_scoped3A_119 : memref<!tpu.dma_semaphore, #tpu.memory_space<semaphore_mem>>) {add = true}
        %dma_wait3A = arith.constant 256 : i32
        %dma_wait3A_126 = arith.constant 0 : i32
        %dma_wait3A_127 = tpu.memref_slice %arg13[%dma_wait3A, %dma_wait3A_126] : memref<512x128xf32, #tpu.memory_space<vmem>> -> memref<128x128xf32, #tpu.memory_space<vmem>>
        %dma_wait3A_128 = arith.constant 0 : i32
        %dma_wait3A_129 = arith.constant 0 : i32
        %dma_wait3A_130 = tpu.memref_slice %arg25[%dma_wait3A_128, %dma_wait3A_129] : memref<512x128xf32, #tpu.memory_space<vmem_shared>> -> memref<512x128xf32, #tpu.memory_space<vmem_shared>>
        tpu.wait_indirect_dma semaphore(%run_scoped3A_119 : memref<!tpu.dma_semaphore, #tpu.memory_space<semaphore_mem>>) src(%dma_wait3A_127 : memref<128x128xf32, #tpu.memory_space<vmem>>) dst(%dma_wait3A_130 : memref<512x128xf32, #tpu.memory_space<vmem_shared>>)
        tpu.yield
      }) : () -> ()
      "tpu.region"() ({
        %run_scoped3A_119 = tpu.sem_alloc : memref<!tpu.dma_semaphore, #tpu.memory_space<semaphore_mem>>
        %dma_start3A_120 = arith.constant 384 : i32
        %dma_start3A_121 = arith.constant 0 : i32
        %dma_start3A_122 = tpu.memref_slice %arg13[%dma_start3A_120, %dma_start3A_121] : memref<512x128xf32, #tpu.memory_space<vmem>> -> memref<128x128xf32, #tpu.memory_space<vmem>>
        %dma_start3A_123 = arith.constant 0 : i32
        %dma_start3A_124 = arith.constant 0 : i32
        %dma_start3A_125 = tpu.memref_slice %arg25[%dma_start3A_123, %dma_start3A_124] : memref<512x128xf32, #tpu.memory_space<vmem_shared>> -> memref<512x128xf32, #tpu.memory_space<vmem_shared>>
        tpu.enqueue_indirect_dma source(%dma_start3A_122 : memref<128x128xf32, #tpu.memory_space<vmem>>) target(%dma_start3A_125 : memref<512x128xf32, #tpu.memory_space<vmem_shared>>) offsets(%arg24 : memref<128xi32, #tpu.memory_space<vmem>>) semaphore(%run_scoped3A_119 : memref<!tpu.dma_semaphore, #tpu.memory_space<semaphore_mem>>) {add = true}
        %dma_wait3A = arith.constant 384 : i32
        %dma_wait3A_126 = arith.constant 0 : i32
        %dma_wait3A_127 = tpu.memref_slice %arg13[%dma_wait3A, %dma_wait3A_126] : memref<512x128xf32, #tpu.memory_space<vmem>> -> memref<128x128xf32, #tpu.memory_space<vmem>>
        %dma_wait3A_128 = arith.constant 0 : i32
        %dma_wait3A_129 = arith.constant 0 : i32
        %dma_wait3A_130 = tpu.memref_slice %arg25[%dma_wait3A_128, %dma_wait3A_129] : memref<512x128xf32, #tpu.memory_space<vmem_shared>> -> memref<512x128xf32, #tpu.memory_space<vmem_shared>>
        tpu.wait_indirect_dma semaphore(%run_scoped3A_119 : memref<!tpu.dma_semaphore, #tpu.memory_space<semaphore_mem>>) src(%dma_wait3A_127 : memref<128x128xf32, #tpu.memory_space<vmem>>) dst(%dma_wait3A_130 : memref<512x128xf32, #tpu.memory_space<vmem_shared>>)
        tpu.yield
      }) : () -> ()
      %barrier3A_114 = arith.constant 0 : index
      tpu.barrier barrier_id(%barrier3A_114)
      %mul3A_115 = arith.constant 32 : i32
      %mul3A_116 = arith.muli %arg1, %mul3A_115 : i32
      %mul3A_117 = arith.constant 32 : i32
      %mul3A_118 = arith.muli %arg1, %mul3A_117 : i32
      "tpu.region"() ({
        %run_scoped3A_119 = tpu.sem_alloc : memref<!tpu.dma_semaphore, #tpu.memory_space<semaphore_mem>>
        %dma_start3A_120 = arith.constant 0 : i32
        %dma_start3A_121 = tpu.memref_slice %arg11[%mul3A_118, %dma_start3A_120] : memref<512x128xf32, #tpu.memory_space<hbm>> -> memref<32x128xf32, #tpu.memory_space<hbm>>
        %dma_start3A_122 = arith.constant 0 : i32
        %dma_start3A_123 = tpu.memref_slice %arg25[%mul3A_116, %dma_start3A_122] : memref<512x128xf32, #tpu.memory_space<vmem_shared>> -> memref<32x128xf32, #tpu.memory_space<vmem_shared>>
        tpu.enqueue_dma source(%dma_start3A_123 : memref<32x128xf32, #tpu.memory_space<vmem_shared>>) target(%dma_start3A_121 : memref<32x128xf32, #tpu.memory_space<hbm>>) target_semaphore(%run_scoped3A_119 : memref<!tpu.dma_semaphore, #tpu.memory_space<semaphore_mem>>)
        %dma_wait3A = arith.constant 0 : i32
        %dma_wait3A_124 = tpu.memref_slice %arg11[%mul3A_118, %dma_wait3A] : memref<512x128xf32, #tpu.memory_space<hbm>> -> memref<32x128xf32, #tpu.memory_space<hbm>>
        %dma_wait3A_125 = arith.constant 0 : i32
        %dma_wait3A_126 = tpu.memref_slice %arg25[%mul3A_116, %dma_wait3A_125] : memref<512x128xf32, #tpu.memory_space<vmem_shared>> -> memref<32x128xf32, #tpu.memory_space<vmem_shared>>
        tpu.wait_dma2 semaphore(%run_scoped3A_119 : memref<!tpu.dma_semaphore, #tpu.memory_space<semaphore_mem>>) src(%dma_wait3A_126 : memref<32x128xf32, #tpu.memory_space<vmem_shared>>) dst(%dma_wait3A_124 : memref<32x128xf32, #tpu.memory_space<hbm>>)
        tpu.yield
      }) : () -> ()
    } else {
    }
    %eq3A_5 = arith.constant 1 : i32
    %eq3A_6 = arith.cmpi eq, %arg0, %eq3A_5 : i32
    %convert_element_type3A_7 = arith.extui %eq3A_6 : i1 to i32
    %cond3A_8 = arith.constant 0 : i32
    %cond3A_9 = arith.cmpi ne, %convert_element_type3A_7, %cond3A_8 : i32
    scf.if %cond3A_9 {
      %mul3A = arith.constant 390 : i32
      %mul3A_10 = arith.muli %mul3A, %arg1 : i32
      %min3A = arith.constant 10 : i32
      %min3A_11 = arith.minsi %arg1, %min3A : i32
      %add3A = arith.addi %mul3A_10, %min3A_11 : i32
      %lt3A = arith.constant 10 : i32
      %lt3A_12 = arith.cmpi slt, %arg1, %lt3A : i32
      %jit3A = arith.constant 391 : i32
      %jit3A_13 = arith.constant 390 : i32
      %select_n3A = arith.select %lt3A_12, %jit3A, %jit3A_13 : i32
      %lt3A_14 = arith.constant 10 : i32
      %lt3A_15 = arith.cmpi slt, %arg1, %lt3A_14 : i32
      %jit3A_16 = arith.constant 31 : i32
      %jit3A_17 = arith.constant 30 : i32
      %select_n3A_18 = arith.select %lt3A_15, %jit3A_16, %jit3A_17 : i32
      %mul3A_19 = arith.constant 16 : i32
      %mul3A_20 = arith.muli %add3A, %mul3A_19 : i32
      "tpu.region"() ({
        %run_scoped3A_119 = tpu.sem_alloc : memref<!tpu.dma_semaphore, #tpu.memory_space<semaphore_mem>>
        %dma_start3A_120 = arith.constant 0 : i32
        %dma_start3A_121 = tpu.memref_slice %arg18[%dma_start3A_120] : memref<6448xi32, #tpu.memory_space<vmem>> -> memref<6240xi32, #tpu.memory_space<vmem>>
        %dma_start3A_122 = tpu.memref_slice %arg5[%mul3A_20] : memref<100000xi32, #tpu.memory_space<hbm>> -> memref<6240xi32, #tpu.memory_space<hbm>>
        %dma_start3A_123 = arith.constant 0 : i32
        %dma_start3A_124 = tpu.memref_slice %arg18[%dma_start3A_123] : memref<6448xi32, #tpu.memory_space<vmem>> -> memref<6240xi32, #tpu.memory_space<vmem>>
        %dma_start3A_125 = tpu.memref_slice %arg5[%mul3A_20] : memref<100000xi32, #tpu.memory_space<hbm>> -> memref<6240xi32, #tpu.memory_space<hbm>>
        tpu.enqueue_dma source(%dma_start3A_125 : memref<6240xi32, #tpu.memory_space<hbm>>) target(%dma_start3A_124 : memref<6240xi32, #tpu.memory_space<vmem>>) target_semaphore(%run_scoped3A_119 : memref<!tpu.dma_semaphore, #tpu.memory_space<semaphore_mem>>)
        %dma_wait3A = arith.constant 0 : i32
        %dma_wait3A_126 = tpu.memref_slice %arg18[%dma_wait3A] : memref<6448xi32, #tpu.memory_space<vmem>> -> memref<6240xi32, #tpu.memory_space<vmem>>
        %dma_wait3A_127 = tpu.memref_slice %arg5[%mul3A_20] : memref<100000xi32, #tpu.memory_space<hbm>> -> memref<6240xi32, #tpu.memory_space<hbm>>
        %dma_wait3A_128 = arith.constant 0 : i32
        %dma_wait3A_129 = tpu.memref_slice %arg18[%dma_wait3A_128] : memref<6448xi32, #tpu.memory_space<vmem>> -> memref<6240xi32, #tpu.memory_space<vmem>>
        %dma_wait3A_130 = tpu.memref_slice %arg5[%mul3A_20] : memref<100000xi32, #tpu.memory_space<hbm>> -> memref<6240xi32, #tpu.memory_space<hbm>>
        tpu.wait_dma2 semaphore(%run_scoped3A_119 : memref<!tpu.dma_semaphore, #tpu.memory_space<semaphore_mem>>) src(%dma_wait3A_130 : memref<6240xi32, #tpu.memory_space<hbm>>) dst(%dma_wait3A_129 : memref<6240xi32, #tpu.memory_space<vmem>>)
        tpu.yield
      }) : () -> ()
      %lt3A_21 = arith.constant 10 : i32
      %lt3A_22 = arith.cmpi slt, %arg1, %lt3A_21 : i32
      %convert_element_type3A_23 = arith.extui %lt3A_22 : i1 to i32
      %cond3A_24 = arith.constant 0 : i32
      %cond3A_25 = arith.cmpi ne, %convert_element_type3A_23, %cond3A_24 : i32
      scf.if %cond3A_25 {
        %mul3A_119 = arith.constant 16 : i32
        %mul3A_120 = arith.muli %add3A, %mul3A_119 : i32
        %add3A_121 = arith.constant 6240 : i32
        %add3A_122 = arith.addi %mul3A_120, %add3A_121 : i32
        "tpu.region"() ({
          %run_scoped3A_123 = tpu.sem_alloc : memref<!tpu.dma_semaphore, #tpu.memory_space<semaphore_mem>>
          %dma_start3A_124 = arith.constant 6240 : i32
          %dma_start3A_125 = tpu.memref_slice %arg18[%dma_start3A_124] : memref<6448xi32, #tpu.memory_space<vmem>> -> memref<208xi32, #tpu.memory_space<vmem>>
          %dma_start3A_126 = tpu.memref_slice %arg5[%add3A_122] : memref<100000xi32, #tpu.memory_space<hbm>> -> memref<208xi32, #tpu.memory_space<hbm>>
          %dma_start3A_127 = arith.constant 6240 : i32
          %dma_start3A_128 = tpu.memref_slice %arg18[%dma_start3A_127] : memref<6448xi32, #tpu.memory_space<vmem>> -> memref<208xi32, #tpu.memory_space<vmem>>
          %dma_start3A_129 = tpu.memref_slice %arg5[%add3A_122] : memref<100000xi32, #tpu.memory_space<hbm>> -> memref<208xi32, #tpu.memory_space<hbm>>
          tpu.enqueue_dma source(%dma_start3A_129 : memref<208xi32, #tpu.memory_space<hbm>>) target(%dma_start3A_128 : memref<208xi32, #tpu.memory_space<vmem>>) target_semaphore(%run_scoped3A_123 : memref<!tpu.dma_semaphore, #tpu.memory_space<semaphore_mem>>)
          %dma_wait3A = arith.constant 6240 : i32
          %dma_wait3A_130 = tpu.memref_slice %arg18[%dma_wait3A] : memref<6448xi32, #tpu.memory_space<vmem>> -> memref<208xi32, #tpu.memory_space<vmem>>
          %dma_wait3A_131 = tpu.memref_slice %arg5[%add3A_122] : memref<100000xi32, #tpu.memory_space<hbm>> -> memref<208xi32, #tpu.memory_space<hbm>>
          %dma_wait3A_132 = arith.constant 6240 : i32
          %dma_wait3A_133 = tpu.memref_slice %arg18[%dma_wait3A_132] : memref<6448xi32, #tpu.memory_space<vmem>> -> memref<208xi32, #tpu.memory_space<vmem>>
          %dma_wait3A_134 = tpu.memref_slice %arg5[%add3A_122] : memref<100000xi32, #tpu.memory_space<hbm>> -> memref<208xi32, #tpu.memory_space<hbm>>
          tpu.wait_dma2 semaphore(%run_scoped3A_123 : memref<!tpu.dma_semaphore, #tpu.memory_space<semaphore_mem>>) src(%dma_wait3A_134 : memref<208xi32, #tpu.memory_space<hbm>>) dst(%dma_wait3A_133 : memref<208xi32, #tpu.memory_space<vmem>>)
          tpu.yield
        }) : () -> ()
      } else {
      }
      "tpu.region"() ({
        %run_scoped3A_119 = tpu.sem_alloc : memref<!tpu.dma_semaphore, #tpu.memory_space<semaphore_mem>>
        tpu.enqueue_dma source(%arg8 : memref<128xf32, #tpu.memory_space<hbm>>) target(%arg19 : memref<128xf32, #tpu.memory_space<vmem>>) target_semaphore(%run_scoped3A_119 : memref<!tpu.dma_semaphore, #tpu.memory_space<semaphore_mem>>)
        tpu.wait_dma2 semaphore(%run_scoped3A_119 : memref<!tpu.dma_semaphore, #tpu.memory_space<semaphore_mem>>) src(%arg8 : memref<128xf32, #tpu.memory_space<hbm>>) dst(%arg19 : memref<128xf32, #tpu.memory_space<vmem>>)
        tpu.yield
      }) : () -> ()
      "tpu.region"() ({
        %run_scoped3A_119 = tpu.sem_alloc : memref<!tpu.dma_semaphore, #tpu.memory_space<semaphore_mem>>
        tpu.enqueue_dma source(%arg9 : memref<16xf32, #tpu.memory_space<hbm>>) target(%arg20 : memref<16xf32, #tpu.memory_space<vmem>>) target_semaphore(%run_scoped3A_119 : memref<!tpu.dma_semaphore, #tpu.memory_space<semaphore_mem>>)
        tpu.wait_dma2 semaphore(%run_scoped3A_119 : memref<!tpu.dma_semaphore, #tpu.memory_space<semaphore_mem>>) src(%arg9 : memref<16xf32, #tpu.memory_space<hbm>>) dst(%arg20 : memref<16xf32, #tpu.memory_space<vmem>>)
        tpu.yield
      }) : () -> ()
      %get3A = arith.constant 0 : index
      %get3A_26 = tpu.vector_load %arg19[%get3A] {strides = array<i32>} : memref<128xf32, #tpu.memory_space<vmem>>, vector<16xf32>,
      %get3A_27 = arith.constant 16 : index
      %get3A_28 = tpu.vector_load %arg19[%get3A_27] {strides = array<i32>} : memref<128xf32, #tpu.memory_space<vmem>>, vector<16xf32>,
      %get3A_29 = arith.constant 32 : index
      %get3A_30 = tpu.vector_load %arg19[%get3A_29] {strides = array<i32>} : memref<128xf32, #tpu.memory_space<vmem>>, vector<16xf32>,
      %get3A_31 = arith.constant 48 : index
      %get3A_32 = tpu.vector_load %arg19[%get3A_31] {strides = array<i32>} : memref<128xf32, #tpu.memory_space<vmem>>, vector<16xf32>,
      %get3A_33 = arith.constant 64 : index
      %get3A_34 = tpu.vector_load %arg19[%get3A_33] {strides = array<i32>} : memref<128xf32, #tpu.memory_space<vmem>>, vector<16xf32>,
      %get3A_35 = arith.constant 80 : index
      %get3A_36 = tpu.vector_load %arg19[%get3A_35] {strides = array<i32>} : memref<128xf32, #tpu.memory_space<vmem>>, vector<16xf32>,
      %get3A_37 = arith.constant 96 : index
      %get3A_38 = tpu.vector_load %arg19[%get3A_37] {strides = array<i32>} : memref<128xf32, #tpu.memory_space<vmem>>, vector<16xf32>,
      %get3A_39 = arith.constant 112 : index
      %get3A_40 = tpu.vector_load %arg19[%get3A_39] {strides = array<i32>} : memref<128xf32, #tpu.memory_space<vmem>>, vector<16xf32>,
      %get3A_41 = arith.constant 0 : index
      %get3A_42 = tpu.vector_load %arg20[%get3A_41] {strides = array<i32>} : memref<16xf32, #tpu.memory_space<vmem>>, vector<16xf32>,
      %broadcast_in_dim3A = arith.constant 0.000000e+00 : f32
      %broadcast_in_dim3A_43 = vector.broadcast %broadcast_in_dim3A : f32 to vector<16xf32>
      %iota3A = tpu.iota {dimensions = array<i32: 0>} : vector<16xi32>
      %add3A_44 = arith.constant 0 : i32
      %add3A_45 = vector.broadcast %add3A_44 : i32 to vector<16xi32>
      %add3A_46 = arith.addi %iota3A, %add3A_45 : vector<16xi32>
      %iota3A_47 = tpu.iota {dimensions = array<i32: 0>} : vector<16xi32>
      %add3A_48 = arith.constant 16 : i32
      %add3A_49 = vector.broadcast %add3A_48 : i32 to vector<16xi32>
      %add3A_50 = arith.addi %iota3A_47, %add3A_49 : vector<16xi32>
      %iota3A_51 = tpu.iota {dimensions = array<i32: 0>} : vector<16xi32>
      %add3A_52 = arith.constant 32 : i32
      %add3A_53 = vector.broadcast %add3A_52 : i32 to vector<16xi32>
      %add3A_54 = arith.addi %iota3A_51, %add3A_53 : vector<16xi32>
      %iota3A_55 = tpu.iota {dimensions = array<i32: 0>} : vector<16xi32>
      %add3A_56 = arith.constant 48 : i32
      %add3A_57 = vector.broadcast %add3A_56 : i32 to vector<16xi32>
      %add3A_58 = arith.addi %iota3A_55, %add3A_57 : vector<16xi32>
      %iota3A_59 = tpu.iota {dimensions = array<i32: 0>} : vector<16xi32>
      %add3A_60 = arith.constant 64 : i32
      %add3A_61 = vector.broadcast %add3A_60 : i32 to vector<16xi32>
      %add3A_62 = arith.addi %iota3A_59, %add3A_61 : vector<16xi32>
      %iota3A_63 = tpu.iota {dimensions = array<i32: 0>} : vector<16xi32>
      %add3A_64 = arith.constant 80 : i32
      %add3A_65 = vector.broadcast %add3A_64 : i32 to vector<16xi32>
      %add3A_66 = arith.addi %iota3A_63, %add3A_65 : vector<16xi32>
      %iota3A_67 = tpu.iota {dimensions = array<i32: 0>} : vector<16xi32>
      %add3A_68 = arith.constant 96 : i32
      %add3A_69 = vector.broadcast %add3A_68 : i32 to vector<16xi32>
      %add3A_70 = arith.addi %iota3A_67, %add3A_69 : vector<16xi32>
      %iota3A_71 = tpu.iota {dimensions = array<i32: 0>} : vector<16xi32>
      %add3A_72 = arith.constant 112 : i32
      %add3A_73 = vector.broadcast %add3A_72 : i32 to vector<16xi32>
      %add3A_74 = arith.addi %iota3A_71, %add3A_73 : vector<16xi32>
      %iota3A_75 = tpu.iota {dimensions = array<i32: 0>} : vector<16xi32>
      %xor3A = arith.constant 1 : i32
      %xor3A_76 = vector.broadcast %xor3A : i32 to vector<16xi32>
      %xor3A_77 = arith.xori %iota3A_75, %xor3A_76 : vector<16xi32>
      %iota3A_78 = tpu.iota {dimensions = array<i32: 0>} : vector<16xi32>
      %xor3A_79 = arith.constant 2 : i32
      %xor3A_80 = vector.broadcast %xor3A_79 : i32 to vector<16xi32>
      %xor3A_81 = arith.xori %iota3A_78, %xor3A_80 : vector<16xi32>
      %iota3A_82 = tpu.iota {dimensions = array<i32: 0>} : vector<16xi32>
      %xor3A_83 = arith.constant 4 : i32
      %xor3A_84 = vector.broadcast %xor3A_83 : i32 to vector<16xi32>
      %xor3A_85 = arith.xori %iota3A_82, %xor3A_84 : vector<16xi32>
      %iota3A_86 = tpu.iota {dimensions = array<i32: 0>} : vector<16xi32>
      %xor3A_87 = arith.constant 8 : i32
      %xor3A_88 = vector.broadcast %xor3A_87 : i32 to vector<16xi32>
      %xor3A_89 = arith.xori %iota3A_86, %xor3A_88 : vector<16xi32>
      %parallel_loop3A = arith.constant 0 : i32
      %parallel_loop3A_90 = arith.constant 512 : i32
      %parallel_loop3A_91 = arith.constant 1 : i32
      scf.for %parallel_loop3A_119 = %parallel_loop3A to %parallel_loop3A_90 step %parallel_loop3A_91  : i32 {
        %parallel_loop3A_120 = arith.index_cast %parallel_loop3A_119 : i32 to index
        %parallel_loop3A_121 = arith.constant 0 : index
        %parallel_loop3A_122 = tpu.vector_load %arg13[%parallel_loop3A_120, %parallel_loop3A_121] {strides = array<i32>} : memref<512x128xf32, #tpu.memory_space<vmem>>, vector<16xf32>,
        tpu.vector_store %arg13[%parallel_loop3A_120, %parallel_loop3A_121], %broadcast_in_dim3A_43 {strides = array<i32>} : memref<512x128xf32, #tpu.memory_space<vmem>>, vector<16xf32>,
        %parallel_loop3A_123 = arith.index_cast %parallel_loop3A_119 : i32 to index
        %parallel_loop3A_124 = arith.constant 16 : index
        %parallel_loop3A_125 = tpu.vector_load %arg13[%parallel_loop3A_123, %parallel_loop3A_124] {strides = array<i32>} : memref<512x128xf32, #tpu.memory_space<vmem>>, vector<16xf32>,
        tpu.vector_store %arg13[%parallel_loop3A_123, %parallel_loop3A_124], %broadcast_in_dim3A_43 {strides = array<i32>} : memref<512x128xf32, #tpu.memory_space<vmem>>, vector<16xf32>,
        %parallel_loop3A_126 = arith.index_cast %parallel_loop3A_119 : i32 to index
        %parallel_loop3A_127 = arith.constant 32 : index
        %parallel_loop3A_128 = tpu.vector_load %arg13[%parallel_loop3A_126, %parallel_loop3A_127] {strides = array<i32>} : memref<512x128xf32, #tpu.memory_space<vmem>>, vector<16xf32>,
        tpu.vector_store %arg13[%parallel_loop3A_126, %parallel_loop3A_127], %broadcast_in_dim3A_43 {strides = array<i32>} : memref<512x128xf32, #tpu.memory_space<vmem>>, vector<16xf32>,
        %parallel_loop3A_129 = arith.index_cast %parallel_loop3A_119 : i32 to index
        %parallel_loop3A_130 = arith.constant 48 : index
        %parallel_loop3A_131 = tpu.vector_load %arg13[%parallel_loop3A_129, %parallel_loop3A_130] {strides = array<i32>} : memref<512x128xf32, #tpu.memory_space<vmem>>, vector<16xf32>,
        tpu.vector_store %arg13[%parallel_loop3A_129, %parallel_loop3A_130], %broadcast_in_dim3A_43 {strides = array<i32>} : memref<512x128xf32, #tpu.memory_space<vmem>>, vector<16xf32>,
        %parallel_loop3A_132 = arith.index_cast %parallel_loop3A_119 : i32 to index
        %parallel_loop3A_133 = arith.constant 64 : index
        %parallel_loop3A_134 = tpu.vector_load %arg13[%parallel_loop3A_132, %parallel_loop3A_133] {strides = array<i32>} : memref<512x128xf32, #tpu.memory_space<vmem>>, vector<16xf32>,
        tpu.vector_store %arg13[%parallel_loop3A_132, %parallel_loop3A_133], %broadcast_in_dim3A_43 {strides = array<i32>} : memref<512x128xf32, #tpu.memory_space<vmem>>, vector<16xf32>,
        %parallel_loop3A_135 = arith.index_cast %parallel_loop3A_119 : i32 to index
        %parallel_loop3A_136 = arith.constant 80 : index
        %parallel_loop3A_137 = tpu.vector_load %arg13[%parallel_loop3A_135, %parallel_loop3A_136] {strides = array<i32>} : memref<512x128xf32, #tpu.memory_space<vmem>>, vector<16xf32>,
        tpu.vector_store %arg13[%parallel_loop3A_135, %parallel_loop3A_136], %broadcast_in_dim3A_43 {strides = array<i32>} : memref<512x128xf32, #tpu.memory_space<vmem>>, vector<16xf32>,
        %parallel_loop3A_138 = arith.index_cast %parallel_loop3A_119 : i32 to index
        %parallel_loop3A_139 = arith.constant 96 : index
        %parallel_loop3A_140 = tpu.vector_load %arg13[%parallel_loop3A_138, %parallel_loop3A_139] {strides = array<i32>} : memref<512x128xf32, #tpu.memory_space<vmem>>, vector<16xf32>,
        tpu.vector_store %arg13[%parallel_loop3A_138, %parallel_loop3A_139], %broadcast_in_dim3A_43 {strides = array<i32>} : memref<512x128xf32, #tpu.memory_space<vmem>>, vector<16xf32>,
        %parallel_loop3A_141 = arith.index_cast %parallel_loop3A_119 : i32 to index
        %parallel_loop3A_142 = arith.constant 112 : index
        %parallel_loop3A_143 = tpu.vector_load %arg13[%parallel_loop3A_141, %parallel_loop3A_142] {strides = array<i32>} : memref<512x128xf32, #tpu.memory_space<vmem>>, vector<16xf32>,
        tpu.vector_store %arg13[%parallel_loop3A_141, %parallel_loop3A_142], %broadcast_in_dim3A_43 {strides = array<i32>} : memref<512x128xf32, #tpu.memory_space<vmem>>, vector<16xf32>,
      } {sc.loop_unroll_factor = 2 : i64, sc.parallel_access}
      %eq3A_92 = arith.constant 0 : i32
      %eq3A_93 = arith.cmpi eq, %arg1, %eq3A_92 : i32
      %convert_element_type3A_94 = arith.extui %eq3A_93 : i1 to i32
      %cond3A_95 = arith.constant 0 : i32
      %cond3A_96 = arith.cmpi ne, %convert_element_type3A_94, %cond3A_95 : i32
      scf.if %cond3A_96 {
        "tpu.region"() ({
          %run_scoped3A_119 = tpu.sem_alloc : memref<!tpu.dma_semaphore, #tpu.memory_space<semaphore_mem>>
          tpu.enqueue_dma source(%arg13 : memref<512x128xf32, #tpu.memory_space<vmem>>) target(%arg25 : memref<512x128xf32, #tpu.memory_space<vmem_shared>>) target_semaphore(%run_scoped3A_119 : memref<!tpu.dma_semaphore, #tpu.memory_space<semaphore_mem>>)
          tpu.wait_dma2 semaphore(%run_scoped3A_119 : memref<!tpu.dma_semaphore, #tpu.memory_space<semaphore_mem>>) src(%arg13 : memref<512x128xf32, #tpu.memory_space<vmem>>) dst(%arg25 : memref<512x128xf32, #tpu.memory_space<vmem_shared>>)
          tpu.yield
        }) : () -> ()
      } else {
      }
      %barrier3A = arith.constant 0 : index
      tpu.barrier barrier_id(%barrier3A)
      %add3A_97 = arith.constant 0 : i32
      %add3A_98 = arith.addi %add3A, %add3A_97 : i32
      %mul3A_99 = arith.constant 16 : i32
      %mul3A_100 = arith.muli %add3A_98, %mul3A_99 : i32
      %mul3A_101 = arith.constant 128 : i32
      %mul3A_102 = arith.muli %mul3A_100, %mul3A_101 : i32
      %dma_start3A = tpu.memref_slice %arg4[%mul3A_102] : memref<12800000xf32, #tpu.memory_space<hbm>> -> memref<26624xf32, #tpu.memory_space<hbm>>
      %dma_start3A_103 = tpu.memref_slice %arg4[%mul3A_102] : memref<12800000xf32, #tpu.memory_space<hbm>> -> memref<26624xf32, #tpu.memory_space<hbm>>
      tpu.enqueue_dma source(%dma_start3A_103 : memref<26624xf32, #tpu.memory_space<hbm>>) target(%arg14 : memref<26624xf32, #tpu.memory_space<vmem>>) target_semaphore(%arg16 : memref<!tpu.dma_semaphore, #tpu.memory_space<semaphore_mem>>)
      %gt3A = arith.constant 1 : i32
      %gt3A_104 = arith.cmpi sgt, %select_n3A_18, %gt3A : i32
      %convert_element_type3A_105 = arith.extui %gt3A_104 : i1 to i32
      %cond3A_106 = arith.constant 0 : i32
      %cond3A_107 = arith.cmpi ne, %convert_element_type3A_105, %cond3A_106 : i32
      scf.if %cond3A_107 {
        %add3A_119 = arith.constant 13 : i32
        %add3A_120 = arith.addi %add3A, %add3A_119 : i32
        %mul3A_121 = arith.constant 16 : i32
        %mul3A_122 = arith.muli %add3A_120, %mul3A_121 : i32
        %mul3A_123 = arith.constant 128 : i32
        %mul3A_124 = arith.muli %mul3A_122, %mul3A_123 : i32
        %dma_start3A_125 = tpu.memref_slice %arg4[%mul3A_124] : memref<12800000xf32, #tpu.memory_space<hbm>> -> memref<26624xf32, #tpu.memory_space<hbm>>
        %dma_start3A_126 = tpu.memref_slice %arg4[%mul3A_124] : memref<12800000xf32, #tpu.memory_space<hbm>> -> memref<26624xf32, #tpu.memory_space<hbm>>
        tpu.enqueue_dma source(%dma_start3A_126 : memref<26624xf32, #tpu.memory_space<hbm>>) target(%arg15 : memref<26624xf32, #tpu.memory_space<vmem>>) target_semaphore(%arg17 : memref<!tpu.dma_semaphore, #tpu.memory_space<semaphore_mem>>)
      } else {
      }
      %scan3A = arith.constant 0 : i32
      %scan3A_108 = arith.constant 0 : i32
      %scan3A_109 = arith.constant 16 : i32
      %scan3A_110 = arith.addi %scan3A_108, %scan3A_109 : i32
      %scan3A_111 = arith.constant 1 : i32
      %scan3A_112 = scf.for %scan3A_119 = %scan3A_108 to %scan3A_110 step %scan3A_111 iter_args(%scan3A_120 = %scan3A) -> (i32)  : i32 {
        %mul3A_121 = arith.constant 2 : i32
        %mul3A_122 = arith.muli %scan3A_119, %mul3A_121 : i32
        %add3A_123 = arith.constant 0 : i32
        %add3A_124 = arith.addi %mul3A_122, %add3A_123 : i32
        %lt3A_125 = arith.cmpi slt, %add3A_124, %select_n3A_18 : i32
        %convert_element_type3A_126 = arith.extui %lt3A_125 : i1 to i32
        %cond3A_127 = arith.constant 0 : i32
        %cond3A_128 = arith.cmpi ne, %convert_element_type3A_126, %cond3A_127 : i32
        scf.if %cond3A_128 {
          %dma_wait3A = arith.constant 0 : i32
          %dma_wait3A_138 = tpu.memref_slice %arg4[%dma_wait3A] : memref<12800000xf32, #tpu.memory_space<hbm>> -> memref<26624xf32, #tpu.memory_space<hbm>>
          %dma_wait3A_139 = arith.constant 0 : i32
          %dma_wait3A_140 = tpu.memref_slice %arg4[%dma_wait3A_139] : memref<12800000xf32, #tpu.memory_space<hbm>> -> memref<26624xf32, #tpu.memory_space<hbm>>
          tpu.wait_dma2 semaphore(%arg16 : memref<!tpu.dma_semaphore, #tpu.memory_space<semaphore_mem>>) src(%dma_wait3A_140 : memref<26624xf32, #tpu.memory_space<hbm>>) dst(%arg14 : memref<26624xf32, #tpu.memory_space<vmem>>)
          %mul3A_141 = arith.constant 13 : i32
          %mul3A_142 = arith.muli %add3A_124, %mul3A_141 : i32
          %sub3A = arith.subi %select_n3A, %mul3A_142 : i32
          %min3A_143 = arith.constant 13 : i32
          %min3A_144 = arith.minsi %sub3A, %min3A_143 : i32
          %mul3A_145 = arith.constant 16 : i32
          %mul3A_146 = arith.muli %min3A_144, %mul3A_145 : i32
          %parallel_loop3A_147 = arith.constant 0 : i32
          %parallel_loop3A_148 = arith.constant 1 : i32
          scf.for %parallel_loop3A_155 = %parallel_loop3A_147 to %mul3A_146 step %parallel_loop3A_148  : i32 {
            %parallel_loop3A_156 = arith.constant 208 : i32
            %parallel_loop3A_157 = arith.muli %add3A_124, %parallel_loop3A_156 : i32
            %parallel_loop3A_158 = arith.addi %parallel_loop3A_157, %parallel_loop3A_155 : i32
            %parallel_loop3A_159 = vector.broadcast %parallel_loop3A_158 : i32 to vector<16xi32>
            %parallel_loop3A_160 = tpu.vector_load_idx %arg18[%parallel_loop3A_159] : memref<6448xi32, #tpu.memory_space<vmem>>[vector<16xi32>], vector<16xi32>,
            %parallel_loop3A_161 = arith.constant 128 : i32
            %parallel_loop3A_162 = arith.muli %parallel_loop3A_155, %parallel_loop3A_161 : i32
            %parallel_loop3A_163 = arith.constant 0 : i32
            %parallel_loop3A_164 = arith.addi %parallel_loop3A_162, %parallel_loop3A_163 : i32
            %parallel_loop3A_165 = arith.index_cast %parallel_loop3A_164 : i32 to index
            %parallel_loop3A_166 = tpu.vector_load %arg14[%parallel_loop3A_165] {strides = array<i32>} : memref<26624xf32, #tpu.memory_space<vmem>>, vector<16xf32>,
            %parallel_loop3A_167 = arith.mulf %parallel_loop3A_166, %get3A_26 : vector<16xf32>
            %parallel_loop3A_168 = arith.constant 16 : i32
            %parallel_loop3A_169 = arith.addi %parallel_loop3A_162, %parallel_loop3A_168 : i32
            %parallel_loop3A_170 = arith.index_cast %parallel_loop3A_169 : i32 to index
            %parallel_loop3A_171 = tpu.vector_load %arg14[%parallel_loop3A_170] {strides = array<i32>} : memref<26624xf32, #tpu.memory_space<vmem>>, vector<16xf32>,
            %parallel_loop3A_172 = arith.mulf %parallel_loop3A_171, %get3A_28 : vector<16xf32>
            %parallel_loop3A_173 = arith.constant 32 : i32
            %parallel_loop3A_174 = arith.addi %parallel_loop3A_162, %parallel_loop3A_173 : i32
            %parallel_loop3A_175 = arith.index_cast %parallel_loop3A_174 : i32 to index
            %parallel_loop3A_176 = tpu.vector_load %arg14[%parallel_loop3A_175] {strides = array<i32>} : memref<26624xf32, #tpu.memory_space<vmem>>, vector<16xf32>,
            %parallel_loop3A_177 = arith.mulf %parallel_loop3A_176, %get3A_30 : vector<16xf32>
            %parallel_loop3A_178 = arith.constant 48 : i32
            %parallel_loop3A_179 = arith.addi %parallel_loop3A_162, %parallel_loop3A_178 : i32
            %parallel_loop3A_180 = arith.index_cast %parallel_loop3A_179 : i32 to index
            %parallel_loop3A_181 = tpu.vector_load %arg14[%parallel_loop3A_180] {strides = array<i32>} : memref<26624xf32, #tpu.memory_space<vmem>>, vector<16xf32>,
            %parallel_loop3A_182 = arith.mulf %parallel_loop3A_181, %get3A_32 : vector<16xf32>
            %parallel_loop3A_183 = arith.constant 64 : i32
            %parallel_loop3A_184 = arith.addi %parallel_loop3A_162, %parallel_loop3A_183 : i32
            %parallel_loop3A_185 = arith.index_cast %parallel_loop3A_184 : i32 to index
            %parallel_loop3A_186 = tpu.vector_load %arg14[%parallel_loop3A_185] {strides = array<i32>} : memref<26624xf32, #tpu.memory_space<vmem>>, vector<16xf32>,
            %parallel_loop3A_187 = arith.mulf %parallel_loop3A_186, %get3A_34 : vector<16xf32>
            %parallel_loop3A_188 = arith.constant 80 : i32
            %parallel_loop3A_189 = arith.addi %parallel_loop3A_162, %parallel_loop3A_188 : i32
            %parallel_loop3A_190 = arith.index_cast %parallel_loop3A_189 : i32 to index
            %parallel_loop3A_191 = tpu.vector_load %arg14[%parallel_loop3A_190] {strides = array<i32>} : memref<26624xf32, #tpu.memory_space<vmem>>, vector<16xf32>,
            %parallel_loop3A_192 = arith.mulf %parallel_loop3A_191, %get3A_36 : vector<16xf32>
            %parallel_loop3A_193 = arith.constant 96 : i32
            %parallel_loop3A_194 = arith.addi %parallel_loop3A_162, %parallel_loop3A_193 : i32
            %parallel_loop3A_195 = arith.index_cast %parallel_loop3A_194 : i32 to index
            %parallel_loop3A_196 = tpu.vector_load %arg14[%parallel_loop3A_195] {strides = array<i32>} : memref<26624xf32, #tpu.memory_space<vmem>>, vector<16xf32>,
            %parallel_loop3A_197 = arith.mulf %parallel_loop3A_196, %get3A_38 : vector<16xf32>
            %parallel_loop3A_198 = arith.constant 112 : i32
            %parallel_loop3A_199 = arith.addi %parallel_loop3A_162, %parallel_loop3A_198 : i32
            %parallel_loop3A_200 = arith.index_cast %parallel_loop3A_199 : i32 to index
            %parallel_loop3A_201 = tpu.vector_load %arg14[%parallel_loop3A_200] {strides = array<i32>} : memref<26624xf32, #tpu.memory_space<vmem>>, vector<16xf32>,
            %parallel_loop3A_202 = arith.mulf %parallel_loop3A_201, %get3A_40 : vector<16xf32>
            %parallel_loop3A_203 = arith.addf %parallel_loop3A_167, %parallel_loop3A_172 : vector<16xf32>
            %parallel_loop3A_204 = arith.addf %parallel_loop3A_177, %parallel_loop3A_182 : vector<16xf32>
            %parallel_loop3A_205 = arith.addf %parallel_loop3A_187, %parallel_loop3A_192 : vector<16xf32>
            %parallel_loop3A_206 = arith.addf %parallel_loop3A_197, %parallel_loop3A_202 : vector<16xf32>
            %parallel_loop3A_207 = arith.addf %parallel_loop3A_203, %parallel_loop3A_204 : vector<16xf32>
            %parallel_loop3A_208 = arith.addf %parallel_loop3A_205, %parallel_loop3A_206 : vector<16xf32>
            %parallel_loop3A_209 = arith.addf %parallel_loop3A_207, %parallel_loop3A_208 : vector<16xf32>
            %parallel_loop3A_210 = vector.shape_cast %xor3A_77 : vector<16xi32> to vector<16x1xi32>
            %parallel_loop3A_211 = vector.shape_cast %parallel_loop3A_210 : vector<16x1xi32> to vector<16xi32>
            %parallel_loop3A_212 = tpu.dynamic_gather %parallel_loop3A_209[%parallel_loop3A_211] in [0] : vector<16xf32>, vector<16xi32> -> vector<16xf32>
            %parallel_loop3A_213 = arith.addf %parallel_loop3A_209, %parallel_loop3A_212 : vector<16xf32>
            %parallel_loop3A_214 = vector.shape_cast %xor3A_81 : vector<16xi32> to vector<16x1xi32>
            %parallel_loop3A_215 = vector.shape_cast %parallel_loop3A_214 : vector<16x1xi32> to vector<16xi32>
            %parallel_loop3A_216 = tpu.dynamic_gather %parallel_loop3A_213[%parallel_loop3A_215] in [0] : vector<16xf32>, vector<16xi32> -> vector<16xf32>
            %parallel_loop3A_217 = arith.addf %parallel_loop3A_213, %parallel_loop3A_216 : vector<16xf32>
            %parallel_loop3A_218 = vector.shape_cast %xor3A_85 : vector<16xi32> to vector<16x1xi32>
            %parallel_loop3A_219 = vector.shape_cast %parallel_loop3A_218 : vector<16x1xi32> to vector<16xi32>
            %parallel_loop3A_220 = tpu.dynamic_gather %parallel_loop3A_217[%parallel_loop3A_219] in [0] : vector<16xf32>, vector<16xi32> -> vector<16xf32>
            %parallel_loop3A_221 = arith.addf %parallel_loop3A_217, %parallel_loop3A_220 : vector<16xf32>
            %parallel_loop3A_222 = vector.shape_cast %xor3A_89 : vector<16xi32> to vector<16x1xi32>
            %parallel_loop3A_223 = vector.shape_cast %parallel_loop3A_222 : vector<16x1xi32> to vector<16xi32>
            %parallel_loop3A_224 = tpu.dynamic_gather %parallel_loop3A_221[%parallel_loop3A_223] in [0] : vector<16xf32>, vector<16xi32> -> vector<16xf32>
            %parallel_loop3A_225 = arith.addf %parallel_loop3A_221, %parallel_loop3A_224 : vector<16xf32>
            %parallel_loop3A_226 = arith.addf %parallel_loop3A_225, %get3A_42 : vector<16xf32>
            %parallel_loop3A_227 = arith.constant 0.000000e+00 : f32
            %parallel_loop3A_228 = vector.broadcast %parallel_loop3A_227 : f32 to vector<16xf32>
            %parallel_loop3A_229 = arith.subf %parallel_loop3A_228, %parallel_loop3A_226 : vector<16xf32>
            %parallel_loop3A_230 = math.exp %parallel_loop3A_229 : vector<16xf32>
            %parallel_loop3A_231 = arith.constant 1.000000e+00 : f32
            %parallel_loop3A_232 = vector.broadcast %parallel_loop3A_231 : f32 to vector<16xf32>
            %parallel_loop3A_233 = arith.addf %parallel_loop3A_232, %parallel_loop3A_230 : vector<16xf32>
            %parallel_loop3A_234 = arith.constant 1.000000e+00 : f32
            %parallel_loop3A_235 = vector.broadcast %parallel_loop3A_234 : f32 to vector<16xf32>
            %parallel_loop3A_236 = arith.divf %parallel_loop3A_235, %parallel_loop3A_233 : vector<16xf32>
            %parallel_loop3A_237 = arith.constant 0 : i32
            %parallel_loop3A_238 = arith.addi %parallel_loop3A_162, %parallel_loop3A_237 : i32
            %parallel_loop3A_239 = arith.index_cast %parallel_loop3A_238 : i32 to index
            %parallel_loop3A_240 = tpu.vector_load %arg14[%parallel_loop3A_239] {strides = array<i32>} : memref<26624xf32, #tpu.memory_space<vmem>>, vector<16xf32>,
            %parallel_loop3A_241 = arith.mulf %parallel_loop3A_240, %parallel_loop3A_236 : vector<16xf32>
            tpu.vector_store_idx %arg13[%parallel_loop3A_160, %add3A_46], %parallel_loop3A_241 {add = true} : memref<512x128xf32, #tpu.memory_space<vmem>>[vector<16xi32>, vector<16xi32>], vector<16xf32>,
            %parallel_loop3A_242 = arith.constant 16 : i32
            %parallel_loop3A_243 = arith.addi %parallel_loop3A_162, %parallel_loop3A_242 : i32
            %parallel_loop3A_244 = arith.index_cast %parallel_loop3A_243 : i32 to index
            %parallel_loop3A_245 = tpu.vector_load %arg14[%parallel_loop3A_244] {strides = array<i32>} : memref<26624xf32, #tpu.memory_space<vmem>>, vector<16xf32>,
            %parallel_loop3A_246 = arith.mulf %parallel_loop3A_245, %parallel_loop3A_236 : vector<16xf32>
            tpu.vector_store_idx %arg13[%parallel_loop3A_160, %add3A_50], %parallel_loop3A_246 {add = true} : memref<512x128xf32, #tpu.memory_space<vmem>>[vector<16xi32>, vector<16xi32>], vector<16xf32>,
            %parallel_loop3A_247 = arith.constant 32 : i32
            %parallel_loop3A_248 = arith.addi %parallel_loop3A_162, %parallel_loop3A_247 : i32
            %parallel_loop3A_249 = arith.index_cast %parallel_loop3A_248 : i32 to index
            %parallel_loop3A_250 = tpu.vector_load %arg14[%parallel_loop3A_249] {strides = array<i32>} : memref<26624xf32, #tpu.memory_space<vmem>>, vector<16xf32>,
            %parallel_loop3A_251 = arith.mulf %parallel_loop3A_250, %parallel_loop3A_236 : vector<16xf32>
            tpu.vector_store_idx %arg13[%parallel_loop3A_160, %add3A_54], %parallel_loop3A_251 {add = true} : memref<512x128xf32, #tpu.memory_space<vmem>>[vector<16xi32>, vector<16xi32>], vector<16xf32>,
            %parallel_loop3A_252 = arith.constant 48 : i32
            %parallel_loop3A_253 = arith.addi %parallel_loop3A_162, %parallel_loop3A_252 : i32
            %parallel_loop3A_254 = arith.index_cast %parallel_loop3A_253 : i32 to index
            %parallel_loop3A_255 = tpu.vector_load %arg14[%parallel_loop3A_254] {strides = array<i32>} : memref<26624xf32, #tpu.memory_space<vmem>>, vector<16xf32>,
            %parallel_loop3A_256 = arith.mulf %parallel_loop3A_255, %parallel_loop3A_236 : vector<16xf32>
            tpu.vector_store_idx %arg13[%parallel_loop3A_160, %add3A_58], %parallel_loop3A_256 {add = true} : memref<512x128xf32, #tpu.memory_space<vmem>>[vector<16xi32>, vector<16xi32>], vector<16xf32>,
            %parallel_loop3A_257 = arith.constant 64 : i32
            %parallel_loop3A_258 = arith.addi %parallel_loop3A_162, %parallel_loop3A_257 : i32
            %parallel_loop3A_259 = arith.index_cast %parallel_loop3A_258 : i32 to index
            %parallel_loop3A_260 = tpu.vector_load %arg14[%parallel_loop3A_259] {strides = array<i32>} : memref<26624xf32, #tpu.memory_space<vmem>>, vector<16xf32>,
            %parallel_loop3A_261 = arith.mulf %parallel_loop3A_260, %parallel_loop3A_236 : vector<16xf32>
            tpu.vector_store_idx %arg13[%parallel_loop3A_160, %add3A_62], %parallel_loop3A_261 {add = true} : memref<512x128xf32, #tpu.memory_space<vmem>>[vector<16xi32>, vector<16xi32>], vector<16xf32>,
            %parallel_loop3A_262 = arith.constant 80 : i32
            %parallel_loop3A_263 = arith.addi %parallel_loop3A_162, %parallel_loop3A_262 : i32
            %parallel_loop3A_264 = arith.index_cast %parallel_loop3A_263 : i32 to index
            %parallel_loop3A_265 = tpu.vector_load %arg14[%parallel_loop3A_264] {strides = array<i32>} : memref<26624xf32, #tpu.memory_space<vmem>>, vector<16xf32>,
            %parallel_loop3A_266 = arith.mulf %parallel_loop3A_265, %parallel_loop3A_236 : vector<16xf32>
            tpu.vector_store_idx %arg13[%parallel_loop3A_160, %add3A_66], %parallel_loop3A_266 {add = true} : memref<512x128xf32, #tpu.memory_space<vmem>>[vector<16xi32>, vector<16xi32>], vector<16xf32>,
            %parallel_loop3A_267 = arith.constant 96 : i32
            %parallel_loop3A_268 = arith.addi %parallel_loop3A_162, %parallel_loop3A_267 : i32
            %parallel_loop3A_269 = arith.index_cast %parallel_loop3A_268 : i32 to index
            %parallel_loop3A_270 = tpu.vector_load %arg14[%parallel_loop3A_269] {strides = array<i32>} : memref<26624xf32, #tpu.memory_space<vmem>>, vector<16xf32>,
            %parallel_loop3A_271 = arith.mulf %parallel_loop3A_270, %parallel_loop3A_236 : vector<16xf32>
            tpu.vector_store_idx %arg13[%parallel_loop3A_160, %add3A_70], %parallel_loop3A_271 {add = true} : memref<512x128xf32, #tpu.memory_space<vmem>>[vector<16xi32>, vector<16xi32>], vector<16xf32>,
            %parallel_loop3A_272 = arith.constant 112 : i32
            %parallel_loop3A_273 = arith.addi %parallel_loop3A_162, %parallel_loop3A_272 : i32
            %parallel_loop3A_274 = arith.index_cast %parallel_loop3A_273 : i32 to index
            %parallel_loop3A_275 = tpu.vector_load %arg14[%parallel_loop3A_274] {strides = array<i32>} : memref<26624xf32, #tpu.memory_space<vmem>>, vector<16xf32>,
            %parallel_loop3A_276 = arith.mulf %parallel_loop3A_275, %parallel_loop3A_236 : vector<16xf32>
            tpu.vector_store_idx %arg13[%parallel_loop3A_160, %add3A_74], %parallel_loop3A_276 {add = true} : memref<512x128xf32, #tpu.memory_space<vmem>>[vector<16xi32>, vector<16xi32>], vector<16xf32>,
          } {sc.loop_unroll_factor = 4 : i64, sc.parallel_access}
          %add3A_149 = arith.constant 2 : i32
          %add3A_150 = arith.addi %add3A_124, %add3A_149 : i32
          %lt3A_151 = arith.cmpi slt, %add3A_150, %select_n3A_18 : i32
          %convert_element_type3A_152 = arith.extui %lt3A_151 : i1 to i32
          %cond3A_153 = arith.constant 0 : i32
          %cond3A_154 = arith.cmpi ne, %convert_element_type3A_152, %cond3A_153 : i32
          scf.if %cond3A_154 {
            %add3A_155 = arith.constant 2 : i32
            %add3A_156 = arith.addi %add3A_124, %add3A_155 : i32
            %mul3A_157 = arith.constant 13 : i32
            %mul3A_158 = arith.muli %add3A_156, %mul3A_157 : i32
            %add3A_159 = arith.addi %add3A, %mul3A_158 : i32
            %mul3A_160 = arith.constant 16 : i32
            %mul3A_161 = arith.muli %add3A_159, %mul3A_160 : i32
            %mul3A_162 = arith.constant 128 : i32
            %mul3A_163 = arith.muli %mul3A_161, %mul3A_162 : i32
            %dma_start3A_164 = tpu.memref_slice %arg4[%mul3A_163] : memref<12800000xf32, #tpu.memory_space<hbm>> -> memref<26624xf32, #tpu.memory_space<hbm>>
            %dma_start3A_165 = tpu.memref_slice %arg4[%mul3A_163] : memref<12800000xf32, #tpu.memory_space<hbm>> -> memref<26624xf32, #tpu.memory_space<hbm>>
            tpu.enqueue_dma source(%dma_start3A_165 : memref<26624xf32, #tpu.memory_space<hbm>>) target(%arg14 : memref<26624xf32, #tpu.memory_space<vmem>>) target_semaphore(%arg16 : memref<!tpu.dma_semaphore, #tpu.memory_space<semaphore_mem>>)
          } else {
          }
        } else {
        }
        %mul3A_129 = arith.constant 2 : i32
        %mul3A_130 = arith.muli %scan3A_119, %mul3A_129 : i32
        %add3A_131 = arith.constant 1 : i32
        %add3A_132 = arith.addi %mul3A_130, %add3A_131 : i32
        %lt3A_133 = arith.cmpi slt, %add3A_132, %select_n3A_18 : i32
        %convert_element_type3A_134 = arith.extui %lt3A_133 : i1 to i32
        %cond3A_135 = arith.constant 0 : i32
        %cond3A_136 = arith.cmpi ne, %convert_element_type3A_134, %cond3A_135 : i32
        scf.if %cond3A_136 {
          %dma_wait3A = arith.constant 0 : i32
          %dma_wait3A_138 = tpu.memref_slice %arg4[%dma_wait3A] : memref<12800000xf32, #tpu.memory_space<hbm>> -> memref<26624xf32, #tpu.memory_space<hbm>>
          %dma_wait3A_139 = arith.constant 0 : i32
          %dma_wait3A_140 = tpu.memref_slice %arg4[%dma_wait3A_139] : memref<12800000xf32, #tpu.memory_space<hbm>> -> memref<26624xf32, #tpu.memory_space<hbm>>
          tpu.wait_dma2 semaphore(%arg17 : memref<!tpu.dma_semaphore, #tpu.memory_space<semaphore_mem>>) src(%dma_wait3A_140 : memref<26624xf32, #tpu.memory_space<hbm>>) dst(%arg15 : memref<26624xf32, #tpu.memory_space<vmem>>)
          %mul3A_141 = arith.constant 13 : i32
          %mul3A_142 = arith.muli %add3A_132, %mul3A_141 : i32
          %sub3A = arith.subi %select_n3A, %mul3A_142 : i32
          %min3A_143 = arith.constant 13 : i32
          %min3A_144 = arith.minsi %sub3A, %min3A_143 : i32
          %mul3A_145 = arith.constant 16 : i32
          %mul3A_146 = arith.muli %min3A_144, %mul3A_145 : i32
          %parallel_loop3A_147 = arith.constant 0 : i32
          %parallel_loop3A_148 = arith.constant 1 : i32
          scf.for %parallel_loop3A_155 = %parallel_loop3A_147 to %mul3A_146 step %parallel_loop3A_148  : i32 {
            %parallel_loop3A_156 = arith.constant 208 : i32
            %parallel_loop3A_157 = arith.muli %add3A_132, %parallel_loop3A_156 : i32
            %parallel_loop3A_158 = arith.addi %parallel_loop3A_157, %parallel_loop3A_155 : i32
            %parallel_loop3A_159 = vector.broadcast %parallel_loop3A_158 : i32 to vector<16xi32>
            %parallel_loop3A_160 = tpu.vector_load_idx %arg18[%parallel_loop3A_159] : memref<6448xi32, #tpu.memory_space<vmem>>[vector<16xi32>], vector<16xi32>,
            %parallel_loop3A_161 = arith.constant 128 : i32
            %parallel_loop3A_162 = arith.muli %parallel_loop3A_155, %parallel_loop3A_161 : i32
            %parallel_loop3A_163 = arith.constant 0 : i32
            %parallel_loop3A_164 = arith.addi %parallel_loop3A_162, %parallel_loop3A_163 : i32
            %parallel_loop3A_165 = arith.index_cast %parallel_loop3A_164 : i32 to index
            %parallel_loop3A_166 = tpu.vector_load %arg15[%parallel_loop3A_165] {strides = array<i32>} : memref<26624xf32, #tpu.memory_space<vmem>>, vector<16xf32>,
            %parallel_loop3A_167 = arith.mulf %parallel_loop3A_166, %get3A_26 : vector<16xf32>
            %parallel_loop3A_168 = arith.constant 16 : i32
            %parallel_loop3A_169 = arith.addi %parallel_loop3A_162, %parallel_loop3A_168 : i32
            %parallel_loop3A_170 = arith.index_cast %parallel_loop3A_169 : i32 to index
            %parallel_loop3A_171 = tpu.vector_load %arg15[%parallel_loop3A_170] {strides = array<i32>} : memref<26624xf32, #tpu.memory_space<vmem>>, vector<16xf32>,
            %parallel_loop3A_172 = arith.mulf %parallel_loop3A_171, %get3A_28 : vector<16xf32>
            %parallel_loop3A_173 = arith.constant 32 : i32
            %parallel_loop3A_174 = arith.addi %parallel_loop3A_162, %parallel_loop3A_173 : i32
            %parallel_loop3A_175 = arith.index_cast %parallel_loop3A_174 : i32 to index
            %parallel_loop3A_176 = tpu.vector_load %arg15[%parallel_loop3A_175] {strides = array<i32>} : memref<26624xf32, #tpu.memory_space<vmem>>, vector<16xf32>,
            %parallel_loop3A_177 = arith.mulf %parallel_loop3A_176, %get3A_30 : vector<16xf32>
            %parallel_loop3A_178 = arith.constant 48 : i32
            %parallel_loop3A_179 = arith.addi %parallel_loop3A_162, %parallel_loop3A_178 : i32
            %parallel_loop3A_180 = arith.index_cast %parallel_loop3A_179 : i32 to index
            %parallel_loop3A_181 = tpu.vector_load %arg15[%parallel_loop3A_180] {strides = array<i32>} : memref<26624xf32, #tpu.memory_space<vmem>>, vector<16xf32>,
            %parallel_loop3A_182 = arith.mulf %parallel_loop3A_181, %get3A_32 : vector<16xf32>
            %parallel_loop3A_183 = arith.constant 64 : i32
            %parallel_loop3A_184 = arith.addi %parallel_loop3A_162, %parallel_loop3A_183 : i32
            %parallel_loop3A_185 = arith.index_cast %parallel_loop3A_184 : i32 to index
            %parallel_loop3A_186 = tpu.vector_load %arg15[%parallel_loop3A_185] {strides = array<i32>} : memref<26624xf32, #tpu.memory_space<vmem>>, vector<16xf32>,
            %parallel_loop3A_187 = arith.mulf %parallel_loop3A_186, %get3A_34 : vector<16xf32>
            %parallel_loop3A_188 = arith.constant 80 : i32
            %parallel_loop3A_189 = arith.addi %parallel_loop3A_162, %parallel_loop3A_188 : i32
            %parallel_loop3A_190 = arith.index_cast %parallel_loop3A_189 : i32 to index
            %parallel_loop3A_191 = tpu.vector_load %arg15[%parallel_loop3A_190] {strides = array<i32>} : memref<26624xf32, #tpu.memory_space<vmem>>, vector<16xf32>,
            %parallel_loop3A_192 = arith.mulf %parallel_loop3A_191, %get3A_36 : vector<16xf32>
            %parallel_loop3A_193 = arith.constant 96 : i32
            %parallel_loop3A_194 = arith.addi %parallel_loop3A_162, %parallel_loop3A_193 : i32
            %parallel_loop3A_195 = arith.index_cast %parallel_loop3A_194 : i32 to index
            %parallel_loop3A_196 = tpu.vector_load %arg15[%parallel_loop3A_195] {strides = array<i32>} : memref<26624xf32, #tpu.memory_space<vmem>>, vector<16xf32>,
            %parallel_loop3A_197 = arith.mulf %parallel_loop3A_196, %get3A_38 : vector<16xf32>
            %parallel_loop3A_198 = arith.constant 112 : i32
            %parallel_loop3A_199 = arith.addi %parallel_loop3A_162, %parallel_loop3A_198 : i32
            %parallel_loop3A_200 = arith.index_cast %parallel_loop3A_199 : i32 to index
            %parallel_loop3A_201 = tpu.vector_load %arg15[%parallel_loop3A_200] {strides = array<i32>} : memref<26624xf32, #tpu.memory_space<vmem>>, vector<16xf32>,
            %parallel_loop3A_202 = arith.mulf %parallel_loop3A_201, %get3A_40 : vector<16xf32>
            %parallel_loop3A_203 = arith.addf %parallel_loop3A_167, %parallel_loop3A_172 : vector<16xf32>
            %parallel_loop3A_204 = arith.addf %parallel_loop3A_177, %parallel_loop3A_182 : vector<16xf32>
            %parallel_loop3A_205 = arith.addf %parallel_loop3A_187, %parallel_loop3A_192 : vector<16xf32>
            %parallel_loop3A_206 = arith.addf %parallel_loop3A_197, %parallel_loop3A_202 : vector<16xf32>
            %parallel_loop3A_207 = arith.addf %parallel_loop3A_203, %parallel_loop3A_204 : vector<16xf32>
            %parallel_loop3A_208 = arith.addf %parallel_loop3A_205, %parallel_loop3A_206 : vector<16xf32>
            %parallel_loop3A_209 = arith.addf %parallel_loop3A_207, %parallel_loop3A_208 : vector<16xf32>
            %parallel_loop3A_210 = vector.shape_cast %xor3A_77 : vector<16xi32> to vector<16x1xi32>
            %parallel_loop3A_211 = vector.shape_cast %parallel_loop3A_210 : vector<16x1xi32> to vector<16xi32>
            %parallel_loop3A_212 = tpu.dynamic_gather %parallel_loop3A_209[%parallel_loop3A_211] in [0] : vector<16xf32>, vector<16xi32> -> vector<16xf32>
            %parallel_loop3A_213 = arith.addf %parallel_loop3A_209, %parallel_loop3A_212 : vector<16xf32>
            %parallel_loop3A_214 = vector.shape_cast %xor3A_81 : vector<16xi32> to vector<16x1xi32>
            %parallel_loop3A_215 = vector.shape_cast %parallel_loop3A_214 : vector<16x1xi32> to vector<16xi32>
            %parallel_loop3A_216 = tpu.dynamic_gather %parallel_loop3A_213[%parallel_loop3A_215] in [0] : vector<16xf32>, vector<16xi32> -> vector<16xf32>
            %parallel_loop3A_217 = arith.addf %parallel_loop3A_213, %parallel_loop3A_216 : vector<16xf32>
            %parallel_loop3A_218 = vector.shape_cast %xor3A_85 : vector<16xi32> to vector<16x1xi32>
            %parallel_loop3A_219 = vector.shape_cast %parallel_loop3A_218 : vector<16x1xi32> to vector<16xi32>
            %parallel_loop3A_220 = tpu.dynamic_gather %parallel_loop3A_217[%parallel_loop3A_219] in [0] : vector<16xf32>, vector<16xi32> -> vector<16xf32>
            %parallel_loop3A_221 = arith.addf %parallel_loop3A_217, %parallel_loop3A_220 : vector<16xf32>
            %parallel_loop3A_222 = vector.shape_cast %xor3A_89 : vector<16xi32> to vector<16x1xi32>
            %parallel_loop3A_223 = vector.shape_cast %parallel_loop3A_222 : vector<16x1xi32> to vector<16xi32>
            %parallel_loop3A_224 = tpu.dynamic_gather %parallel_loop3A_221[%parallel_loop3A_223] in [0] : vector<16xf32>, vector<16xi32> -> vector<16xf32>
            %parallel_loop3A_225 = arith.addf %parallel_loop3A_221, %parallel_loop3A_224 : vector<16xf32>
            %parallel_loop3A_226 = arith.addf %parallel_loop3A_225, %get3A_42 : vector<16xf32>
            %parallel_loop3A_227 = arith.constant 0.000000e+00 : f32
            %parallel_loop3A_228 = vector.broadcast %parallel_loop3A_227 : f32 to vector<16xf32>
            %parallel_loop3A_229 = arith.subf %parallel_loop3A_228, %parallel_loop3A_226 : vector<16xf32>
            %parallel_loop3A_230 = math.exp %parallel_loop3A_229 : vector<16xf32>
            %parallel_loop3A_231 = arith.constant 1.000000e+00 : f32
            %parallel_loop3A_232 = vector.broadcast %parallel_loop3A_231 : f32 to vector<16xf32>
            %parallel_loop3A_233 = arith.addf %parallel_loop3A_232, %parallel_loop3A_230 : vector<16xf32>
            %parallel_loop3A_234 = arith.constant 1.000000e+00 : f32
            %parallel_loop3A_235 = vector.broadcast %parallel_loop3A_234 : f32 to vector<16xf32>
            %parallel_loop3A_236 = arith.divf %parallel_loop3A_235, %parallel_loop3A_233 : vector<16xf32>
            %parallel_loop3A_237 = arith.constant 0 : i32
            %parallel_loop3A_238 = arith.addi %parallel_loop3A_162, %parallel_loop3A_237 : i32
            %parallel_loop3A_239 = arith.index_cast %parallel_loop3A_238 : i32 to index
            %parallel_loop3A_240 = tpu.vector_load %arg15[%parallel_loop3A_239] {strides = array<i32>} : memref<26624xf32, #tpu.memory_space<vmem>>, vector<16xf32>,
            %parallel_loop3A_241 = arith.mulf %parallel_loop3A_240, %parallel_loop3A_236 : vector<16xf32>
            tpu.vector_store_idx %arg13[%parallel_loop3A_160, %add3A_46], %parallel_loop3A_241 {add = true} : memref<512x128xf32, #tpu.memory_space<vmem>>[vector<16xi32>, vector<16xi32>], vector<16xf32>,
            %parallel_loop3A_242 = arith.constant 16 : i32
            %parallel_loop3A_243 = arith.addi %parallel_loop3A_162, %parallel_loop3A_242 : i32
            %parallel_loop3A_244 = arith.index_cast %parallel_loop3A_243 : i32 to index
            %parallel_loop3A_245 = tpu.vector_load %arg15[%parallel_loop3A_244] {strides = array<i32>} : memref<26624xf32, #tpu.memory_space<vmem>>, vector<16xf32>,
            %parallel_loop3A_246 = arith.mulf %parallel_loop3A_245, %parallel_loop3A_236 : vector<16xf32>
            tpu.vector_store_idx %arg13[%parallel_loop3A_160, %add3A_50], %parallel_loop3A_246 {add = true} : memref<512x128xf32, #tpu.memory_space<vmem>>[vector<16xi32>, vector<16xi32>], vector<16xf32>,
            %parallel_loop3A_247 = arith.constant 32 : i32
            %parallel_loop3A_248 = arith.addi %parallel_loop3A_162, %parallel_loop3A_247 : i32
            %parallel_loop3A_249 = arith.index_cast %parallel_loop3A_248 : i32 to index
            %parallel_loop3A_250 = tpu.vector_load %arg15[%parallel_loop3A_249] {strides = array<i32>} : memref<26624xf32, #tpu.memory_space<vmem>>, vector<16xf32>,
            %parallel_loop3A_251 = arith.mulf %parallel_loop3A_250, %parallel_loop3A_236 : vector<16xf32>
            tpu.vector_store_idx %arg13[%parallel_loop3A_160, %add3A_54], %parallel_loop3A_251 {add = true} : memref<512x128xf32, #tpu.memory_space<vmem>>[vector<16xi32>, vector<16xi32>], vector<16xf32>,
            %parallel_loop3A_252 = arith.constant 48 : i32
            %parallel_loop3A_253 = arith.addi %parallel_loop3A_162, %parallel_loop3A_252 : i32
            %parallel_loop3A_254 = arith.index_cast %parallel_loop3A_253 : i32 to index
            %parallel_loop3A_255 = tpu.vector_load %arg15[%parallel_loop3A_254] {strides = array<i32>} : memref<26624xf32, #tpu.memory_space<vmem>>, vector<16xf32>,
            %parallel_loop3A_256 = arith.mulf %parallel_loop3A_255, %parallel_loop3A_236 : vector<16xf32>
            tpu.vector_store_idx %arg13[%parallel_loop3A_160, %add3A_58], %parallel_loop3A_256 {add = true} : memref<512x128xf32, #tpu.memory_space<vmem>>[vector<16xi32>, vector<16xi32>], vector<16xf32>,
            %parallel_loop3A_257 = arith.constant 64 : i32
            %parallel_loop3A_258 = arith.addi %parallel_loop3A_162, %parallel_loop3A_257 : i32
            %parallel_loop3A_259 = arith.index_cast %parallel_loop3A_258 : i32 to index
            %parallel_loop3A_260 = tpu.vector_load %arg15[%parallel_loop3A_259] {strides = array<i32>} : memref<26624xf32, #tpu.memory_space<vmem>>, vector<16xf32>,
            %parallel_loop3A_261 = arith.mulf %parallel_loop3A_260, %parallel_loop3A_236 : vector<16xf32>
            tpu.vector_store_idx %arg13[%parallel_loop3A_160, %add3A_62], %parallel_loop3A_261 {add = true} : memref<512x128xf32, #tpu.memory_space<vmem>>[vector<16xi32>, vector<16xi32>], vector<16xf32>,
            %parallel_loop3A_262 = arith.constant 80 : i32
            %parallel_loop3A_263 = arith.addi %parallel_loop3A_162, %parallel_loop3A_262 : i32
            %parallel_loop3A_264 = arith.index_cast %parallel_loop3A_263 : i32 to index
            %parallel_loop3A_265 = tpu.vector_load %arg15[%parallel_loop3A_264] {strides = array<i32>} : memref<26624xf32, #tpu.memory_space<vmem>>, vector<16xf32>,
            %parallel_loop3A_266 = arith.mulf %parallel_loop3A_265, %parallel_loop3A_236 : vector<16xf32>
            tpu.vector_store_idx %arg13[%parallel_loop3A_160, %add3A_66], %parallel_loop3A_266 {add = true} : memref<512x128xf32, #tpu.memory_space<vmem>>[vector<16xi32>, vector<16xi32>], vector<16xf32>,
            %parallel_loop3A_267 = arith.constant 96 : i32
            %parallel_loop3A_268 = arith.addi %parallel_loop3A_162, %parallel_loop3A_267 : i32
            %parallel_loop3A_269 = arith.index_cast %parallel_loop3A_268 : i32 to index
            %parallel_loop3A_270 = tpu.vector_load %arg15[%parallel_loop3A_269] {strides = array<i32>} : memref<26624xf32, #tpu.memory_space<vmem>>, vector<16xf32>,
            %parallel_loop3A_271 = arith.mulf %parallel_loop3A_270, %parallel_loop3A_236 : vector<16xf32>
            tpu.vector_store_idx %arg13[%parallel_loop3A_160, %add3A_70], %parallel_loop3A_271 {add = true} : memref<512x128xf32, #tpu.memory_space<vmem>>[vector<16xi32>, vector<16xi32>], vector<16xf32>,
            %parallel_loop3A_272 = arith.constant 112 : i32
            %parallel_loop3A_273 = arith.addi %parallel_loop3A_162, %parallel_loop3A_272 : i32
            %parallel_loop3A_274 = arith.index_cast %parallel_loop3A_273 : i32 to index
            %parallel_loop3A_275 = tpu.vector_load %arg15[%parallel_loop3A_274] {strides = array<i32>} : memref<26624xf32, #tpu.memory_space<vmem>>, vector<16xf32>,
            %parallel_loop3A_276 = arith.mulf %parallel_loop3A_275, %parallel_loop3A_236 : vector<16xf32>
            tpu.vector_store_idx %arg13[%parallel_loop3A_160, %add3A_74], %parallel_loop3A_276 {add = true} : memref<512x128xf32, #tpu.memory_space<vmem>>[vector<16xi32>, vector<16xi32>], vector<16xf32>,
          } {sc.loop_unroll_factor = 4 : i64, sc.parallel_access}
          %add3A_149 = arith.constant 2 : i32
          %add3A_150 = arith.addi %add3A_132, %add3A_149 : i32
          %lt3A_151 = arith.cmpi slt, %add3A_150, %select_n3A_18 : i32
          %convert_element_type3A_152 = arith.extui %lt3A_151 : i1 to i32
          %cond3A_153 = arith.constant 0 : i32
          %cond3A_154 = arith.cmpi ne, %convert_element_type3A_152, %cond3A_153 : i32
          scf.if %cond3A_154 {
            %add3A_155 = arith.constant 2 : i32
            %add3A_156 = arith.addi %add3A_132, %add3A_155 : i32
            %mul3A_157 = arith.constant 13 : i32
            %mul3A_158 = arith.muli %add3A_156, %mul3A_157 : i32
            %add3A_159 = arith.addi %add3A, %mul3A_158 : i32
            %mul3A_160 = arith.constant 16 : i32
            %mul3A_161 = arith.muli %add3A_159, %mul3A_160 : i32
            %mul3A_162 = arith.constant 128 : i32
            %mul3A_163 = arith.muli %mul3A_161, %mul3A_162 : i32
            %dma_start3A_164 = tpu.memref_slice %arg4[%mul3A_163] : memref<12800000xf32, #tpu.memory_space<hbm>> -> memref<26624xf32, #tpu.memory_space<hbm>>
            %dma_start3A_165 = tpu.memref_slice %arg4[%mul3A_163] : memref<12800000xf32, #tpu.memory_space<hbm>> -> memref<26624xf32, #tpu.memory_space<hbm>>
            tpu.enqueue_dma source(%dma_start3A_165 : memref<26624xf32, #tpu.memory_space<hbm>>) target(%arg15 : memref<26624xf32, #tpu.memory_space<vmem>>) target_semaphore(%arg17 : memref<!tpu.dma_semaphore, #tpu.memory_space<semaphore_mem>>)
          } else {
          }
        } else {
        }
        %scan3A_137 = arith.constant 0 : i32
        scf.yield %scan3A_137 : i32
      }
      %scan3A_113 = arith.constant 16 : i32
      "tpu.region"() ({
        %run_scoped3A_119 = tpu.sem_alloc : memref<!tpu.dma_semaphore, #tpu.memory_space<semaphore_mem>>
        %dma_start3A_120 = arith.constant 0 : i32
        %dma_start3A_121 = arith.constant 0 : i32
        %dma_start3A_122 = tpu.memref_slice %arg13[%dma_start3A_120, %dma_start3A_121] : memref<512x128xf32, #tpu.memory_space<vmem>> -> memref<128x128xf32, #tpu.memory_space<vmem>>
        %dma_start3A_123 = arith.constant 0 : i32
        %dma_start3A_124 = arith.constant 0 : i32
        %dma_start3A_125 = tpu.memref_slice %arg25[%dma_start3A_123, %dma_start3A_124] : memref<512x128xf32, #tpu.memory_space<vmem_shared>> -> memref<512x128xf32, #tpu.memory_space<vmem_shared>>
        tpu.enqueue_indirect_dma source(%dma_start3A_122 : memref<128x128xf32, #tpu.memory_space<vmem>>) target(%dma_start3A_125 : memref<512x128xf32, #tpu.memory_space<vmem_shared>>) offsets(%arg21 : memref<128xi32, #tpu.memory_space<vmem>>) semaphore(%run_scoped3A_119 : memref<!tpu.dma_semaphore, #tpu.memory_space<semaphore_mem>>) {add = true}
        %dma_wait3A = arith.constant 0 : i32
        %dma_wait3A_126 = arith.constant 0 : i32
        %dma_wait3A_127 = tpu.memref_slice %arg13[%dma_wait3A, %dma_wait3A_126] : memref<512x128xf32, #tpu.memory_space<vmem>> -> memref<128x128xf32, #tpu.memory_space<vmem>>
        %dma_wait3A_128 = arith.constant 0 : i32
        %dma_wait3A_129 = arith.constant 0 : i32
        %dma_wait3A_130 = tpu.memref_slice %arg25[%dma_wait3A_128, %dma_wait3A_129] : memref<512x128xf32, #tpu.memory_space<vmem_shared>> -> memref<512x128xf32, #tpu.memory_space<vmem_shared>>
        tpu.wait_indirect_dma semaphore(%run_scoped3A_119 : memref<!tpu.dma_semaphore, #tpu.memory_space<semaphore_mem>>) src(%dma_wait3A_127 : memref<128x128xf32, #tpu.memory_space<vmem>>) dst(%dma_wait3A_130 : memref<512x128xf32, #tpu.memory_space<vmem_shared>>)
        tpu.yield
      }) : () -> ()
      "tpu.region"() ({
        %run_scoped3A_119 = tpu.sem_alloc : memref<!tpu.dma_semaphore, #tpu.memory_space<semaphore_mem>>
        %dma_start3A_120 = arith.constant 128 : i32
        %dma_start3A_121 = arith.constant 0 : i32
        %dma_start3A_122 = tpu.memref_slice %arg13[%dma_start3A_120, %dma_start3A_121] : memref<512x128xf32, #tpu.memory_space<vmem>> -> memref<128x128xf32, #tpu.memory_space<vmem>>
        %dma_start3A_123 = arith.constant 0 : i32
        %dma_start3A_124 = arith.constant 0 : i32
        %dma_start3A_125 = tpu.memref_slice %arg25[%dma_start3A_123, %dma_start3A_124] : memref<512x128xf32, #tpu.memory_space<vmem_shared>> -> memref<512x128xf32, #tpu.memory_space<vmem_shared>>
        tpu.enqueue_indirect_dma source(%dma_start3A_122 : memref<128x128xf32, #tpu.memory_space<vmem>>) target(%dma_start3A_125 : memref<512x128xf32, #tpu.memory_space<vmem_shared>>) offsets(%arg22 : memref<128xi32, #tpu.memory_space<vmem>>) semaphore(%run_scoped3A_119 : memref<!tpu.dma_semaphore, #tpu.memory_space<semaphore_mem>>) {add = true}
        %dma_wait3A = arith.constant 128 : i32
        %dma_wait3A_126 = arith.constant 0 : i32
        %dma_wait3A_127 = tpu.memref_slice %arg13[%dma_wait3A, %dma_wait3A_126] : memref<512x128xf32, #tpu.memory_space<vmem>> -> memref<128x128xf32, #tpu.memory_space<vmem>>
        %dma_wait3A_128 = arith.constant 0 : i32
        %dma_wait3A_129 = arith.constant 0 : i32
        %dma_wait3A_130 = tpu.memref_slice %arg25[%dma_wait3A_128, %dma_wait3A_129] : memref<512x128xf32, #tpu.memory_space<vmem_shared>> -> memref<512x128xf32, #tpu.memory_space<vmem_shared>>
        tpu.wait_indirect_dma semaphore(%run_scoped3A_119 : memref<!tpu.dma_semaphore, #tpu.memory_space<semaphore_mem>>) src(%dma_wait3A_127 : memref<128x128xf32, #tpu.memory_space<vmem>>) dst(%dma_wait3A_130 : memref<512x128xf32, #tpu.memory_space<vmem_shared>>)
        tpu.yield
      }) : () -> ()
      "tpu.region"() ({
        %run_scoped3A_119 = tpu.sem_alloc : memref<!tpu.dma_semaphore, #tpu.memory_space<semaphore_mem>>
        %dma_start3A_120 = arith.constant 256 : i32
        %dma_start3A_121 = arith.constant 0 : i32
        %dma_start3A_122 = tpu.memref_slice %arg13[%dma_start3A_120, %dma_start3A_121] : memref<512x128xf32, #tpu.memory_space<vmem>> -> memref<128x128xf32, #tpu.memory_space<vmem>>
        %dma_start3A_123 = arith.constant 0 : i32
        %dma_start3A_124 = arith.constant 0 : i32
        %dma_start3A_125 = tpu.memref_slice %arg25[%dma_start3A_123, %dma_start3A_124] : memref<512x128xf32, #tpu.memory_space<vmem_shared>> -> memref<512x128xf32, #tpu.memory_space<vmem_shared>>
        tpu.enqueue_indirect_dma source(%dma_start3A_122 : memref<128x128xf32, #tpu.memory_space<vmem>>) target(%dma_start3A_125 : memref<512x128xf32, #tpu.memory_space<vmem_shared>>) offsets(%arg23 : memref<128xi32, #tpu.memory_space<vmem>>) semaphore(%run_scoped3A_119 : memref<!tpu.dma_semaphore, #tpu.memory_space<semaphore_mem>>) {add = true}
        %dma_wait3A = arith.constant 256 : i32
        %dma_wait3A_126 = arith.constant 0 : i32
        %dma_wait3A_127 = tpu.memref_slice %arg13[%dma_wait3A, %dma_wait3A_126] : memref<512x128xf32, #tpu.memory_space<vmem>> -> memref<128x128xf32, #tpu.memory_space<vmem>>
        %dma_wait3A_128 = arith.constant 0 : i32
        %dma_wait3A_129 = arith.constant 0 : i32
        %dma_wait3A_130 = tpu.memref_slice %arg25[%dma_wait3A_128, %dma_wait3A_129] : memref<512x128xf32, #tpu.memory_space<vmem_shared>> -> memref<512x128xf32, #tpu.memory_space<vmem_shared>>
        tpu.wait_indirect_dma semaphore(%run_scoped3A_119 : memref<!tpu.dma_semaphore, #tpu.memory_space<semaphore_mem>>) src(%dma_wait3A_127 : memref<128x128xf32, #tpu.memory_space<vmem>>) dst(%dma_wait3A_130 : memref<512x128xf32, #tpu.memory_space<vmem_shared>>)
        tpu.yield
      }) : () -> ()
      "tpu.region"() ({
        %run_scoped3A_119 = tpu.sem_alloc : memref<!tpu.dma_semaphore, #tpu.memory_space<semaphore_mem>>
        %dma_start3A_120 = arith.constant 384 : i32
        %dma_start3A_121 = arith.constant 0 : i32
        %dma_start3A_122 = tpu.memref_slice %arg13[%dma_start3A_120, %dma_start3A_121] : memref<512x128xf32, #tpu.memory_space<vmem>> -> memref<128x128xf32, #tpu.memory_space<vmem>>
        %dma_start3A_123 = arith.constant 0 : i32
        %dma_start3A_124 = arith.constant 0 : i32
        %dma_start3A_125 = tpu.memref_slice %arg25[%dma_start3A_123, %dma_start3A_124] : memref<512x128xf32, #tpu.memory_space<vmem_shared>> -> memref<512x128xf32, #tpu.memory_space<vmem_shared>>
        tpu.enqueue_indirect_dma source(%dma_start3A_122 : memref<128x128xf32, #tpu.memory_space<vmem>>) target(%dma_start3A_125 : memref<512x128xf32, #tpu.memory_space<vmem_shared>>) offsets(%arg24 : memref<128xi32, #tpu.memory_space<vmem>>) semaphore(%run_scoped3A_119 : memref<!tpu.dma_semaphore, #tpu.memory_space<semaphore_mem>>) {add = true}
        %dma_wait3A = arith.constant 384 : i32
        %dma_wait3A_126 = arith.constant 0 : i32
        %dma_wait3A_127 = tpu.memref_slice %arg13[%dma_wait3A, %dma_wait3A_126] : memref<512x128xf32, #tpu.memory_space<vmem>> -> memref<128x128xf32, #tpu.memory_space<vmem>>
        %dma_wait3A_128 = arith.constant 0 : i32
        %dma_wait3A_129 = arith.constant 0 : i32
        %dma_wait3A_130 = tpu.memref_slice %arg25[%dma_wait3A_128, %dma_wait3A_129] : memref<512x128xf32, #tpu.memory_space<vmem_shared>> -> memref<512x128xf32, #tpu.memory_space<vmem_shared>>
        tpu.wait_indirect_dma semaphore(%run_scoped3A_119 : memref<!tpu.dma_semaphore, #tpu.memory_space<semaphore_mem>>) src(%dma_wait3A_127 : memref<128x128xf32, #tpu.memory_space<vmem>>) dst(%dma_wait3A_130 : memref<512x128xf32, #tpu.memory_space<vmem_shared>>)
        tpu.yield
      }) : () -> ()
      %barrier3A_114 = arith.constant 0 : index
      tpu.barrier barrier_id(%barrier3A_114)
      %mul3A_115 = arith.constant 32 : i32
      %mul3A_116 = arith.muli %arg1, %mul3A_115 : i32
      %mul3A_117 = arith.constant 32 : i32
      %mul3A_118 = arith.muli %arg1, %mul3A_117 : i32
      "tpu.region"() ({
        %run_scoped3A_119 = tpu.sem_alloc : memref<!tpu.dma_semaphore, #tpu.memory_space<semaphore_mem>>
        %dma_start3A_120 = arith.constant 0 : i32
        %dma_start3A_121 = tpu.memref_slice %arg12[%mul3A_118, %dma_start3A_120] : memref<512x128xf32, #tpu.memory_space<hbm>> -> memref<32x128xf32, #tpu.memory_space<hbm>>
        %dma_start3A_122 = arith.constant 0 : i32
        %dma_start3A_123 = tpu.memref_slice %arg25[%mul3A_116, %dma_start3A_122] : memref<512x128xf32, #tpu.memory_space<vmem_shared>> -> memref<32x128xf32, #tpu.memory_space<vmem_shared>>
        tpu.enqueue_dma source(%dma_start3A_123 : memref<32x128xf32, #tpu.memory_space<vmem_shared>>) target(%dma_start3A_121 : memref<32x128xf32, #tpu.memory_space<hbm>>) target_semaphore(%run_scoped3A_119 : memref<!tpu.dma_semaphore, #tpu.memory_space<semaphore_mem>>)
        %dma_wait3A = arith.constant 0 : i32
        %dma_wait3A_124 = tpu.memref_slice %arg12[%mul3A_118, %dma_wait3A] : memref<512x128xf32, #tpu.memory_space<hbm>> -> memref<32x128xf32, #tpu.memory_space<hbm>>
        %dma_wait3A_125 = arith.constant 0 : i32
        %dma_wait3A_126 = tpu.memref_slice %arg25[%mul3A_116, %dma_wait3A_125] : memref<512x128xf32, #tpu.memory_space<vmem_shared>> -> memref<32x128xf32, #tpu.memory_space<vmem_shared>>
        tpu.wait_dma2 semaphore(%run_scoped3A_119 : memref<!tpu.dma_semaphore, #tpu.memory_space<semaphore_mem>>) src(%dma_wait3A_126 : memref<32x128xf32, #tpu.memory_space<vmem_shared>>) dst(%dma_wait3A_124 : memref<32x128xf32, #tpu.memory_space<hbm>>)
        tpu.yield
      }) : () -> ()
    } else {
    }
    return
  }
}

</mosaic_0001>

<sc_bundles>
// kernel: kernel.3.cloned.1.call-start
scs
__scs_entry_jumppad:
0x0: {  	(pc) =	sbr.rel $0x88, $3  }
0x1: {  	(tag) =	ssettag $0x0;
	lr =	simm.s32 $0x1  }
0x2: {  	[smem:$0x3F98] =	sst lr;
	_ =	strace $0xD0000000  }
0x3: {  	_ = 	snop  }
0x4: {  	_ = 	snop  }
0x5: {  	_ = 	snop  }
0x6: {  	_ = 	snop  }
0x7: {  	_ = 	snop  }
__scs_overlays_trampoline_lowered:
0x8: {  	[smem:$0x3FA7] =	sst s0  }
0x9: {  	[smem:$0x3FA8] =	sst s1  }
0xa: {  	[smem:$0x3FA9] =	sst s2  }
0xb: {  	[smem:$0x3FAA] =	sst s3  }
0xc: {  	[smem:$0x3FAB] =	sst s4  }
0xd: {  	[smem:$0x3FAC] =	sst s5  }
0xe: {  	[smem:$0x3FAD] =	sst s6  }
0xf: {  	[smem:$0x3FAE] =	sst s7  }
0x10: {  	[smem:$0x3FAF] =	sst s8  }
0x11: {  	[smem:$0x3FB0] =	sst s9;
	s0 =	simm.s32 @!p0 $0x0  }
0x12: {  	s1 =	sld [smem:$0x3F96];
	s0 =	simm.s32 @p0 $0x1  }
0x13: {  	[smem:$0x3FB1] =	sst s0;
	s0 =	simm.s32 @!p1 $0x0  }
0x14: {  	s2 =	sld [smem:$0x3F95];
	s0 =	simm.s32 @p1 $0x1  }
0x15: {  	[smem:$0x3FB2] =	sst s0;
	s0 =	simm.s32 @!p2 $0x0  }
0x16: {  	s3 =	sld [smem:$0x3FDB];
	s0 =	simm.s32 @p2 $0x1  }
0x17: {  	s4 =	simm.s32 $0x1BF5;
	[smem:$0x3FB4] =	sst s0  }
0x18: {  	s0 =	sld [smem:$0x3F97];
	_ =	swait.ge [sflag:s4], $0x0  }
0x19: {  	s7 =	sld [smem:$0x3F98]  }
0x1a: {  	s8 =	sadd.s32 $0xFFFFE003, lr  }
0x1b: {  	s9 =	sadd.s32 $0xFFFFFEF7, lr;
	s5 =	simm.s32 $0xFFFFFFFF;
	p2 =	slt.u32 s8, $0xFFFFF086  }
0x1c: {  	p1 =	slt.u32 s9, $0xF7A;
	s5 =	simm.s32 @!p2 $0x0  }
0x1d: {  	s5 =	simm.s32 @p1 $0x1;
	p0 =	seq.s32 s7, s2  }
0x1e: {  	s7 =	smul.u32 @!p0 $0xF7A, s2;
	p2 =	seq.s32 @!p0 s5, $0x0  }
0x1f: {  	s9 =	smul.u32 $0xF7A, s1;
	s8 =	simm.s32 @!p0 $0x1BF5;
	p2 =	por !p2, p0  }
0x20: {  	[sflag:s8] =	ssyncset.s32 @!p0 $0xFFFFF086;
	s6 =	sadd.s32 @!p0 s3, s7;
	s7 =	simm.s32 @!p0 $0x108  }
0x21: {  	s3 =	sadd.s32 s3, s9;
	s6 =	sadd.s32 @!p0 $0x88, s6;
	s7 =	simm.s32 @p2 $0x1082  }
0x22: {  	[simem:s7], [sflag:s8] =	dma.local @!p0 [hbm:s6], $0xF7A  }
0x23: {  	s9 =	sor.u32 $0xD0000000, s2;
	s6 =	simm.s32 $0x108;
	_ =	swait.ge @!p0 [sflag:s8], $0x0  }
0x24: {  	s3 =	sadd.s32 $0x88, s3;
	s6 =	simm.s32 @!p1 $0x1082;
	[sflag:s4] =	ssyncset.s32 $0xFFFFF086  }
0x25: {  	[simem:s6], [sflag:s4] =	dma.local [hbm:s3], $0xF7A  }
0x26: {  	[smem:$0x3F98] =	sst s1;
	(tag) =	ssettag s2;
	_ =	strace s9  }
0x27: {  	s1 =	sld [smem:$0x3FA8]  }
0x28: {  	s2 =	sld [smem:$0x3FA9]  }
0x29: {  	s4 =	sld [smem:$0x3FAB]  }
0x2a: {  	p0 =	seq.s32 s5, $0x0;
	s5 =	sld [smem:$0x3FAC]  }
0x2b: {  	s6 =	sld [smem:$0x3FAD]  }
0x2c: {  	s7 =	sld [smem:$0x3FAE]  }
0x2d: {  	s3 =	simm.s32 $0x108;
	s8 =	sld [smem:$0x3FAF]  }
0x2e: {  	s3 =	simm.s32 @!p0 $0x1082;
	s9 =	sld [smem:$0x3FB0]  }
0x2f: {  	lr =	sadd.s32 s0, s3;
	s0 =	sld [smem:$0x3FA7]  }
0x30: {  	s3 =	sld [smem:$0x3FAA]  }
0x31: {  	[smem:$0x3FB3] =	sst s10  }
0x32: {  	s10 =	sld [smem:$0x3FB1];
	_ =	sdelay $0x3  }
0x33: {  	p0 =	seq.s32 s10, $0x1;
	s10 =	sld [smem:$0x3FB3];
	_ =	sdelay $0x3  }
0x34: {  	[smem:$0x3FB3] =	sst s10  }
0x35: {  	s10 =	sld [smem:$0x3FB2];
	_ =	sdelay $0x3  }
0x36: {  	p1 =	seq.s32 s10, $0x1;
	s10 =	sld [smem:$0x3FB3];
	_ =	sdelay $0x3  }
0x37: {  	[smem:$0x3FB3] =	sst s10  }
0x38: {  	s10 =	sld [smem:$0x3FB4]  }
0x39: {  	_ = 	snop;
	(pc) =	sbr.ind lr, $3  }
0x3a: {  	_ = 	snop  }
0x3b: {  	_ = 	snop  }
0x3c: {  	p2 =	seq.s32 s10, $0x1;
	s10 =	sld [smem:$0x3FB3]  }
0x3d: {  	_ =	shalt  }
0x3e: {  	_ =	shalt  }
0x3f: {  	_ =	shalt  }
0x40: {  	_ =	shalt  }
0x41: {  	_ =	shalt  }
0x42: {  	_ =	shalt  }
0x43: {  	_ =	shalt  }
0x44: {  	_ =	shalt  }
0x45: {  	_ =	shalt  }
0x46: {  	_ =	shalt  }
0x47: {  	_ =	shalt  }
0x48: {  	_ =	shalt  }
0x49: {  	_ =	shalt  }
0x4a: {  	_ =	shalt  }
0x4b: {  	_ =	shalt  }
0x4c: {  	_ =	shalt  }
0x4d: {  	_ =	shalt  }
0x4e: {  	_ =	shalt  }
0x4f: {  	_ =	shalt  }
0x50: {  	_ =	shalt  }
0x51: {  	_ =	shalt  }
0x52: {  	_ =	shalt  }
0x53: {  	_ =	shalt  }
0x54: {  	_ =	shalt  }
0x55: {  	_ =	shalt  }
0x56: {  	_ =	shalt  }
0x57: {  	_ =	shalt  }
0x58: {  	_ =	shalt  }
0x59: {  	_ =	shalt  }
0x5a: {  	_ =	shalt  }
0x5b: {  	_ =	shalt  }
0x5c: {  	_ =	shalt  }
0x5d: {  	_ =	shalt  }
0x5e: {  	_ =	shalt  }
0x5f: {  	_ =	shalt  }
0x60: {  	_ =	shalt  }
0x61: {  	_ =	shalt  }
0x62: {  	_ =	shalt  }
0x63: {  	_ =	shalt  }
0x64: {  	_ =	shalt  }
0x65: {  	_ =	shalt  }
0x66: {  	_ =	shalt  }
0x67: {  	_ =	shalt  }
0x68: {  	_ =	shalt  }
0x69: {  	_ =	shalt  }
0x6a: {  	_ =	shalt  }
0x6b: {  	_ =	shalt  }
0x6c: {  	_ =	shalt  }
0x6d: {  	_ =	shalt  }
0x6e: {  	_ =	shalt  }
0x6f: {  	_ =	shalt  }
0x70: {  	_ =	shalt  }
0x71: {  	_ =	shalt  }
0x72: {  	_ =	shalt  }
0x73: {  	_ =	shalt  }
0x74: {  	_ =	shalt  }
0x75: {  	_ =	shalt  }
0x76: {  	_ =	shalt  }
0x77: {  	_ =	shalt  }
0x78: {  	_ =	shalt  }
0x79: {  	_ =	shalt  }
0x7a: {  	_ =	shalt  }
0x7b: {  	_ =	shalt  }
0x7c: {  	_ =	shalt  }
0x7d: {  	_ =	shalt  }
0x7e: {  	_ =	shalt  }
0x7f: {  	_ =	shalt  }
0x80: {  	_ =	shalt  }
0x81: {  	_ =	shalt  }
0x82: {  	_ =	shalt  }
0x83: {  	_ =	shalt  }
0x84: {  	_ =	shalt  }
0x85: {  	_ =	shalt  }
0x86: {  	_ =	shalt  }
0x87: {  	_ =	shalt  }
.Lfunc_end0:
.L_simem_size_0:
called_computation_lowered:
.L_overlay_start_0:
0x88: {  	s2 =	sld [smem:$0x3FD9]  }
0x89: {  	s3 =	sld [smem:$0x3FFE];
	_ =	sdelay $0x1  }
0x8a: {  	s1 =	srdreg.scid  }
0x8b: {  	s0 =	sand.u32 $0x1, s1  }
0x8c: {  	s17 =	sshll.u32 s0, $0xA;
	s2 =	sadd.s32 s3, s2  }
0x8d: {  	s2 =	sadd.s32 s2, s17  }
0x8e: {  	[smem:$0x3FBF] =	sst s2  }
0x8f: {  	_ = 	snop  }
0x90: {  	s2 =	sld [smem:$0x3FC9]  }
0x91: {  	s18 =	sld [smem:$0x3FC8]  }
0x92: {  	s4 =	sld [smem:$0x3FC6]  }
0x93: {  	s5 =	sld [smem:$0x3FC5]  }
0x94: {  	s6 =	sld [smem:$0x3FC4]  }
0x95: {  	s7 =	sld [smem:$0x3FC2]  }
0x96: {  	s8 =	sld [smem:$0x3FD0];
	(tm) =	ssettm $0x1  }
0x97: {  	s9 =	sld [smem:$0x3FFB];
	_ =	sdelay $0x3  }
0x98: {  	_ =	strace s9  }
0x99: {  	s9 =	sld [smem:$0x3FFC];
	_ =	sdelay $0x3  }
0x9a: {  	_ =	strace s9  }
0x9b: {  	s9 =	sld [smem:$0x3FFD];
	_ =	sdelay $0x3  }
0x9c: {  	_ =	strace s9  }
0x9d: {  	_ =	strace $0x8FFFFFFF  }
0x9e: {  	s19 =	sld [smem:$0x3FDB];
	_ =	sdelay $0x1  }
0x9f: {  	s10 =	simm.s32 $_scs_section_size  }
0xa0: {  	s11 =	simm.s32 $_size__tile_overlayer_lowered;
	s12 =	simm.s32 $_tile_overlayer_lowered  }
0xa1: {  	s22 =	simm.s32 $0x1BFF;
	s21 =	sshll.u32 s12, $0x1;
	s9 =	sadd.s32 s10, s19  }
0xa2: {  	s13 =	simm.s32 $0x0;
	s20 =	sshll.u32 s11, $0x1;
	s11 =	sadd.s32 s21, s9  }
0xa3: {  	[timem:s13], [sflag:s22] =	dma.local [hbm:s11], s20  }
0xa4: {  	_ =	swait.ge [sflag:s22], s20  }
0xa5: {  	s10 =	ssub.s32 $0x0, s20;
	[sflag:s22] =	ssyncset.done $0x0  }
0xa6: {  	[sflag:s22] =	ssyncadd.s32 s10;
	_ =	sdelay $0x1  }
0xa7: {  	s23 =	simm.s32 $0x1B8B  }
0xa8: {  	_ =	swait.ge [sflag:s23], $0x1  }
0xa9: {  	[sflag:s23] =	ssyncset.done $0x0  }
0xaa: {  	s25 =	simm.s32 $0x1B8E;
	s24 =	sld [smem:$0x3FFE];
	[sflag:s23] =	ssyncadd.s32 $0xFFFFFFFF  }
0xab: {  	s26 =	simm.s32 $execute0_lowered;
	[smem:$0x3FD2] =	sst s25  }
0xac: {  	s11 =	sshll.u32 s26, $0x1;
	_ =	strace $0x80000046;
	[dreg:$0x1] =	wrdreg $0xFFFFFFFF  }
0xad: {  	s28 =	simm.s32 $_size_execute0_lowered;
	s9 =	sadd.s32 s9, s11;
	[dreg:$0x0] =	wrdreg $0x0  }
0xae: {  	s11 =	sshll.u32 s28, $0x1;
	[dreg:$0x2] =	wrdreg s9  }
0xaf: {  	[dreg:$0x3] =	wrdreg s11  }
0xb0: {  	[dreg:$0x4] =	wrdreg $0xC0  }
0xb1: {  	_ =	task [dreg:s13], $0x5FFFF  }
0xb2: {  	[dreg:$0x1] =	wrdreg $0xFFFFFFFF  }
0xb3: {  	[dreg:$0x0] =	wrdreg $0x60  }
0xb4: {  	[dreg:$0x2] =	wrdreg s2  }
0xb5: {  	[dreg:$0x3] =	wrdreg s4  }
0xb6: {  	[dreg:$0x4] =	wrdreg s18  }
0xb7: {  	[dreg:$0x5] =	wrdreg s5  }
0xb8: {  	[dreg:$0x6] =	wrdreg s6  }
0xb9: {  	[dreg:$0x7] =	wrdreg s24  }
0xba: {  	[dreg:$0x8] =	wrdreg s7  }
0xbb: {  	[dreg:$0x9] =	wrdreg s8  }
0xbc: {  	[dreg:$0xa] =	wrdreg $0x1EC800  }
0xbd: {  	[dreg:$0xb] =	wrdreg $0x9  }
0xbe: {  	_ =	task.clear_ibuf [dreg:s13], $0xCFFFF;
	_ =	strace $0x90000046  }
0xbf: {  	s29 =	simm.s32 $0x9;
	_ =	strace $0x80000048  }
0xc0: {  	_ =	swait.ge [sflag:s29], $0x1  }
0xc1: {  	[sflag:s29] =	ssyncadd.s32 $0xFFFFFFFF  }
0xc2: {  	_ =	strace $0x90000048  }
0xc3: {  	_ =	sfence  }
0xc4: {  	s30 =	sld [smem:$0x0];
	_ =	sdelay $0x2  }
0xc5: {  	s31 =	sshll.u32 s1, $0xD;
	s1 =	sshrl.u32 s1, $0x2  }
0xc6: {  	s3 =	sand.u32 $0x4000, s31;
	s1 =	sadd.s32 s1, s30  }
0xc7: {  	s0 =	sor.u32 s3, s0;
	s1 =	sshll.u32 s1, $0x11  }
0xc8: {  	s0 =	sor.u32 s1, s0  }
0xc9: {  	s0 =	sadd.s32 $0x8F2B, s0  }
0xca: {  	[sflag:s0] =	ssyncadd.remote.s32 $0x1  }
0xcb: {  	_ =	sfence.sel $0xFFFF  }
0xcc: {  	[dreg:$0x0] =	wrdreg $0xFFFFFFFF;
	(pc) =	sbr.abs _section_cstart, $3  }
0xcd: {  	[dreg:$0x1] =	wrdreg $0xFFFFFFFF  }
0xce: {  	_ =	task.clear_ibuf [dreg:s13], $0x2FFFF;
	_ =	strace $0x9FFFFFFF  }
0xcf: {  	(tm) =	ssettm $0x7FFFFFFF  }
tec
execute0_lowered:
.L_overlay_start_1:
0x0: {  	(tag) =	ssettag $0x1  }
0x1: {  	s0 =	rddreg [dreg:$0x0]  }
0x2: {  	s2 =	rddreg [dreg:$0x1]  }
0x3: {  	s1 =	rddreg [dreg:$0x2]  }
0x4: {  	s3 =	rddreg [dreg:$0x3]  }
0x5: {  	s4 =	rddreg [dreg:$0x5]  }
0x6: {  	s6 =	rddreg [dreg:$0x8];
	s7 =	simm.s32 $0x0  }
0x7: {  	s5 =	srdreg.scid;
	s12 =	stileid.u32;
	s17 =	simm.s32 $0x187  }
0x8: {  	s18 =	simm.s32 $0x1F;
	s19 =	simm.s32 $0x1EB00;
	[smem:$0x7FF] =	sst s7  }
0x9: {  	s5 =	sand.u32 $0x1, s5;
	s8 =	sadd.s32 $0xE00, s4;
	s20 =	sadd.s32 $0x1000, s4  }
0xa: {  	s10 =	sadd.s32 $0xA00, s4;
	s11 =	sadd.s32 $0x1200, s4;
	s22 =	smul.u32 $0x186, s12  }
0xb: {  	s13 =	sadd.s32 $0xA10, s4;
	s14 =	sadd.s32 $0xA20, s4;
	s23 =	smin.u32 s12, $0xA  }
0xc: {  	v0 =	vimm.s32 $0xEFCDAB89;
	s15 =	sadd.s32 $0xA30, s4;
	p1 =	slt.u32 s12, $0xA;
	s29 =	sshll.u32 s12, $0xC  }
0xd: {  	v1 =	vimm.s32 $0x67452301;
	p2 =	sgt.u32 s12, $0x9;
	_ =	strace $0x80000047;
	[dreg:$0xa] =	wrdreg s8  }
0xe: {  	v0 =	vunpack.c.l.s4.s8 v0;
	v1 =	vunpack.c.l.s4.s8 v1;
	s28 =	sshll.u32 s12, $0x9;
	[dreg:$0xb] =	wrdreg s20;
	s21 =	ssub.s32 $0x2, s5  }
0xf: {  	v2 =	vimm.s32 $0xDCFE98BA;
	v3 =	vimm.s32 $0xBA98FEDC;
	[dreg:$0xc] =	wrdreg s11;
	p0 =	seq.s32 s5, $0x1;
	s17 =	simm.s32 @!p1 $0x186  }
0x10: {  	v4 =	vimm.s32 $0x32107654;
	s18 =	simm.s32 @!p1 $0x1E;
	p1 =	sne.s32 s12, $0x0;
	s5 =	simm.s32 $0x1EA80;
	v0 =	vunpack.c.0.s8.s32 v0;
	v1 =	vunpack.c.0.s8.s32 v1  }
0x11: {  	v5 =	vimm.s32 $0xFEDCBA98;
	v2 =	vunpack.c.l.s4.s8 v2;
	v3 =	vunpack.c.l.s4.s8 v3;
	s20 =	simm.s32 $0x2;
	s12 =	simm.s32 $0x80;
	s16 =	sadd.s32 s23, s22  }
0x12: {  	v4 =	vunpack.c.l.s4.s8 v4;
	s9 =	sshrl.u32 s21, $0x1;
	s22 =	simm.s32 $0x1EC00;
	s24 =	sshll.u32 s16, $0x1;
	v1 =	vcombine.low v1, v0;
	v0 =	vimm.s32 $0x54761032  }
0x13: {  	v5 =	vunpack.c.l.s4.s8 v5;
	s8 =	ssub.s32 s21, s9;
	s25 =	sshll.u32 s16, $0x8;
	s2 =	sadd.s32 s2, s24;
	v0 =	vunpack.c.l.s4.s8 v0  }
0x14: {  	v2 =	vunpack.c.0.s8.s32 v2;
	v3 =	vunpack.c.0.s8.s32 v3;
	v4 =	vunpack.c.0.s8.s32 v4;
	s21 =	simm.s32 $0x1EB80;
	s26 =	sadd.s32 s0, s25;
	[dreg:$0xd] =	wrdreg s2  }
0x15: {  	v5 =	vunpack.c.0.s8.s32 v5;
	s9 =	simm.s32 $0x1;
	s4 =	sadd.s32 s3, s24;
	[dreg:$0xf] =	wrdreg s26;
	v6 =	vunpack.c.0.s8.s32 v0;
	v0 =	vimm.s32 $0x76543210  }
0x16: {  	s3 =	sadd.s32 s29, s6;
	v4 =	vcombine.low v4, v3;
	v3 =	vlaneseq.u32;
	s2 =	sadd.s32 $0x30C, s2;
	[dreg:$0x10] =	wrdreg s4;
	v7 =	vunpack.c.l.s4.s8 v0  }
.Ltmp0:
0x17: {  	v62 =	vimm.f32 $0.0e+00;
	v5 =	vand.u32 $0xF, v5;
	s30 =	sadd.s32 $0xD00, s26;
	v8 =	vor.u32 $0x30, v3;
	[dreg:$0xe] =	wrdreg s2;
	(pc) =	sbr.rel .LBB2_1-.Ltmp0, $4  }
0x18: {  	s24 =	smax.u32 s8, $0x1;
	s31 =	sadd.s32 $0x30C, s4;
	v9 =	vor.u32 $0x40, v3;
	[dreg:$0x12] =	wrdreg s30;
	v2 =	vcombine.low v6, v2;
	v6 =	vunpack.c.0.s8.s32 v7  }
0x19: {  	s8 =	simm.s32 $0x1D000;
	v10 =	vor.u32 $0x50, v3;
	v11 =	vor.u32 $0x60, v3;
	v12 =	vor.u32 $0x70, v3;
	s2 =	sadd.s32 s1, s25;
	[dreg:$0x13] =	wrdreg s31  }
0x1a: {  	s26 =	simm.s32 $0x0;
	v1 =	vand.u32 $0xF, v1;
	v4 =	vand.u32 $0xF, v4;
	[dreg:$0x11] =	wrdreg s2;
	s2 =	sadd.s32 $0xD00, s2;
	v5 =	vcombine.low v5, v6  }
0x1b: {  	s25 =	sshrl.u32 s3, $0x3;
	[dreg:$0x14] =	wrdreg s2;
	s2 =	simm.s32 $0x3;
	v7 =	vor.u32 $0x20, v3;
	v2 =	vand.u32 $0xF, v2;
	v6 =	vor.u32 $0x10, v3  }
.LBB2_51:
0x1c: {  	s11 =	rddreg [dreg:$0xc];
	s5 =	simm.s32 $0x1EA80;
	s19 =	simm.s32 $0x1EB00  }
.LBB2_52:
0x1d: {  	[spmem:s6] =	stream.indirect.scatter.add.f32 [tilespmem:s7], [sflag:$0x3], $0x80, s5, s12, $0xb8;
	[tilespmem:$0x1FC80] =	vst v63  }
0x1e: {  	_ =	swait.ge [sflag:s2], $0x4000  }
0x1f: {  	[sflag:s2] =	ssyncset.done $0x0  }
0x20: {  	s3 =	simm.s32 $0x4000;
	[sflag:s2] =	ssyncadd.s32 $0xFFFFC000  }
0x21: {  	[spmem:s6] =	stream.indirect.scatter.add.f32 [tilespmem:s3], [sflag:$0x3], $0x80, s19, s12, $0xb8;
	[tilespmem:$0x1FC80] =	vst v63  }
0x22: {  	_ =	swait.ge [sflag:s2], $0x4000  }
0x23: {  	[sflag:s2] =	ssyncset.done $0x0  }
0x24: {  	s21 =	simm.s32 $0x1EB80;
	s29 =	simm.s32 $0x8000;
	[sflag:s2] =	ssyncadd.s32 $0xFFFFC000  }
0x25: {  	[spmem:s6] =	stream.indirect.scatter.add.f32 [tilespmem:s29], [sflag:$0x3], $0x80, s21, s12, $0xb8;
	[tilespmem:$0x1FC80] =	vst v63  }
0x26: {  	_ =	swait.ge [sflag:s2], $0x4000  }
0x27: {  	[sflag:s2] =	ssyncset.done $0x0  }
0x28: {  	s22 =	simm.s32 $0x1EC00;
	s30 =	simm.s32 $0xC000;
	[sflag:s2] =	ssyncadd.s32 $0xFFFFC000  }
0x29: {  	[spmem:s6] =	stream.indirect.scatter.add.f32 [tilespmem:s30], [sflag:$0x3], $0x80, s22, s12, $0xb8;
	[tilespmem:$0x1FC80] =	vst v63  }
0x2a: {  	s31 =	stileid.u32;
	_ =	swait.ge [sflag:s2], $0x4000  }
0x2b: {  	s4 =	sadd.s32 s11, s28;
	s26 =	sadd.s32 $0x1, s26;
	[sflag:s2] =	ssyncset.done $0x0  }
0x2c: {  	p3 =	sne.s32 s26, s24;
	s3 =	sshll.u32 s31, $0x6;
	[sflag:s2] =	ssyncadd.s32 $0xFFFFC000  }
.Ltmp1:
0x2d: {  	s3 =	sor.u32 $0x1C03, s3;
	[bflag:$0x0] =	sbarrier.arrive $0xFFFF;
	(pc) =	sbr.rel @!p3 .LBB2_53-.Ltmp1, $4  }
0x2e: {  	[hbm:s4], [sflag:s3] =	dma.local [spmem:s25], $0x200  }
0x2f: {  	_ =	swait.ge [sflag:s2], $0x200  }
0x30: {  	[sflag:s2] =	ssyncset.done $0x0  }
0x31: {  	[sflag:s2] =	ssyncadd.s32 $0xFFFFFE00  }
.LBB2_1:
0x32: {  	[tilespmem:s5], [sflag:$0x3] =	stream.linear.gather [hbm4b:s10+s7], $0x80, $0x38;
	[tilespmem:$0x1FC80] =	vst v63  }
0x33: {  	_ =	swait.ge [sflag:s2], $0x80  }
0x34: {  	[sflag:s2] =	ssyncset.done $0x0  }
0x35: {  	[sflag:s2] =	ssyncadd.s32 $0xFFFFFF80  }
0x36: {  	[tilespmem:s19], [sflag:$0x3] =	stream.linear.gather [hbm4b:s13+s7], $0x80, $0x38;
	[tilespmem:$0x1FC80] =	vst v63  }
0x37: {  	_ =	swait.ge [sflag:s2], $0x80  }
0x38: {  	[sflag:s2] =	ssyncset.done $0x0  }
0x39: {  	[sflag:s2] =	ssyncadd.s32 $0xFFFFFF80  }
0x3a: {  	[tilespmem:s21], [sflag:$0x3] =	stream.linear.gather [hbm4b:s14+s7], $0x80, $0x38;
	[tilespmem:$0x1FC80] =	vst v63  }
0x3b: {  	_ =	swait.ge [sflag:s2], $0x80  }
0x3c: {  	[sflag:s2] =	ssyncset.done $0x0  }
.Ltmp2:
0x3d: {  	[sflag:s2] =	ssyncadd.s32 $0xFFFFFF80;
	(pc) =	sbr.rel @!p0 .LBB2_2-.Ltmp2, $4  }
0x3e: {  	[tilespmem:s22], [sflag:$0x3] =	stream.linear.gather [hbm4b:s15+s7], $0x80, $0x38;
	[tilespmem:$0x1FC80] =	vst v63  }
0x3f: {  	_ =	swait.ge [sflag:s2], $0x80  }
0x40: {  	[sflag:s2] =	ssyncset.done $0x0  }
0x41: {  	[sflag:s2] =	ssyncadd.s32 $0xFFFFFF80  }
0x42: {  	s3 =	rddreg [dreg:$0x10]  }
0x43: {  	[tilespmem:s8], [sflag:$0x3] =	stream.linear.gather [hbm4b:s3+s7], $0x1860, $0x38;
	[tilespmem:$0x1FC80] =	vst v63  }
0x44: {  	_ =	swait.ge [sflag:s2], $0x1860  }
0x45: {  	s4 =	simm.s32 @!p2 $0x1E860;
	[sflag:s2] =	ssyncset.done $0x0  }
0x46: {  	s3 =	simm.s32 @!p2 $0x0;
	s5 =	rddreg [dreg:$0x13];
	[sflag:s2] =	ssyncadd.s32 $0xFFFFE7A0  }
0x47: {  	[tilespmem:s4], [sflag:$0x3] =	stream.linear.gather @!p2 [hbm4b:s5+s3], $0xD0, $0x38;
	[tilespmem:$0x1FC80] =	vst v63  }
0x48: {  	s3 =	simm.s32 @!p2 $0x3  }
0x49: {  	_ =	swait.ge @!p2 [sflag:s3], $0xD0  }
0x4a: {  	[sflag:s3] =	ssyncset.done @!p2 $0x0  }
0x4b: {  	[sflag:s3] =	ssyncadd.s32 @!p2 $0xFFFFFF30  }
0x4c: {  	s29 =	simm.s32 $0x1E980;
	s3 =	rddreg [dreg:$0x6]  }
0x4d: {  	[tilespmem:s29], [sflag:$0x3] =	stream.linear.gather [hbm4b:s3+s7], $0x80, $0x38;
	[tilespmem:$0x1FC80] =	vst v63  }
0x4e: {  	_ =	swait.ge [sflag:s2], $0x80  }
0x4f: {  	[sflag:s2] =	ssyncset.done $0x0  }
0x50: {  	s31 =	simm.s32 $0x1EA00;
	s30 =	rddreg [dreg:$0xb];
	[sflag:s2] =	ssyncadd.s32 $0xFFFFFF80  }
0x51: {  	[tilespmem:s31], [sflag:$0x3] =	stream.linear.gather [hbm4b:s30+s7], $0x80, $0x38;
	[tilespmem:$0x1FC80] =	vst v63  }
0x52: {  	_ =	swait.ge [sflag:s2], $0x80  }
0x53: {  	[sflag:s2] =	ssyncset.done $0x0  }
0x54: {  	[sflag:s2] =	ssyncadd.s32 $0xFFFFFF80  }
0x55: {  	v13 =	vld [tilespmem:$0x1E980]  }
0x56: {  	v14 =	vld [tilespmem:$0x1E990]  }
0x57: {  	v15 =	vld [tilespmem:$0x1E9A0]  }
0x58: {  	v16 =	vld [tilespmem:$0x1E9B0]  }
0x59: {  	v17 =	vld [tilespmem:$0x1E9C0]  }
0x5a: {  	v18 =	vld [tilespmem:$0x1E9D0]  }
0x5b: {  	v19 =	vld [tilespmem:$0x1E9E0]  }
0x5c: {  	s11 =	simm.s32 $0x80;
	v20 =	vld [tilespmem:$0x1E9F0]  }
0x5d: {  	v21 =	vld [tilespmem:$0x1EA00];
	[tilespmem:s11+$0xFFFFFF80] =	vst v62  }
0x5e: {  	[tilespmem:s11+$0x70] =	vst v62  }
0x5f: {  	[tilespmem:s11+$0x60] =	vst v62  }
0x60: {  	[tilespmem:s11+$0x50] =	vst v62  }
0x61: {  	[tilespmem:s11+$0x40] =	vst v62  }
0x62: {  	[tilespmem:s11+$0x30] =	vst v62  }
0x63: {  	[tilespmem:s11+$0x20] =	vst v62  }
0x64: {  	[tilespmem:s11+$0x10] =	vst v62  }
0x65: {  	[tilespmem:s11+$0x0] =	vst v62  }
0x66: {  	[tilespmem:s11+$0xFFFFFFF0] =	vst v62  }
0x67: {  	[tilespmem:s11+$0xFFFFFFE0] =	vst v62  }
0x68: {  	[tilespmem:s11+$0xFFFFFFD0] =	vst v62  }
0x69: {  	[tilespmem:s11+$0xFFFFFFC0] =	vst v62  }
0x6a: {  	[tilespmem:s11+$0xFFFFFFB0] =	vst v62  }
0x6b: {  	s19 =	simm.s32 $0x0;
	[tilespmem:s11+$0xFFFFFFA0] =	vst v62  }
.LBB2_28:
0x6c: {  	s19 =	sadd.s32 $0x2, s19;
	[tilespmem:s11+$0xFFFFFF90] =	vst v62;
	s11 =	sadd.s32 $0x100, s11  }
0x6d: {  	[tilespmem:s11+$0xFFFFFF80] =	vst v62;
	p3 =	slt.u32 s19, $0x1FE  }
0x6e: {  	[tilespmem:s11+$0x70] =	vst v62  }
0x6f: {  	[tilespmem:s11+$0x60] =	vst v62  }
0x70: {  	[tilespmem:s11+$0x50] =	vst v62  }
0x71: {  	[tilespmem:s11+$0x40] =	vst v62  }
0x72: {  	[tilespmem:s11+$0x30] =	vst v62  }
0x73: {  	[tilespmem:s11+$0x20] =	vst v62  }
0x74: {  	[tilespmem:s11+$0x10] =	vst v62  }
0x75: {  	[tilespmem:s11+$0x0] =	vst v62  }
0x76: {  	[tilespmem:s11+$0xFFFFFFF0] =	vst v62  }
.Ltmp3:
0x77: {  	[tilespmem:s11+$0xFFFFFFE0] =	vst v62;
	(pc) =	sbr.rel @p3 .LBB2_28-.Ltmp3, $4  }
0x78: {  	[tilespmem:s11+$0xFFFFFFD0] =	vst v62  }
0x79: {  	[tilespmem:s11+$0xFFFFFFC0] =	vst v62  }
0x7a: {  	[tilespmem:s11+$0xFFFFFFB0] =	vst v62  }
0x7b: {  	[tilespmem:s11+$0xFFFFFFA0] =	vst v62  }
0x7c: {  	[tilespmem:s11+$0xFFFFFF90] =	vst v62;
	s3 =	simm.s32 @!p1 $0x0  }
0x7d: {  	[spmem:s6] =	stream.linear.scatter @!p1 [tilespmem:s3], [sflag:$0x3], $0x10000, $0x38;
	[tilespmem:$0x1FC80] =	vst v63  }
0x7e: {  	s3 =	simm.s32 @!p1 $0x3  }
0x7f: {  	_ =	swait.ge @!p1 [sflag:s3], $0x10000  }
0x80: {  	[sflag:s3] =	ssyncset.done @!p1 $0x0  }
0x81: {  	[sflag:s3] =	ssyncadd.s32 @!p1 $0xFFFF0000  }
.Ltmp4:
0x82: {  	[bflag:$0x0] =	sbarrier.arrive $0xFFFF;
	(pc) =	sbr.rel .LBB2_30-.Ltmp4, $4  }
0x83: {  	s29 =	simm.s32 $0x0;
	s4 =	simm.s32 $0x10000;
	s22 =	rddreg [dreg:$0x11]  }
0x84: {  	[tilespmem:s4], [sflag:$0x1] =	stream.linear.gather [hbm4b:s22+s29], $0x6800, $0x38;
	[tilespmem:$0x1FC80] =	vst v63  }
0x85: {  	s31 =	simm.s32 $0x16800;
	s30 =	simm.s32 $0x0;
	s23 =	rddreg [dreg:$0x14]  }
0x86: {  	[tilespmem:s31], [sflag:$0x2] =	stream.linear.gather [hbm4b:s23+s29], $0x6800, $0x38;
	[tilespmem:$0x1FC80] =	vst v63  }
.LBB2_2:
0x87: {  	s3 =	rddreg [dreg:$0xd]  }
0x88: {  	[tilespmem:s8], [sflag:$0x3] =	stream.linear.gather [hbm4b:s3+s7], $0x1860, $0x38;
	[tilespmem:$0x1FC80] =	vst v63  }
0x89: {  	_ =	swait.ge [sflag:s2], $0x1860  }
0x8a: {  	s11 =	simm.s32 @!p2 $0x0;
	[sflag:s2] =	ssyncset.done $0x0  }
0x8b: {  	s19 =	simm.s32 @!p2 $0x1E860;
	s3 =	rddreg [dreg:$0xe];
	[sflag:s2] =	ssyncadd.s32 $0xFFFFE7A0  }
0x8c: {  	[tilespmem:s19], [sflag:$0x3] =	stream.linear.gather @!p2 [hbm4b:s3+s11], $0xD0, $0x38;
	[tilespmem:$0x1FC80] =	vst v63  }
0x8d: {  	s11 =	simm.s32 @!p2 $0x3  }
0x8e: {  	_ =	swait.ge @!p2 [sflag:s11], $0xD0  }
0x8f: {  	[sflag:s11] =	ssyncset.done @!p2 $0x0  }
0x90: {  	[sflag:s11] =	ssyncadd.s32 @!p2 $0xFFFFFF30  }
0x91: {  	s4 =	simm.s32 $0x1E980;
	s29 =	rddreg [dreg:$0x4]  }
0x92: {  	[tilespmem:s4], [sflag:$0x3] =	stream.linear.gather [hbm4b:s29+s7], $0x80, $0x38;
	[tilespmem:$0x1FC80] =	vst v63  }
0x93: {  	_ =	swait.ge [sflag:s2], $0x80  }
0x94: {  	[sflag:s2] =	ssyncset.done $0x0  }
0x95: {  	s31 =	simm.s32 $0x1EA00;
	s30 =	rddreg [dreg:$0xa];
	[sflag:s2] =	ssyncadd.s32 $0xFFFFFF80  }
0x96: {  	[tilespmem:s31], [sflag:$0x3] =	stream.linear.gather [hbm4b:s30+s7], $0x80, $0x38;
	[tilespmem:$0x1FC80] =	vst v63  }
0x97: {  	_ =	swait.ge [sflag:s2], $0x80  }
0x98: {  	[sflag:s2] =	ssyncset.done $0x0  }
0x99: {  	[sflag:s2] =	ssyncadd.s32 $0xFFFFFF80  }
0x9a: {  	v13 =	vld [tilespmem:$0x1E980]  }
0x9b: {  	v14 =	vld [tilespmem:$0x1E990]  }
0x9c: {  	v15 =	vld [tilespmem:$0x1E9A0]  }
0x9d: {  	v16 =	vld [tilespmem:$0x1E9B0]  }
0x9e: {  	v17 =	vld [tilespmem:$0x1E9C0]  }
0x9f: {  	v18 =	vld [tilespmem:$0x1E9D0]  }
0xa0: {  	v19 =	vld [tilespmem:$0x1E9E0]  }
0xa1: {  	s11 =	simm.s32 $0x80;
	v20 =	vld [tilespmem:$0x1E9F0]  }
0xa2: {  	v21 =	vld [tilespmem:$0x1EA00];
	[tilespmem:s11+$0xFFFFFF80] =	vst v62  }
0xa3: {  	[tilespmem:s11+$0x70] =	vst v62  }
0xa4: {  	[tilespmem:s11+$0x60] =	vst v62  }
0xa5: {  	[tilespmem:s11+$0x50] =	vst v62  }
0xa6: {  	[tilespmem:s11+$0x40] =	vst v62  }
0xa7: {  	[tilespmem:s11+$0x30] =	vst v62  }
0xa8: {  	[tilespmem:s11+$0x20] =	vst v62  }
0xa9: {  	[tilespmem:s11+$0x10] =	vst v62  }
0xaa: {  	[tilespmem:s11+$0x0] =	vst v62  }
0xab: {  	[tilespmem:s11+$0xFFFFFFF0] =	vst v62  }
0xac: {  	[tilespmem:s11+$0xFFFFFFE0] =	vst v62  }
0xad: {  	[tilespmem:s11+$0xFFFFFFD0] =	vst v62  }
0xae: {  	[tilespmem:s11+$0xFFFFFFC0] =	vst v62  }
0xaf: {  	[tilespmem:s11+$0xFFFFFFB0] =	vst v62  }
0xb0: {  	s19 =	simm.s32 $0x0;
	[tilespmem:s11+$0xFFFFFFA0] =	vst v62  }
.LBB2_3:
0xb1: {  	s19 =	sadd.s32 $0x2, s19;
	[tilespmem:s11+$0xFFFFFF90] =	vst v62;
	s11 =	sadd.s32 $0x100, s11  }
0xb2: {  	[tilespmem:s11+$0xFFFFFF80] =	vst v62;
	p3 =	slt.u32 s19, $0x1FE  }
0xb3: {  	[tilespmem:s11+$0x70] =	vst v62  }
0xb4: {  	[tilespmem:s11+$0x60] =	vst v62  }
0xb5: {  	[tilespmem:s11+$0x50] =	vst v62  }
0xb6: {  	[tilespmem:s11+$0x40] =	vst v62  }
0xb7: {  	[tilespmem:s11+$0x30] =	vst v62  }
0xb8: {  	[tilespmem:s11+$0x20] =	vst v62  }
0xb9: {  	[tilespmem:s11+$0x10] =	vst v62  }
0xba: {  	[tilespmem:s11+$0x0] =	vst v62  }
0xbb: {  	[tilespmem:s11+$0xFFFFFFF0] =	vst v62  }
.Ltmp5:
0xbc: {  	[tilespmem:s11+$0xFFFFFFE0] =	vst v62;
	(pc) =	sbr.rel @p3 .LBB2_3-.Ltmp5, $4  }
0xbd: {  	[tilespmem:s11+$0xFFFFFFD0] =	vst v62  }
0xbe: {  	[tilespmem:s11+$0xFFFFFFC0] =	vst v62  }
0xbf: {  	[tilespmem:s11+$0xFFFFFFB0] =	vst v62  }
0xc0: {  	[tilespmem:s11+$0xFFFFFFA0] =	vst v62  }
0xc1: {  	[tilespmem:s11+$0xFFFFFF90] =	vst v62;
	s11 =	simm.s32 @!p1 $0x0  }
0xc2: {  	[spmem:s6] =	stream.linear.scatter @!p1 [tilespmem:s11], [sflag:$0x3], $0x10000, $0x38;
	[tilespmem:$0x1FC80] =	vst v63  }
0xc3: {  	s11 =	simm.s32 @!p1 $0x3  }
0xc4: {  	_ =	swait.ge @!p1 [sflag:s11], $0x10000  }
0xc5: {  	[sflag:s11] =	ssyncset.done @!p1 $0x0  }
0xc6: {  	[sflag:s11] =	ssyncadd.s32 @!p1 $0xFFFF0000  }
.Ltmp6:
0xc7: {  	[bflag:$0x0] =	sbarrier.arrive $0xFFFF;
	(pc) =	sbr.rel .LBB2_5-.Ltmp6, $4  }
0xc8: {  	s29 =	simm.s32 $0x0;
	s4 =	simm.s32 $0x10000;
	s3 =	rddreg [dreg:$0xf]  }
0xc9: {  	[tilespmem:s4], [sflag:$0x1] =	stream.linear.gather [hbm4b:s3+s29], $0x6800, $0x38;
	[tilespmem:$0x1FC80] =	vst v63  }
0xca: {  	s31 =	simm.s32 $0x16800;
	s30 =	simm.s32 $0x0;
	s23 =	rddreg [dreg:$0x12]  }
0xcb: {  	[tilespmem:s31], [sflag:$0x2] =	stream.linear.gather [hbm4b:s23+s29], $0x6800, $0x38;
	[tilespmem:$0x1FC80] =	vst v63  }
.LBB2_43:
0xcc: {  	s23 =	simm.s32 $0x16900  }
.LBB2_48:
0xcd: {  	v0 =	vadd.f32 v44, v46;
	_ =	sdelay $0x1  }
0xce: {  	v40 =	vperm.xlane v0, v4  }
0xcf: {  	(erf) = vpow2.f32 v43  }
0xd0: {  	v0 =	vadd.f32 v0, v40;
	_ =	sdelay $0x1  }
0xd1: {  	v53 =	vadd.f32 v42, v45;
	v54 =	vperm.xlane v0, v5;
	_ =	sdelay $0x1  }
0xd2: {  	v40 =	vadd.f32 v53, v21;
	v0 =	vadd.f32 v0, v54;
	_ =	sdelay $0x1  }
0xd3: {  	v40 =	vsub.f32 $0.0e+00, v40;
	v0 =	vadd.f32 v0, v21;
	_ =	sdelay $0x1  }
0xd4: {  	v40 =	vmul.f32 $1.442695020e+00, v40;
	v55 =	vpop (erf);
	v0 =	vsub.f32 $0.0e+00, v0  }
0xd5: {  	v42 =	vadd.f32 $1.000000000e+00, v55  }
0xd6: {  	(erf) = vpow2.f32 v40;
	v0 =	vmul.f32 $1.442695020e+00, v0  }
0xd7: {  	(erf) = vrcp.f32 v42  }
0xd8: {  	(erf) = vpow2.f32 v0;
	v0 =	vbroadcast v31, $0x0;
	_ =	sdelay $0x5  }
0xd9: {  	v0 =	vld.idx.msk [tilespmem:v0+s8+$0x0], $0xffff  }
0xda: {  	v40 =	vpop (erf)  }
0xdb: {  	v31 =	vpop (erf)  }
0xdc: {  	v40 =	vadd.f32 $1.000000000e+00, v40;
	v56 =	vpop (erf)  }
0xdd: {  	v42 =	vadd.f32 $1.000000000e+00, v56  }
0xde: {  	(erf) = vrcp.f32 v40;
	v0 =	vshll.u32 v0, $0x7  }
0xdf: {  	v57 =	vld.idx.msk [tilespmem:v41+s8+$0x0], $0xffff;
	(erf) = vrcp.f32 v42;
	v58 =	vor.u32 v3, v0  }
0xe0: {  	v39 =	vld.idx.msk [tilespmem:v39+s8+$0x0], $0xffff;
	_ =	sdelay $0x1  }
0xe1: {  	v24 =	vmul.f32 v31, v24;
	_ =	sdelay $0x1  }
0xe2: {  	[tilespmem:v58+s7+$0x0] =	vst.idx.add.f32.msk $0xffff, v24;
	v24 =	vshll.u32 v57, $0x7  }
0xe3: {  	v39 =	vshll.u32 v39, $0x7;
	v61 =	vor.u32 v3, v24  }
0xe4: {  	v59 =	vor.u32 v3, v39  }
0xe5: {  	v43 =	vpop (erf)  }
0xe6: {  	v26 =	vmul.f32 v43, v26;
	v44 =	vpop (erf)  }
0xe7: {  	v60 =	vld [tilespmem:s23+$0x10];
	v28 =	vmul.f32 v44, v28  }
0xe8: {  	[tilespmem:v61+s7+$0x0] =	vst.idx.add.f32.msk $0xffff, v26  }
0xe9: {  	[tilespmem:v59+s7+$0x0] =	vst.idx.add.f32.msk $0xffff, v28  }
0xea: {  	v63 =	vor.u32 v6, v0;
	v41 =	vld [tilespmem:s23+$0xFFFFFF90]  }
0xeb: {  	v42 =	vld [tilespmem:s23+$0xFFFFFF10]  }
0xec: {  	v52 =	vor.u32 v6, v24  }
0xed: {  	v49 =	vor.u32 v6, v39;
	v40 =	vmul.f32 v31, v60  }
0xee: {  	v48 =	vld [tilespmem:s11+$0xA0]  }
0xef: {  	[tilespmem:v63+s7+$0x0] =	vst.idx.add.f32.msk $0xffff, v40;
	v54 =	vmul.f32 v43, v41  }
0xf0: {  	v40 =	vld [tilespmem:s23+$0x20];
	v51 =	vmul.f32 v44, v42  }
0xf1: {  	v50 =	vor.u32 v7, v29;
	[tilespmem:v52+s7+$0x0] =	vst.idx.add.f32.msk $0xffff, v54  }
0xf2: {  	[tilespmem:v49+s7+$0x0] =	vst.idx.add.f32.msk $0xffff, v51  }
0xf3: {  	v53 =	vor.u32 v7, v0;
	v42 =	vld [tilespmem:s23+$0xFFFFFFA0]  }
0xf4: {  	v45 =	vmul.f32 v22, v48;
	v46 =	vld [tilespmem:s23+$0xFFFFFF20]  }
0xf5: {  	v59 =	vor.u32 v7, v24  }
0xf6: {  	[tilespmem:v50+s7+$0x0] =	vst.idx.add.f32.msk $0xffff, v45;
	v56 =	vor.u32 v7, v39;
	v40 =	vmul.f32 v31, v40  }
0xf7: {  	v55 =	vld [tilespmem:s11+$0xB0]  }
0xf8: {  	[tilespmem:v53+s7+$0x0] =	vst.idx.add.f32.msk $0xffff, v40;
	v61 =	vmul.f32 v43, v42  }
0xf9: {  	v40 =	vld [tilespmem:s23+$0x30];
	v58 =	vmul.f32 v44, v46  }
0xfa: {  	v57 =	vor.u32 v8, v29;
	[tilespmem:v59+s7+$0x0] =	vst.idx.add.f32.msk $0xffff, v61  }
0xfb: {  	[tilespmem:v56+s7+$0x0] =	vst.idx.add.f32.msk $0xffff, v58  }
0xfc: {  	v60 =	vor.u32 v8, v0;
	v46 =	vld [tilespmem:s23+$0xFFFFFFB0]  }
0xfd: {  	v41 =	vmul.f32 v22, v55;
	v45 =	vld [tilespmem:s23+$0xFFFFFF30]  }
0xfe: {  	v50 =	vor.u32 v8, v24  }
0xff: {  	v63 =	vor.u32 v8, v39;
	[tilespmem:v57+s7+$0x0] =	vst.idx.add.f32.msk $0xffff, v41;
	v40 =	vmul.f32 v31, v40  }
0x100: {  	v41 =	vld [tilespmem:s23+$0xC0]  }
0x101: {  	[tilespmem:v60+s7+$0x0] =	vst.idx.add.f32.msk $0xffff, v40;
	v53 =	vmul.f32 v43, v46  }
0x102: {  	v51 =	vld [tilespmem:s23+$0x40];
	v49 =	vmul.f32 v44, v45  }
0x103: {  	v48 =	vor.u32 v9, v29;
	[tilespmem:v50+s7+$0x0] =	vst.idx.add.f32.msk $0xffff, v53  }
0x104: {  	[tilespmem:v63+s7+$0x0] =	vst.idx.add.f32.msk $0xffff, v49  }
0x105: {  	v52 =	vor.u32 v9, v0;
	v26 =	vld [tilespmem:s23+$0xFFFFFFC0]  }
0x106: {  	v41 =	vmul.f32 v22, v41;
	v42 =	vld [tilespmem:s23+$0xFFFFFF40]  }
0x107: {  	v58 =	vor.u32 v9, v24  }
0x108: {  	v54 =	vor.u32 v9, v39;
	[tilespmem:v48+s7+$0x0] =	vst.idx.add.f32.msk $0xffff, v41;
	v45 =	vmul.f32 v31, v51  }
0x109: {  	v41 =	vld [tilespmem:s23+$0xD0]  }
0x10a: {  	[tilespmem:v52+s7+$0x0] =	vst.idx.add.f32.msk $0xffff, v45;
	v26 =	vmul.f32 v43, v26  }
0x10b: {  	v57 =	vld [tilespmem:s23+$0x50];
	v56 =	vmul.f32 v44, v42  }
0x10c: {  	v55 =	vor.u32 v10, v29;
	[tilespmem:v58+s7+$0x0] =	vst.idx.add.f32.msk $0xffff, v26  }
0x10d: {  	[tilespmem:v54+s7+$0x0] =	vst.idx.add.f32.msk $0xffff, v56  }
0x10e: {  	v60 =	vor.u32 v10, v0;
	v26 =	vld [tilespmem:s23+$0xFFFFFFD0]  }
0x10f: {  	v59 =	vmul.f32 v22, v41;
	v46 =	vld [tilespmem:s23+$0xFFFFFF50]  }
0x110: {  	v48 =	vor.u32 v10, v24  }
0x111: {  	v61 =	vor.u32 v10, v39;
	[tilespmem:v55+s7+$0x0] =	vst.idx.add.f32.msk $0xffff, v59;
	v63 =	vmul.f32 v31, v57  }
0x112: {  	v51 =	vld [tilespmem:s23+$0xE0]  }
0x113: {  	[tilespmem:v60+s7+$0x0] =	vst.idx.add.f32.msk $0xffff, v63;
	v26 =	vmul.f32 v43, v26  }
0x114: {  	v49 =	vld [tilespmem:s23+$0x60];
	v47 =	vmul.f32 v44, v46  }
0x115: {  	v53 =	vor.u32 v11, v29;
	[tilespmem:v48+s7+$0x0] =	vst.idx.add.f32.msk $0xffff, v26  }
0x116: {  	[tilespmem:v61+s7+$0x0] =	vst.idx.add.f32.msk $0xffff, v47  }
0x117: {  	v50 =	vor.u32 v11, v0;
	v41 =	vld [tilespmem:s23+$0xFFFFFFE0]  }
0x118: {  	v40 =	vmul.f32 v51, v22;
	v52 =	vld [tilespmem:s23+$0xFFFFFF60]  }
0x119: {  	[tilespmem:v35+s7+$0x0] =	vst.idx.add.f32.msk @p3 $0xffff, v36;
	v56 =	vor.u32 v11, v24  }
0x11a: {  	[tilespmem:v53+s7+$0x0] =	vst.idx.add.f32.msk $0xffff, v40;
	v54 =	vor.u32 v11, v39;
	v55 =	vmul.f32 v49, v31  }
0x11b: {  	v35 =	vld [tilespmem:s23+$0xF0]  }
0x11c: {  	[tilespmem:v50+s7+$0x0] =	vst.idx.add.f32.msk $0xffff, v55;
	v59 =	vmul.f32 v41, v43  }
0x11d: {  	v58 =	vld [tilespmem:s23+$0x70];
	v57 =	vmul.f32 v52, v44  }
0x11e: {  	[tilespmem:v56+s7+$0x0] =	vst.idx.add.f32.msk $0xffff, v59  }
0x11f: {  	v60 =	vor.u32 v12, v29;
	[tilespmem:v54+s7+$0x0] =	vst.idx.add.f32.msk $0xffff, v57  }
0x120: {  	v37 =	vmul.f32 @p3 v37, v38;
	v0 =	vor.u32 v12, v0;
	v28 =	vld [tilespmem:s23+$0xFFFFFFF0]  }
0x121: {  	v23 =	vmul.f32 @p3 v32, v23;
	v36 =	vld [tilespmem:s23+$0xFFFFFF70]  }
0x122: {  	[tilespmem:v30+s7+$0x0] =	vst.idx.add.f32.msk @p3 $0xffff, v37;
	v24 =	vor.u32 v12, v24;
	v22 =	vmul.f32 v35, v22  }
0x123: {  	[tilespmem:v25+s7+$0x0] =	vst.idx.add.f32.msk @p3 $0xffff, v23;
	v61 =	vor.u32 v12, v39;
	v63 =	vmul.f32 v58, v31  }
0x124: {  	v26 =	vmul.f32 @p3 v33, v27;
	[tilespmem:v60+s7+$0x0] =	vst.idx.add.f32.msk $0xffff, v22  }
0x125: {  	[tilespmem:v0+s7+$0x0] =	vst.idx.add.f32.msk $0xffff, v63;
	v0 =	vmul.f32 v28, v43  }
0x126: {  	[tilespmem:v34+s7+$0x0] =	vst.idx.add.f32.msk @p3 $0xffff, v26;
	v23 =	vmul.f32 v36, v44  }
0x127: {  	[tilespmem:v24+s7+$0x0] =	vst.idx.add.f32.msk $0xffff, v0  }
0x128: {  	[tilespmem:v61+s7+$0x0] =	vst.idx.add.f32.msk $0xffff, v23  }
.LBB2_49:
0x129: {  	s3 =	sadd.s32 $0x3, s19  }
0x12a: {  	p3 =	slt.u32 s3, s18  }
0x12b: {  	s3 =	smul.u32 @p3 $0xD, s3;
	_ =	sdelay $0x1  }
0x12c: {  	s3 =	sadd.s32 @p3 s16, s3  }
0x12d: {  	s3 =	sshll.u32 @p3 s3, $0x8  }
0x12e: {  	s3 =	sand.u32 @p3 $0x1FFFFF00, s3  }
0x12f: {  	s4 =	simm.s32 @p3 $0x0;
	s5 =	simm.s32 @p3 $0x16800;
	s3 =	sadd.s32 @p3 s1, s3  }
0x130: {  	[tilespmem:s5], [sflag:$0x2] =	stream.linear.gather @p3 [hbm4b:s3+s4], $0x6800, $0x38;
	[tilespmem:$0x1FC80] =	vst v63  }
.LBB2_50:
0x131: {  	s30 =	sadd.s32 $0x1, s30  }
0x132: {  	p3 =	sne.s32 s30, $0x10  }
.Ltmp7:
0x133: {  	_ = 	snop;
	(pc) =	sbr.rel @!p3 .LBB2_51-.Ltmp7, $2  }
0x134: {  	_ =	sdelay $0x2  }
0x135: {  	s29 =	sadd.s32 $0x1A0, s29  }
.LBB2_30:
0x136: {  	s19 =	sshll.u32 s30, $0x1  }
0x137: {  	p3 =	sge.u32 s19, s18  }
.Ltmp8:
0x138: {  	_ = 	snop;
	(pc) =	sbr.rel @p3 .LBB2_40-.Ltmp8, $1  }
0x139: {  	_ =	sdelay $0x3  }
0x13a: {  	s3 =	smul.u32 $0xFFFFFFE6, s30;
	_ =	sdelay $0x1  }
0x13b: {  	s3 =	sadd.s32 s17, s3  }
0x13c: {  	p3 =	slt.s32 s3, $0xD  }
0x13d: {  	s3 =	simm.s32 @!p3 $0xD  }
0x13e: {  	s22 =	sshll.u32 s3, $0x4  }
0x13f: {  	p3 =	slt.s32 s22, $0x1  }
.Ltmp9:
0x140: {  	_ = 	snop;
	(pc) =	sbr.rel @p3 .LBB2_39-.Ltmp9, $4  }
0x141: {  	_ = 	snop  }
0x142: {  	_ =	swait.ge [sflag:s9], $0x6800  }
0x143: {  	[sflag:s9] =	ssyncset.done $0x0  }
0x144: {  	[sflag:s9] =	ssyncadd.s32 $0xFFFF9800  }
0x145: {  	s21 =	simm.s32 $0x10100  }
0x146: {  	v0 =	vld [tilespmem:s21+$0x90]  }
0x147: {  	v22 =	vld [tilespmem:s21+$0xE0]  }
0x148: {  	v23 =	vld [tilespmem:s21+$0xF0]  }
0x149: {  	v24 =	vld [tilespmem:s21+$0xD0]  }
0x14a: {  	v25 =	vld [tilespmem:s21+$0xC0]  }
0x14b: {  	v26 =	vld [tilespmem:s21+$0xB0]  }
0x14c: {  	v27 =	vld [tilespmem:s21+$0xA0]  }
0x14d: {  	v28 =	vld [tilespmem:s21+$0x80];
	_ =	sdelay $0x1  }
0x14e: {  	v23 =	vmul.f32 v23, v20;
	v22 =	vmul.f32 v22, v19  }
0x14f: {  	v24 =	vmul.f32 v24, v18;
	v25 =	vmul.f32 v25, v17  }
0x150: {  	v26 =	vmul.f32 v26, v16;
	v27 =	vmul.f32 v27, v15  }
0x151: {  	v0 =	vmul.f32 v0, v14;
	v29 =	vmul.f32 v28, v13  }
0x152: {  	v22 =	vadd.f32 v23, v22;
	v23 =	vadd.f32 v24, v25  }
0x153: {  	v24 =	vadd.f32 v26, v27;
	v0 =	vadd.f32 v0, v29;
	_ =	sdelay $0x1  }
0x154: {  	v0 =	vadd.f32 v24, v0;
	v22 =	vadd.f32 v22, v23;
	_ =	sdelay $0x1  }
0x155: {  	v0 =	vadd.f32 v22, v0;
	_ =	sdelay $0x1  }
0x156: {  	v22 =	vperm.xlane v0, v1;
	_ =	sdelay $0x1  }
0x157: {  	v0 =	vadd.f32 v0, v22;
	_ =	sdelay $0x1  }
0x158: {  	v22 =	vperm.xlane v0, v2;
	_ =	sdelay $0x1  }
0x159: {  	v0 =	vadd.f32 v0, v22;
	_ =	sdelay $0x1  }
0x15a: {  	v22 =	vperm.xlane v0, v4;
	_ =	sdelay $0x1  }
0x15b: {  	v0 =	vadd.f32 v0, v22;
	_ =	sdelay $0x1  }
0x15c: {  	v22 =	vperm.xlane v0, v5;
	_ =	sdelay $0x1  }
0x15d: {  	v0 =	vadd.f32 v0, v22  }
0x15e: {  	v53 =	vld [tilespmem:s21+$0x10]  }
0x15f: {  	v30 =	vld [tilespmem:s21+$0x40];
	v0 =	vadd.f32 v0, v21  }
0x160: {  	v31 =	vld [tilespmem:s21+$0x20]  }
0x161: {  	v32 =	vld [tilespmem:s21+$0x30];
	v0 =	vsub.f32 $0.0e+00, v0  }
0x162: {  	v33 =	vld [tilespmem:s21+$0xFFFFFF10]  }
0x163: {  	v35 =	vld [tilespmem:s21+$0xFFFFFFF0];
	v0 =	vmul.f32 $1.442695020e+00, v0  }
0x164: {  	v26 =	vld [tilespmem:s21+$0x70]  }
0x165: {  	v27 =	vld [tilespmem:s21+$0x60];
	(erf) = vpow2.f32 v0  }
0x166: {  	v36 =	vld [tilespmem:s21+$0xFFFFFFC0]  }
0x167: {  	v0 =	vld [tilespmem:s21+$0x50]  }
0x168: {  	v23 =	vld [tilespmem:s21+$0x0]  }
0x169: {  	s11 =	sadd.s32 $0x0, s29;
	v38 =	vld [tilespmem:s21+$0xFFFFFFD0]  }
0x16a: {  	s3 =	sadd.s32 $0x3, s11;
	v39 =	vld [tilespmem:s21+$0xFFFFFFB0];
	v26 =	vmul.f32 v26, v20;
	v27 =	vmul.f32 v27, v19  }
0x16b: {  	v34 =	vld [tilespmem:s21+$0xFFFFFF80];
	v37 =	vmov s3;
	v30 =	vmul.f32 v30, v17;
	v31 =	vmul.f32 v31, v15  }
0x16c: {  	v56 =	vld [tilespmem:s21+$0xFFFFFFA0];
	v26 =	vadd.f32 v26, v27;
	v27 =	vmul.f32 v32, v16;
	v0 =	vmul.f32 v0, v18  }
0x16d: {  	v25 =	vld [tilespmem:s21+$0xFFFFFFE0];
	v29 =	vmul.f32 v53, v14;
	v54 =	vmul.f32 v23, v13  }
0x16e: {  	v24 =	vld [tilespmem:s21+$0xFFFFFF90];
	v27 =	vadd.f32 v27, v31;
	v0 =	vadd.f32 v0, v30;
	v40 =	vpop (erf)  }
0x16f: {  	v63 =	vld [tilespmem:s21+$0xFFFFFF50];
	v35 =	vmul.f32 v35, v20;
	v29 =	vadd.f32 v29, v54;
	v55 =	vadd.f32 $1.000000000e+00, v40  }
0x170: {  	v58 =	vmul.f32 v38, v18;
	v59 =	vmul.f32 v36, v17;
	v0 =	vadd.f32 v26, v0;
	v26 =	vld.idx.msk [tilespmem:v37+s8+$0x0], $0xffff  }
0x171: {  	v43 =	vld [tilespmem:s21+$0xFFFFFF20];
	v61 =	vmul.f32 v39, v16;
	v27 =	vadd.f32 v27, v29;
	(erf) = vrcp.f32 v55  }
0x172: {  	v57 =	vld [tilespmem:s21+$0xFFFFFF30];
	v41 =	vmul.f32 v34, v13;
	v25 =	vmul.f32 v25, v19  }
0x173: {  	v60 =	vld [tilespmem:s21+$0xFFFFFF40];
	v42 =	vmul.f32 v24, v14;
	v0 =	vadd.f32 v0, v27;
	v27 =	vmul.f32 v56, v15  }
0x174: {  	v46 =	vmul.f32 v63, v18;
	v25 =	vadd.f32 v35, v25;
	v31 =	vadd.f32 v58, v59;
	v22 =	vld [tilespmem:s21+$0xFFFFFF60]  }
0x175: {  	v37 =	vadd.f32 v42, v41;
	v27 =	vadd.f32 v61, v27;
	v24 =	vshll.u32 v26, $0x7;
	v26 =	vld [tilespmem:s21+$0xFFFFFF70]  }
0x176: {  	v38 =	vmul.f32 v43, v15;
	v44 =	vperm.xlane v0, v1  }
0x177: {  	v51 =	vmul.f32 v33, v14;
	v32 =	vld [tilespmem:s21+$0xFFFFFF00];
	v25 =	vadd.f32 v25, v31;
	v27 =	vadd.f32 v27, v37  }
0x178: {  	v29 =	vmul.f32 v60, v17;
	v0 =	vadd.f32 v0, v44;
	v47 =	vor.u32 v3, v24  }
0x179: {  	v45 =	vmul.f32 v22, v19;
	v30 =	vmul.f32 v57, v16;
	v25 =	vadd.f32 v25, v27  }
0x17a: {  	v48 =	vmov s11;
	v49 =	vperm.xlane v0, v2;
	v26 =	vmul.f32 v26, v20;
	v22 =	vpop (erf)  }
0x17b: {  	v50 =	vadd.f32 v46, v29;
	v53 =	vperm.xlane v25, v1;
	v27 =	vmul.f32 v22, v28  }
0x17c: {  	v52 =	vmul.f32 v32, v13;
	v30 =	vadd.f32 v30, v38;
	v0 =	vadd.f32 v0, v49  }
0x17d: {  	v37 =	vand.u32 $0xFFFFFFFC, v48;
	v26 =	vadd.f32 v26, v45;
	v25 =	vadd.f32 v25, v53;
	[tilespmem:v47+s7+$0x0] =	vst.idx.add.f32.msk $0xffff, v27  }
0x17e: {  	v54 =	vbroadcast v37, $0x0;
	v55 =	vperm.xlane v0, v4;
	v27 =	vadd.f32 v51, v52;
	v35 =	vld [tilespmem:s21+$0x90]  }
0x17f: {  	v26 =	vadd.f32 v26, v50;
	v56 =	vperm.xlane v25, v2  }
0x180: {  	v57 =	vor.u32 v6, v24;
	v0 =	vadd.f32 v0, v55;
	v27 =	vadd.f32 v30, v27  }
0x181: {  	p4 =	sgt.u32 s22, $0x4;
	v25 =	vadd.f32 v25, v56  }
.Ltmp10:
0x182: {  	s31 =	sadd.s32 $0x2, s11;
	v26 =	vadd.f32 v26, v27;
	v27 =	vperm.xlane v0, v5;
	(pc) =	sbr.rel @!p4 .LBB2_33-.Ltmp10, $4  }
0x183: {  	s4 =	sadd.s32 $0x1, s11;
	v58 =	vmov s31;
	v63 =	vperm.xlane v25, v4;
	v59 =	vmul.f32 v22, v35  }
0x184: {  	v61 =	vmov s4;
	v33 =	vld.idx.msk [tilespmem:v54+s8+$0x0], $0xffff;
	v60 =	vperm.xlane v26, v1;
	v0 =	vadd.f32 v0, v27  }
0x185: {  	v38 =	vand.u32 $0xFFFFFFFD, v61;
	v36 =	vor.u32 v7, v24;
	v45 =	vadd.f32 v25, v63;
	[tilespmem:v57+s7+$0x0] =	vst.idx.add.f32.msk $0xffff, v59  }
0x186: {  	p3 =	por $0x0, $0x0;
	v35 =	vand.u32 $0xFFFFFFFE, v58;
	v43 =	vadd.f32 v26, v60;
	v42 =	vadd.f32 v0, v21;
	v37 =	vld [tilespmem:s21+$0xA0]  }
0x187: {  	_ = 	snop  }
0x188: {  	v0 =	vperm.xlane v43, v2;
	_ =	sdelay $0x1  }
0x189: {  	v0 =	vadd.f32 v43, v0;
	_ =	sdelay $0x1  }
0x18a: {  	v27 =	vperm.xlane v0, v4;
	_ =	sdelay $0x1  }
0x18b: {  	v25 =	vperm.xlane v45, v5;
	s23 =	simm.s32 $0x10300;
	v29 =	vsub.f32 $0.0e+00, v42;
	v0 =	vadd.f32 v0, v27  }
0x18c: {  	v28 =	vbroadcast v35, $0x0;
	v35 =	vld [tilespmem:s23+$0x80];
	v30 =	vmul.f32 v22, v37  }
0x18d: {  	v31 =	vld [tilespmem:s23+$0xF0];
	v27 =	vmul.f32 $1.442695020e+00, v29;
	v29 =	vperm.xlane v0, v5  }
0x18e: {  	v39 =	vld [tilespmem:s23+$0xC0];
	v25 =	vadd.f32 v45, v25  }
0x18f: {  	[tilespmem:v36+s7+$0x0] =	vst.idx.add.f32.msk $0xffff, v30;
	v0 =	vadd.f32 v0, v29  }
0x190: {  	v25 =	vadd.f32 v25, v21;
	v30 =	vld [tilespmem:s21+$0xB0];
	(erf) = vpow2.f32 v27  }
0x191: {  	v41 =	vld [tilespmem:s23+$0xB0];
	v0 =	vadd.f32 v0, v21  }
0x192: {  	v26 =	vbroadcast v38, $0x0;
	v38 =	vld [tilespmem:s23+$0xFFFFFF90];
	v25 =	vsub.f32 $0.0e+00, v25;
	v27 =	vor.u32 v8, v24  }
0x193: {  	v42 =	vld [tilespmem:s23+$0xFFFFFFE0];
	v0 =	vsub.f32 $0.0e+00, v0  }
0x194: {  	v46 =	vld [tilespmem:s23+$0xFFFFFFB0];
	v25 =	vmul.f32 $1.442695020e+00, v25  }
0x195: {  	v49 =	vld [tilespmem:s23+$0xFFFFFFF0];
	v29 =	vmul.f32 v22, v30;
	v0 =	vmul.f32 $1.442695020e+00, v0  }
0x196: {  	(erf) = vpow2.f32 v25;
	v25 =	vld.idx.msk [tilespmem:v28+s8+$0x0], $0xffff  }
0x197: {  	[tilespmem:v27+s7+$0x0] =	vst.idx.add.f32.msk $0xffff, v29  }
0x198: {  	v27 =	vld [tilespmem:s21+$0xC0];
	(erf) = vpow2.f32 v0  }
0x199: {  	v30 =	vld [tilespmem:s23+$0xE0];
	v0 =	vpop (erf)  }
0x19a: {  	v40 =	vor.u32 v9, v24;
	v29 =	vld [tilespmem:s23+$0xD0];
	v0 =	vadd.f32 $1.000000000e+00, v0  }
0x19b: {  	v28 =	vld [tilespmem:s23+$0x90]  }
0x19c: {  	v50 =	vld [tilespmem:s23+$0x30];
	(erf) = vrcp.f32 v0  }
0x19d: {  	v31 =	vmul.f32 v31, v20;
	v27 =	vmul.f32 v22, v27;
	v0 =	vld [tilespmem:s23+$0xA0]  }
0x19e: {  	v45 =	vld [tilespmem:s23+$0x70];
	v55 =	vmul.f32 v35, v13;
	v30 =	vmul.f32 v30, v19  }
0x19f: {  	v51 =	vpop (erf);
	[tilespmem:v40+s7+$0x0] =	vst.idx.add.f32.msk $0xffff, v27;
	v27 =	vmul.f32 v29, v18;
	v29 =	vmul.f32 v39, v17  }
0x1a0: {  	v26 =	vld.idx.msk [tilespmem:v26+s8+$0x0], $0xffff;
	v25 =	vshll.u32 v25, $0x7;
	v44 =	vmul.f32 v28, v14;
	v37 =	vadd.f32 $1.000000000e+00, v51  }
0x1a1: {  	v43 =	vld [tilespmem:s23+$0xFFFFFFC0];
	v30 =	vadd.f32 v31, v30;
	v31 =	vmul.f32 v41, v16;
	v29 =	vadd.f32 v27, v29;
	v53 =	vpop (erf)  }
0x1a2: {  	v36 =	vld [tilespmem:s23+$0xFFFFFF60];
	(erf) = vrcp.f32 v37;
	v0 =	vmul.f32 v0, v15;
	v27 =	vadd.f32 $1.000000000e+00, v53  }
0x1a3: {  	v54 =	vor.u32 v3, v25;
	v52 =	vld [tilespmem:s21+$0xD0]  }
0x1a4: {  	v44 =	vadd.f32 v44, v55;
	v55 =	vld [tilespmem:s23+$0x50];
	v0 =	vadd.f32 v31, v0;
	(erf) = vrcp.f32 v27  }
0x1a5: {  	v48 =	vor.u32 v10, v24;
	v28 =	vshll.u32 v26, $0x7;
	v39 =	vld [tilespmem:s23+$0xFFFFFF30];
	v26 =	vpop (erf)  }
0x1a6: {  	v40 =	vld [tilespmem:s23+$0xFFFFFF40];
	v29 =	vadd.f32 v30, v29;
	v0 =	vadd.f32 v0, v44;
	v23 =	vmul.f32 v26, v23  }
0x1a7: {  	v37 =	vld [tilespmem:s23+$0xFFFFFF10]  }
0x1a8: {  	v0 =	vadd.f32 v29, v0;
	[tilespmem:v54+s7+$0x0] =	vst.idx.add.f32.msk $0xffff, v23;
	v23 =	vmul.f32 v22, v52  }
0x1a9: {  	v47 =	vor.u32 v3, v28;
	v41 =	vld [tilespmem:s21+$0x10]  }
0x1aa: {  	v30 =	vshll.u32 v33, $0x7;
	[tilespmem:v48+s7+$0x0] =	vst.idx.add.f32.msk $0xffff, v23;
	v23 =	vperm.xlane v0, v1  }
0x1ab: {  	v33 =	vld [tilespmem:s23+$0xFFFFFFA0];
	v56 =	vor.u32 v3, v30;
	v27 =	vpop (erf)  }
0x1ac: {  	v57 =	vor.u32 v6, v25;
	v31 =	vld [tilespmem:s23+$0xFFFFFF80];
	v34 =	vmul.f32 v27, v34;
	v0 =	vadd.f32 v0, v23  }
0x1ad: {  	v44 =	vld [tilespmem:s23+$0x20];
	v29 =	vpop (erf)  }
0x1ae: {  	[tilespmem:v47+s7+$0x0] =	vst.idx.add.f32.msk $0xffff, v34;
	v32 =	vmul.f32 v29, v32;
	v58 =	vperm.xlane v0, v2  }
0x1af: {  	v59 =	vld [tilespmem:s21+$0xFFFFFF90];
	v41 =	vmul.f32 v26, v41  }
0x1b0: {  	[tilespmem:v56+s7+$0x0] =	vst.idx.add.f32.msk $0xffff, v32;
	v0 =	vadd.f32 v0, v58  }
0x1b1: {  	[tilespmem:v57+s7+$0x0] =	vst.idx.add.f32.msk $0xffff, v41  }
0x1b2: {  	v63 =	vld [tilespmem:s21+$0xFFFFFF10];
	v57 =	vor.u32 v6, v28;
	v60 =	vperm.xlane v0, v4  }
0x1b3: {  	v52 =	vld [tilespmem:s23+$0x10]  }
0x1b4: {  	v54 =	vor.u32 v6, v30;
	v61 =	vld [tilespmem:s21+$0xE0];
	v0 =	vadd.f32 v0, v60  }
0x1b5: {  	v32 =	vmul.f32 v27, v59;
	v56 =	vld [tilespmem:s23+$0x40]  }
0x1b6: {  	v58 =	vld [tilespmem:s21+$0x20];
	v53 =	vperm.xlane v0, v5  }
0x1b7: {  	[tilespmem:v57+s7+$0x0] =	vst.idx.add.f32.msk $0xffff, v32;
	v59 =	vmul.f32 v29, v63  }
0x1b8: {  	v51 =	vor.u32 v11, v24;
	v60 =	vld [tilespmem:s21+$0xFFFFFFA0];
	v0 =	vadd.f32 v0, v53  }
0x1b9: {  	v41 =	vmul.f32 v61, v22;
	v61 =	vor.u32 v7, v25;
	[tilespmem:v54+s7+$0x0] =	vst.idx.add.f32.msk $0xffff, v59  }
0x1ba: {  	v63 =	vor.u32 v7, v28;
	v32 =	vld [tilespmem:s21+$0xFFFFFF20];
	v0 =	vadd.f32 v0, v21  }
0x1bb: {  	v50 =	vmul.f32 v50, v16;
	v42 =	vmul.f32 v42, v19;
	v47 =	vld [tilespmem:s23+$0x60]  }
0x1bc: {  	v23 =	vld [tilespmem:s23+$0x0];
	v57 =	vor.u32 v7, v30;
	v34 =	vmul.f32 v26, v58;
	v0 =	vsub.f32 $0.0e+00, v0  }
0x1bd: {  	v46 =	vmul.f32 v46, v16;
	[tilespmem:v51+s7+$0x0] =	vst.idx.add.f32.msk $0xffff, v41;
	v58 =	vmul.f32 v27, v60  }
0x1be: {  	v38 =	vmul.f32 v38, v14;
	[tilespmem:v61+s7+$0x0] =	vst.idx.add.f32.msk $0xffff, v34;
	v0 =	vmul.f32 $1.442695020e+00, v0  }
0x1bf: {  	v59 =	vmul.f32 v56, v17;
	v32 =	vmul.f32 v29, v32;
	[tilespmem:v63+s7+$0x0] =	vst.idx.add.f32.msk $0xffff, v58  }
0x1c0: {  	s11 =	sadd.s32 $0x4, s29;
	v60 =	vmul.f32 v55, v18;
	v61 =	vld [tilespmem:s21+$0xFFFFFFB0];
	(erf) = vpow2.f32 v0  }
0x1c1: {  	s3 =	sadd.s32 $0x3, s11;
	v45 =	vmul.f32 v45, v20;
	v36 =	vmul.f32 v36, v19;
	[tilespmem:v57+s7+$0x0] =	vst.idx.add.f32.msk $0xffff, v32  }
0x1c2: {  	v47 =	vmul.f32 v47, v19;
	v34 =	vadd.f32 v60, v59;
	v60 =	vmov s3;
	v0 =	vld [tilespmem:s21+$0x30]  }
0x1c3: {  	v24 =	vor.u32 v12, v24;
	v39 =	vmul.f32 v39, v16;
	v32 =	vor.u32 v8, v28;
	v53 =	vld [tilespmem:s21+$0xFFFFFF30]  }
0x1c4: {  	v40 =	vmul.f32 v40, v17;
	v45 =	vadd.f32 v45, v47;
	v56 =	vld [tilespmem:s23+$0xFFFFFFD0];
	v63 =	vor.u32 v8, v25  }
0x1c5: {  	v44 =	vmul.f32 v44, v15;
	v52 =	vmul.f32 v52, v14;
	v54 =	vor.u32 v8, v30;
	v59 =	vld [tilespmem:s23+$0xFFFFFF50]  }
0x1c6: {  	v34 =	vadd.f32 v45, v34;
	v45 =	vld [tilespmem:s21+$0xF0];
	v57 =	vmul.f32 v23, v13;
	v48 =	vmul.f32 v27, v61  }
0x1c7: {  	v33 =	vmul.f32 v33, v15;
	v44 =	vadd.f32 v50, v44;
	v41 =	vld.idx.msk [tilespmem:v60+s8+$0x0], $0xffff;
	v0 =	vmul.f32 v26, v0  }
0x1c8: {  	v61 =	vadd.f32 v52, v57;
	v53 =	vmul.f32 v29, v53;
	[tilespmem:v32+s7+$0x0] =	vst.idx.add.f32.msk $0xffff, v48  }
0x1c9: {  	v37 =	vmul.f32 v37, v14;
	v33 =	vadd.f32 v46, v33;
	[tilespmem:v63+s7+$0x0] =	vst.idx.add.f32.msk $0xffff, v0;
	v63 =	vpop (erf)  }
0x1ca: {  	v47 =	vor.u32 v9, v28;
	v61 =	vadd.f32 v44, v61;
	[tilespmem:v54+s7+$0x0] =	vst.idx.add.f32.msk $0xffff, v53;
	v52 =	vadd.f32 $1.000000000e+00, v63  }
0x1cb: {  	v55 =	vor.u32 v10, v25;
	v56 =	vmul.f32 v56, v18;
	v60 =	vmul.f32 v43, v17;
	v53 =	vld [tilespmem:s21+$0xFFFFFFC0]  }
0x1cc: {  	v22 =	vmul.f32 v45, v22;
	v34 =	vadd.f32 v34, v61;
	v50 =	vld [tilespmem:s21+$0x40];
	(erf) = vrcp.f32 v52  }
0x1cd: {  	v58 =	vld [tilespmem:s23+$0xFFFFFF70];
	v59 =	vmul.f32 v59, v18;
	v32 =	vadd.f32 v56, v60;
	v0 =	vmul.f32 v49, v20  }
0x1ce: {  	v56 =	vor.u32 v9, v25;
	[tilespmem:v24+s7+$0x0] =	vst.idx.add.f32.msk $0xffff, v22;
	v57 =	vperm.xlane v34, v1  }
0x1cf: {  	v60 =	vmov s11;
	v0 =	vadd.f32 v0, v42;
	v63 =	vmul.f32 v31, v13;
	v52 =	vld [tilespmem:s21+$0xFFFFFF40]  }
0x1d0: {  	v22 =	vld [tilespmem:s23+$0xFFFFFF20];
	v49 =	vor.u32 v9, v30;
	v34 =	vadd.f32 v34, v57;
	v51 =	vmul.f32 v27, v53  }
0x1d1: {  	v0 =	vadd.f32 v0, v32;
	v32 =	vld [tilespmem:s23+$0xFFFFFF00];
	v38 =	vadd.f32 v38, v63;
	v54 =	vmul.f32 v26, v50  }
0x1d2: {  	v24 =	vshll.u32 v41, $0x7;
	v63 =	vand.u32 $0xFFFFFFFC, v60;
	v50 =	vperm.xlane v34, v2;
	[tilespmem:v47+s7+$0x0] =	vst.idx.add.f32.msk $0xffff, v51  }
0x1d3: {  	v61 =	vor.u32 v3, v24;
	v33 =	vadd.f32 v33, v38;
	v38 =	vbroadcast v63, $0x0;
	[tilespmem:v56+s7+$0x0] =	vst.idx.add.f32.msk $0xffff, v54  }
0x1d4: {  	v40 =	vadd.f32 v59, v40;
	v34 =	vadd.f32 v34, v50;
	v53 =	vld [tilespmem:s21+$0x50];
	v42 =	vmul.f32 v29, v52  }
0x1d5: {  	v56 =	vmul.f32 v58, v20;
	v57 =	vld [tilespmem:s21+$0xFFFFFFD0];
	v0 =	vadd.f32 v0, v33;
	v52 =	vmul.f32 v22, v15;
	v22 =	vpop (erf)  }
0x1d6: {  	v58 =	vmul.f32 v32, v13;
	[tilespmem:v49+s7+$0x0] =	vst.idx.add.f32.msk $0xffff, v42;
	v54 =	vmul.f32 v22, v35  }
0x1d7: {  	v41 =	vor.u32 v11, v28;
	v63 =	vperm.xlane v34, v4;
	v59 =	vperm.xlane v0, v1;
	v60 =	vld [tilespmem:s21+$0xFFFFFF50]  }
0x1d8: {  	v37 =	vadd.f32 v37, v58;
	[tilespmem:v61+s7+$0x0] =	vst.idx.add.f32.msk $0xffff, v54;
	v61 =	vor.u32 v10, v28  }
0x1d9: {  	v39 =	vadd.f32 v39, v52;
	v34 =	vadd.f32 v34, v63;
	v33 =	vld.idx.msk [tilespmem:v38+s8+$0x0], $0xffff;
	v44 =	vmul.f32 v26, v53  }
0x1da: {  	v49 =	vor.u32 v10, v30;
	v0 =	vadd.f32 v0, v59;
	v35 =	vadd.f32 v56, v36;
	v48 =	vld [tilespmem:s23+$0x90]  }
0x1db: {  	v52 =	vor.u32 v6, v24;
	v50 =	vmul.f32 v27, v57;
	[tilespmem:v55+s7+$0x0] =	vst.idx.add.f32.msk $0xffff, v44  }
0x1dc: {  	v37 =	vadd.f32 v39, v37;
	v51 =	vperm.xlane v0, v2;
	v35 =	vadd.f32 v35, v40;
	v53 =	vld [tilespmem:s21+$0x60]  }
0x1dd: {  	v56 =	vperm.xlane v34, v5;
	v43 =	vmul.f32 v29, v60;
	[tilespmem:v61+s7+$0x0] =	vst.idx.add.f32.msk $0xffff, v50  }
0x1de: {  	p4 =	sgt.u32 s22, $0x8;
	s5 =	sadd.s32 $0x2, s11;
	v55 =	vor.u32 v11, v25;
	v0 =	vadd.f32 v0, v51;
	v37 =	vadd.f32 v35, v37;
	v57 =	vld [tilespmem:s21+$0xFFFFFFE0]  }
.Ltmp11:
0x1df: {  	v36 =	vor.u32 v7, v24;
	v54 =	vmov s5;
	[tilespmem:v49+s7+$0x0] =	vst.idx.add.f32.msk $0xffff, v43;
	v58 =	vmul.f32 v22, v48;
	(pc) =	sbr.rel @!p4 .LBB2_35-.Ltmp11, $4  }
0x1e0: {  	v34 =	vadd.f32 v34, v56;
	v60 =	vperm.xlane v0, v4;
	v59 =	vperm.xlane v37, v1;
	v39 =	vld [tilespmem:s21+$0xFFFFFF60]  }
0x1e1: {  	s31 =	sadd.s32 $0x1, s11;
	v40 =	vor.u32 v11, v30;
	v35 =	vand.u32 $0xFFFFFFFE, v54;
	v63 =	vmul.f32 v53, v26;
	[tilespmem:v52+s7+$0x0] =	vst.idx.add.f32.msk $0xffff, v58  }
0x1e2: {  	v45 =	vadd.f32 v0, v60;
	v61 =	vmov s31;
	v43 =	vadd.f32 v37, v59;
	v37 =	vld [tilespmem:s23+$0xA0]  }
0x1e3: {  	p3 =	por $0x1, $0x1;
	s11 =	simm.s32 $0x8;
	v42 =	vadd.f32 v34, v21;
	v38 =	vand.u32 $0xFFFFFFFD, v61;
	[tilespmem:v55+s7+$0x0] =	vst.idx.add.f32.msk $0xffff, v63;
	v44 =	vmul.f32 v57, v27  }
.LBB2_36:
0x1e4: {  	v0 =	vperm.xlane v43, v2;
	v34 =	vperm.xlane v45, v5;
	v46 =	vld [tilespmem:s21+$0x70];
	s31 =	smov.u32 s11;
	s11 =	sadd.s32 $0x4, s11  }
0x1e5: {  	v25 =	vor.u32 v12, v25;
	p4 =	slt.u32 s11, s22;
	v39 =	vmul.f32 v39, v29;
	[tilespmem:v41+s7+$0x0] =	vst.idx.add.f32.msk $0xffff, v44  }
0x1e6: {  	v38 =	vbroadcast v38, $0x0;
	v0 =	vadd.f32 v43, v0;
	v34 =	vadd.f32 v45, v34;
	v41 =	vld [tilespmem:s21+$0xFFFFFFF0]  }
0x1e7: {  	v28 =	vor.u32 v12, v28;
	v37 =	vmul.f32 v22, v37;
	[tilespmem:v40+s7+$0x0] =	vst.idx.add.f32.msk $0xffff, v39  }
0x1e8: {  	v35 =	vbroadcast v35, $0x0;
	v39 =	vperm.xlane v0, v4;
	v34 =	vadd.f32 v34, v21;
	v40 =	vld [tilespmem:s21+$0xFFFFFF70];
	s21 =	smov.u32 s23  }
0x1e9: {  	v42 =	vsub.f32 $0.0e+00, v42;
	[tilespmem:v36+s7+$0x0] =	vst.idx.add.f32.msk $0xffff, v37;
	v26 =	vmul.f32 v46, v26  }
0x1ea: {  	v30 =	vor.u32 v12, v30;
	v0 =	vadd.f32 v0, v39;
	v34 =	vsub.f32 $0.0e+00, v34;
	v36 =	vld [tilespmem:s23+$0xB0]  }
0x1eb: {  	v37 =	vmul.f32 $1.442695020e+00, v42;
	v27 =	vmul.f32 v41, v27;
	[tilespmem:v25+s7+$0x0] =	vst.idx.add.f32.msk $0xffff, v26  }
0x1ec: {  	v25 =	vperm.xlane v0, v5;
	v26 =	vld.idx.msk [tilespmem:v38+s8+$0x0], $0xffff;
	v34 =	vmul.f32 $1.442695020e+00, v34  }
0x1ed: {  	(erf) = vpow2.f32 v37;
	v29 =	vmul.f32 v40, v29;
	[tilespmem:v28+s7+$0x0] =	vst.idx.add.f32.msk $0xffff, v27  }
0x1ee: {  	v0 =	vadd.f32 v0, v25;
	v25 =	vld.idx.msk [tilespmem:v35+s8+$0x0], $0xffff;
	(erf) = vpow2.f32 v34  }
0x1ef: {  	s23 =	sadd.s32 $0x200, s23;
	v27 =	vmul.f32 v22, v36;
	[tilespmem:v30+s7+$0x0] =	vst.idx.add.f32.msk $0xffff, v29  }
0x1f0: {  	v28 =	vor.u32 v8, v24;
	v36 =	vld [tilespmem:s23+$0xFFFFFF60];
	v0 =	vadd.f32 v0, v21  }
0x1f1: {  	v29 =	vld [tilespmem:s23+$0x90]  }
0x1f2: {  	v34 =	vld [tilespmem:s23+$0x80];
	v0 =	vsub.f32 $0.0e+00, v0  }
0x1f3: {  	v30 =	vld [tilespmem:s23+$0xE0]  }
0x1f4: {  	v35 =	vld [tilespmem:s23+$0xF0];
	v38 =	vmul.f32 $1.442695020e+00, v0  }
0x1f5: {  	[tilespmem:v28+s7+$0x0] =	vst.idx.add.f32.msk $0xffff, v27  }
0x1f6: {  	v27 =	vld [tilespmem:s21+$0xC0];
	(erf) = vpow2.f32 v38;
	v0 =	vpop (erf)  }
0x1f7: {  	v28 =	vld [tilespmem:s23+$0xD0];
	v0 =	vadd.f32 $1.000000000e+00, v0;
	v37 =	vpop (erf)  }
0x1f8: {  	v40 =	vor.u32 v9, v24;
	v39 =	vld [tilespmem:s23+$0xC0];
	v37 =	vadd.f32 $1.000000000e+00, v37  }
0x1f9: {  	v42 =	vld [tilespmem:s23+$0xB0];
	(erf) = vrcp.f32 v0  }
0x1fa: {  	v35 =	vmul.f32 v35, v20;
	v0 =	vld [tilespmem:s23+$0xA0];
	(erf) = vrcp.f32 v37  }
0x1fb: {  	v30 =	vmul.f32 v30, v19;
	v38 =	vld [tilespmem:s23+$0xFFFFFF90];
	v27 =	vmul.f32 v22, v27  }
0x1fc: {  	v41 =	vld [tilespmem:s23+$0xFFFFFFE0];
	v43 =	vmul.f32 v28, v18  }
0x1fd: {  	v30 =	vadd.f32 v35, v30;
	v39 =	vmul.f32 v39, v17;
	[tilespmem:v40+s7+$0x0] =	vst.idx.add.f32.msk $0xffff, v27  }
0x1fe: {  	v27 =	vmul.f32 v42, v16;
	v35 =	vld [tilespmem:s21+$0xD0]  }
0x1ff: {  	v25 =	vshll.u32 v25, $0x7;
	v37 =	vld [tilespmem:s23+$0xFFFFFF10];
	v0 =	vmul.f32 v0, v15;
	v44 =	vadd.f32 v43, v39;
	v28 =	vpop (erf)  }
0x200: {  	v45 =	vor.u32 v3, v25;
	v29 =	vmul.f32 v29, v14;
	v39 =	vld [tilespmem:s23+$0xFFFFFF30];
	v43 =	vadd.f32 $1.000000000e+00, v28  }
0x201: {  	v46 =	vmul.f32 v34, v13;
	v28 =	vshll.u32 v26, $0x7;
	v40 =	vld [tilespmem:s23+$0xFFFFFF40];
	v0 =	vadd.f32 v27, v0  }
0x202: {  	v48 =	vor.u32 v10, v24;
	v47 =	vor.u32 v3, v28;
	v42 =	vld [tilespmem:s23+$0xFFFFFFB0];
	(erf) = vrcp.f32 v43;
	v26 =	vpop (erf)  }
0x203: {  	v29 =	vadd.f32 v29, v46;
	v43 =	vld [tilespmem:s23+$0xFFFFFFF0];
	v23 =	vmul.f32 v26, v23;
	v35 =	vmul.f32 v22, v35;
	v27 =	vpop (erf)  }
0x204: {  	v46 =	vmul.f32 v27, v31;
	v31 =	vld [tilespmem:s23+$0xFFFFFF80]  }
0x205: {  	v0 =	vadd.f32 v0, v29;
	v29 =	vadd.f32 v30, v44;
	[tilespmem:v45+s7+$0x0] =	vst.idx.add.f32.msk $0xffff, v23  }
0x206: {  	v45 =	vld [tilespmem:s21+$0x10]  }
0x207: {  	v0 =	vadd.f32 v29, v0;
	[tilespmem:v47+s7+$0x0] =	vst.idx.add.f32.msk $0xffff, v46  }
0x208: {  	v30 =	vshll.u32 v33, $0x7;
	[tilespmem:v48+s7+$0x0] =	vst.idx.add.f32.msk $0xffff, v35  }
0x209: {  	v23 =	vperm.xlane v0, v1;
	v35 =	vor.u32 v3, v30;
	v33 =	vld [tilespmem:s23+$0xFFFFFFA0]  }
0x20a: {  	v46 =	vor.u32 v6, v25;
	v44 =	vld [tilespmem:s23+$0xFFFFFFC0]  }
0x20b: {  	v0 =	vadd.f32 v0, v23;
	v47 =	vld [tilespmem:s23+$0x70];
	v29 =	vpop (erf)  }
0x20c: {  	v48 =	vld [tilespmem:s23+$0x60];
	v32 =	vmul.f32 v29, v32  }
0x20d: {  	v49 =	vperm.xlane v0, v2;
	v45 =	vmul.f32 v26, v45;
	v23 =	vld [tilespmem:s23+$0x0]  }
0x20e: {  	[tilespmem:v35+s7+$0x0] =	vst.idx.add.f32.msk $0xffff, v32  }
0x20f: {  	v0 =	vadd.f32 v0, v49;
	[tilespmem:v46+s7+$0x0] =	vst.idx.add.f32.msk $0xffff, v45  }
0x210: {  	v32 =	vmul.f32 v47, v20;
	v35 =	vld [tilespmem:s21+$0xFFFFFF90]  }
0x211: {  	v46 =	vperm.xlane v0, v4;
	v45 =	vmul.f32 v48, v19;
	v47 =	vld [tilespmem:s21+$0xE0]  }
0x212: {  	v49 =	vor.u32 v6, v28;
	v48 =	vld [tilespmem:s21+$0xFFFFFF10]  }
0x213: {  	v0 =	vadd.f32 v0, v46;
	v32 =	vadd.f32 v32, v45;
	v45 =	vld [tilespmem:s21+$0x20]  }
0x214: {  	v50 =	vor.u32 v11, v24;
	v46 =	vld [tilespmem:s23+$0x30]  }
0x215: {  	v53 =	vor.u32 v6, v30;
	v52 =	vperm.xlane v0, v5;
	v51 =	vld [tilespmem:s23+$0x10];
	v35 =	vmul.f32 v27, v35  }
0x216: {  	v54 =	vld [tilespmem:s23+$0x50];
	v47 =	vmul.f32 v47, v22  }
0x217: {  	v0 =	vadd.f32 v0, v52;
	v48 =	vmul.f32 v29, v48;
	[tilespmem:v49+s7+$0x0] =	vst.idx.add.f32.msk $0xffff, v35  }
0x218: {  	v49 =	vor.u32 v7, v25;
	v35 =	vld [tilespmem:s21+$0xFFFFFFA0]  }
0x219: {  	v0 =	vadd.f32 v0, v21;
	[tilespmem:v50+s7+$0x0] =	vst.idx.add.f32.msk $0xffff, v47  }
0x21a: {  	[tilespmem:v53+s7+$0x0] =	vst.idx.add.f32.msk $0xffff, v48  }
0x21b: {  	v45 =	vmul.f32 v26, v45;
	v0 =	vsub.f32 $0.0e+00, v0;
	v48 =	vor.u32 v7, v28;
	v47 =	vld [tilespmem:s21+$0xFFFFFF20]  }
0x21c: {  	v50 =	vld [tilespmem:s23+$0x40]  }
0x21d: {  	v52 =	vor.u32 v7, v30;
	v0 =	vmul.f32 $1.442695020e+00, v0;
	v35 =	vmul.f32 v27, v35;
	[tilespmem:v49+s7+$0x0] =	vst.idx.add.f32.msk $0xffff, v45  }
0x21e: {  	v45 =	vld [tilespmem:s23+$0x20]  }
0x21f: {  	v53 =	vor.u32 v12, v24;
	(erf) = vpow2.f32 v0;
	v0 =	vor.u32 v9, v28;
	v49 =	vld [tilespmem:s21+$0x30]  }
0x220: {  	v24 =	vmul.f32 v29, v47;
	v47 =	vor.u32 v8, v30;
	[tilespmem:v48+s7+$0x0] =	vst.idx.add.f32.msk $0xffff, v35  }
0x221: {  	s3 =	sadd.s32 s31, s29;
	v48 =	vmul.f32 v54, v18;
	v54 =	vor.u32 v8, v25;
	v35 =	vmul.f32 v50, v17;
	v50 =	vld [tilespmem:s21+$0xFFFFFFB0]  }
0x222: {  	v55 =	vmov s3;
	s4 =	sadd.s32 $0x1, s3;
	s5 =	sadd.s32 $0x2, s3;
	s3 =	sadd.s32 $0x3, s3;
	[tilespmem:v52+s7+$0x0] =	vst.idx.add.f32.msk $0xffff, v24;
	v24 =	vor.u32 v8, v28;
	v52 =	vor.u32 v10, v25  }
0x223: {  	v56 =	vmov s5;
	v57 =	vmov s3;
	v48 =	vadd.f32 v48, v35;
	v58 =	vld [tilespmem:s21+$0xFFFFFF30]  }
0x224: {  	v35 =	vand.u32 $0xFFFFFFFE, v56;
	v45 =	vmul.f32 v45, v15;
	v59 =	vld [tilespmem:s23+$0xFFFFFFD0];
	v49 =	vmul.f32 v26, v49  }
0x225: {  	v46 =	vmul.f32 v46, v16;
	v51 =	vmul.f32 v51, v14;
	v32 =	vadd.f32 v32, v48;
	v48 =	vld [tilespmem:s21+$0xF0]  }
0x226: {  	v60 =	vmul.f32 v23, v13;
	v56 =	vmov s4;
	v50 =	vmul.f32 v27, v50;
	[tilespmem:v54+s7+$0x0] =	vst.idx.add.f32.msk $0xffff, v49  }
0x227: {  	v43 =	vmul.f32 v43, v20;
	v45 =	vadd.f32 v46, v45;
	v46 =	vor.u32 v9, v30;
	v49 =	vld [tilespmem:s21+$0x40]  }
0x228: {  	v41 =	vmul.f32 v41, v19;
	v51 =	vadd.f32 v51, v60;
	v54 =	vld.idx.msk [tilespmem:v57+s8+$0x0], $0xffff;
	v57 =	vpop (erf);
	v58 =	vmul.f32 v29, v58  }
0x229: {  	v42 =	vmul.f32 v42, v16;
	v59 =	vmul.f32 v59, v18;
	v57 =	vadd.f32 $1.000000000e+00, v57;
	[tilespmem:v24+s7+$0x0] =	vst.idx.add.f32.msk $0xffff, v50  }
0x22a: {  	v24 =	vmul.f32 v44, v17;
	v44 =	vadd.f32 v45, v51;
	v50 =	vld [tilespmem:s23+$0xFFFFFF50];
	v22 =	vmul.f32 v48, v22  }
0x22b: {  	v41 =	vadd.f32 v43, v41;
	v45 =	vmul.f32 v31, v13;
	(erf) = vrcp.f32 v57;
	[tilespmem:v47+s7+$0x0] =	vst.idx.add.f32.msk $0xffff, v58  }
0x22c: {  	v33 =	vmul.f32 v33, v15;
	v24 =	vadd.f32 v59, v24;
	v32 =	vadd.f32 v32, v44;
	v43 =	vld [tilespmem:s21+$0xFFFFFF40]  }
0x22d: {  	v38 =	vmul.f32 v38, v14;
	v48 =	vor.u32 v9, v25;
	v47 =	vmul.f32 v26, v49;
	v44 =	vld [tilespmem:s21+$0xFFFFFFC0]  }
0x22e: {  	v41 =	vadd.f32 v41, v24;
	v49 =	vperm.xlane v32, v1;
	v24 =	vshll.u32 v54, $0x7;
	[tilespmem:v53+s7+$0x0] =	vst.idx.add.f32.msk $0xffff, v22  }
0x22f: {  	v39 =	vmul.f32 v39, v16;
	v33 =	vadd.f32 v42, v33;
	v38 =	vadd.f32 v38, v45;
	v22 =	vld [tilespmem:s23+$0xFFFFFF20]  }
0x230: {  	v40 =	vmul.f32 v40, v17;
	v42 =	vmul.f32 v36, v19;
	v45 =	vadd.f32 v32, v49;
	v36 =	vld [tilespmem:s23+$0xFFFFFF70]  }
0x231: {  	v49 =	vmul.f32 v50, v18;
	v50 =	vor.u32 v3, v24;
	v32 =	vld [tilespmem:s23+$0xFFFFFF00];
	v43 =	vmul.f32 v29, v43  }
0x232: {  	v51 =	vand.u32 $0xFFFFFFFC, v55;
	v33 =	vadd.f32 v33, v38;
	v38 =	vperm.xlane v45, v2;
	[tilespmem:v48+s7+$0x0] =	vst.idx.add.f32.msk $0xffff, v47  }
0x233: {  	v40 =	vadd.f32 v49, v40;
	v47 =	vbroadcast v51, $0x0;
	[tilespmem:v46+s7+$0x0] =	vst.idx.add.f32.msk $0xffff, v43;
	v43 =	vmul.f32 v27, v44  }
0x234: {  	v41 =	vadd.f32 v41, v33;
	v45 =	vadd.f32 v45, v38;
	v44 =	vmul.f32 v22, v15;
	v22 =	vpop (erf);
	v33 =	vld [tilespmem:s21+$0x50]  }
0x235: {  	v38 =	vand.u32 $0xFFFFFFFD, v56;
	v46 =	vmul.f32 v36, v20;
	v34 =	vmul.f32 v22, v34;
	[tilespmem:v0+s7+$0x0] =	vst.idx.add.f32.msk $0xffff, v43  }
0x236: {  	v0 =	vmul.f32 v37, v14;
	v36 =	vor.u32 v7, v24;
	v37 =	vadd.f32 v39, v44;
	v39 =	vld [tilespmem:s21+$0xFFFFFFD0]  }
0x237: {  	v43 =	vmul.f32 v32, v13;
	[tilespmem:v50+s7+$0x0] =	vst.idx.add.f32.msk $0xffff, v34;
	v34 =	vor.u32 v11, v25  }
0x238: {  	v48 =	vor.u32 v10, v28;
	v44 =	vperm.xlane v41, v1;
	v42 =	vadd.f32 v46, v42;
	v46 =	vld [tilespmem:s21+$0xFFFFFF50]  }
0x239: {  	v0 =	vadd.f32 v0, v43;
	v43 =	vperm.xlane v45, v4;
	v49 =	vld [tilespmem:s23+$0x90];
	v50 =	vmul.f32 v26, v33  }
0x23a: {  	v41 =	vadd.f32 v41, v44;
	v40 =	vadd.f32 v42, v40;
	v42 =	vor.u32 v10, v30;
	v33 =	vld.idx.msk [tilespmem:v47+s8+$0x0], $0xffff  }
0x23b: {  	v0 =	vadd.f32 v37, v0;
	v37 =	vmul.f32 v27, v39;
	[tilespmem:v52+s7+$0x0] =	vst.idx.add.f32.msk $0xffff, v50  }
0x23c: {  	v44 =	vor.u32 v6, v24;
	v43 =	vadd.f32 v45, v43;
	v39 =	vperm.xlane v41, v2;
	v45 =	vld [tilespmem:s21+$0x60]  }
0x23d: {  	v0 =	vadd.f32 v40, v0;
	v40 =	vmul.f32 v29, v46;
	[tilespmem:v48+s7+$0x0] =	vst.idx.add.f32.msk $0xffff, v37  }
0x23e: {  	v37 =	vadd.f32 v41, v39;
	v39 =	vperm.xlane v43, v5;
	v46 =	vmul.f32 v22, v49;
	v47 =	vld [tilespmem:s21+$0xFFFFFFE0]  }
.Ltmp12:
0x23f: {  	v48 =	vperm.xlane v0, v1;
	[tilespmem:v42+s7+$0x0] =	vst.idx.add.f32.msk $0xffff, v40;
	(pc) =	sbr.rel @p4 .LBB2_36-.Ltmp12, $4  }
0x240: {  	v41 =	vor.u32 v11, v28;
	v40 =	vperm.xlane v37, v4;
	v42 =	vadd.f32 v43, v39;
	v39 =	vld [tilespmem:s21+$0xFFFFFF60]  }
0x241: {  	v43 =	vadd.f32 v0, v48;
	[tilespmem:v44+s7+$0x0] =	vst.idx.add.f32.msk $0xffff, v46;
	v0 =	vmul.f32 v45, v26  }
0x242: {  	v45 =	vadd.f32 v37, v40;
	v42 =	vadd.f32 v42, v21;
	v40 =	vor.u32 v11, v30;
	v37 =	vld [tilespmem:s23+$0xA0]  }
0x243: {  	v44 =	vmul.f32 v47, v27;
	[tilespmem:v34+s7+$0x0] =	vst.idx.add.f32.msk $0xffff, v0  }
0x244: {  	s11 =	smov.u32 s21;
	s21 =	smov.u32 s23;
	v34 =	vmov v31  }
.LBB2_38:
0x245: {  	v0 =	vperm.xlane v43, v2;
	_ =	sdelay $0x1  }
0x246: {  	v0 =	vadd.f32 v43, v0;
	_ =	sdelay $0x1  }
0x247: {  	v31 =	vperm.xlane v0, v4;
	_ =	sdelay $0x1  }
0x248: {  	v60 =	vperm.xlane v45, v5;
	v0 =	vadd.f32 v0, v31;
	_ =	sdelay $0x1  }
0x249: {  	v61 =	vadd.f32 v45, v60;
	v63 =	vperm.xlane v0, v5  }
0x24a: {  	v42 =	vsub.f32 $0.0e+00, v42  }
0x24b: {  	v31 =	vadd.f32 v61, v21;
	v0 =	vadd.f32 v0, v63;
	_ =	sdelay $0x1  }
0x24c: {  	v42 =	vmul.f32 $1.442695020e+00, v42;
	v31 =	vsub.f32 $0.0e+00, v31;
	v0 =	vadd.f32 v0, v21;
	_ =	sdelay $0x1  }
0x24d: {  	(erf) = vpow2.f32 v42;
	v31 =	vmul.f32 $1.442695020e+00, v31;
	v0 =	vsub.f32 $0.0e+00, v0;
	_ =	sdelay $0x1  }
0x24e: {  	(erf) = vpow2.f32 v31;
	v0 =	vmul.f32 $1.442695020e+00, v0;
	_ =	sdelay $0x1  }
0x24f: {  	(erf) = vpow2.f32 v0;
	_ =	sdelay $0x2  }
0x250: {  	v0 =	vbroadcast v35, $0x0;
	_ =	sdelay $0x1  }
0x251: {  	v43 =	vbroadcast v38, $0x0;
	v45 =	vpop (erf)  }
0x252: {  	v35 =	vadd.f32 $1.000000000e+00, v45  }
0x253: {  	v46 =	vpop (erf)  }
0x254: {  	(erf) = vrcp.f32 v35;
	v38 =	vadd.f32 $1.000000000e+00, v46  }
0x255: {  	v0 =	vld.idx.msk [tilespmem:v0+s8+$0x0], $0xffff;
	v47 =	vpop (erf)  }
0x256: {  	(erf) = vrcp.f32 v38;
	v35 =	vadd.f32 $1.000000000e+00, v47  }
0x257: {  	v31 =	vld.idx.msk [tilespmem:v43+s8+$0x0], $0xffff  }
0x258: {  	(erf) = vrcp.f32 v35;
	_ =	sdelay $0x1  }
0x259: {  	v0 =	vshll.u32 v0, $0x7  }
0x25a: {  	v48 =	vor.u32 v3, v0  }
0x25b: {  	v31 =	vshll.u32 v31, $0x7  }
0x25c: {  	[tilespmem:v41+s7+$0x0] =	vst.idx.add.f32.msk @p3 $0xffff, v44;
	v39 =	vmul.f32 @p3 v39, v29;
	v49 =	vor.u32 v3, v31;
	v43 =	vpop (erf)  }
0x25d: {  	v33 =	vshll.u32 v33, $0x7;
	v41 =	vld @p3 [tilespmem:s11+$0xFFFFFFF0];
	v23 =	vmul.f32 v43, v23  }
0x25e: {  	v50 =	vor.u32 v3, v33;
	[tilespmem:v40+s7+$0x0] =	vst.idx.add.f32.msk @p3 $0xffff, v39;
	v44 =	vpop (erf)  }
0x25f: {  	v34 =	vmul.f32 v44, v34;
	[tilespmem:v48+s7+$0x0] =	vst.idx.add.f32.msk $0xffff, v23  }
0x260: {  	v23 =	vld [tilespmem:s21+$0x10];
	v35 =	vpop (erf)  }
0x261: {  	[tilespmem:v49+s7+$0x0] =	vst.idx.add.f32.msk $0xffff, v34;
	v32 =	vmul.f32 v35, v32  }
0x262: {  	v51 =	vor.u32 v6, v0;
	v42 =	vld [tilespmem:s21+$0xFFFFFF90]  }
0x263: {  	v37 =	vmul.f32 v22, v37;
	[tilespmem:v50+s7+$0x0] =	vst.idx.add.f32.msk $0xffff, v32  }
0x264: {  	v52 =	vor.u32 v6, v31;
	v32 =	vld [tilespmem:s21+$0xFFFFFF10]  }
0x265: {  	[tilespmem:v36+s7+$0x0] =	vst.idx.add.f32.msk $0xffff, v37;
	v23 =	vmul.f32 v43, v23  }
0x266: {  	v53 =	vor.u32 v6, v33;
	v36 =	vld [tilespmem:s21+$0xB0]  }
0x267: {  	[tilespmem:v51+s7+$0x0] =	vst.idx.add.f32.msk $0xffff, v23;
	v23 =	vmul.f32 v44, v42  }
0x268: {  	v57 =	vor.u32 v8, v24;
	v34 =	vld [tilespmem:s21+$0x20]  }
0x269: {  	[tilespmem:v52+s7+$0x0] =	vst.idx.add.f32.msk $0xffff, v23;
	v32 =	vmul.f32 v35, v32  }
0x26a: {  	v54 =	vor.u32 v7, v0;
	v23 =	vld [tilespmem:s21+$0xFFFFFFA0]  }
0x26b: {  	v36 =	vmul.f32 v22, v36;
	[tilespmem:v53+s7+$0x0] =	vst.idx.add.f32.msk $0xffff, v32  }
0x26c: {  	v55 =	vor.u32 v7, v31;
	v32 =	vld [tilespmem:s21+$0xFFFFFF20]  }
0x26d: {  	[tilespmem:v57+s7+$0x0] =	vst.idx.add.f32.msk $0xffff, v36;
	v34 =	vmul.f32 v43, v34  }
0x26e: {  	v56 =	vor.u32 v7, v33;
	v36 =	vld [tilespmem:s21+$0xC0]  }
0x26f: {  	v23 =	vmul.f32 v44, v23;
	[tilespmem:v54+s7+$0x0] =	vst.idx.add.f32.msk $0xffff, v34  }
0x270: {  	v42 =	vld [tilespmem:s21+$0x30]  }
0x271: {  	v63 =	vor.u32 v9, v24;
	[tilespmem:v55+s7+$0x0] =	vst.idx.add.f32.msk $0xffff, v23;
	v32 =	vmul.f32 v35, v32  }
0x272: {  	v58 =	vor.u32 v8, v0;
	v23 =	vld [tilespmem:s21+$0xFFFFFFB0]  }
0x273: {  	[tilespmem:v56+s7+$0x0] =	vst.idx.add.f32.msk $0xffff, v32  }
0x274: {  	v59 =	vor.u32 v8, v31;
	v36 =	vmul.f32 v22, v36;
	v37 =	vld [tilespmem:s21+$0xFFFFFF30]  }
0x275: {  	v39 =	vld @p3 [tilespmem:s11+$0xFFFFFF70];
	v60 =	vmul.f32 v43, v42  }
0x276: {  	v61 =	vor.u32 v8, v33;
	[tilespmem:v63+s7+$0x0] =	vst.idx.add.f32.msk $0xffff, v36  }
0x277: {  	v23 =	vmul.f32 v44, v23;
	[tilespmem:v58+s7+$0x0] =	vst.idx.add.f32.msk $0xffff, v60  }
0x278: {  	v40 =	vld [tilespmem:s21+$0x40]  }
0x279: {  	[tilespmem:v59+s7+$0x0] =	vst.idx.add.f32.msk $0xffff, v23;
	v37 =	vmul.f32 v35, v37  }
0x27a: {  	v45 =	vor.u32 v9, v0;
	v23 =	vld [tilespmem:s21+$0xFFFFFFC0]  }
0x27b: {  	[tilespmem:v61+s7+$0x0] =	vst.idx.add.f32.msk $0xffff, v37  }
0x27c: {  	v46 =	vor.u32 v9, v31;
	v42 =	vld [tilespmem:s21+$0xFFFFFF40]  }
0x27d: {  	v36 =	vld [tilespmem:s21+$0xD0];
	v47 =	vmul.f32 v43, v40  }
0x27e: {  	v38 =	vld @p3 [tilespmem:s11+$0x70];
	v48 =	vor.u32 v9, v33  }
0x27f: {  	[tilespmem:v45+s7+$0x0] =	vst.idx.add.f32.msk $0xffff, v47;
	v23 =	vmul.f32 v44, v23  }
0x280: {  	v49 =	vor.u32 v10, v24;
	v34 =	vld [tilespmem:s21+$0x50]  }
0x281: {  	[tilespmem:v46+s7+$0x0] =	vst.idx.add.f32.msk $0xffff, v23;
	v42 =	vmul.f32 v35, v42  }
0x282: {  	v23 =	vor.u32 v10, v0;
	v37 =	vld [tilespmem:s21+$0xFFFFFFD0]  }
0x283: {  	v36 =	vmul.f32 v22, v36;
	[tilespmem:v48+s7+$0x0] =	vst.idx.add.f32.msk $0xffff, v42  }
0x284: {  	v50 =	vor.u32 v10, v31;
	v40 =	vld [tilespmem:s21+$0xFFFFFF50]  }
0x285: {  	[tilespmem:v49+s7+$0x0] =	vst.idx.add.f32.msk $0xffff, v36;
	v51 =	vmul.f32 v43, v34  }
0x286: {  	v52 =	vld [tilespmem:s21+$0xE0];
	v53 =	vor.u32 v10, v33  }
0x287: {  	v37 =	vmul.f32 v44, v37;
	[tilespmem:v23+s7+$0x0] =	vst.idx.add.f32.msk $0xffff, v51  }
0x288: {  	v23 =	vor.u32 v11, v24;
	v32 =	vld [tilespmem:s21+$0x60]  }
0x289: {  	[tilespmem:v50+s7+$0x0] =	vst.idx.add.f32.msk $0xffff, v37;
	v40 =	vmul.f32 v35, v40  }
0x28a: {  	v54 =	vor.u32 v11, v0;
	v42 =	vld [tilespmem:s21+$0xFFFFFFE0]  }
0x28b: {  	v34 =	vmul.f32 v52, v22;
	[tilespmem:v53+s7+$0x0] =	vst.idx.add.f32.msk $0xffff, v40  }
0x28c: {  	v55 =	vor.u32 v11, v31;
	v36 =	vld [tilespmem:s21+$0xFFFFFF60]  }
0x28d: {  	[tilespmem:v23+s7+$0x0] =	vst.idx.add.f32.msk $0xffff, v34;
	v23 =	vmul.f32 v32, v43  }
0x28e: {  	v57 =	vor.u32 v11, v33;
	v56 =	vld [tilespmem:s21+$0xF0]  }
0x28f: {  	v42 =	vmul.f32 v42, v44;
	[tilespmem:v54+s7+$0x0] =	vst.idx.add.f32.msk $0xffff, v23  }
0x290: {  	v23 =	vor.u32 @p3 v12, v25;
	v58 =	vld [tilespmem:s21+$0x70]  }
0x291: {  	v28 =	vor.u32 @p3 v12, v28;
	[tilespmem:v55+s7+$0x0] =	vst.idx.add.f32.msk $0xffff, v42;
	v36 =	vmul.f32 v36, v35  }
0x292: {  	v30 =	vor.u32 @p3 v12, v30;
	v59 =	vld [tilespmem:s21+$0xFFFFFFF0]  }
0x293: {  	v26 =	vmul.f32 @p3 v38, v26;
	v60 =	vor.u32 v12, v24;
	[tilespmem:v57+s7+$0x0] =	vst.idx.add.f32.msk $0xffff, v36  }
0x294: {  	v27 =	vmul.f32 @p3 v41, v27;
	v0 =	vor.u32 v12, v0;
	v34 =	vld [tilespmem:s21+$0xFFFFFF70]  }
0x295: {  	v61 =	vor.u32 v12, v31;
	[tilespmem:v23+s7+$0x0] =	vst.idx.add.f32.msk @p3 $0xffff, v26;
	v23 =	vmul.f32 @p3 v39, v29  }
0x296: {  	[tilespmem:v28+s7+$0x0] =	vst.idx.add.f32.msk @p3 $0xffff, v27;
	v63 =	vor.u32 v12, v33;
	v22 =	vmul.f32 v56, v22  }
0x297: {  	[tilespmem:v30+s7+$0x0] =	vst.idx.add.f32.msk @p3 $0xffff, v23;
	v23 =	vmul.f32 v58, v43  }
0x298: {  	[tilespmem:v60+s7+$0x0] =	vst.idx.add.f32.msk $0xffff, v22;
	v22 =	vmul.f32 v59, v44  }
0x299: {  	[tilespmem:v0+s7+$0x0] =	vst.idx.add.f32.msk $0xffff, v23;
	v0 =	vmul.f32 v34, v35  }
0x29a: {  	[tilespmem:v61+s7+$0x0] =	vst.idx.add.f32.msk $0xffff, v22  }
0x29b: {  	[tilespmem:v63+s7+$0x0] =	vst.idx.add.f32.msk $0xffff, v0  }
.LBB2_39:
0x29c: {  	s3 =	sadd.s32 $0x2, s19  }
0x29d: {  	p3 =	slt.u32 s3, s18  }
0x29e: {  	s3 =	smul.u32 @p3 $0xD, s3;
	_ =	sdelay $0x1  }
0x29f: {  	s3 =	sadd.s32 @p3 s16, s3  }
0x2a0: {  	s3 =	sshll.u32 @p3 s3, $0x8  }
0x2a1: {  	s3 =	sand.u32 @p3 $0x1FFFFF00, s3  }
0x2a2: {  	s4 =	simm.s32 @p3 $0x0;
	s5 =	simm.s32 @p3 $0x10000;
	s3 =	sadd.s32 @p3 s1, s3  }
0x2a3: {  	[tilespmem:s5], [sflag:$0x1] =	stream.linear.gather @p3 [hbm4b:s3+s4], $0x6800, $0x38;
	[tilespmem:$0x1FC80] =	vst v63  }
.LBB2_40:
0x2a4: {  	s11 =	sor.u32 $0x1, s19  }
0x2a5: {  	p3 =	sge.u32 s11, s18  }
.Ltmp13:
0x2a6: {  	_ = 	snop;
	(pc) =	sbr.rel @p3 .LBB2_50-.Ltmp13, $1  }
0x2a7: {  	_ =	sdelay $0x3  }
0x2a8: {  	s3 =	smul.u32 $0xFFFFFFF3, s11;
	_ =	sdelay $0x1  }
0x2a9: {  	s11 =	sadd.s32 s17, s3  }
0x2aa: {  	p3 =	seq.s32 s11, $0x0  }
.Ltmp14:
0x2ab: {  	_ = 	snop;
	(pc) =	sbr.rel @p3 .LBB2_49-.Ltmp14, $4  }
0x2ac: {  	_ = 	snop  }
0x2ad: {  	_ =	swait.ge [sflag:s20], $0x6800  }
0x2ae: {  	[sflag:s20] =	ssyncset.done $0x0  }
0x2af: {  	[sflag:s20] =	ssyncadd.s32 $0xFFFF9800  }
0x2b0: {  	p3 =	slt.s32 s11, $0xD  }
0x2b1: {  	s11 =	simm.s32 @!p3 $0xD  }
0x2b2: {  	s21 =	sshll.u32 s11, $0x4;
	s11 =	simm.s32 $0x16900  }
0x2b3: {  	v0 =	vld [tilespmem:s11+$0x80]  }
0x2b4: {  	v22 =	vld [tilespmem:s11+$0xE0]  }
0x2b5: {  	v23 =	vld [tilespmem:s11+$0xD0]  }
0x2b6: {  	v24 =	vld [tilespmem:s11+$0xC0]  }
0x2b7: {  	v25 =	vld [tilespmem:s11+$0xB0]  }
0x2b8: {  	v26 =	vld [tilespmem:s11+$0xA0]  }
0x2b9: {  	v27 =	vld [tilespmem:s11+$0x90]  }
0x2ba: {  	v28 =	vld [tilespmem:s11+$0xF0];
	_ =	sdelay $0x1  }
0x2bb: {  	v22 =	vmul.f32 v22, v19;
	v23 =	vmul.f32 v23, v18  }
0x2bc: {  	v24 =	vmul.f32 v24, v17;
	v25 =	vmul.f32 v25, v16  }
0x2bd: {  	v26 =	vmul.f32 v26, v15;
	v27 =	vmul.f32 v27, v14  }
0x2be: {  	v28 =	vmul.f32 v28, v20;
	v29 =	vmul.f32 v0, v13  }
0x2bf: {  	v23 =	vadd.f32 v23, v24;
	v24 =	vadd.f32 v25, v26  }
0x2c0: {  	v25 =	vadd.f32 v27, v29;
	v22 =	vadd.f32 v28, v22;
	_ =	sdelay $0x1  }
0x2c1: {  	v24 =	vadd.f32 v24, v25;
	v22 =	vadd.f32 v22, v23;
	_ =	sdelay $0x1  }
0x2c2: {  	v22 =	vadd.f32 v22, v24;
	_ =	sdelay $0x1  }
0x2c3: {  	v23 =	vperm.xlane v22, v1;
	_ =	sdelay $0x1  }
0x2c4: {  	v22 =	vadd.f32 v22, v23;
	_ =	sdelay $0x1  }
0x2c5: {  	v23 =	vperm.xlane v22, v2;
	_ =	sdelay $0x1  }
0x2c6: {  	v22 =	vadd.f32 v22, v23;
	_ =	sdelay $0x1  }
0x2c7: {  	v23 =	vperm.xlane v22, v4;
	_ =	sdelay $0x1  }
0x2c8: {  	v22 =	vadd.f32 v22, v23;
	_ =	sdelay $0x1  }
0x2c9: {  	v23 =	vperm.xlane v22, v5  }
0x2ca: {  	v30 =	vld [tilespmem:s11+$0x40]  }
0x2cb: {  	v31 =	vld [tilespmem:s11+$0x50];
	v22 =	vadd.f32 v22, v23  }
0x2cc: {  	v32 =	vld [tilespmem:s11+$0xFFFFFFB0]  }
0x2cd: {  	v33 =	vld [tilespmem:s11+$0xFFFFFFD0];
	v22 =	vadd.f32 v22, v21  }
0x2ce: {  	v26 =	vld [tilespmem:s11+$0x30]  }
0x2cf: {  	v28 =	vld [tilespmem:s11+$0x70];
	v22 =	vsub.f32 $0.0e+00, v22  }
0x2d0: {  	v29 =	vld [tilespmem:s11+$0x60]  }
0x2d1: {  	v27 =	vld [tilespmem:s11+$0x20];
	v22 =	vmul.f32 $1.442695020e+00, v22  }
0x2d2: {  	v24 =	vld [tilespmem:s11+$0x0]  }
0x2d3: {  	(erf) = vpow2.f32 v22;
	v22 =	vld [tilespmem:s11+$0x10]  }
0x2d4: {  	v35 =	vld [tilespmem:s11+$0xFFFFFFE0]  }
0x2d5: {  	v36 =	vld [tilespmem:s11+$0xFFFFFFF0];
	v28 =	vmul.f32 v28, v20;
	v29 =	vmul.f32 v29, v19  }
0x2d6: {  	v38 =	vld [tilespmem:s11+$0xFFFFFFA0];
	v31 =	vmul.f32 v31, v18;
	v30 =	vmul.f32 v30, v17  }
0x2d7: {  	v49 =	vld [tilespmem:s11+$0xFFFFFF40];
	v27 =	vmul.f32 v27, v15;
	v26 =	vmul.f32 v26, v16;
	v28 =	vadd.f32 v28, v29  }
0x2d8: {  	s22 =	sadd.s32 $0x0, s29;
	v50 =	vld [tilespmem:s11+$0xFFFFFF70];
	v29 =	vadd.f32 v31, v30;
	v37 =	vmul.f32 v24, v13;
	v22 =	vmul.f32 v22, v14  }
0x2d9: {  	s3 =	sadd.s32 $0xD3, s22;
	v23 =	vld [tilespmem:s11+$0xFFFFFFC0]  }
0x2da: {  	v34 =	vmov s3;
	v30 =	vld [tilespmem:s11+$0xFFFFFF90];
	v27 =	vadd.f32 v26, v27;
	v22 =	vadd.f32 v22, v37  }
0x2db: {  	v48 =	vmul.f32 v35, v19;
	v26 =	vld [tilespmem:s11+$0xFFFFFF80]  }
0x2dc: {  	v39 =	vld [tilespmem:s11+$0xFFFFFF60];
	v33 =	vmul.f32 v33, v18;
	v28 =	vadd.f32 v28, v29;
	v29 =	vpop (erf);
	v22 =	vadd.f32 v27, v22  }
0x2dd: {  	v52 =	vld [tilespmem:s11+$0xFFFFFF10];
	v36 =	vmul.f32 v36, v20;
	v32 =	vmul.f32 v32, v16;
	v29 =	vadd.f32 $1.000000000e+00, v29  }
0x2de: {  	v38 =	vmul.f32 v38, v15;
	v25 =	vld [tilespmem:s11+$0xFFFFFF50];
	v23 =	vmul.f32 v23, v17;
	v22 =	vadd.f32 v28, v22  }
0x2df: {  	v31 =	vld.idx.msk [tilespmem:v34+s8+$0x0], $0xffff;
	v28 =	vmul.f32 v30, v14;
	(erf) = vrcp.f32 v29  }
0x2e0: {  	v32 =	vadd.f32 v32, v38;
	v27 =	vld [tilespmem:s11+$0xFFFFFF30];
	v29 =	vmul.f32 v26, v13;
	v51 =	vperm.xlane v22, v1  }
0x2e1: {  	v35 =	vmul.f32 v49, v17;
	v34 =	vadd.f32 v36, v48;
	v23 =	vadd.f32 v33, v23;
	v30 =	vld [tilespmem:s11+$0xFFFFFF20]  }
0x2e2: {  	v53 =	vmul.f32 v50, v20;
	v29 =	vadd.f32 v28, v29;
	v28 =	vld [tilespmem:s11+$0xFFFFFF00];
	v22 =	vadd.f32 v22, v51  }
0x2e3: {  	v55 =	vmul.f32 v52, v14;
	v25 =	vmul.f32 v25, v18  }
0x2e4: {  	v23 =	vadd.f32 v34, v23;
	v32 =	vadd.f32 v32, v29;
	v54 =	vperm.xlane v22, v2  }
0x2e5: {  	v25 =	vadd.f32 v25, v35;
	v27 =	vmul.f32 v27, v16;
	v29 =	vshll.u32 v31, $0x7  }
0x2e6: {  	v30 =	vmul.f32 v30, v15;
	v23 =	vadd.f32 v23, v32;
	v34 =	vadd.f32 v22, v54  }
0x2e7: {  	v31 =	vmul.f32 v39, v19;
	v56 =	vor.u32 v3, v29;
	v57 =	vmul.f32 v28, v13  }
0x2e8: {  	v27 =	vadd.f32 v27, v30;
	v58 =	vperm.xlane v23, v1;
	v30 =	vperm.xlane v34, v4  }
0x2e9: {  	v31 =	vadd.f32 v53, v31;
	v22 =	vpop (erf);
	v32 =	vadd.f32 v55, v57  }
0x2ea: {  	v23 =	vadd.f32 v23, v58;
	v0 =	vmul.f32 v22, v0;
	v30 =	vadd.f32 v34, v30  }
0x2eb: {  	v25 =	vadd.f32 v31, v25;
	v27 =	vadd.f32 v27, v32  }
0x2ec: {  	v31 =	vperm.xlane v23, v2;
	[tilespmem:v56+s7+$0x0] =	vst.idx.add.f32.msk $0xffff, v0;
	v0 =	vperm.xlane v30, v5  }
0x2ed: {  	s31 =	sadd.s32 $0xD1, s22;
	v59 =	vld [tilespmem:s11+$0x90];
	v25 =	vadd.f32 v25, v27  }
0x2ee: {  	s23 =	sadd.s32 $0xD0, s22;
	v61 =	vmov s31;
	v23 =	vadd.f32 v23, v31;
	v0 =	vadd.f32 v30, v0  }
0x2ef: {  	p4 =	sgt.u32 s21, $0x4;
	v27 =	vmov s23;
	v30 =	vor.u32 v6, v29;
	v31 =	vperm.xlane v25, v1  }
.Ltmp15:
0x2f0: {  	v27 =	vand.u32 $0xFFFFFFFC, v27;
	v60 =	vperm.xlane v23, v4;
	v0 =	vadd.f32 v0, v21;
	(pc) =	sbr.rel @!p4 .LBB2_43-.Ltmp15, $4  }
0x2f1: {  	v39 =	vbroadcast v27, $0x0;
	v44 =	vadd.f32 v25, v31;
	v25 =	vand.u32 $0xFFFFFFFD, v61  }
0x2f2: {  	s4 =	sadd.s32 $0xD2, s22;
	v42 =	vadd.f32 v23, v60;
	v23 =	vmul.f32 v22, v59;
	v0 =	vsub.f32 $0.0e+00, v0  }
0x2f3: {  	v63 =	vmov s4;
	v41 =	vbroadcast v25, $0x0;
	v46 =	vperm.xlane v44, v2  }
0x2f4: {  	p3 =	por $0x0, $0x0;
	v31 =	vand.u32 $0xFFFFFFFE, v63;
	v45 =	vperm.xlane v42, v5;
	[tilespmem:v30+s7+$0x0] =	vst.idx.add.f32.msk $0xffff, v23;
	v43 =	vmul.f32 $1.442695020e+00, v0  }
0x2f5: {  	_ = 	snop  }
0x2f6: {  	v23 =	vld [tilespmem:s11+$0xA0];
	(erf) = vpow2.f32 v43  }
0x2f7: {  	v0 =	vadd.f32 v44, v46  }
0x2f8: {  	v30 =	vor.u32 v7, v29;
	v31 =	vbroadcast v31, $0x0  }
0x2f9: {  	v25 =	vadd.f32 v42, v45;
	v27 =	vperm.xlane v0, v4  }
0x2fa: {  	v34 =	vld.idx.msk [tilespmem:v41+s8+$0x0], $0xffff;
	s22 =	simm.s32 $0x16B00  }
0x2fb: {  	v35 =	vld [tilespmem:s22+$0xFFFFFF50];
	v25 =	vadd.f32 v25, v21;
	v0 =	vadd.f32 v0, v27;
	v23 =	vmul.f32 v22, v23  }
0x2fc: {  	v37 =	vld [tilespmem:s22+$0xFFFFFFC0]  }
0x2fd: {  	v25 =	vsub.f32 $0.0e+00, v25;
	v33 =	vperm.xlane v0, v5;
	[tilespmem:v30+s7+$0x0] =	vst.idx.add.f32.msk $0xffff, v23  }
0x2fe: {  	v30 =	vld.idx.msk [tilespmem:v31+s8+$0x0], $0xffff  }
0x2ff: {  	v23 =	vmul.f32 $1.442695020e+00, v25;
	v0 =	vadd.f32 v0, v33;
	v25 =	vld [tilespmem:s11+$0xB0];
	v31 =	vpop (erf)  }
0x300: {  	v38 =	vld [tilespmem:s22+$0xF0];
	v31 =	vadd.f32 $1.000000000e+00, v31  }
0x301: {  	v40 =	vld [tilespmem:s22+$0xC0];
	(erf) = vpow2.f32 v23;
	v23 =	vor.u32 v8, v29;
	v0 =	vadd.f32 v0, v21  }
0x302: {  	s23 =	sadd.s32 $0x4, s29;
	v54 =	vld [tilespmem:s22+$0xB0];
	(erf) = vrcp.f32 v31  }
0x303: {  	s3 =	sadd.s32 $0xD3, s23;
	v56 =	vld [tilespmem:s22+$0xA0];
	v0 =	vsub.f32 $0.0e+00, v0  }
0x304: {  	v63 =	vld [tilespmem:s22+$0xFFFFFF40];
	v32 =	vmov s3;
	v25 =	vmul.f32 v22, v25  }
0x305: {  	v42 =	vld [tilespmem:s22+$0xFFFFFFB0];
	v0 =	vmul.f32 $1.442695020e+00, v0  }
0x306: {  	[tilespmem:v23+s7+$0x0] =	vst.idx.add.f32.msk $0xffff, v25  }
0x307: {  	v23 =	vld [tilespmem:s11+$0xC0];
	(erf) = vpow2.f32 v0  }
0x308: {  	v41 =	vld [tilespmem:s22+$0xFFFFFFD0]  }
0x309: {  	v53 =	vor.u32 v9, v29;
	v36 =	vld.idx.msk [tilespmem:v32+s8+$0x0], $0xffff  }
0x30a: {  	v31 =	vshll.u32 v30, $0x7;
	v25 =	vld [tilespmem:s22+$0xD0];
	v30 =	vpop (erf)  }
0x30b: {  	v33 =	vld [tilespmem:s22+$0x80];
	v55 =	vor.u32 v3, v31;
	v30 =	vadd.f32 $1.000000000e+00, v30;
	v32 =	vpop (erf)  }
0x30c: {  	v0 =	vld [tilespmem:s22+$0xE0];
	v23 =	vmul.f32 v22, v23;
	v24 =	vmul.f32 v32, v24  }
0x30d: {  	(erf) = vrcp.f32 v30;
	v30 =	vld [tilespmem:s22+$0x90]  }
0x30e: {  	[tilespmem:v53+s7+$0x0] =	vst.idx.add.f32.msk $0xffff, v23  }
0x30f: {  	v59 =	vor.u32 v10, v29;
	v23 =	vmul.f32 v25, v18;
	v25 =	vld [tilespmem:s11+$0xD0]  }
0x310: {  	v57 =	vmul.f32 v40, v17;
	v58 =	vmul.f32 v54, v16;
	[tilespmem:v55+s7+$0x0] =	vst.idx.add.f32.msk $0xffff, v24;
	v24 =	vpop (erf)  }
0x311: {  	v43 =	vld [tilespmem:s22+$0xFFFFFFF0];
	v0 =	vmul.f32 v0, v19;
	v55 =	vmul.f32 v33, v13;
	v24 =	vadd.f32 $1.000000000e+00, v24  }
0x312: {  	v44 =	vld [tilespmem:s22+$0x20];
	v62 =	vadd.f32 v23, v57;
	v23 =	vmul.f32 v30, v14;
	v30 =	vmul.f32 v38, v20  }
0x313: {  	v46 =	vshll.u32 v34, $0x7;
	v60 =	vmul.f32 v56, v15;
	v61 =	vld [tilespmem:s11+$0x10];
	(erf) = vrcp.f32 v24  }
0x314: {  	v27 =	vld.idx.msk [tilespmem:v39+s8+$0x0], $0xffff;
	v56 =	vor.u32 v3, v46;
	v34 =	vadd.f32 v23, v55;
	v0 =	vadd.f32 v30, v0  }
0x315: {  	v50 =	vld [tilespmem:s22+$0x40];
	v30 =	vor.u32 v6, v31;
	v25 =	vmul.f32 v22, v25;
	v24 =	vadd.f32 v58, v60  }
0x316: {  	v52 =	vld [tilespmem:s22+$0xFFFFFFE0];
	v23 =	vpop (erf);
	v0 =	vadd.f32 v0, v62  }
0x317: {  	[tilespmem:v59+s7+$0x0] =	vst.idx.add.f32.msk $0xffff, v25;
	v25 =	vmul.f32 v23, v26;
	v24 =	vadd.f32 v24, v34  }
0x318: {  	v39 =	vld [tilespmem:s22+$0xFFFFFF30];
	v26 =	vmul.f32 v32, v61  }
0x319: {  	v34 =	vshll.u32 v27, $0x7;
	[tilespmem:v56+s7+$0x0] =	vst.idx.add.f32.msk $0xffff, v25;
	v0 =	vadd.f32 v0, v24  }
0x31a: {  	[tilespmem:v30+s7+$0x0] =	vst.idx.add.f32.msk $0xffff, v26;
	v24 =	vor.u32 v3, v34  }
0x31b: {  	v26 =	vld [tilespmem:s11+$0x20];
	v25 =	vperm.xlane v0, v1  }
0x31c: {  	v40 =	vld [tilespmem:s22+$0x30];
	v27 =	vpop (erf)  }
0x31d: {  	v30 =	vld [tilespmem:s11+$0xFFFFFF90];
	v0 =	vadd.f32 v0, v25;
	v25 =	vmul.f32 v27, v28;
	v28 =	vor.u32 v7, v31  }
0x31e: {  	v38 =	vld [tilespmem:s22+$0xFFFFFF20]  }
0x31f: {  	v47 =	vor.u32 v6, v46;
	v48 =	vperm.xlane v0, v2;
	[tilespmem:v24+s7+$0x0] =	vst.idx.add.f32.msk $0xffff, v25  }
0x320: {  	v25 =	vmul.f32 v32, v26;
	v24 =	vld [tilespmem:s11+$0xFFFFFF10]  }
0x321: {  	v60 =	vld [tilespmem:s22+$0x50];
	v0 =	vadd.f32 v0, v48  }
0x322: {  	v57 =	vor.u32 v6, v34;
	v30 =	vmul.f32 v23, v30;
	[tilespmem:v28+s7+$0x0] =	vst.idx.add.f32.msk $0xffff, v25  }
0x323: {  	v28 =	vperm.xlane v0, v4;
	v25 =	vld [tilespmem:s11+$0x30]  }
0x324: {  	[tilespmem:v47+s7+$0x0] =	vst.idx.add.f32.msk $0xffff, v30  }
0x325: {  	v58 =	vor.u32 v8, v31;
	v26 =	vld [tilespmem:s22+$0x70];
	v0 =	vadd.f32 v0, v28;
	v24 =	vmul.f32 v27, v24  }
0x326: {  	v30 =	vld [tilespmem:s11+$0xFFFFFFA0]  }
0x327: {  	v59 =	vperm.xlane v0, v5;
	[tilespmem:v57+s7+$0x0] =	vst.idx.add.f32.msk $0xffff, v24  }
0x328: {  	v24 =	vor.u32 v7, v46;
	v49 =	vld [tilespmem:s11+$0xFFFFFF20];
	v25 =	vmul.f32 v32, v25  }
0x329: {  	v28 =	vld [tilespmem:s22+$0x60];
	v0 =	vadd.f32 v0, v59  }
0x32a: {  	v51 =	vor.u32 v7, v34;
	[tilespmem:v58+s7+$0x0] =	vst.idx.add.f32.msk $0xffff, v25  }
0x32b: {  	v30 =	vmul.f32 v23, v30;
	v0 =	vadd.f32 v0, v21;
	v47 =	vld [tilespmem:s11+$0x40]  }
0x32c: {  	v57 =	vld [tilespmem:s22+$0xFFFFFFA0]  }
0x32d: {  	[tilespmem:v24+s7+$0x0] =	vst.idx.add.f32.msk $0xffff, v30;
	v0 =	vsub.f32 $0.0e+00, v0;
	v30 =	vor.u32 v9, v31;
	v25 =	vmul.f32 v27, v49  }
0x32e: {  	v45 =	vmul.f32 v63, v17;
	v44 =	vmul.f32 v44, v15;
	v24 =	vld [tilespmem:s11+$0xFFFFFFB0]  }
0x32f: {  	v52 =	vmul.f32 v52, v19;
	v0 =	vmul.f32 $1.442695020e+00, v0;
	[tilespmem:v51+s7+$0x0] =	vst.idx.add.f32.msk $0xffff, v25  }
0x330: {  	v61 =	vor.u32 v8, v46;
	v26 =	vmul.f32 v26, v20;
	v51 =	vld [tilespmem:s11+$0xFFFFFF30];
	v47 =	vmul.f32 v32, v47  }
0x331: {  	v54 =	vor.u32 v10, v46;
	v28 =	vmul.f32 v28, v19;
	(erf) = vpow2.f32 v0;
	v0 =	vld [tilespmem:s22+$0x10]  }
0x332: {  	v41 =	vmul.f32 v41, v18;
	v62 =	vmul.f32 v60, v18;
	[tilespmem:v30+s7+$0x0] =	vst.idx.add.f32.msk $0xffff, v47  }
0x333: {  	v48 =	vor.u32 v11, v29;
	v26 =	vadd.f32 v26, v28;
	v53 =	vmul.f32 v23, v24;
	v24 =	vld [tilespmem:s22+$0x0]  }
0x334: {  	v28 =	vor.u32 v8, v34;
	v30 =	vor.u32 v12, v29;
	v29 =	vmul.f32 v50, v17;
	v55 =	vld [tilespmem:s11+$0x50]  }
0x335: {  	v37 =	vmul.f32 v37, v17;
	v43 =	vmul.f32 v43, v20;
	[tilespmem:v61+s7+$0x0] =	vst.idx.add.f32.msk $0xffff, v53  }
0x336: {  	v42 =	vmul.f32 v42, v16;
	v40 =	vmul.f32 v40, v16;
	v29 =	vadd.f32 v62, v29;
	v53 =	vld [tilespmem:s11+$0xFFFFFFC0]  }
0x337: {  	v35 =	vmul.f32 v35, v18;
	v59 =	vld [tilespmem:s22+$0xFFFFFF90];
	v61 =	vor.u32 v10, v31;
	v63 =	vmul.f32 v27, v51  }
0x338: {  	v40 =	vadd.f32 v40, v44;
	v44 =	vor.u32 v9, v46;
	v56 =	vadd.f32 v26, v29;
	v26 =	vld [tilespmem:s22+$0xFFFFFF80]  }
0x339: {  	v0 =	vmul.f32 v0, v14;
	[tilespmem:v28+s7+$0x0] =	vst.idx.add.f32.msk $0xffff, v63;
	v28 =	vmul.f32 v24, v13  }
0x33a: {  	v37 =	vadd.f32 v41, v37;
	v43 =	vadd.f32 v43, v52;
	v29 =	vld [tilespmem:s11+$0xFFFFFF40];
	v55 =	vmul.f32 v32, v55;
	v58 =	vpop (erf)  }
0x33b: {  	v0 =	vadd.f32 v0, v28;
	v28 =	vmul.f32 v23, v53;
	v53 =	vadd.f32 $1.000000000e+00, v58;
	v58 =	vld [tilespmem:s22+$0xFFFFFF70]  }
0x33c: {  	v35 =	vadd.f32 v35, v45;
	v47 =	vor.u32 v9, v34;
	[tilespmem:v61+s7+$0x0] =	vst.idx.add.f32.msk $0xffff, v55  }
0x33d: {  	v39 =	vmul.f32 v39, v16;
	v38 =	vmul.f32 v38, v15;
	v0 =	vadd.f32 v40, v0;
	v40 =	vld [tilespmem:s22+$0xFFFFFF60]  }
0x33e: {  	v62 =	vmul.f32 v26, v13;
	[tilespmem:v44+s7+$0x0] =	vst.idx.add.f32.msk $0xffff, v28;
	v28 =	vmul.f32 v59, v14  }
0x33f: {  	v37 =	vadd.f32 v43, v37;
	v57 =	vmul.f32 v57, v15;
	v60 =	vmul.f32 v27, v29;
	v44 =	vld [tilespmem:s11+$0xFFFFFFD0]  }
0x340: {  	(erf) = vrcp.f32 v53;
	v0 =	vadd.f32 v56, v0;
	v41 =	vadd.f32 v28, v62;
	v62 =	vld [tilespmem:s11+$0xE0]  }
0x341: {  	v49 =	vor.u32 v10, v34;
	v25 =	vor.u32 v12, v46;
	[tilespmem:v47+s7+$0x0] =	vst.idx.add.f32.msk $0xffff, v60  }
0x342: {  	v29 =	vshll.u32 v36, $0x7;
	v36 =	vadd.f32 v42, v57;
	v63 =	vperm.xlane v0, v1;
	v57 =	vld [tilespmem:s11+$0xFFFFFF50]  }
0x343: {  	v50 =	vor.u32 v11, v46;
	v46 =	vor.u32 v11, v31;
	v51 =	vor.u32 v11, v34;
	v28 =	vld [tilespmem:s22+$0xFFFFFF00]  }
0x344: {  	v56 =	vmul.f32 v58, v20;
	v58 =	vld [tilespmem:s22+$0xFFFFFF10];
	v40 =	vmul.f32 v40, v19;
	v0 =	vadd.f32 v0, v63  }
0x345: {  	v42 =	vor.u32 v3, v29;
	v36 =	vadd.f32 v36, v41;
	v60 =	vmul.f32 v23, v44  }
0x346: {  	v41 =	vadd.f32 v56, v40;
	v44 =	vld [tilespmem:s11+$0x60];
	v59 =	vperm.xlane v0, v2;
	v62 =	vmul.f32 v62, v22  }
0x347: {  	v36 =	vadd.f32 v37, v36;
	[tilespmem:v54+s7+$0x0] =	vst.idx.add.f32.msk $0xffff, v60;
	v61 =	vmul.f32 v27, v57  }
0x348: {  	v56 =	vmul.f32 v28, v13;
	v0 =	vadd.f32 v0, v59;
	[tilespmem:v48+s7+$0x0] =	vst.idx.add.f32.msk $0xffff, v62  }
0x349: {  	v63 =	vmul.f32 v58, v14;
	v40 =	vpop (erf);
	v57 =	vperm.xlane v36, v1;
	[tilespmem:v49+s7+$0x0] =	vst.idx.add.f32.msk $0xffff, v61  }
0x34a: {  	v58 =	vadd.f32 v39, v38;
	v33 =	vmul.f32 v40, v33;
	v59 =	vperm.xlane v0, v4;
	v61 =	vld [tilespmem:s11+$0xFFFFFFE0]  }
0x34b: {  	v34 =	vor.u32 v12, v34;
	v43 =	vadd.f32 v63, v56;
	v36 =	vadd.f32 v36, v57;
	v60 =	vld [tilespmem:s11+$0xFFFFFF60]  }
0x34c: {  	v44 =	vmul.f32 v44, v32;
	[tilespmem:v42+s7+$0x0] =	vst.idx.add.f32.msk $0xffff, v33;
	v0 =	vadd.f32 v0, v59  }
0x34d: {  	s4 =	sadd.s32 $0xD0, s23;
	v35 =	vadd.f32 v41, v35;
	v37 =	vadd.f32 v58, v43;
	v63 =	vperm.xlane v36, v2;
	v52 =	vld [tilespmem:s22+$0x90]  }
0x34e: {  	v55 =	vor.u32 v6, v29;
	v49 =	vmov s4;
	[tilespmem:v46+s7+$0x0] =	vst.idx.add.f32.msk $0xffff, v44;
	v54 =	vperm.xlane v0, v5  }
0x34f: {  	v35 =	vadd.f32 v35, v37;
	v57 =	vld [tilespmem:s11+$0x70];
	v36 =	vadd.f32 v36, v63;
	v63 =	vand.u32 $0xFFFFFFFC, v49  }
0x350: {  	s5 =	sadd.s32 $0xD1, s23;
	v59 =	vmul.f32 v61, v23;
	v56 =	vmul.f32 v60, v27;
	v0 =	vadd.f32 v0, v54  }
0x351: {  	p4 =	sgt.u32 s21, $0x8;
	v53 =	vmov s5;
	v37 =	vld [tilespmem:s11+$0xF0];
	v61 =	vperm.xlane v35, v1;
	v39 =	vbroadcast v63, $0x0  }
.Ltmp16:
0x352: {  	v60 =	vand.u32 $0xFFFFFFFD, v53;
	v62 =	vperm.xlane v36, v4;
	[tilespmem:v51+s7+$0x0] =	vst.idx.add.f32.msk $0xffff, v56;
	v0 =	vadd.f32 v0, v21;
	(pc) =	sbr.rel @!p4 .LBB2_45-.Ltmp16, $4  }
0x353: {  	v41 =	vmul.f32 v40, v52;
	v44 =	vadd.f32 v35, v61;
	v35 =	vor.u32 v12, v31;
	v33 =	vld [tilespmem:s11+$0xFFFFFF70]  }
0x354: {  	s23 =	sadd.s32 $0xD2, s23;
	[tilespmem:v50+s7+$0x0] =	vst.idx.add.f32.msk $0xffff, v59;
	v42 =	vadd.f32 v36, v62;
	v36 =	vmul.f32 v57, v32;
	v0 =	vsub.f32 $0.0e+00, v0  }
0x355: {  	v58 =	vmov s23;
	[tilespmem:v55+s7+$0x0] =	vst.idx.add.f32.msk $0xffff, v41;
	v46 =	vperm.xlane v44, v2;
	v41 =	vbroadcast v60, $0x0  }
0x356: {  	s31 =	simm.s32 $0x8;
	p3 =	por $0x1, $0x1;
	s23 =	simm.s32 $0x16B00;
	v31 =	vand.u32 $0xFFFFFFFE, v58;
	v32 =	vld [tilespmem:s11+$0xFFFFFFF0];
	v45 =	vperm.xlane v42, v5;
	v43 =	vmul.f32 $1.442695020e+00, v0  }
.LBB2_46:
0x357: {  	v0 =	vadd.f32 v44, v46;
	v38 =	vld [tilespmem:s22+$0xA0];
	v37 =	vmul.f32 v37, v22;
	v22 =	vmov v40;
	s3 =	smov.u32 s31;
	s31 =	sadd.s32 $0x4, s31  }
0x358: {  	v40 =	vadd.f32 v42, v45;
	p4 =	slt.u32 s31, s21;
	(erf) = vpow2.f32 v43;
	v27 =	vmul.f32 v33, v27;
	[tilespmem:v35+s7+$0x0] =	vst.idx.add.f32.msk $0xffff, v36  }
0x359: {  	v35 =	vor.u32 v7, v29;
	v33 =	vperm.xlane v0, v4;
	[tilespmem:v30+s7+$0x0] =	vst.idx.add.f32.msk $0xffff, v37  }
0x35a: {  	v36 =	vbroadcast v31, $0x0;
	v30 =	vadd.f32 v40, v21;
	[tilespmem:v34+s7+$0x0] =	vst.idx.add.f32.msk $0xffff, v27  }
0x35b: {  	s3 =	sadd.s32 s3, s29;
	v27 =	vld.idx.msk [tilespmem:v39+s8+$0x0], $0xffff;
	v0 =	vadd.f32 v0, v33;
	v23 =	vmul.f32 v32, v23  }
0x35c: {  	s4 =	sadd.s32 $0xD0, s3;
	s5 =	sadd.s32 $0xD1, s3;
	s11 =	sadd.s32 $0xD3, s3;
	v30 =	vsub.f32 $0.0e+00, v30;
	v40 =	vld.idx.msk [tilespmem:v41+s8+$0x0], $0xffff;
	v31 =	vmul.f32 v22, v38  }
0x35d: {  	s3 =	sadd.s32 $0xD2, s3;
	v37 =	vmov s11;
	v33 =	vmov s4;
	v34 =	vperm.xlane v0, v5;
	[tilespmem:v25+s7+$0x0] =	vst.idx.add.f32.msk $0xffff, v23  }
0x35e: {  	v23 =	vmov s5;
	v25 =	vmov s3;
	v39 =	vmul.f32 $1.442695020e+00, v30;
	[tilespmem:v35+s7+$0x0] =	vst.idx.add.f32.msk $0xffff, v31  }
0x35f: {  	v32 =	vand.u32 $0xFFFFFFFD, v23;
	v31 =	vand.u32 $0xFFFFFFFE, v25;
	v0 =	vadd.f32 v0, v34;
	v23 =	vld [tilespmem:s22+$0xB0]  }
0x360: {  	s22 =	sadd.s32 $0x200, s22;
	v25 =	vld.idx.msk [tilespmem:v36+s8+$0x0], $0xffff;
	(erf) = vpow2.f32 v39  }
0x361: {  	v34 =	vshll.u32 v27, $0x7;
	v27 =	vor.u32 v8, v29;
	v38 =	vld [tilespmem:s22+$0xFFFFFF50];
	v0 =	vadd.f32 v0, v21;
	v30 =	vpop (erf)  }
0x362: {  	v36 =	vld.idx.msk [tilespmem:v37+s8+$0x0], $0xffff;
	v30 =	vadd.f32 $1.000000000e+00, v30  }
0x363: {  	v39 =	vld [tilespmem:s22+$0xFFFFFFC0];
	v0 =	vsub.f32 $0.0e+00, v0  }
0x364: {  	v37 =	vld [tilespmem:s22+$0x80];
	v23 =	vmul.f32 v22, v23;
	(erf) = vrcp.f32 v30  }
0x365: {  	v30 =	vld [tilespmem:s22+$0xF0];
	v0 =	vmul.f32 $1.442695020e+00, v0  }
0x366: {  	v35 =	vshll.u32 v25, $0x7;
	[tilespmem:v27+s7+$0x0] =	vst.idx.add.f32.msk $0xffff, v23  }
0x367: {  	v23 =	vld [tilespmem:s23+$0xC0];
	(erf) = vpow2.f32 v0  }
0x368: {  	v43 =	vshll.u32 v36, $0x7;
	v0 =	vld [tilespmem:s22+$0xE0]  }
0x369: {  	v27 =	vor.u32 v9, v29;
	v25 =	vld [tilespmem:s22+$0xD0];
	v36 =	vpop (erf)  }
0x36a: {  	v41 =	vld [tilespmem:s22+$0xC0];
	v47 =	vadd.f32 $1.000000000e+00, v36  }
0x36b: {  	v44 =	vor.u32 v3, v35;
	v42 =	vld [tilespmem:s22+$0xB0]  }
0x36c: {  	v45 =	vld [tilespmem:s22+$0xA0];
	v23 =	vmul.f32 v22, v23;
	(erf) = vrcp.f32 v47  }
0x36d: {  	v46 =	vld [tilespmem:s22+$0x90];
	v0 =	vmul.f32 v0, v19;
	v36 =	vpop (erf)  }
0x36e: {  	v25 =	vmul.f32 v25, v18;
	v24 =	vmul.f32 v36, v24;
	[tilespmem:v27+s7+$0x0] =	vst.idx.add.f32.msk $0xffff, v23  }
0x36f: {  	v23 =	vmul.f32 v41, v17;
	v27 =	vld [tilespmem:s23+$0xD0]  }
0x370: {  	v42 =	vmul.f32 v42, v16;
	[tilespmem:v44+s7+$0x0] =	vst.idx.add.f32.msk $0xffff, v24;
	v24 =	vor.u32 v10, v29;
	v41 =	vpop (erf)  }
0x371: {  	v44 =	vmul.f32 v45, v15;
	v48 =	vadd.f32 v25, v23;
	v23 =	vadd.f32 $1.000000000e+00, v41;
	v47 =	vld [tilespmem:s23+$0x10]  }
0x372: {  	v30 =	vmul.f32 v30, v20;
	v45 =	vshll.u32 v40, $0x7;
	v49 =	vld [tilespmem:s22+$0xFFFFFF40];
	v46 =	vmul.f32 v46, v14  }
0x373: {  	v50 =	vmul.f32 v37, v13;
	v41 =	vld [tilespmem:s22+$0xFFFFFF30];
	v51 =	vadd.f32 v42, v44;
	(erf) = vrcp.f32 v23  }
0x374: {  	v52 =	vor.u32 v3, v45;
	v25 =	vor.u32 v12, v45;
	v40 =	vld [tilespmem:s22+$0xFFFFFF20];
	v27 =	vmul.f32 v22, v27  }
0x375: {  	v0 =	vadd.f32 v30, v0;
	v30 =	vor.u32 v6, v35;
	v46 =	vadd.f32 v46, v50;
	v44 =	vld [tilespmem:s22+$0xFFFFFFB0];
	v23 =	vpop (erf)  }
0x376: {  	v26 =	vmul.f32 v23, v26;
	v50 =	vmul.f32 v36, v47;
	[tilespmem:v24+s7+$0x0] =	vst.idx.add.f32.msk $0xffff, v27  }
0x377: {  	v0 =	vadd.f32 v0, v48;
	v24 =	vadd.f32 v51, v46;
	v42 =	vmul.f32 v49, v17;
	v47 =	vld [tilespmem:s22+$0xFFFFFFD0]  }
0x378: {  	v46 =	vld [tilespmem:s22+$0xFFFFFFF0]  }
0x379: {  	v0 =	vadd.f32 v0, v24;
	[tilespmem:v52+s7+$0x0] =	vst.idx.add.f32.msk $0xffff, v26  }
0x37a: {  	v24 =	vor.u32 v3, v34;
	[tilespmem:v30+s7+$0x0] =	vst.idx.add.f32.msk $0xffff, v50  }
0x37b: {  	v26 =	vperm.xlane v0, v1;
	v30 =	vld [tilespmem:s23+$0x20]  }
0x37c: {  	v49 =	vor.u32 v6, v45;
	v48 =	vld [tilespmem:s23+$0xFFFFFF90];
	v27 =	vpop (erf)  }
0x37d: {  	v0 =	vadd.f32 v0, v26;
	v50 =	vld [tilespmem:s22+$0x30];
	v26 =	vmul.f32 v27, v28;
	v28 =	vor.u32 v7, v35  }
0x37e: {  	v51 =	vld [tilespmem:s22+$0x20]  }
0x37f: {  	v52 =	vperm.xlane v0, v2;
	[tilespmem:v24+s7+$0x0] =	vst.idx.add.f32.msk $0xffff, v26  }
0x380: {  	v24 =	vld [tilespmem:s23+$0xFFFFFF10];
	v26 =	vmul.f32 v36, v30  }
0x381: {  	v0 =	vadd.f32 v0, v52;
	v30 =	vld [tilespmem:s22+$0x70];
	v48 =	vmul.f32 v23, v48  }
0x382: {  	v52 =	vor.u32 v6, v34;
	[tilespmem:v28+s7+$0x0] =	vst.idx.add.f32.msk $0xffff, v26  }
0x383: {  	v26 =	vperm.xlane v0, v4;
	v28 =	vld [tilespmem:s23+$0x30]  }
0x384: {  	[tilespmem:v49+s7+$0x0] =	vst.idx.add.f32.msk $0xffff, v48;
	v48 =	vor.u32 v7, v45  }
0x385: {  	v0 =	vadd.f32 v0, v26;
	v24 =	vmul.f32 v27, v24;
	v26 =	vld [tilespmem:s23+$0xFFFFFFA0]  }
0x386: {  	v53 =	vor.u32 v8, v35;
	v49 =	vld [tilespmem:s22+$0x60]  }
0x387: {  	v54 =	vperm.xlane v0, v5;
	[tilespmem:v52+s7+$0x0] =	vst.idx.add.f32.msk $0xffff, v24  }
0x388: {  	v24 =	vld [tilespmem:s23+$0xFFFFFF20]  }
0x389: {  	v0 =	vadd.f32 v0, v54;
	v28 =	vmul.f32 v36, v28;
	v52 =	vld [tilespmem:s22+$0x40]  }
0x38a: {  	v55 =	vor.u32 v7, v34;
	v30 =	vmul.f32 v30, v20;
	v54 =	vld [tilespmem:s22+$0x50];
	v26 =	vmul.f32 v23, v26  }
0x38b: {  	v0 =	vadd.f32 v0, v21;
	v49 =	vmul.f32 v49, v19;
	[tilespmem:v53+s7+$0x0] =	vst.idx.add.f32.msk $0xffff, v28  }
0x38c: {  	v28 =	vor.u32 v8, v45;
	v53 =	vld [tilespmem:s23+$0x40]  }
0x38d: {  	v0 =	vsub.f32 $0.0e+00, v0;
	v56 =	vadd.f32 v30, v49;
	v24 =	vmul.f32 v27, v24;
	[tilespmem:v48+s7+$0x0] =	vst.idx.add.f32.msk $0xffff, v26  }
0x38e: {  	v30 =	vor.u32 v9, v35;
	v26 =	vld [tilespmem:s23+$0xFFFFFFB0]  }
0x38f: {  	v0 =	vmul.f32 $1.442695020e+00, v0;
	[tilespmem:v55+s7+$0x0] =	vst.idx.add.f32.msk $0xffff, v24  }
0x390: {  	v49 =	vld [tilespmem:s23+$0xFFFFFF30]  }
0x391: {  	v55 =	vld [tilespmem:s22+$0xFFFFFFE0];
	(erf) = vpow2.f32 v0;
	v0 =	vmul.f32 v36, v53  }
0x392: {  	v57 =	vor.u32 v8, v34;
	v53 =	vld [tilespmem:s22+$0x10]  }
0x393: {  	v26 =	vmul.f32 v23, v26;
	[tilespmem:v30+s7+$0x0] =	vst.idx.add.f32.msk $0xffff, v0  }
0x394: {  	v48 =	vor.u32 v11, v29;
	v0 =	vmul.f32 v54, v18;
	v30 =	vor.u32 v12, v29;
	v29 =	vmovc v43;
	v24 =	vld [tilespmem:s22+$0x0]  }
0x395: {  	v43 =	vmul.f32 v52, v17;
	v52 =	vmul.f32 v27, v49;
	[tilespmem:v28+s7+$0x0] =	vst.idx.add.f32.msk $0xffff, v26  }
0x396: {  	v58 =	vor.u32 v10, v45;
	v54 =	vor.u32 v10, v34;
	v49 =	vor.u32 v11, v34;
	v26 =	vld [tilespmem:s23+$0xFFFFFFC0]  }
0x397: {  	v28 =	vmul.f32 v51, v15;
	v0 =	vadd.f32 v0, v43;
	v51 =	vor.u32 v9, v34;
	v59 =	vld [tilespmem:s23+$0x50]  }
0x398: {  	v60 =	vmul.f32 v50, v16;
	v43 =	vor.u32 v11, v45;
	[tilespmem:v57+s7+$0x0] =	vst.idx.add.f32.msk $0xffff, v52  }
0x399: {  	v53 =	vmul.f32 v53, v14;
	v0 =	vadd.f32 v56, v0;
	v52 =	vmul.f32 v24, v13;
	v56 =	vld [tilespmem:s23+$0xFFFFFF40]  }
0x39a: {  	v45 =	vor.u32 v9, v45;
	v28 =	vadd.f32 v60, v28;
	v60 =	vor.u32 v11, v35;
	v57 =	vld [tilespmem:s22+$0xFFFFFFA0];
	v50 =	vpop (erf)  }
0x39b: {  	v55 =	vmul.f32 v55, v19;
	v61 =	vld [tilespmem:s22+$0xFFFFFF90];
	v52 =	vadd.f32 v53, v52;
	v53 =	vmul.f32 v23, v26  }
0x39c: {  	v47 =	vmul.f32 v47, v18;
	v50 =	vadd.f32 $1.000000000e+00, v50;
	v26 =	vld [tilespmem:s22+$0xFFFFFF80];
	v59 =	vmul.f32 v36, v59  }
0x39d: {  	v39 =	vmul.f32 v39, v17;
	v46 =	vmul.f32 v46, v20;
	v62 =	vld [tilespmem:s22+$0xFFFFFF70];
	v28 =	vadd.f32 v28, v52  }
0x39e: {  	v63 =	vor.u32 v10, v35;
	v44 =	vmul.f32 v44, v16;
	v52 =	vld [tilespmem:s22+$0xFFFFFF60];
	v56 =	vmul.f32 v27, v56  }
0x39f: {  	v57 =	vmul.f32 v57, v15;
	v0 =	vadd.f32 v0, v28;
	(erf) = vrcp.f32 v50;
	[tilespmem:v45+s7+$0x0] =	vst.idx.add.f32.msk $0xffff, v53  }
0x3a0: {  	v39 =	vadd.f32 v47, v39;
	v28 =	vmul.f32 v61, v14;
	[tilespmem:v51+s7+$0x0] =	vst.idx.add.f32.msk $0xffff, v56  }
0x3a1: {  	v45 =	vmul.f32 v26, v13;
	v44 =	vadd.f32 v44, v57;
	v47 =	vperm.xlane v0, v1;
	v50 =	vld [tilespmem:s23+$0xFFFFFFD0]  }
0x3a2: {  	v38 =	vmul.f32 v38, v18;
	v46 =	vadd.f32 v46, v55;
	v51 =	vmul.f32 v62, v20;
	v53 =	vld [tilespmem:s23+$0xFFFFFF50]  }
0x3a3: {  	v55 =	vld [tilespmem:s22+$0xFFFFFF10];
	v52 =	vmul.f32 v52, v19;
	v45 =	vadd.f32 v28, v45;
	v0 =	vadd.f32 v0, v47  }
0x3a4: {  	v41 =	vmul.f32 v41, v16;
	v38 =	vadd.f32 v38, v42;
	v42 =	vor.u32 v3, v29;
	v28 =	vld [tilespmem:s22+$0xFFFFFF00]  }
0x3a5: {  	v39 =	vadd.f32 v46, v39;
	v44 =	vadd.f32 v44, v45;
	[tilespmem:v63+s7+$0x0] =	vst.idx.add.f32.msk $0xffff, v59  }
0x3a6: {  	v45 =	vadd.f32 v51, v52;
	v46 =	vperm.xlane v0, v2;
	v47 =	vmul.f32 v23, v50;
	v50 =	vld [tilespmem:s23+$0x60]  }
0x3a7: {  	v51 =	vmul.f32 v40, v15;
	v39 =	vadd.f32 v39, v44;
	v44 =	vmul.f32 v27, v53;
	v52 =	vld [tilespmem:s23+$0xE0]  }
0x3a8: {  	v0 =	vadd.f32 v0, v46;
	v53 =	vmul.f32 v55, v14;
	v40 =	vpop (erf);
	[tilespmem:v58+s7+$0x0] =	vst.idx.add.f32.msk $0xffff, v47  }
0x3a9: {  	v46 =	vmul.f32 v28, v13;
	v47 =	vperm.xlane v39, v1;
	[tilespmem:v54+s7+$0x0] =	vst.idx.add.f32.msk $0xffff, v44  }
0x3aa: {  	v41 =	vadd.f32 v41, v51;
	v44 =	vperm.xlane v0, v4;
	v37 =	vmul.f32 v40, v37;
	v51 =	vld [tilespmem:s23+$0xFFFFFF60]  }
0x3ab: {  	v46 =	vadd.f32 v53, v46;
	v39 =	vadd.f32 v39, v47;
	v47 =	vld [tilespmem:s23+$0xFFFFFFE0];
	v50 =	vmul.f32 v50, v36  }
0x3ac: {  	v0 =	vadd.f32 v0, v44;
	[tilespmem:v42+s7+$0x0] =	vst.idx.add.f32.msk $0xffff, v37;
	v37 =	vmul.f32 v52, v22  }
0x3ad: {  	v38 =	vadd.f32 v45, v38;
	v41 =	vadd.f32 v41, v46;
	v42 =	vperm.xlane v39, v2;
	v44 =	vld [tilespmem:s22+$0x90]  }
0x3ae: {  	v45 =	vperm.xlane v0, v5;
	v46 =	vor.u32 v6, v29;
	[tilespmem:v60+s7+$0x0] =	vst.idx.add.f32.msk $0xffff, v50  }
0x3af: {  	v38 =	vadd.f32 v38, v41;
	v41 =	vadd.f32 v39, v42;
	v39 =	vmul.f32 v51, v27;
	v50 =	vld [tilespmem:s23+$0x70]  }
0x3b0: {  	v0 =	vadd.f32 v0, v45;
	v47 =	vmul.f32 v47, v23;
	[tilespmem:v48+s7+$0x0] =	vst.idx.add.f32.msk $0xffff, v37  }
0x3b1: {  	v33 =	vand.u32 $0xFFFFFFFC, v33;
	v42 =	vperm.xlane v38, v1;
	v45 =	vperm.xlane v41, v4;
	[tilespmem:v49+s7+$0x0] =	vst.idx.add.f32.msk $0xffff, v39  }
.Ltmp17:
0x3b2: {  	v39 =	vbroadcast v33, $0x0;
	v0 =	vadd.f32 v0, v21;
	v48 =	vmul.f32 v40, v44;
	v37 =	vld [tilespmem:s23+$0xF0];
	(pc) =	sbr.rel @p4 .LBB2_46-.Ltmp17, $4  }
0x3b3: {  	v35 =	vor.u32 v12, v35;
	v44 =	vadd.f32 v38, v42;
	v42 =	vadd.f32 v41, v45;
	v33 =	vld [tilespmem:s23+$0xFFFFFF70]  }
0x3b4: {  	v34 =	vor.u32 v12, v34;
	v0 =	vsub.f32 $0.0e+00, v0;
	[tilespmem:v46+s7+$0x0] =	vst.idx.add.f32.msk $0xffff, v48;
	v36 =	vmul.f32 v50, v36  }
0x3b5: {  	v46 =	vperm.xlane v44, v2;
	v45 =	vperm.xlane v42, v5;
	[tilespmem:v43+s7+$0x0] =	vst.idx.add.f32.msk $0xffff, v47  }
0x3b6: {  	v41 =	vbroadcast v32, $0x0;
	v43 =	vmul.f32 $1.442695020e+00, v0;
	v32 =	vld [tilespmem:s23+$0xFFFFFFF0];
	s23 =	smov.u32 s22  }
.Ltmp18:
0x3b7: {  	(pc) =	sbr.rel .LBB2_48-.Ltmp18, $2  }
0x3b8: {  	_ =	sdelay $0x2  }
0x3b9: {  	v38 =	vmov v22;
	s11 =	smov.u32 s22;
	v22 =	vmov v40;
	v62 =	vimm.f32 $0.0e+00  }
.LBB2_33:
.Ltmp19:
0x3ba: {  	(pc) =	sbr.rel .LBB2_38-.Ltmp19, $2  }
0x3bb: {  	_ =	sdelay $0x2  }
0x3bc: {  	_ = 	snop  }
.LBB2_35:
.Ltmp20:
0x3bd: {  	(pc) =	sbr.rel .LBB2_38-.Ltmp20, $2  }
0x3be: {  	_ =	sdelay $0x2  }
0x3bf: {  	s11 =	simm.s32 $0x10100;
	s21 =	simm.s32 $0x10300;
	v34 =	vmov v31  }
.LBB2_45:
.Ltmp21:
0x3c0: {  	(pc) =	sbr.rel .LBB2_48-.Ltmp21, $2  }
0x3c1: {  	_ =	sdelay $0x2  }
0x3c2: {  	v38 =	vmov v22;
	s11 =	simm.s32 $0x16B00;
	v22 =	vmov v40;
	s23 =	simm.s32 $0x16B00;
	v62 =	vimm.f32 $0.0e+00  }
.LBB2_18:
0x3c3: {  	s23 =	simm.s32 $0x16900  }
.LBB2_23:
0x3c4: {  	v0 =	vadd.f32 v44, v46;
	_ =	sdelay $0x1  }
0x3c5: {  	v40 =	vperm.xlane v0, v4  }
0x3c6: {  	(erf) = vpow2.f32 v43  }
0x3c7: {  	v0 =	vadd.f32 v0, v40;
	_ =	sdelay $0x1  }
0x3c8: {  	v53 =	vadd.f32 v42, v45;
	v54 =	vperm.xlane v0, v5;
	_ =	sdelay $0x1  }
0x3c9: {  	v40 =	vadd.f32 v53, v21;
	v0 =	vadd.f32 v0, v54;
	_ =	sdelay $0x1  }
0x3ca: {  	v40 =	vsub.f32 $0.0e+00, v40;
	v0 =	vadd.f32 v0, v21;
	_ =	sdelay $0x1  }
0x3cb: {  	v40 =	vmul.f32 $1.442695020e+00, v40;
	v55 =	vpop (erf);
	v0 =	vsub.f32 $0.0e+00, v0  }
0x3cc: {  	v42 =	vadd.f32 $1.000000000e+00, v55  }
0x3cd: {  	(erf) = vpow2.f32 v40;
	v0 =	vmul.f32 $1.442695020e+00, v0  }
0x3ce: {  	(erf) = vrcp.f32 v42  }
0x3cf: {  	(erf) = vpow2.f32 v0;
	v0 =	vbroadcast v31, $0x0;
	_ =	sdelay $0x5  }
0x3d0: {  	v0 =	vld.idx.msk [tilespmem:v0+s8+$0x0], $0xffff  }
0x3d1: {  	v40 =	vpop (erf)  }
0x3d2: {  	v31 =	vpop (erf)  }
0x3d3: {  	v40 =	vadd.f32 $1.000000000e+00, v40;
	v56 =	vpop (erf)  }
0x3d4: {  	v42 =	vadd.f32 $1.000000000e+00, v56  }
0x3d5: {  	(erf) = vrcp.f32 v40;
	v0 =	vshll.u32 v0, $0x7  }
0x3d6: {  	v57 =	vld.idx.msk [tilespmem:v41+s8+$0x0], $0xffff;
	(erf) = vrcp.f32 v42;
	v58 =	vor.u32 v3, v0  }
0x3d7: {  	v39 =	vld.idx.msk [tilespmem:v39+s8+$0x0], $0xffff;
	_ =	sdelay $0x1  }
0x3d8: {  	v24 =	vmul.f32 v31, v24;
	_ =	sdelay $0x1  }
0x3d9: {  	[tilespmem:v58+s7+$0x0] =	vst.idx.add.f32.msk $0xffff, v24;
	v24 =	vshll.u32 v57, $0x7  }
0x3da: {  	v39 =	vshll.u32 v39, $0x7;
	v61 =	vor.u32 v3, v24  }
0x3db: {  	v59 =	vor.u32 v3, v39  }
0x3dc: {  	v43 =	vpop (erf)  }
0x3dd: {  	v26 =	vmul.f32 v43, v26;
	v44 =	vpop (erf)  }
0x3de: {  	v60 =	vld [tilespmem:s23+$0x10];
	v28 =	vmul.f32 v44, v28  }
0x3df: {  	[tilespmem:v61+s7+$0x0] =	vst.idx.add.f32.msk $0xffff, v26  }
0x3e0: {  	[tilespmem:v59+s7+$0x0] =	vst.idx.add.f32.msk $0xffff, v28  }
0x3e1: {  	v63 =	vor.u32 v6, v0;
	v41 =	vld [tilespmem:s23+$0xFFFFFF90]  }
0x3e2: {  	v42 =	vld [tilespmem:s23+$0xFFFFFF10]  }
0x3e3: {  	v52 =	vor.u32 v6, v24  }
0x3e4: {  	v49 =	vor.u32 v6, v39;
	v40 =	vmul.f32 v31, v60  }
0x3e5: {  	v48 =	vld [tilespmem:s11+$0xA0]  }
0x3e6: {  	[tilespmem:v63+s7+$0x0] =	vst.idx.add.f32.msk $0xffff, v40;
	v54 =	vmul.f32 v43, v41  }
0x3e7: {  	v40 =	vld [tilespmem:s23+$0x20];
	v51 =	vmul.f32 v44, v42  }
0x3e8: {  	v50 =	vor.u32 v7, v29;
	[tilespmem:v52+s7+$0x0] =	vst.idx.add.f32.msk $0xffff, v54  }
0x3e9: {  	[tilespmem:v49+s7+$0x0] =	vst.idx.add.f32.msk $0xffff, v51  }
0x3ea: {  	v53 =	vor.u32 v7, v0;
	v42 =	vld [tilespmem:s23+$0xFFFFFFA0]  }
0x3eb: {  	v45 =	vmul.f32 v22, v48;
	v46 =	vld [tilespmem:s23+$0xFFFFFF20]  }
0x3ec: {  	v59 =	vor.u32 v7, v24  }
0x3ed: {  	[tilespmem:v50+s7+$0x0] =	vst.idx.add.f32.msk $0xffff, v45;
	v56 =	vor.u32 v7, v39;
	v40 =	vmul.f32 v31, v40  }
0x3ee: {  	v55 =	vld [tilespmem:s11+$0xB0]  }
0x3ef: {  	[tilespmem:v53+s7+$0x0] =	vst.idx.add.f32.msk $0xffff, v40;
	v61 =	vmul.f32 v43, v42  }
0x3f0: {  	v40 =	vld [tilespmem:s23+$0x30];
	v58 =	vmul.f32 v44, v46  }
0x3f1: {  	v57 =	vor.u32 v8, v29;
	[tilespmem:v59+s7+$0x0] =	vst.idx.add.f32.msk $0xffff, v61  }
0x3f2: {  	[tilespmem:v56+s7+$0x0] =	vst.idx.add.f32.msk $0xffff, v58  }
0x3f3: {  	v60 =	vor.u32 v8, v0;
	v46 =	vld [tilespmem:s23+$0xFFFFFFB0]  }
0x3f4: {  	v41 =	vmul.f32 v22, v55;
	v45 =	vld [tilespmem:s23+$0xFFFFFF30]  }
0x3f5: {  	v50 =	vor.u32 v8, v24  }
0x3f6: {  	v63 =	vor.u32 v8, v39;
	[tilespmem:v57+s7+$0x0] =	vst.idx.add.f32.msk $0xffff, v41;
	v40 =	vmul.f32 v31, v40  }
0x3f7: {  	v41 =	vld [tilespmem:s23+$0xC0]  }
0x3f8: {  	[tilespmem:v60+s7+$0x0] =	vst.idx.add.f32.msk $0xffff, v40;
	v53 =	vmul.f32 v43, v46  }
0x3f9: {  	v51 =	vld [tilespmem:s23+$0x40];
	v49 =	vmul.f32 v44, v45  }
0x3fa: {  	v48 =	vor.u32 v9, v29;
	[tilespmem:v50+s7+$0x0] =	vst.idx.add.f32.msk $0xffff, v53  }
0x3fb: {  	[tilespmem:v63+s7+$0x0] =	vst.idx.add.f32.msk $0xffff, v49  }
0x3fc: {  	v52 =	vor.u32 v9, v0;
	v26 =	vld [tilespmem:s23+$0xFFFFFFC0]  }
0x3fd: {  	v41 =	vmul.f32 v22, v41;
	v42 =	vld [tilespmem:s23+$0xFFFFFF40]  }
0x3fe: {  	v58 =	vor.u32 v9, v24  }
0x3ff: {  	v54 =	vor.u32 v9, v39;
	[tilespmem:v48+s7+$0x0] =	vst.idx.add.f32.msk $0xffff, v41;
	v45 =	vmul.f32 v31, v51  }
0x400: {  	v41 =	vld [tilespmem:s23+$0xD0]  }
0x401: {  	[tilespmem:v52+s7+$0x0] =	vst.idx.add.f32.msk $0xffff, v45;
	v26 =	vmul.f32 v43, v26  }
0x402: {  	v57 =	vld [tilespmem:s23+$0x50];
	v56 =	vmul.f32 v44, v42  }
0x403: {  	v55 =	vor.u32 v10, v29;
	[tilespmem:v58+s7+$0x0] =	vst.idx.add.f32.msk $0xffff, v26  }
0x404: {  	[tilespmem:v54+s7+$0x0] =	vst.idx.add.f32.msk $0xffff, v56  }
0x405: {  	v60 =	vor.u32 v10, v0;
	v26 =	vld [tilespmem:s23+$0xFFFFFFD0]  }
0x406: {  	v59 =	vmul.f32 v22, v41;
	v46 =	vld [tilespmem:s23+$0xFFFFFF50]  }
0x407: {  	v48 =	vor.u32 v10, v24  }
0x408: {  	v61 =	vor.u32 v10, v39;
	[tilespmem:v55+s7+$0x0] =	vst.idx.add.f32.msk $0xffff, v59;
	v63 =	vmul.f32 v31, v57  }
0x409: {  	v51 =	vld [tilespmem:s23+$0xE0]  }
0x40a: {  	[tilespmem:v60+s7+$0x0] =	vst.idx.add.f32.msk $0xffff, v63;
	v26 =	vmul.f32 v43, v26  }
0x40b: {  	v49 =	vld [tilespmem:s23+$0x60];
	v47 =	vmul.f32 v44, v46  }
0x40c: {  	v53 =	vor.u32 v11, v29;
	[tilespmem:v48+s7+$0x0] =	vst.idx.add.f32.msk $0xffff, v26  }
0x40d: {  	[tilespmem:v61+s7+$0x0] =	vst.idx.add.f32.msk $0xffff, v47  }
0x40e: {  	v50 =	vor.u32 v11, v0;
	v41 =	vld [tilespmem:s23+$0xFFFFFFE0]  }
0x40f: {  	v40 =	vmul.f32 v51, v22;
	v52 =	vld [tilespmem:s23+$0xFFFFFF60]  }
0x410: {  	[tilespmem:v35+s7+$0x0] =	vst.idx.add.f32.msk @p3 $0xffff, v36;
	v56 =	vor.u32 v11, v24  }
0x411: {  	[tilespmem:v53+s7+$0x0] =	vst.idx.add.f32.msk $0xffff, v40;
	v54 =	vor.u32 v11, v39;
	v55 =	vmul.f32 v49, v31  }
0x412: {  	v35 =	vld [tilespmem:s23+$0xF0]  }
0x413: {  	[tilespmem:v50+s7+$0x0] =	vst.idx.add.f32.msk $0xffff, v55;
	v59 =	vmul.f32 v41, v43  }
0x414: {  	v58 =	vld [tilespmem:s23+$0x70];
	v57 =	vmul.f32 v52, v44  }
0x415: {  	[tilespmem:v56+s7+$0x0] =	vst.idx.add.f32.msk $0xffff, v59  }
0x416: {  	v60 =	vor.u32 v12, v29;
	[tilespmem:v54+s7+$0x0] =	vst.idx.add.f32.msk $0xffff, v57  }
0x417: {  	v37 =	vmul.f32 @p3 v37, v38;
	v0 =	vor.u32 v12, v0;
	v28 =	vld [tilespmem:s23+$0xFFFFFFF0]  }
0x418: {  	v23 =	vmul.f32 @p3 v32, v23;
	v36 =	vld [tilespmem:s23+$0xFFFFFF70]  }
0x419: {  	[tilespmem:v30+s7+$0x0] =	vst.idx.add.f32.msk @p3 $0xffff, v37;
	v24 =	vor.u32 v12, v24;
	v22 =	vmul.f32 v35, v22  }
0x41a: {  	[tilespmem:v25+s7+$0x0] =	vst.idx.add.f32.msk @p3 $0xffff, v23;
	v61 =	vor.u32 v12, v39;
	v63 =	vmul.f32 v58, v31  }
0x41b: {  	v26 =	vmul.f32 @p3 v33, v27;
	[tilespmem:v60+s7+$0x0] =	vst.idx.add.f32.msk $0xffff, v22  }
0x41c: {  	[tilespmem:v0+s7+$0x0] =	vst.idx.add.f32.msk $0xffff, v63;
	v0 =	vmul.f32 v28, v43  }
0x41d: {  	[tilespmem:v34+s7+$0x0] =	vst.idx.add.f32.msk @p3 $0xffff, v26;
	v23 =	vmul.f32 v36, v44  }
0x41e: {  	[tilespmem:v24+s7+$0x0] =	vst.idx.add.f32.msk $0xffff, v0  }
0x41f: {  	[tilespmem:v61+s7+$0x0] =	vst.idx.add.f32.msk $0xffff, v23  }
.LBB2_24:
0x420: {  	s3 =	sadd.s32 $0x3, s19  }
0x421: {  	p3 =	slt.u32 s3, s18  }
0x422: {  	s3 =	smul.u32 @p3 $0xD, s3;
	_ =	sdelay $0x1  }
0x423: {  	s3 =	sadd.s32 @p3 s16, s3  }
0x424: {  	s3 =	sshll.u32 @p3 s3, $0x8  }
0x425: {  	s3 =	sand.u32 @p3 $0x1FFFFF00, s3  }
0x426: {  	s4 =	simm.s32 @p3 $0x0;
	s11 =	simm.s32 @p3 $0x16800;
	s3 =	sadd.s32 @p3 s0, s3  }
0x427: {  	[tilespmem:s11], [sflag:$0x2] =	stream.linear.gather @p3 [hbm4b:s3+s4], $0x6800, $0x38;
	[tilespmem:$0x1FC80] =	vst v63  }
.LBB2_25:
0x428: {  	s30 =	sadd.s32 $0x1, s30  }
0x429: {  	p3 =	seq.s32 s30, $0x10  }
.Ltmp22:
0x42a: {  	_ = 	snop;
	(pc) =	sbr.rel @p3 .LBB2_26-.Ltmp22, $2  }
0x42b: {  	_ =	sdelay $0x2  }
0x42c: {  	s29 =	sadd.s32 $0x1A0, s29  }
.LBB2_5:
0x42d: {  	s19 =	sshll.u32 s30, $0x1  }
0x42e: {  	p3 =	sge.u32 s19, s18  }
.Ltmp23:
0x42f: {  	_ = 	snop;
	(pc) =	sbr.rel @p3 .LBB2_15-.Ltmp23, $1  }
0x430: {  	_ =	sdelay $0x3  }
0x431: {  	s11 =	smul.u32 $0xFFFFFFE6, s30;
	_ =	sdelay $0x1  }
0x432: {  	s11 =	sadd.s32 s17, s11  }
0x433: {  	p3 =	slt.s32 s11, $0xD  }
0x434: {  	s11 =	simm.s32 @!p3 $0xD  }
0x435: {  	s22 =	sshll.u32 s11, $0x4  }
0x436: {  	p3 =	slt.s32 s22, $0x1  }
.Ltmp24:
0x437: {  	_ = 	snop;
	(pc) =	sbr.rel @p3 .LBB2_14-.Ltmp24, $4  }
0x438: {  	_ = 	snop  }
0x439: {  	_ =	swait.ge [sflag:s9], $0x6800  }
0x43a: {  	[sflag:s9] =	ssyncset.done $0x0  }
0x43b: {  	[sflag:s9] =	ssyncadd.s32 $0xFFFF9800  }
0x43c: {  	s23 =	simm.s32 $0x10100  }
0x43d: {  	v22 =	vld [tilespmem:s23+$0x90]  }
0x43e: {  	v23 =	vld [tilespmem:s23+$0xE0]  }
0x43f: {  	v24 =	vld [tilespmem:s23+$0xF0]  }
0x440: {  	v25 =	vld [tilespmem:s23+$0xD0]  }
0x441: {  	v26 =	vld [tilespmem:s23+$0xC0]  }
0x442: {  	v27 =	vld [tilespmem:s23+$0xB0]  }
0x443: {  	v28 =	vld [tilespmem:s23+$0xA0]  }
0x444: {  	v29 =	vld [tilespmem:s23+$0x80];
	_ =	sdelay $0x1  }
0x445: {  	v24 =	vmul.f32 v24, v20;
	v23 =	vmul.f32 v23, v19  }
0x446: {  	v25 =	vmul.f32 v25, v18;
	v26 =	vmul.f32 v26, v17  }
0x447: {  	v27 =	vmul.f32 v27, v16;
	v28 =	vmul.f32 v28, v15  }
0x448: {  	v22 =	vmul.f32 v22, v14;
	v30 =	vmul.f32 v29, v13  }
0x449: {  	v23 =	vadd.f32 v24, v23;
	v24 =	vadd.f32 v25, v26  }
0x44a: {  	v25 =	vadd.f32 v27, v28;
	v22 =	vadd.f32 v22, v30;
	_ =	sdelay $0x1  }
0x44b: {  	v22 =	vadd.f32 v25, v22;
	v23 =	vadd.f32 v23, v24;
	_ =	sdelay $0x1  }
0x44c: {  	v22 =	vadd.f32 v23, v22;
	_ =	sdelay $0x1  }
0x44d: {  	v23 =	vperm.xlane v22, v1;
	_ =	sdelay $0x1  }
0x44e: {  	v22 =	vadd.f32 v22, v23;
	_ =	sdelay $0x1  }
0x44f: {  	v23 =	vperm.xlane v22, v2;
	_ =	sdelay $0x1  }
0x450: {  	v22 =	vadd.f32 v22, v23;
	_ =	sdelay $0x1  }
0x451: {  	v23 =	vperm.xlane v22, v4;
	_ =	sdelay $0x1  }
0x452: {  	v22 =	vadd.f32 v22, v23;
	_ =	sdelay $0x1  }
0x453: {  	v23 =	vperm.xlane v22, v5;
	_ =	sdelay $0x1  }
0x454: {  	v22 =	vadd.f32 v22, v23  }
0x455: {  	v46 =	vld [tilespmem:s23+$0x60]  }
0x456: {  	v47 =	vld [tilespmem:s23+$0x10];
	v22 =	vadd.f32 v22, v21  }
0x457: {  	v31 =	vld [tilespmem:s23+$0x40]  }
0x458: {  	v32 =	vld [tilespmem:s23+$0x20];
	v22 =	vsub.f32 $0.0e+00, v22  }
0x459: {  	v33 =	vld [tilespmem:s23+$0x30]  }
0x45a: {  	v36 =	vld [tilespmem:s23+$0xFFFFFFF0];
	v22 =	vmul.f32 $1.442695020e+00, v22  }
0x45b: {  	v37 =	vld [tilespmem:s23+$0xFFFFFFC0]  }
0x45c: {  	v39 =	vld [tilespmem:s23+$0xFFFFFFD0];
	(erf) = vpow2.f32 v22  }
0x45d: {  	v40 =	vld [tilespmem:s23+$0xFFFFFFB0]  }
0x45e: {  	v27 =	vld [tilespmem:s23+$0x70]  }
0x45f: {  	v22 =	vld [tilespmem:s23+$0x50]  }
0x460: {  	v31 =	vmul.f32 v31, v17;
	v32 =	vmul.f32 v32, v15;
	v23 =	vld [tilespmem:s23+$0x0]  }
0x461: {  	s11 =	sadd.s32 $0x0, s29;
	v34 =	vld [tilespmem:s23+$0xFFFFFF80];
	v48 =	vmul.f32 v33, v16;
	v36 =	vmul.f32 v36, v20  }
0x462: {  	s21 =	sadd.s32 $0x3, s11;
	v53 =	vmul.f32 v39, v18;
	v54 =	vmul.f32 v37, v17;
	v26 =	vld [tilespmem:s23+$0xFFFFFFE0]  }
0x463: {  	v38 =	vmov s21;
	v28 =	vmul.f32 v46, v19;
	v24 =	vld [tilespmem:s23+$0xFFFFFF90];
	v27 =	vmul.f32 v27, v20  }
0x464: {  	v51 =	vld [tilespmem:s23+$0xFFFFFFA0];
	v56 =	vmul.f32 v40, v16;
	v22 =	vmul.f32 v22, v18  }
0x465: {  	v35 =	vld [tilespmem:s23+$0xFFFFFF10];
	v30 =	vmul.f32 v47, v14;
	v27 =	vadd.f32 v27, v28;
	v49 =	vmul.f32 v23, v13;
	v41 =	vpop (erf)  }
0x466: {  	v61 =	vld [tilespmem:s23+$0xFFFFFF20];
	v58 =	vmul.f32 v34, v13;
	v22 =	vadd.f32 v22, v31;
	v50 =	vadd.f32 $1.000000000e+00, v41  }
0x467: {  	v25 =	vld [tilespmem:s23+$0xFFFFFF60];
	v26 =	vmul.f32 v26, v19;
	v28 =	vadd.f32 v48, v32;
	v30 =	vadd.f32 v30, v49  }
0x468: {  	v60 =	vmul.f32 v24, v14;
	v22 =	vadd.f32 v27, v22;
	v27 =	vld.idx.msk [tilespmem:v38+s8+$0x0], $0xffff;
	(erf) = vrcp.f32 v50  }
0x469: {  	v57 =	vld [tilespmem:s23+$0xFFFFFF50];
	v59 =	vmul.f32 v51, v15;
	v26 =	vadd.f32 v36, v26;
	v28 =	vadd.f32 v28, v30  }
0x46a: {  	v52 =	vld [tilespmem:s23+$0xFFFFFF30];
	v32 =	vadd.f32 v53, v54;
	v33 =	vadd.f32 v60, v58  }
0x46b: {  	v55 =	vld [tilespmem:s23+$0xFFFFFF40];
	v22 =	vadd.f32 v22, v28;
	v28 =	vadd.f32 v56, v59  }
0x46c: {  	v39 =	vmul.f32 v61, v15;
	v25 =	vmul.f32 v25, v19;
	v26 =	vadd.f32 v26, v32  }
0x46d: {  	v63 =	vperm.xlane v22, v1;
	v28 =	vadd.f32 v28, v33;
	v24 =	vshll.u32 v27, $0x7;
	v27 =	vld [tilespmem:s23+$0xFFFFFF70]  }
0x46e: {  	v36 =	vmul.f32 v57, v18;
	v32 =	vld [tilespmem:s23+$0xFFFFFF00];
	v49 =	vmul.f32 v35, v14  }
0x46f: {  	v44 =	vadd.f32 v22, v63;
	v45 =	vor.u32 v3, v24;
	v26 =	vadd.f32 v26, v28  }
0x470: {  	v30 =	vmul.f32 v55, v17;
	v31 =	vmul.f32 v52, v16  }
0x471: {  	v46 =	vmov s11;
	v40 =	vperm.xlane v44, v2;
	v52 =	vperm.xlane v26, v1;
	v22 =	vpop (erf)  }
0x472: {  	v48 =	vadd.f32 v36, v30;
	v27 =	vmul.f32 v27, v20;
	v47 =	vmul.f32 v22, v29  }
0x473: {  	v31 =	vadd.f32 v31, v39;
	v50 =	vmul.f32 v32, v13;
	v51 =	vadd.f32 v44, v40  }
0x474: {  	v33 =	vand.u32 $0xFFFFFFFC, v46;
	v26 =	vadd.f32 v26, v52;
	v25 =	vadd.f32 v27, v25;
	[tilespmem:v45+s7+$0x0] =	vst.idx.add.f32.msk $0xffff, v47  }
0x475: {  	v53 =	vbroadcast v33, $0x0;
	v27 =	vadd.f32 v49, v50;
	v54 =	vperm.xlane v51, v4;
	v55 =	vld [tilespmem:s23+$0x90]  }
0x476: {  	v56 =	vperm.xlane v26, v2;
	v25 =	vadd.f32 v25, v48  }
0x477: {  	v57 =	vor.u32 v6, v24;
	v27 =	vadd.f32 v31, v27;
	v30 =	vadd.f32 v51, v54  }
0x478: {  	p4 =	sgt.u32 s22, $0x4;
	v26 =	vadd.f32 v26, v56  }
.Ltmp25:
0x479: {  	s31 =	sadd.s32 $0x2, s11;
	s11 =	sadd.s32 $0x1, s11;
	v25 =	vadd.f32 v25, v27;
	v27 =	vperm.xlane v30, v5;
	(pc) =	sbr.rel @!p4 .LBB2_8-.Ltmp25, $4  }
0x47a: {  	v61 =	vmov s11;
	v63 =	vperm.xlane v26, v4;
	v59 =	vmul.f32 v22, v55  }
0x47b: {  	v58 =	vmov s31;
	v33 =	vld.idx.msk [tilespmem:v53+s8+$0x0], $0xffff;
	v60 =	vperm.xlane v25, v1;
	v27 =	vadd.f32 v30, v27  }
0x47c: {  	v35 =	vand.u32 $0xFFFFFFFE, v58;
	v38 =	vand.u32 $0xFFFFFFFD, v61;
	v45 =	vadd.f32 v26, v63;
	[tilespmem:v57+s7+$0x0] =	vst.idx.add.f32.msk $0xffff, v59  }
0x47d: {  	p3 =	por $0x0, $0x0;
	v36 =	vor.u32 v7, v24;
	v43 =	vadd.f32 v25, v60;
	v42 =	vadd.f32 v27, v21;
	v37 =	vld [tilespmem:s23+$0xA0]  }
0x47e: {  	_ = 	snop  }
0x47f: {  	v25 =	vperm.xlane v43, v2;
	_ =	sdelay $0x1  }
0x480: {  	v25 =	vadd.f32 v43, v25;
	_ =	sdelay $0x1  }
0x481: {  	v28 =	vperm.xlane v25, v4;
	_ =	sdelay $0x1  }
0x482: {  	v26 =	vperm.xlane v45, v5;
	s21 =	simm.s32 $0x10300;
	v30 =	vsub.f32 $0.0e+00, v42;
	v25 =	vadd.f32 v25, v28  }
0x483: {  	v29 =	vbroadcast v35, $0x0;
	v35 =	vld [tilespmem:s21+$0x80]  }
0x484: {  	v58 =	vld [tilespmem:s21+$0xF0];
	v26 =	vadd.f32 v45, v26;
	v28 =	vmul.f32 $1.442695020e+00, v30;
	v30 =	vperm.xlane v25, v5  }
0x485: {  	v39 =	vld [tilespmem:s21+$0xC0]  }
0x486: {  	v41 =	vld [tilespmem:s21+$0xB0];
	v26 =	vadd.f32 v26, v21;
	v25 =	vadd.f32 v25, v30  }
0x487: {  	v42 =	vld [tilespmem:s21+$0xFFFFFFE0];
	v31 =	vmul.f32 v22, v37;
	(erf) = vpow2.f32 v28  }
0x488: {  	v47 =	vld [tilespmem:s21+$0xFFFFFFB0];
	v26 =	vsub.f32 $0.0e+00, v26;
	v25 =	vadd.f32 v25, v21  }
0x489: {  	[tilespmem:v36+s7+$0x0] =	vst.idx.add.f32.msk $0xffff, v31  }
0x48a: {  	v31 =	vld [tilespmem:s23+$0xB0];
	v26 =	vmul.f32 $1.442695020e+00, v26;
	v25 =	vsub.f32 $0.0e+00, v25  }
0x48b: {  	v50 =	vld [tilespmem:s21+$0xFFFFFFF0]  }
0x48c: {  	v51 =	vld [tilespmem:s21+$0x30];
	v28 =	vor.u32 v8, v24;
	(erf) = vpow2.f32 v26;
	v25 =	vmul.f32 $1.442695020e+00, v25  }
0x48d: {  	v45 =	vld [tilespmem:s21+$0x70]  }
0x48e: {  	v26 =	vld.idx.msk [tilespmem:v29+s8+$0x0], $0xffff  }
0x48f: {  	v29 =	vld [tilespmem:s21+$0x90];
	v30 =	vmul.f32 v22, v31;
	(erf) = vpow2.f32 v25  }
0x490: {  	v27 =	vbroadcast v38, $0x0;
	v31 =	vld [tilespmem:s21+$0xE0];
	v25 =	vpop (erf)  }
0x491: {  	[tilespmem:v28+s7+$0x0] =	vst.idx.add.f32.msk $0xffff, v30;
	v25 =	vadd.f32 $1.000000000e+00, v25  }
0x492: {  	v28 =	vld [tilespmem:s23+$0xC0]  }
0x493: {  	(erf) = vrcp.f32 v25;
	v25 =	vld [tilespmem:s21+$0xA0]  }
0x494: {  	v43 =	vld [tilespmem:s21+$0xFFFFFFC0]  }
0x495: {  	v40 =	vor.u32 v9, v24;
	v46 =	vmul.f32 v35, v13;
	v30 =	vld [tilespmem:s21+$0xD0];
	v29 =	vmul.f32 v29, v14;
	v59 =	vpop (erf)  }
0x496: {  	v27 =	vld.idx.msk [tilespmem:v27+s8+$0x0], $0xffff;
	v37 =	vmul.f32 v58, v20;
	v38 =	vadd.f32 $1.000000000e+00, v59  }
0x497: {  	v36 =	vld [tilespmem:s21+$0xFFFFFF60];
	v31 =	vmul.f32 v31, v19;
	v29 =	vadd.f32 v29, v46;
	v28 =	vmul.f32 v22, v28  }
0x498: {  	v46 =	vld [tilespmem:s21+$0x20];
	(erf) = vrcp.f32 v38;
	v61 =	vmul.f32 v25, v15;
	v25 =	vshll.u32 v26, $0x7;
	v26 =	vpop (erf)  }
0x499: {  	v60 =	vadd.f32 v37, v31;
	v31 =	vmul.f32 v41, v16;
	v37 =	vld [tilespmem:s21+$0xFFFFFF10];
	v26 =	vadd.f32 $1.000000000e+00, v26  }
0x49a: {  	[tilespmem:v40+s7+$0x0] =	vst.idx.add.f32.msk $0xffff, v28;
	v28 =	vmul.f32 v30, v18;
	v30 =	vmul.f32 v39, v17  }
0x49b: {  	v44 =	vld [tilespmem:s23+$0xD0];
	v63 =	vor.u32 v3, v25  }
0x49c: {  	v39 =	vld [tilespmem:s21+$0xFFFFFF30];
	v30 =	vadd.f32 v28, v30;
	v41 =	vadd.f32 v31, v61;
	(erf) = vrcp.f32 v26  }
0x49d: {  	v49 =	vor.u32 v10, v24;
	v40 =	vld [tilespmem:s21+$0xFFFFFF40];
	v28 =	vshll.u32 v27, $0x7;
	v26 =	vpop (erf)  }
0x49e: {  	v38 =	vld [tilespmem:s21+$0xFFFFFF90];
	v30 =	vadd.f32 v60, v30;
	v29 =	vadd.f32 v41, v29;
	v23 =	vmul.f32 v26, v23  }
0x49f: {  	v48 =	vor.u32 v3, v28;
	v31 =	vld [tilespmem:s21+$0xFFFFFF80]  }
0x4a0: {  	v29 =	vadd.f32 v30, v29;
	[tilespmem:v63+s7+$0x0] =	vst.idx.add.f32.msk $0xffff, v23;
	v23 =	vmul.f32 v22, v44  }
0x4a1: {  	v27 =	vpop (erf);
	v30 =	vshll.u32 v33, $0x7;
	v33 =	vld [tilespmem:s21+$0xFFFFFFA0]  }
0x4a2: {  	v34 =	vmul.f32 v27, v34;
	[tilespmem:v49+s7+$0x0] =	vst.idx.add.f32.msk $0xffff, v23;
	v23 =	vperm.xlane v29, v1  }
0x4a3: {  	v53 =	vor.u32 v3, v30;
	v52 =	vld [tilespmem:s23+$0x10]  }
0x4a4: {  	[tilespmem:v48+s7+$0x0] =	vst.idx.add.f32.msk $0xffff, v34;
	v55 =	vadd.f32 v29, v23  }
0x4a5: {  	v48 =	vld [tilespmem:s21+$0x60];
	v29 =	vpop (erf)  }
0x4a6: {  	v58 =	vld [tilespmem:s23+$0xFFFFFF90];
	v32 =	vmul.f32 v29, v32;
	v56 =	vperm.xlane v55, v2  }
0x4a7: {  	v54 =	vor.u32 v6, v25;
	v44 =	vld [tilespmem:s23+$0xE0]  }
0x4a8: {  	[tilespmem:v53+s7+$0x0] =	vst.idx.add.f32.msk $0xffff, v32;
	v57 =	vadd.f32 v55, v56  }
0x4a9: {  	v61 =	vor.u32 v6, v28;
	v60 =	vld [tilespmem:s23+$0xFFFFFF10]  }
0x4aa: {  	v23 =	vld [tilespmem:s21+$0x0];
	v41 =	vmul.f32 v26, v52;
	v59 =	vperm.xlane v57, v4  }
0x4ab: {  	v53 =	vld [tilespmem:s21+$0x10];
	v55 =	vor.u32 v6, v30  }
0x4ac: {  	v34 =	vmul.f32 v27, v58;
	[tilespmem:v54+s7+$0x0] =	vst.idx.add.f32.msk $0xffff, v41;
	v32 =	vadd.f32 v57, v59  }
0x4ad: {  	v63 =	vld [tilespmem:s23+$0x20]  }
0x4ae: {  	[tilespmem:v61+s7+$0x0] =	vst.idx.add.f32.msk $0xffff, v34;
	v57 =	vmul.f32 v29, v60;
	v54 =	vperm.xlane v32, v5  }
0x4af: {  	v52 =	vor.u32 v11, v24;
	v58 =	vld [tilespmem:s23+$0xFFFFFFA0]  }
0x4b0: {  	v59 =	vor.u32 v7, v25;
	[tilespmem:v55+s7+$0x0] =	vst.idx.add.f32.msk $0xffff, v57;
	v32 =	vadd.f32 v32, v54  }
0x4b1: {  	v60 =	vor.u32 v7, v28;
	v34 =	vld [tilespmem:s23+$0xFFFFFF20]  }
0x4b2: {  	v51 =	vmul.f32 v51, v16;
	v44 =	vmul.f32 v44, v22;
	v61 =	vld [tilespmem:s21+$0x40];
	v32 =	vadd.f32 v32, v21  }
0x4b3: {  	v42 =	vmul.f32 v42, v19;
	v56 =	vld [tilespmem:s21+$0x50];
	v41 =	vmul.f32 v26, v63;
	v63 =	vor.u32 v7, v30  }
0x4b4: {  	v47 =	vmul.f32 v47, v16;
	[tilespmem:v52+s7+$0x0] =	vst.idx.add.f32.msk $0xffff, v44;
	v57 =	vmul.f32 v27, v58;
	v32 =	vsub.f32 $0.0e+00, v32  }
0x4b5: {  	v45 =	vmul.f32 v45, v20;
	v43 =	vmul.f32 v43, v17;
	[tilespmem:v59+s7+$0x0] =	vst.idx.add.f32.msk $0xffff, v41  }
0x4b6: {  	s11 =	sadd.s32 $0x4, s29;
	[tilespmem:v60+s7+$0x0] =	vst.idx.add.f32.msk $0xffff, v57;
	v34 =	vmul.f32 v29, v34;
	v32 =	vmul.f32 $1.442695020e+00, v32  }
0x4b7: {  	s31 =	sadd.s32 $0x3, s11;
	v48 =	vmul.f32 v48, v19;
	v58 =	vmul.f32 v61, v17;
	v60 =	vld [tilespmem:s23+$0xFFFFFFB0]  }
0x4b8: {  	v59 =	vmul.f32 v56, v18;
	[tilespmem:v63+s7+$0x0] =	vst.idx.add.f32.msk $0xffff, v34;
	v63 =	vmov s31;
	(erf) = vpow2.f32 v32  }
0x4b9: {  	v36 =	vmul.f32 v36, v19;
	v46 =	vmul.f32 v46, v15;
	v34 =	vor.u32 v8, v28;
	v32 =	vld [tilespmem:s23+$0x30]  }
0x4ba: {  	v37 =	vmul.f32 v37, v14;
	v45 =	vadd.f32 v45, v48;
	v41 =	vadd.f32 v59, v58;
	v54 =	vld [tilespmem:s23+$0xFFFFFF30]  }
0x4bb: {  	v39 =	vmul.f32 v39, v16;
	v40 =	vmul.f32 v40, v17;
	v61 =	vor.u32 v8, v25;
	v57 =	vld [tilespmem:s21+$0xFFFFFFD0]  }
0x4bc: {  	v55 =	vor.u32 v8, v30;
	v41 =	vadd.f32 v45, v41;
	v45 =	vld [tilespmem:s23+$0xF0];
	v49 =	vmul.f32 v27, v60  }
0x4bd: {  	v46 =	vadd.f32 v51, v46;
	v38 =	vmul.f32 v38, v14;
	v33 =	vmul.f32 v33, v15;
	v44 =	vld.idx.msk [tilespmem:v63+s8+$0x0], $0xffff  }
0x4be: {  	v53 =	vmul.f32 v53, v14;
	[tilespmem:v34+s7+$0x0] =	vst.idx.add.f32.msk $0xffff, v49;
	v32 =	vmul.f32 v26, v32  }
0x4bf: {  	v24 =	vor.u32 v12, v24;
	v58 =	vmul.f32 v23, v13;
	v34 =	vld [tilespmem:s21+$0xFFFFFF50];
	v54 =	vmul.f32 v29, v54  }
0x4c0: {  	v33 =	vadd.f32 v47, v33;
	v48 =	vor.u32 v9, v28;
	[tilespmem:v61+s7+$0x0] =	vst.idx.add.f32.msk $0xffff, v32  }
0x4c1: {  	v60 =	vmul.f32 v50, v20;
	v61 =	vadd.f32 v53, v58;
	[tilespmem:v55+s7+$0x0] =	vst.idx.add.f32.msk $0xffff, v54;
	v63 =	vpop (erf)  }
0x4c2: {  	v57 =	vmul.f32 v57, v18;
	v22 =	vmul.f32 v45, v22;
	v51 =	vld [tilespmem:s23+$0x40];
	v53 =	vadd.f32 $1.000000000e+00, v63  }
0x4c3: {  	v56 =	vor.u32 v10, v25;
	v32 =	vadd.f32 v60, v42;
	v60 =	vld [tilespmem:s23+$0xFFFFFF40];
	v46 =	vadd.f32 v46, v61  }
0x4c4: {  	v59 =	vadd.f32 v57, v43;
	[tilespmem:v24+s7+$0x0] =	vst.idx.add.f32.msk $0xffff, v22;
	v63 =	vor.u32 v9, v25;
	(erf) = vrcp.f32 v53  }
0x4c5: {  	v50 =	vor.u32 v9, v30;
	v58 =	vmul.f32 v31, v13;
	v41 =	vadd.f32 v41, v46;
	v46 =	vld [tilespmem:s23+$0xFFFFFFC0]  }
0x4c6: {  	v57 =	vmov s11;
	v55 =	vld [tilespmem:s21+$0xFFFFFF70];
	v42 =	vadd.f32 v32, v59;
	v24 =	vshll.u32 v44, $0x7  }
0x4c7: {  	v38 =	vadd.f32 v38, v58;
	v32 =	vld [tilespmem:s21+$0xFFFFFF00];
	v34 =	vmul.f32 v34, v18;
	v61 =	vmul.f32 v26, v51  }
0x4c8: {  	v22 =	vld [tilespmem:s21+$0xFFFFFF20];
	v59 =	vand.u32 $0xFFFFFFFC, v57;
	v57 =	vor.u32 v10, v28;
	v43 =	vmul.f32 v29, v60  }
0x4c9: {  	v58 =	vor.u32 v3, v24;
	v33 =	vadd.f32 v33, v38;
	v38 =	vbroadcast v59, $0x0;
	[tilespmem:v63+s7+$0x0] =	vst.idx.add.f32.msk $0xffff, v61  }
0x4ca: {  	v54 =	vperm.xlane v41, v1;
	[tilespmem:v50+s7+$0x0] =	vst.idx.add.f32.msk $0xffff, v43;
	v61 =	vmul.f32 v27, v46  }
0x4cb: {  	v34 =	vadd.f32 v34, v40;
	v52 =	vmul.f32 v55, v20;
	v42 =	vadd.f32 v42, v33;
	v49 =	vld [tilespmem:s23+$0x50]  }
0x4cc: {  	v53 =	vmul.f32 v32, v13;
	v41 =	vadd.f32 v41, v54;
	[tilespmem:v48+s7+$0x0] =	vst.idx.add.f32.msk $0xffff, v61  }
0x4cd: {  	v36 =	vadd.f32 v52, v36;
	v63 =	vmul.f32 v22, v15;
	v54 =	vperm.xlane v42, v1;
	v43 =	vld [tilespmem:s23+$0xFFFFFFD0];
	v22 =	vpop (erf)  }
0x4ce: {  	v55 =	vld [tilespmem:s23+$0xFFFFFF50];
	v37 =	vadd.f32 v37, v53;
	v60 =	vperm.xlane v41, v2;
	v50 =	vmul.f32 v22, v35  }
0x4cf: {  	v34 =	vadd.f32 v36, v34;
	v53 =	vor.u32 v11, v25;
	v33 =	vld.idx.msk [tilespmem:v38+s8+$0x0], $0xffff;
	v59 =	vadd.f32 v42, v54  }
0x4d0: {  	v51 =	vadd.f32 v41, v60;
	v46 =	vmul.f32 v26, v49;
	[tilespmem:v58+s7+$0x0] =	vst.idx.add.f32.msk $0xffff, v50  }
0x4d1: {  	v39 =	vadd.f32 v39, v63;
	v60 =	vor.u32 v10, v30;
	v41 =	vperm.xlane v59, v2;
	v47 =	vld [tilespmem:s21+$0x90]  }
0x4d2: {  	[tilespmem:v56+s7+$0x0] =	vst.idx.add.f32.msk $0xffff, v46;
	v58 =	vperm.xlane v51, v4;
	v61 =	vmul.f32 v27, v43  }
0x4d3: {  	v42 =	vor.u32 v6, v24;
	v37 =	vadd.f32 v39, v37;
	v54 =	vadd.f32 v59, v41;
	v46 =	vld [tilespmem:s23+$0x60]  }
0x4d4: {  	v52 =	vmul.f32 v29, v55;
	v40 =	vadd.f32 v51, v58;
	[tilespmem:v57+s7+$0x0] =	vst.idx.add.f32.msk $0xffff, v61  }
0x4d5: {  	p4 =	sgt.u32 s22, $0x8;
	s5 =	sadd.s32 $0x2, s11;
	v36 =	vor.u32 v7, v24;
	v34 =	vadd.f32 v34, v37;
	v59 =	vperm.xlane v54, v4;
	v56 =	vld [tilespmem:s23+$0xFFFFFFE0]  }
.Ltmp26:
0x4d6: {  	v63 =	vmov s5;
	[tilespmem:v60+s7+$0x0] =	vst.idx.add.f32.msk $0xffff, v52;
	v55 =	vperm.xlane v40, v5;
	v57 =	vmul.f32 v22, v47;
	(pc) =	sbr.rel @!p4 .LBB2_10-.Ltmp26, $4  }
0x4d7: {  	v41 =	vor.u32 v11, v28;
	v39 =	vld [tilespmem:s23+$0xFFFFFF60];
	v45 =	vadd.f32 v54, v59;
	v58 =	vperm.xlane v34, v1  }
0x4d8: {  	s11 =	sadd.s32 $0x1, s11;
	v35 =	vand.u32 $0xFFFFFFFE, v63;
	v63 =	vmul.f32 v46, v26;
	v60 =	vadd.f32 v40, v55;
	[tilespmem:v42+s7+$0x0] =	vst.idx.add.f32.msk $0xffff, v57  }
0x4d9: {  	v61 =	vmov s11;
	v43 =	vadd.f32 v34, v58;
	v40 =	vor.u32 v11, v30;
	v37 =	vld [tilespmem:s21+$0xA0]  }
0x4da: {  	p3 =	por $0x1, $0x1;
	s11 =	simm.s32 $0x8;
	v38 =	vand.u32 $0xFFFFFFFD, v61;
	[tilespmem:v53+s7+$0x0] =	vst.idx.add.f32.msk $0xffff, v63;
	v42 =	vadd.f32 v60, v21;
	v44 =	vmul.f32 v56, v27  }
.LBB2_11:
0x4db: {  	v34 =	vperm.xlane v43, v2;
	v46 =	vperm.xlane v45, v5;
	v47 =	vld [tilespmem:s23+$0x70];
	s31 =	smov.u32 s11;
	s11 =	sadd.s32 $0x4, s11  }
0x4dc: {  	v25 =	vor.u32 v12, v25;
	p4 =	slt.u32 s11, s22;
	v39 =	vmul.f32 v39, v29;
	[tilespmem:v41+s7+$0x0] =	vst.idx.add.f32.msk $0xffff, v44  }
0x4dd: {  	v38 =	vbroadcast v38, $0x0;
	v34 =	vadd.f32 v43, v34;
	v41 =	vadd.f32 v45, v46;
	v43 =	vld [tilespmem:s23+$0xFFFFFFF0]  }
0x4de: {  	v28 =	vor.u32 v12, v28;
	v37 =	vmul.f32 v22, v37;
	[tilespmem:v40+s7+$0x0] =	vst.idx.add.f32.msk $0xffff, v39  }
0x4df: {  	v35 =	vbroadcast v35, $0x0;
	v39 =	vperm.xlane v34, v4;
	v40 =	vadd.f32 v41, v21;
	v41 =	vld [tilespmem:s23+$0xFFFFFF70];
	s23 =	smov.u32 s21  }
0x4e0: {  	v42 =	vsub.f32 $0.0e+00, v42;
	[tilespmem:v36+s7+$0x0] =	vst.idx.add.f32.msk $0xffff, v37;
	v26 =	vmul.f32 v47, v26  }
0x4e1: {  	v30 =	vor.u32 v12, v30;
	v34 =	vadd.f32 v34, v39;
	v36 =	vsub.f32 $0.0e+00, v40;
	v37 =	vld [tilespmem:s21+$0xB0]  }
0x4e2: {  	v39 =	vmul.f32 $1.442695020e+00, v42;
	v27 =	vmul.f32 v43, v27;
	[tilespmem:v25+s7+$0x0] =	vst.idx.add.f32.msk $0xffff, v26  }
0x4e3: {  	v25 =	vperm.xlane v34, v5;
	v26 =	vld.idx.msk [tilespmem:v38+s8+$0x0], $0xffff;
	v36 =	vmul.f32 $1.442695020e+00, v36  }
0x4e4: {  	(erf) = vpow2.f32 v39;
	v29 =	vmul.f32 v41, v29;
	[tilespmem:v28+s7+$0x0] =	vst.idx.add.f32.msk $0xffff, v27  }
0x4e5: {  	v25 =	vadd.f32 v34, v25;
	v27 =	vld.idx.msk [tilespmem:v35+s8+$0x0], $0xffff;
	(erf) = vpow2.f32 v36  }
0x4e6: {  	s21 =	sadd.s32 $0x200, s21;
	v28 =	vmul.f32 v22, v37;
	[tilespmem:v30+s7+$0x0] =	vst.idx.add.f32.msk $0xffff, v29  }
0x4e7: {  	v29 =	vor.u32 v8, v24;
	v36 =	vld [tilespmem:s21+$0xFFFFFF60];
	v25 =	vadd.f32 v25, v21  }
0x4e8: {  	v30 =	vld [tilespmem:s21+$0x90]  }
0x4e9: {  	v34 =	vld [tilespmem:s21+$0x80];
	v25 =	vsub.f32 $0.0e+00, v25  }
0x4ea: {  	v35 =	vld [tilespmem:s21+$0xE0]  }
0x4eb: {  	v37 =	vld [tilespmem:s21+$0xF0];
	v0 =	vmul.f32 $1.442695020e+00, v25  }
0x4ec: {  	[tilespmem:v29+s7+$0x0] =	vst.idx.add.f32.msk $0xffff, v28  }
0x4ed: {  	v28 =	vld [tilespmem:s23+$0xC0];
	(erf) = vpow2.f32 v0;
	v25 =	vpop (erf)  }
0x4ee: {  	v29 =	vld [tilespmem:s21+$0xD0];
	v25 =	vadd.f32 $1.000000000e+00, v25;
	v38 =	vpop (erf)  }
0x4ef: {  	v40 =	vor.u32 v9, v24;
	v39 =	vld [tilespmem:s21+$0xC0];
	v38 =	vadd.f32 $1.000000000e+00, v38  }
0x4f0: {  	v42 =	vld [tilespmem:s21+$0xB0];
	(erf) = vrcp.f32 v25  }
0x4f1: {  	v37 =	vmul.f32 v37, v20;
	v25 =	vld [tilespmem:s21+$0xA0];
	(erf) = vrcp.f32 v38  }
0x4f2: {  	v35 =	vmul.f32 v35, v19;
	v38 =	vld [tilespmem:s21+$0xFFFFFF90];
	v28 =	vmul.f32 v22, v28  }
0x4f3: {  	v41 =	vld [tilespmem:s21+$0xFFFFFFE0];
	v29 =	vmul.f32 v29, v18  }
0x4f4: {  	v35 =	vadd.f32 v37, v35;
	v39 =	vmul.f32 v39, v17;
	[tilespmem:v40+s7+$0x0] =	vst.idx.add.f32.msk $0xffff, v28  }
0x4f5: {  	v28 =	vmul.f32 v42, v16;
	v44 =	vld [tilespmem:s23+$0xD0]  }
0x4f6: {  	v37 =	vld [tilespmem:s21+$0xFFFFFF10];
	v42 =	vmul.f32 v25, v15;
	v29 =	vadd.f32 v29, v39;
	v25 =	vshll.u32 v27, $0x7;
	v27 =	vpop (erf)  }
0x4f7: {  	v30 =	vmul.f32 v30, v14;
	v39 =	vld [tilespmem:s21+$0xFFFFFF30];
	v0 =	vadd.f32 $1.000000000e+00, v27;
	v45 =	vor.u32 v3, v25  }
0x4f8: {  	v46 =	vmul.f32 v34, v13;
	v40 =	vld [tilespmem:s21+$0xFFFFFF40];
	v47 =	vadd.f32 v28, v42;
	v28 =	vshll.u32 v26, $0x7  }
0x4f9: {  	v49 =	vor.u32 v10, v24;
	v42 =	vld [tilespmem:s21+$0xFFFFFFB0];
	v48 =	vor.u32 v3, v28;
	(erf) = vrcp.f32 v0;
	v26 =	vpop (erf)  }
0x4fa: {  	v30 =	vadd.f32 v30, v46;
	v43 =	vld [tilespmem:s21+$0xFFFFFFF0];
	v23 =	vmul.f32 v26, v23;
	v44 =	vmul.f32 v22, v44;
	v27 =	vpop (erf)  }
0x4fb: {  	v46 =	vmul.f32 v27, v31;
	v31 =	vld [tilespmem:s21+$0xFFFFFF80]  }
0x4fc: {  	v29 =	vadd.f32 v35, v29;
	v30 =	vadd.f32 v47, v30;
	[tilespmem:v45+s7+$0x0] =	vst.idx.add.f32.msk $0xffff, v23  }
0x4fd: {  	v35 =	vld [tilespmem:s23+$0x10]  }
0x4fe: {  	v23 =	vadd.f32 v29, v30;
	[tilespmem:v48+s7+$0x0] =	vst.idx.add.f32.msk $0xffff, v46  }
0x4ff: {  	v30 =	vshll.u32 v33, $0x7;
	[tilespmem:v49+s7+$0x0] =	vst.idx.add.f32.msk $0xffff, v44  }
0x500: {  	v45 =	vor.u32 v3, v30;
	v0 =	vperm.xlane v23, v1;
	v33 =	vld [tilespmem:s21+$0xFFFFFFA0]  }
0x501: {  	v46 =	vor.u32 v6, v25;
	v44 =	vld [tilespmem:s21+$0xFFFFFFC0]  }
0x502: {  	v48 =	vadd.f32 v23, v0;
	v47 =	vld [tilespmem:s21+$0x70];
	v29 =	vpop (erf)  }
0x503: {  	v49 =	vld [tilespmem:s21+$0x60];
	v32 =	vmul.f32 v29, v32  }
0x504: {  	v50 =	vperm.xlane v48, v2;
	v35 =	vmul.f32 v26, v35;
	v23 =	vld [tilespmem:s21+$0x0]  }
0x505: {  	[tilespmem:v45+s7+$0x0] =	vst.idx.add.f32.msk $0xffff, v32  }
0x506: {  	v32 =	vadd.f32 v48, v50;
	[tilespmem:v46+s7+$0x0] =	vst.idx.add.f32.msk $0xffff, v35  }
0x507: {  	v35 =	vmul.f32 v47, v20;
	v45 =	vld [tilespmem:s23+$0xFFFFFF90]  }
0x508: {  	v47 =	vperm.xlane v32, v4;
	v46 =	vmul.f32 v49, v19;
	v48 =	vld [tilespmem:s23+$0xE0]  }
0x509: {  	v50 =	vor.u32 v6, v28;
	v49 =	vld [tilespmem:s23+$0xFFFFFF10]  }
0x50a: {  	v32 =	vadd.f32 v32, v47;
	v46 =	vadd.f32 v35, v46;
	v35 =	vld [tilespmem:s23+$0x20]  }
0x50b: {  	v51 =	vor.u32 v11, v24;
	v47 =	vld [tilespmem:s21+$0x30]  }
0x50c: {  	v54 =	vor.u32 v6, v30;
	v53 =	vperm.xlane v32, v5;
	v52 =	vld [tilespmem:s21+$0x10];
	v45 =	vmul.f32 v27, v45  }
0x50d: {  	v55 =	vld [tilespmem:s21+$0x50];
	v48 =	vmul.f32 v48, v22  }
0x50e: {  	v32 =	vadd.f32 v32, v53;
	v49 =	vmul.f32 v29, v49;
	[tilespmem:v50+s7+$0x0] =	vst.idx.add.f32.msk $0xffff, v45  }
0x50f: {  	v50 =	vor.u32 v7, v25;
	v45 =	vld [tilespmem:s23+$0xFFFFFFA0]  }
0x510: {  	v32 =	vadd.f32 v32, v21;
	[tilespmem:v51+s7+$0x0] =	vst.idx.add.f32.msk $0xffff, v48  }
0x511: {  	[tilespmem:v54+s7+$0x0] =	vst.idx.add.f32.msk $0xffff, v49  }
0x512: {  	v35 =	vmul.f32 v26, v35;
	v32 =	vsub.f32 $0.0e+00, v32;
	v49 =	vor.u32 v7, v28;
	v48 =	vld [tilespmem:s23+$0xFFFFFF20]  }
0x513: {  	v51 =	vld [tilespmem:s21+$0x40]  }
0x514: {  	v53 =	vor.u32 v7, v30;
	v32 =	vmul.f32 $1.442695020e+00, v32;
	v45 =	vmul.f32 v27, v45;
	[tilespmem:v50+s7+$0x0] =	vst.idx.add.f32.msk $0xffff, v35  }
0x515: {  	v50 =	vld [tilespmem:s21+$0x20]  }
0x516: {  	v56 =	vor.u32 v12, v24;
	v54 =	vor.u32 v9, v28;
	(erf) = vpow2.f32 v32;
	v32 =	vld [tilespmem:s23+$0x30]  }
0x517: {  	v24 =	vmul.f32 v29, v48;
	v48 =	vor.u32 v8, v30;
	[tilespmem:v49+s7+$0x0] =	vst.idx.add.f32.msk $0xffff, v45  }
0x518: {  	s31 =	sadd.s32 s31, s29;
	v45 =	vmul.f32 v55, v18;
	v35 =	vmul.f32 v51, v17;
	v49 =	vld [tilespmem:s23+$0xFFFFFFB0];
	v51 =	vor.u32 v8, v25  }
0x519: {  	s3 =	sadd.s32 $0x1, s31;
	s4 =	sadd.s32 $0x2, s31;
	v55 =	vmov s31;
	s31 =	sadd.s32 $0x3, s31;
	[tilespmem:v53+s7+$0x0] =	vst.idx.add.f32.msk $0xffff, v24;
	v24 =	vor.u32 v8, v28;
	v53 =	vor.u32 v10, v25  }
0x51a: {  	v57 =	vmov s4;
	v58 =	vmov s31;
	v45 =	vadd.f32 v45, v35;
	v59 =	vld [tilespmem:s23+$0xFFFFFF30]  }
0x51b: {  	v35 =	vand.u32 $0xFFFFFFFE, v57;
	v50 =	vmul.f32 v50, v15;
	v60 =	vld [tilespmem:s21+$0xFFFFFFD0];
	v32 =	vmul.f32 v26, v32  }
0x51c: {  	v47 =	vmul.f32 v47, v16;
	v52 =	vmul.f32 v52, v14;
	v45 =	vadd.f32 v46, v45;
	v46 =	vld [tilespmem:s23+$0xF0]  }
0x51d: {  	v61 =	vmul.f32 v23, v13;
	v57 =	vmov s3;
	v49 =	vmul.f32 v27, v49;
	[tilespmem:v51+s7+$0x0] =	vst.idx.add.f32.msk $0xffff, v32  }
0x51e: {  	v32 =	vmul.f32 v43, v20;
	v43 =	vadd.f32 v47, v50;
	v47 =	vor.u32 v9, v30;
	v50 =	vld [tilespmem:s23+$0x40]  }
0x51f: {  	v41 =	vmul.f32 v41, v19;
	v51 =	vadd.f32 v52, v61;
	v52 =	vld.idx.msk [tilespmem:v58+s8+$0x0], $0xffff;
	v58 =	vpop (erf);
	v59 =	vmul.f32 v29, v59  }
0x520: {  	v42 =	vmul.f32 v42, v16;
	v60 =	vmul.f32 v60, v18;
	v58 =	vadd.f32 $1.000000000e+00, v58;
	[tilespmem:v24+s7+$0x0] =	vst.idx.add.f32.msk $0xffff, v49  }
0x521: {  	v43 =	vadd.f32 v43, v51;
	v24 =	vmul.f32 v44, v17;
	v49 =	vld [tilespmem:s21+$0xFFFFFF50];
	v22 =	vmul.f32 v46, v22  }
0x522: {  	v32 =	vadd.f32 v32, v41;
	v44 =	vmul.f32 v31, v13;
	(erf) = vrcp.f32 v58;
	[tilespmem:v48+s7+$0x0] =	vst.idx.add.f32.msk $0xffff, v59  }
0x523: {  	v33 =	vmul.f32 v33, v15;
	v41 =	vadd.f32 v45, v43;
	v24 =	vadd.f32 v60, v24;
	v43 =	vld [tilespmem:s23+$0xFFFFFF40]  }
0x524: {  	v38 =	vmul.f32 v38, v14;
	v48 =	vor.u32 v9, v25;
	v46 =	vmul.f32 v26, v50;
	v45 =	vld [tilespmem:s23+$0xFFFFFFC0]  }
0x525: {  	v50 =	vadd.f32 v32, v24;
	v32 =	vperm.xlane v41, v1;
	v24 =	vshll.u32 v52, $0x7;
	[tilespmem:v56+s7+$0x0] =	vst.idx.add.f32.msk $0xffff, v22  }
0x526: {  	v39 =	vmul.f32 v39, v16;
	v33 =	vadd.f32 v42, v33;
	v38 =	vadd.f32 v38, v44;
	v22 =	vld [tilespmem:s21+$0xFFFFFF20]  }
0x527: {  	v40 =	vmul.f32 v40, v17;
	v42 =	vmul.f32 v36, v19;
	v41 =	vadd.f32 v41, v32;
	v36 =	vld [tilespmem:s21+$0xFFFFFF70]  }
0x528: {  	v44 =	vmul.f32 v49, v18;
	v49 =	vor.u32 v3, v24;
	v32 =	vld [tilespmem:s21+$0xFFFFFF00];
	v43 =	vmul.f32 v29, v43  }
0x529: {  	v51 =	vand.u32 $0xFFFFFFFC, v55;
	v33 =	vadd.f32 v33, v38;
	v38 =	vperm.xlane v41, v2;
	[tilespmem:v48+s7+$0x0] =	vst.idx.add.f32.msk $0xffff, v46  }
0x52a: {  	v40 =	vadd.f32 v44, v40;
	v46 =	vbroadcast v51, $0x0;
	[tilespmem:v47+s7+$0x0] =	vst.idx.add.f32.msk $0xffff, v43;
	v43 =	vmul.f32 v27, v45  }
0x52b: {  	v45 =	vadd.f32 v50, v33;
	v41 =	vadd.f32 v41, v38;
	v44 =	vmul.f32 v22, v15;
	v22 =	vpop (erf);
	v33 =	vld [tilespmem:s23+$0x50]  }
0x52c: {  	v38 =	vand.u32 $0xFFFFFFFD, v57;
	v47 =	vmul.f32 v36, v20;
	v34 =	vmul.f32 v22, v34;
	[tilespmem:v54+s7+$0x0] =	vst.idx.add.f32.msk $0xffff, v43  }
0x52d: {  	v37 =	vmul.f32 v37, v14;
	v36 =	vor.u32 v7, v24;
	v39 =	vadd.f32 v39, v44;
	v43 =	vld [tilespmem:s23+$0xFFFFFFD0]  }
0x52e: {  	v44 =	vmul.f32 v32, v13;
	[tilespmem:v49+s7+$0x0] =	vst.idx.add.f32.msk $0xffff, v34;
	v34 =	vor.u32 v11, v25  }
0x52f: {  	v42 =	vadd.f32 v47, v42;
	v47 =	vperm.xlane v45, v1;
	v49 =	vor.u32 v10, v28;
	v48 =	vld [tilespmem:s23+$0xFFFFFF50]  }
0x530: {  	v37 =	vadd.f32 v37, v44;
	v44 =	vperm.xlane v41, v4;
	v50 =	vld [tilespmem:s21+$0x90];
	v51 =	vmul.f32 v26, v33  }
0x531: {  	v40 =	vadd.f32 v42, v40;
	v42 =	vadd.f32 v45, v47;
	v45 =	vor.u32 v10, v30;
	v33 =	vld.idx.msk [tilespmem:v46+s8+$0x0], $0xffff  }
0x532: {  	v37 =	vadd.f32 v39, v37;
	v39 =	vmul.f32 v27, v43;
	[tilespmem:v53+s7+$0x0] =	vst.idx.add.f32.msk $0xffff, v51  }
0x533: {  	v41 =	vadd.f32 v41, v44;
	v44 =	vor.u32 v6, v24;
	v43 =	vperm.xlane v42, v2;
	v46 =	vld [tilespmem:s23+$0x60]  }
0x534: {  	v37 =	vadd.f32 v40, v37;
	v40 =	vmul.f32 v29, v48;
	[tilespmem:v49+s7+$0x0] =	vst.idx.add.f32.msk $0xffff, v39  }
0x535: {  	v42 =	vadd.f32 v42, v43;
	v39 =	vperm.xlane v41, v5;
	v47 =	vmul.f32 v22, v50;
	v48 =	vld [tilespmem:s23+$0xFFFFFFE0]  }
.Ltmp27:
0x536: {  	v43 =	vperm.xlane v37, v1;
	[tilespmem:v45+s7+$0x0] =	vst.idx.add.f32.msk $0xffff, v40;
	(pc) =	sbr.rel @p4 .LBB2_11-.Ltmp27, $4  }
0x537: {  	v40 =	vperm.xlane v42, v4;
	v49 =	vadd.f32 v41, v39;
	v41 =	vor.u32 v11, v28;
	v39 =	vld [tilespmem:s23+$0xFFFFFF60]  }
0x538: {  	v43 =	vadd.f32 v37, v43;
	[tilespmem:v44+s7+$0x0] =	vst.idx.add.f32.msk $0xffff, v47;
	v46 =	vmul.f32 v46, v26  }
0x539: {  	v45 =	vadd.f32 v42, v40;
	v42 =	vadd.f32 v49, v21;
	v40 =	vor.u32 v11, v30;
	v37 =	vld [tilespmem:s21+$0xA0]  }
0x53a: {  	v44 =	vmul.f32 v48, v27;
	[tilespmem:v34+s7+$0x0] =	vst.idx.add.f32.msk $0xffff, v46  }
0x53b: {  	s11 =	smov.u32 s23;
	s23 =	smov.u32 s21;
	v34 =	vmov v31  }
.LBB2_13:
0x53c: {  	v31 =	vperm.xlane v43, v2;
	_ =	sdelay $0x1  }
0x53d: {  	v31 =	vadd.f32 v43, v31;
	_ =	sdelay $0x1  }
0x53e: {  	v43 =	vperm.xlane v31, v4;
	_ =	sdelay $0x1  }
0x53f: {  	v46 =	vperm.xlane v45, v5;
	v31 =	vadd.f32 v31, v43;
	_ =	sdelay $0x1  }
0x540: {  	v55 =	vadd.f32 v45, v46;
	v56 =	vperm.xlane v31, v5  }
0x541: {  	v42 =	vsub.f32 $0.0e+00, v42  }
0x542: {  	v43 =	vadd.f32 v55, v21;
	v31 =	vadd.f32 v31, v56;
	_ =	sdelay $0x1  }
0x543: {  	v42 =	vmul.f32 $1.442695020e+00, v42;
	v43 =	vsub.f32 $0.0e+00, v43;
	v31 =	vadd.f32 v31, v21;
	_ =	sdelay $0x1  }
0x544: {  	(erf) = vpow2.f32 v42;
	v43 =	vmul.f32 $1.442695020e+00, v43;
	v31 =	vsub.f32 $0.0e+00, v31;
	_ =	sdelay $0x1  }
0x545: {  	(erf) = vpow2.f32 v43;
	v31 =	vmul.f32 $1.442695020e+00, v31;
	_ =	sdelay $0x1  }
0x546: {  	(erf) = vpow2.f32 v31;
	_ =	sdelay $0x2  }
0x547: {  	v57 =	vbroadcast v35, $0x0;
	_ =	sdelay $0x1  }
0x548: {  	v58 =	vbroadcast v38, $0x0;
	v59 =	vpop (erf)  }
0x549: {  	v38 =	vadd.f32 $1.000000000e+00, v59  }
0x54a: {  	v60 =	vpop (erf)  }
0x54b: {  	(erf) = vrcp.f32 v38;
	v42 =	vadd.f32 $1.000000000e+00, v60  }
0x54c: {  	v31 =	vld.idx.msk [tilespmem:v57+s8+$0x0], $0xffff;
	v61 =	vpop (erf)  }
0x54d: {  	(erf) = vrcp.f32 v42;
	v38 =	vadd.f32 $1.000000000e+00, v61  }
0x54e: {  	v35 =	vld.idx.msk [tilespmem:v58+s8+$0x0], $0xffff  }
0x54f: {  	(erf) = vrcp.f32 v38;
	_ =	sdelay $0x1  }
0x550: {  	v31 =	vshll.u32 v31, $0x7  }
0x551: {  	v63 =	vor.u32 v3, v31  }
0x552: {  	v35 =	vshll.u32 v35, $0x7  }
0x553: {  	[tilespmem:v41+s7+$0x0] =	vst.idx.add.f32.msk @p3 $0xffff, v44;
	v39 =	vmul.f32 @p3 v39, v29;
	v48 =	vor.u32 v3, v35;
	v45 =	vpop (erf)  }
0x554: {  	v33 =	vshll.u32 v33, $0x7;
	v41 =	vld @p3 [tilespmem:s11+$0xFFFFFFF0];
	v23 =	vmul.f32 v45, v23  }
0x555: {  	v49 =	vor.u32 v3, v33;
	[tilespmem:v40+s7+$0x0] =	vst.idx.add.f32.msk @p3 $0xffff, v39;
	v44 =	vpop (erf)  }
0x556: {  	[tilespmem:v63+s7+$0x0] =	vst.idx.add.f32.msk $0xffff, v23;
	v34 =	vmul.f32 v44, v34  }
0x557: {  	v23 =	vld [tilespmem:s23+$0x10];
	v38 =	vpop (erf)  }
0x558: {  	[tilespmem:v48+s7+$0x0] =	vst.idx.add.f32.msk $0xffff, v34;
	v32 =	vmul.f32 v38, v32  }
0x559: {  	v50 =	vor.u32 v6, v31;
	v43 =	vld [tilespmem:s23+$0xFFFFFF90]  }
0x55a: {  	v37 =	vmul.f32 v22, v37;
	[tilespmem:v49+s7+$0x0] =	vst.idx.add.f32.msk $0xffff, v32  }
0x55b: {  	v51 =	vor.u32 v6, v35;
	v32 =	vld [tilespmem:s23+$0xFFFFFF10]  }
0x55c: {  	[tilespmem:v36+s7+$0x0] =	vst.idx.add.f32.msk $0xffff, v37;
	v23 =	vmul.f32 v45, v23  }
0x55d: {  	v52 =	vor.u32 v6, v33;
	v36 =	vld [tilespmem:s23+$0xB0]  }
0x55e: {  	[tilespmem:v50+s7+$0x0] =	vst.idx.add.f32.msk $0xffff, v23;
	v23 =	vmul.f32 v44, v43  }
0x55f: {  	v34 =	vld [tilespmem:s23+$0x20]  }
0x560: {  	v56 =	vor.u32 v8, v24;
	[tilespmem:v51+s7+$0x0] =	vst.idx.add.f32.msk $0xffff, v23;
	v32 =	vmul.f32 v38, v32  }
0x561: {  	v53 =	vor.u32 v7, v31;
	v23 =	vld [tilespmem:s23+$0xFFFFFFA0]  }
0x562: {  	[tilespmem:v52+s7+$0x0] =	vst.idx.add.f32.msk $0xffff, v32  }
0x563: {  	v36 =	vmul.f32 v22, v36;
	v54 =	vor.u32 v7, v35;
	v32 =	vld [tilespmem:s23+$0xFFFFFF20]  }
0x564: {  	v39 =	vld @p3 [tilespmem:s11+$0xFFFFFF70];
	v34 =	vmul.f32 v45, v34  }
0x565: {  	v55 =	vor.u32 v7, v33;
	[tilespmem:v56+s7+$0x0] =	vst.idx.add.f32.msk $0xffff, v36  }
0x566: {  	[tilespmem:v53+s7+$0x0] =	vst.idx.add.f32.msk $0xffff, v34;
	v23 =	vmul.f32 v44, v23  }
0x567: {  	v43 =	vld [tilespmem:s23+$0x30]  }
0x568: {  	[tilespmem:v54+s7+$0x0] =	vst.idx.add.f32.msk $0xffff, v23;
	v32 =	vmul.f32 v38, v32  }
0x569: {  	v57 =	vor.u32 v8, v31;
	v23 =	vld [tilespmem:s23+$0xFFFFFFB0]  }
0x56a: {  	[tilespmem:v55+s7+$0x0] =	vst.idx.add.f32.msk $0xffff, v32  }
0x56b: {  	v58 =	vor.u32 v8, v35;
	v37 =	vld [tilespmem:s23+$0xFFFFFF30]  }
0x56c: {  	v36 =	vld [tilespmem:s23+$0xC0];
	v59 =	vmul.f32 v45, v43  }
0x56d: {  	v60 =	vor.u32 v8, v33;
	v42 =	vld @p3 [tilespmem:s11+$0x70]  }
0x56e: {  	[tilespmem:v57+s7+$0x0] =	vst.idx.add.f32.msk $0xffff, v59;
	v23 =	vmul.f32 v44, v23  }
0x56f: {  	v61 =	vor.u32 v9, v24;
	v40 =	vld [tilespmem:s23+$0x40]  }
0x570: {  	[tilespmem:v58+s7+$0x0] =	vst.idx.add.f32.msk $0xffff, v23;
	v37 =	vmul.f32 v38, v37  }
0x571: {  	v63 =	vor.u32 v9, v31;
	v23 =	vld [tilespmem:s23+$0xFFFFFFC0]  }
0x572: {  	v36 =	vmul.f32 v22, v36;
	[tilespmem:v60+s7+$0x0] =	vst.idx.add.f32.msk $0xffff, v37  }
0x573: {  	v46 =	vor.u32 v9, v35;
	v43 =	vld [tilespmem:s23+$0xFFFFFF40]  }
0x574: {  	[tilespmem:v61+s7+$0x0] =	vst.idx.add.f32.msk $0xffff, v36;
	v47 =	vmul.f32 v45, v40  }
0x575: {  	v36 =	vld [tilespmem:s23+$0xD0];
	v48 =	vor.u32 v9, v33  }
0x576: {  	[tilespmem:v63+s7+$0x0] =	vst.idx.add.f32.msk $0xffff, v47;
	v23 =	vmul.f32 v44, v23  }
0x577: {  	v49 =	vor.u32 v10, v24;
	v34 =	vld [tilespmem:s23+$0x50]  }
0x578: {  	[tilespmem:v46+s7+$0x0] =	vst.idx.add.f32.msk $0xffff, v23;
	v43 =	vmul.f32 v38, v43  }
0x579: {  	v23 =	vor.u32 v10, v31;
	v37 =	vld [tilespmem:s23+$0xFFFFFFD0]  }
0x57a: {  	v36 =	vmul.f32 v22, v36;
	[tilespmem:v48+s7+$0x0] =	vst.idx.add.f32.msk $0xffff, v43  }
0x57b: {  	v50 =	vor.u32 v10, v35;
	v40 =	vld [tilespmem:s23+$0xFFFFFF50]  }
0x57c: {  	[tilespmem:v49+s7+$0x0] =	vst.idx.add.f32.msk $0xffff, v36;
	v51 =	vmul.f32 v45, v34  }
0x57d: {  	v53 =	vor.u32 v10, v33;
	v52 =	vld [tilespmem:s23+$0xE0]  }
0x57e: {  	[tilespmem:v23+s7+$0x0] =	vst.idx.add.f32.msk $0xffff, v51;
	v37 =	vmul.f32 v44, v37  }
0x57f: {  	v23 =	vor.u32 v11, v24;
	v32 =	vld [tilespmem:s23+$0x60]  }
0x580: {  	[tilespmem:v50+s7+$0x0] =	vst.idx.add.f32.msk $0xffff, v37;
	v40 =	vmul.f32 v38, v40  }
0x581: {  	v54 =	vor.u32 v11, v31;
	v43 =	vld [tilespmem:s23+$0xFFFFFFE0]  }
0x582: {  	v34 =	vmul.f32 v52, v22;
	[tilespmem:v53+s7+$0x0] =	vst.idx.add.f32.msk $0xffff, v40  }
0x583: {  	v55 =	vor.u32 v11, v35;
	v36 =	vld [tilespmem:s23+$0xFFFFFF60]  }
0x584: {  	[tilespmem:v23+s7+$0x0] =	vst.idx.add.f32.msk $0xffff, v34;
	v23 =	vmul.f32 v32, v45  }
0x585: {  	v57 =	vor.u32 v11, v33;
	v56 =	vld [tilespmem:s23+$0xF0]  }
0x586: {  	[tilespmem:v54+s7+$0x0] =	vst.idx.add.f32.msk $0xffff, v23;
	v43 =	vmul.f32 v43, v44  }
0x587: {  	v23 =	vor.u32 @p3 v12, v25;
	v58 =	vld [tilespmem:s23+$0x70]  }
0x588: {  	v28 =	vor.u32 @p3 v12, v28;
	[tilespmem:v55+s7+$0x0] =	vst.idx.add.f32.msk $0xffff, v43;
	v36 =	vmul.f32 v36, v38  }
0x589: {  	v30 =	vor.u32 @p3 v12, v30;
	v59 =	vld [tilespmem:s23+$0xFFFFFFF0]  }
0x58a: {  	v26 =	vmul.f32 @p3 v42, v26;
	v60 =	vor.u32 v12, v24;
	[tilespmem:v57+s7+$0x0] =	vst.idx.add.f32.msk $0xffff, v36  }
0x58b: {  	v27 =	vmul.f32 @p3 v41, v27;
	v31 =	vor.u32 v12, v31;
	v34 =	vld [tilespmem:s23+$0xFFFFFF70]  }
0x58c: {  	v61 =	vor.u32 v12, v35;
	[tilespmem:v23+s7+$0x0] =	vst.idx.add.f32.msk @p3 $0xffff, v26;
	v23 =	vmul.f32 @p3 v39, v29  }
0x58d: {  	[tilespmem:v28+s7+$0x0] =	vst.idx.add.f32.msk @p3 $0xffff, v27;
	v63 =	vor.u32 v12, v33;
	v22 =	vmul.f32 v56, v22  }
0x58e: {  	[tilespmem:v30+s7+$0x0] =	vst.idx.add.f32.msk @p3 $0xffff, v23;
	v23 =	vmul.f32 v58, v45  }
0x58f: {  	[tilespmem:v60+s7+$0x0] =	vst.idx.add.f32.msk $0xffff, v22;
	v22 =	vmul.f32 v59, v44  }
0x590: {  	[tilespmem:v31+s7+$0x0] =	vst.idx.add.f32.msk $0xffff, v23;
	v23 =	vmul.f32 v34, v38  }
0x591: {  	[tilespmem:v61+s7+$0x0] =	vst.idx.add.f32.msk $0xffff, v22  }
0x592: {  	[tilespmem:v63+s7+$0x0] =	vst.idx.add.f32.msk $0xffff, v23  }
.LBB2_14:
0x593: {  	s11 =	sadd.s32 $0x2, s19  }
0x594: {  	p3 =	slt.u32 s11, s18  }
0x595: {  	s11 =	smul.u32 @p3 $0xD, s11;
	_ =	sdelay $0x1  }
0x596: {  	s11 =	sadd.s32 @p3 s16, s11  }
0x597: {  	s11 =	sshll.u32 @p3 s11, $0x8  }
0x598: {  	s11 =	sand.u32 @p3 $0x1FFFFF00, s11  }
0x599: {  	s21 =	simm.s32 @p3 $0x0;
	s22 =	simm.s32 @p3 $0x10000;
	s11 =	sadd.s32 @p3 s0, s11  }
0x59a: {  	[tilespmem:s22], [sflag:$0x1] =	stream.linear.gather @p3 [hbm4b:s11+s21], $0x6800, $0x38;
	[tilespmem:$0x1FC80] =	vst v63  }
.LBB2_15:
0x59b: {  	s11 =	sor.u32 $0x1, s19  }
0x59c: {  	p3 =	sge.u32 s11, s18  }
.Ltmp28:
0x59d: {  	_ = 	snop;
	(pc) =	sbr.rel @p3 .LBB2_25-.Ltmp28, $1  }
0x59e: {  	_ =	sdelay $0x3  }
0x59f: {  	s3 =	smul.u32 $0xFFFFFFF3, s11;
	_ =	sdelay $0x1  }
0x5a0: {  	s11 =	sadd.s32 s17, s3  }
0x5a1: {  	p3 =	seq.s32 s11, $0x0  }
.Ltmp29:
0x5a2: {  	_ = 	snop;
	(pc) =	sbr.rel @p3 .LBB2_24-.Ltmp29, $4  }
0x5a3: {  	_ = 	snop  }
0x5a4: {  	_ =	swait.ge [sflag:s20], $0x6800  }
0x5a5: {  	[sflag:s20] =	ssyncset.done $0x0  }
0x5a6: {  	[sflag:s20] =	ssyncadd.s32 $0xFFFF9800  }
0x5a7: {  	p3 =	slt.s32 s11, $0xD  }
0x5a8: {  	s11 =	simm.s32 @!p3 $0xD  }
0x5a9: {  	s21 =	sshll.u32 s11, $0x4;
	s11 =	simm.s32 $0x16900  }
0x5aa: {  	v23 =	vld [tilespmem:s11+$0x80]  }
0x5ab: {  	v22 =	vld [tilespmem:s11+$0xE0]  }
0x5ac: {  	v24 =	vld [tilespmem:s11+$0xD0]  }
0x5ad: {  	v25 =	vld [tilespmem:s11+$0xC0]  }
0x5ae: {  	v26 =	vld [tilespmem:s11+$0xB0]  }
0x5af: {  	v27 =	vld [tilespmem:s11+$0xA0]  }
0x5b0: {  	v28 =	vld [tilespmem:s11+$0x90]  }
0x5b1: {  	v29 =	vld [tilespmem:s11+$0xF0];
	_ =	sdelay $0x1  }
0x5b2: {  	v22 =	vmul.f32 v22, v19;
	v24 =	vmul.f32 v24, v18  }
0x5b3: {  	v25 =	vmul.f32 v25, v17;
	v26 =	vmul.f32 v26, v16  }
0x5b4: {  	v27 =	vmul.f32 v27, v15;
	v28 =	vmul.f32 v28, v14  }
0x5b5: {  	v29 =	vmul.f32 v29, v20;
	v30 =	vmul.f32 v23, v13  }
0x5b6: {  	v24 =	vadd.f32 v24, v25;
	v25 =	vadd.f32 v26, v27  }
0x5b7: {  	v26 =	vadd.f32 v28, v30;
	v22 =	vadd.f32 v29, v22;
	_ =	sdelay $0x1  }
0x5b8: {  	v25 =	vadd.f32 v25, v26;
	v22 =	vadd.f32 v22, v24;
	_ =	sdelay $0x1  }
0x5b9: {  	v22 =	vadd.f32 v22, v25;
	_ =	sdelay $0x1  }
0x5ba: {  	v24 =	vperm.xlane v22, v1;
	_ =	sdelay $0x1  }
0x5bb: {  	v22 =	vadd.f32 v22, v24;
	_ =	sdelay $0x1  }
0x5bc: {  	v24 =	vperm.xlane v22, v2;
	_ =	sdelay $0x1  }
0x5bd: {  	v22 =	vadd.f32 v22, v24;
	_ =	sdelay $0x1  }
0x5be: {  	v24 =	vperm.xlane v22, v4;
	_ =	sdelay $0x1  }
0x5bf: {  	v22 =	vadd.f32 v22, v24;
	_ =	sdelay $0x1  }
0x5c0: {  	v24 =	vperm.xlane v22, v5  }
0x5c1: {  	v31 =	vld [tilespmem:s11+$0x40]  }
0x5c2: {  	v32 =	vld [tilespmem:s11+$0x50];
	v22 =	vadd.f32 v22, v24  }
0x5c3: {  	v33 =	vld [tilespmem:s11+$0xFFFFFFB0]  }
0x5c4: {  	v34 =	vld [tilespmem:s11+$0xFFFFFFD0];
	v22 =	vadd.f32 v22, v21  }
0x5c5: {  	v28 =	vld [tilespmem:s11+$0x20]  }
0x5c6: {  	v29 =	vld [tilespmem:s11+$0x70];
	v22 =	vsub.f32 $0.0e+00, v22  }
0x5c7: {  	v30 =	vld [tilespmem:s11+$0x60]  }
0x5c8: {  	v26 =	vld [tilespmem:s11+$0x30];
	v22 =	vmul.f32 $1.442695020e+00, v22  }
0x5c9: {  	v24 =	vld [tilespmem:s11+$0x0]  }
0x5ca: {  	(erf) = vpow2.f32 v22;
	v22 =	vld [tilespmem:s11+$0x10]  }
0x5cb: {  	v36 =	vld [tilespmem:s11+$0xFFFFFFE0]  }
0x5cc: {  	v37 =	vld [tilespmem:s11+$0xFFFFFFF0];
	v32 =	vmul.f32 v32, v18;
	v31 =	vmul.f32 v31, v17  }
0x5cd: {  	v39 =	vld [tilespmem:s11+$0xFFFFFFA0];
	v29 =	vmul.f32 v29, v20;
	v30 =	vmul.f32 v30, v19  }
0x5ce: {  	v45 =	vld [tilespmem:s11+$0xFFFFFF40];
	v28 =	vmul.f32 v28, v15;
	v26 =	vmul.f32 v26, v16  }
0x5cf: {  	v27 =	vld [tilespmem:s11+$0xFFFFFFC0];
	v38 =	vmul.f32 v24, v13;
	v22 =	vmul.f32 v22, v14  }
0x5d0: {  	s22 =	sadd.s32 $0x0, s29;
	v29 =	vadd.f32 v29, v30;
	v30 =	vadd.f32 v32, v31;
	v31 =	vld [tilespmem:s11+$0xFFFFFF90]  }
0x5d1: {  	s3 =	sadd.s32 $0xD3, s22;
	v28 =	vadd.f32 v26, v28;
	v26 =	vld [tilespmem:s11+$0xFFFFFF80];
	v22 =	vadd.f32 v22, v38  }
0x5d2: {  	v35 =	vmov s3;
	v46 =	vld [tilespmem:s11+$0xFFFFFF30];
	v44 =	vmul.f32 v36, v19;
	v34 =	vmul.f32 v34, v18  }
0x5d3: {  	v47 =	vld [tilespmem:s11+$0xFFFFFF70];
	v33 =	vmul.f32 v33, v16;
	v29 =	vadd.f32 v29, v30;
	v22 =	vadd.f32 v28, v22  }
0x5d4: {  	v39 =	vmul.f32 v39, v15;
	v25 =	vld [tilespmem:s11+$0xFFFFFF50];
	v27 =	vmul.f32 v27, v17;
	v30 =	vpop (erf)  }
0x5d5: {  	v40 =	vld [tilespmem:s11+$0xFFFFFF20];
	v28 =	vmul.f32 v37, v20;
	v30 =	vadd.f32 $1.000000000e+00, v30;
	v22 =	vadd.f32 v29, v22  }
0x5d6: {  	v49 =	vld [tilespmem:s11+$0xFFFFFF10];
	v33 =	vadd.f32 v33, v39;
	v29 =	vmul.f32 v31, v14;
	v31 =	vmul.f32 v26, v13  }
0x5d7: {  	v63 =	vld.idx.msk [tilespmem:v35+s8+$0x0], $0xffff;
	v27 =	vadd.f32 v34, v27;
	(erf) = vrcp.f32 v30;
	v48 =	vperm.xlane v22, v1  }
0x5d8: {  	v50 =	vmul.f32 v47, v20;
	v35 =	vadd.f32 v28, v44;
	v28 =	vld [tilespmem:s11+$0xFFFFFF00];
	v29 =	vadd.f32 v29, v31  }
0x5d9: {  	v52 =	vmul.f32 v46, v16;
	v25 =	vmul.f32 v25, v18;
	v30 =	vld [tilespmem:s11+$0xFFFFFF60];
	v22 =	vadd.f32 v22, v48  }
0x5da: {  	v31 =	vmul.f32 v45, v17;
	v27 =	vadd.f32 v35, v27;
	v33 =	vadd.f32 v33, v29  }
0x5db: {  	v53 =	vmul.f32 v49, v14;
	v51 =	vperm.xlane v22, v2  }
0x5dc: {  	v29 =	vshll.u32 v63, $0x7;
	v25 =	vadd.f32 v25, v31;
	v27 =	vadd.f32 v27, v33  }
0x5dd: {  	v31 =	vmul.f32 v40, v15;
	v55 =	vmul.f32 v28, v13;
	v32 =	vadd.f32 v22, v51  }
0x5de: {  	v54 =	vor.u32 v3, v29;
	v30 =	vmul.f32 v30, v19;
	v56 =	vperm.xlane v27, v1  }
0x5df: {  	v31 =	vadd.f32 v52, v31;
	v33 =	vadd.f32 v53, v55;
	v57 =	vperm.xlane v32, v4  }
0x5e0: {  	v30 =	vadd.f32 v50, v30;
	v22 =	vpop (erf);
	v27 =	vadd.f32 v27, v56  }
0x5e1: {  	v23 =	vmul.f32 v22, v23;
	v32 =	vadd.f32 v32, v57  }
0x5e2: {  	v31 =	vadd.f32 v31, v33;
	v25 =	vadd.f32 v30, v25;
	v30 =	vperm.xlane v27, v2  }
0x5e3: {  	[tilespmem:v54+s7+$0x0] =	vst.idx.add.f32.msk $0xffff, v23;
	v23 =	vperm.xlane v32, v5  }
0x5e4: {  	v25 =	vadd.f32 v25, v31;
	v58 =	vld [tilespmem:s11+$0x90];
	v27 =	vadd.f32 v27, v30  }
0x5e5: {  	s23 =	sadd.s32 $0xD0, s22;
	v59 =	vor.u32 v6, v29;
	v23 =	vadd.f32 v32, v23  }
0x5e6: {  	s31 =	sadd.s32 $0xD1, s22;
	p4 =	sgt.u32 s21, $0x4;
	v30 =	vmov s23;
	v31 =	vperm.xlane v25, v1;
	v60 =	vperm.xlane v27, v4  }
.Ltmp30:
0x5e7: {  	v61 =	vmov s31;
	v30 =	vand.u32 $0xFFFFFFFC, v30;
	v23 =	vadd.f32 v23, v21;
	(pc) =	sbr.rel @!p4 .LBB2_18-.Ltmp30, $4  }
0x5e8: {  	v44 =	vadd.f32 v25, v31;
	v39 =	vbroadcast v30, $0x0;
	v42 =	vadd.f32 v27, v60  }
0x5e9: {  	s4 =	sadd.s32 $0xD2, s22;
	v27 =	vand.u32 $0xFFFFFFFD, v61;
	v25 =	vmul.f32 v22, v58;
	v23 =	vsub.f32 $0.0e+00, v23  }
0x5ea: {  	v63 =	vmov s4;
	v46 =	vperm.xlane v44, v2;
	v41 =	vbroadcast v27, $0x0  }
0x5eb: {  	p3 =	por $0x0, $0x0;
	v31 =	vand.u32 $0xFFFFFFFE, v63;
	v45 =	vperm.xlane v42, v5;
	[tilespmem:v59+s7+$0x0] =	vst.idx.add.f32.msk $0xffff, v25;
	v43 =	vmul.f32 $1.442695020e+00, v23  }
0x5ec: {  	v25 =	vld [tilespmem:s11+$0xA0]  }
0x5ed: {  	v27 =	vadd.f32 v42, v45  }
0x5ee: {  	v32 =	vor.u32 v7, v29;
	(erf) = vpow2.f32 v43  }
0x5ef: {  	v23 =	vadd.f32 v44, v46;
	v27 =	vadd.f32 v27, v21;
	_ =	sdelay $0x1  }
0x5f0: {  	v30 =	vperm.xlane v23, v4;
	v25 =	vmul.f32 v22, v25;
	v27 =	vsub.f32 $0.0e+00, v27  }
0x5f1: {  	v34 =	vld.idx.msk [tilespmem:v41+s8+$0x0], $0xffff  }
0x5f2: {  	s22 =	simm.s32 $0x16B00;
	v23 =	vadd.f32 v23, v30;
	[tilespmem:v32+s7+$0x0] =	vst.idx.add.f32.msk $0xffff, v25;
	v25 =	vmul.f32 $1.442695020e+00, v27  }
0x5f3: {  	v37 =	vld [tilespmem:s22+$0xFFFFFFC0]  }
0x5f4: {  	v38 =	vld [tilespmem:s22+$0xF0];
	v35 =	vperm.xlane v23, v5;
	(erf) = vpow2.f32 v25  }
0x5f5: {  	v40 =	vld [tilespmem:s22+$0xC0]  }
0x5f6: {  	v31 =	vbroadcast v31, $0x0;
	v49 =	vld [tilespmem:s22+$0xB0];
	v23 =	vadd.f32 v23, v35;
	v62 =	vpop (erf)  }
0x5f7: {  	v27 =	vld [tilespmem:s11+$0xB0];
	v32 =	vadd.f32 $1.000000000e+00, v62  }
0x5f8: {  	v51 =	vld [tilespmem:s22+$0xA0];
	v23 =	vadd.f32 v23, v21  }
0x5f9: {  	v52 =	vld [tilespmem:s22+$0x90];
	v25 =	vor.u32 v8, v29;
	(erf) = vrcp.f32 v32  }
0x5fa: {  	s23 =	sadd.s32 $0x4, s29;
	v45 =	vld [tilespmem:s22+$0xFFFFFF40];
	v23 =	vsub.f32 $0.0e+00, v23  }
0x5fb: {  	s3 =	sadd.s32 $0xD3, s23;
	v42 =	vld [tilespmem:s22+$0xFFFFFFB0]  }
0x5fc: {  	v33 =	vmov s3;
	v31 =	vld.idx.msk [tilespmem:v31+s8+$0x0], $0xffff;
	v27 =	vmul.f32 v22, v27;
	v23 =	vmul.f32 $1.442695020e+00, v23  }
0x5fd: {  	v41 =	vld [tilespmem:s22+$0xFFFFFFD0];
	v48 =	vpop (erf)  }
0x5fe: {  	[tilespmem:v25+s7+$0x0] =	vst.idx.add.f32.msk $0xffff, v27;
	(erf) = vpow2.f32 v23;
	v32 =	vadd.f32 $1.000000000e+00, v48  }
0x5ff: {  	v25 =	vld [tilespmem:s11+$0xC0]  }
0x600: {  	v43 =	vld [tilespmem:s22+$0xFFFFFFF0]  }
0x601: {  	v63 =	vor.u32 v9, v29;
	v36 =	vld.idx.msk [tilespmem:v33+s8+$0x0], $0xffff;
	v31 =	vshll.u32 v31, $0x7  }
0x602: {  	v33 =	vld [tilespmem:s22+$0x80];
	v50 =	vor.u32 v3, v31;
	(erf) = vrcp.f32 v32;
	v32 =	vpop (erf)  }
0x603: {  	v27 =	vld [tilespmem:s22+$0xD0];
	v24 =	vmul.f32 v32, v24  }
0x604: {  	v23 =	vld [tilespmem:s22+$0xE0];
	v25 =	vmul.f32 v22, v25  }
0x605: {  	v30 =	vld.idx.msk [tilespmem:v39+s8+$0x0], $0xffff  }
0x606: {  	v53 =	vmul.f32 v40, v17;
	[tilespmem:v63+s7+$0x0] =	vst.idx.add.f32.msk $0xffff, v25  }
0x607: {  	v54 =	vmul.f32 v49, v16;
	v44 =	vmul.f32 v52, v14;
	[tilespmem:v50+s7+$0x0] =	vst.idx.add.f32.msk $0xffff, v24;
	v24 =	vpop (erf)  }
0x608: {  	v58 =	vmul.f32 v38, v20;
	v25 =	vmul.f32 v27, v18;
	v27 =	vld [tilespmem:s11+$0xD0];
	v24 =	vadd.f32 $1.000000000e+00, v24  }
0x609: {  	v55 =	vor.u32 v10, v29;
	v39 =	vld [tilespmem:s22+$0xFFFFFF30];
	v59 =	vmul.f32 v33, v13;
	v23 =	vmul.f32 v23, v19  }
0x60a: {  	v47 =	vshll.u32 v34, $0x7;
	v56 =	vmul.f32 v51, v15;
	v57 =	vld [tilespmem:s11+$0x10];
	(erf) = vrcp.f32 v24  }
0x60b: {  	v38 =	vld [tilespmem:s22+$0xFFFFFF20];
	v60 =	vor.u32 v3, v47;
	v34 =	vadd.f32 v44, v59;
	v61 =	vadd.f32 v58, v23  }
0x60c: {  	v51 =	vld [tilespmem:s22+$0x40];
	v62 =	vor.u32 v6, v31;
	v25 =	vadd.f32 v25, v53;
	v24 =	vadd.f32 v54, v56  }
0x60d: {  	v35 =	vld [tilespmem:s22+$0xFFFFFF50];
	v27 =	vmul.f32 v22, v27;
	v23 =	vpop (erf)  }
0x60e: {  	v44 =	vld [tilespmem:s22+$0x30];
	v25 =	vadd.f32 v61, v25;
	v26 =	vmul.f32 v23, v26;
	v24 =	vadd.f32 v24, v34  }
0x60f: {  	[tilespmem:v55+s7+$0x0] =	vst.idx.add.f32.msk $0xffff, v27;
	v27 =	vmul.f32 v32, v57  }
0x610: {  	v34 =	vshll.u32 v30, $0x7;
	[tilespmem:v60+s7+$0x0] =	vst.idx.add.f32.msk $0xffff, v26;
	v24 =	vadd.f32 v25, v24  }
0x611: {  	[tilespmem:v62+s7+$0x0] =	vst.idx.add.f32.msk $0xffff, v27;
	v25 =	vor.u32 v3, v34  }
0x612: {  	v30 =	vld [tilespmem:s11+$0x20];
	v26 =	vperm.xlane v24, v1  }
0x613: {  	v63 =	vld [tilespmem:s22+$0x20];
	v27 =	vpop (erf)  }
0x614: {  	v58 =	vld [tilespmem:s22+$0x50];
	v24 =	vadd.f32 v24, v26;
	v26 =	vmul.f32 v27, v28;
	v28 =	vor.u32 v7, v31  }
0x615: {  	v40 =	vld [tilespmem:s11+$0xFFFFFF90]  }
0x616: {  	v49 =	vperm.xlane v24, v2;
	[tilespmem:v25+s7+$0x0] =	vst.idx.add.f32.msk $0xffff, v26  }
0x617: {  	v48 =	vor.u32 v6, v47;
	v26 =	vmul.f32 v32, v30;
	v25 =	vld [tilespmem:s11+$0xFFFFFF10]  }
0x618: {  	v53 =	vld [tilespmem:s22+$0xFFFFFFE0];
	v24 =	vadd.f32 v24, v49  }
0x619: {  	v55 =	vor.u32 v6, v34;
	[tilespmem:v28+s7+$0x0] =	vst.idx.add.f32.msk $0xffff, v26  }
0x61a: {  	v40 =	vmul.f32 v23, v40;
	v28 =	vperm.xlane v24, v4;
	v26 =	vld [tilespmem:s11+$0x30]  }
0x61b: {  	v56 =	vor.u32 v8, v31;
	v54 =	vld [tilespmem:s22+$0x10]  }
0x61c: {  	[tilespmem:v48+s7+$0x0] =	vst.idx.add.f32.msk $0xffff, v40;
	v24 =	vadd.f32 v24, v28;
	v25 =	vmul.f32 v27, v25  }
0x61d: {  	v40 =	vld [tilespmem:s11+$0xFFFFFFA0]  }
0x61e: {  	v57 =	vperm.xlane v24, v5;
	[tilespmem:v55+s7+$0x0] =	vst.idx.add.f32.msk $0xffff, v25  }
0x61f: {  	v25 =	vor.u32 v7, v47;
	v50 =	vld [tilespmem:s11+$0xFFFFFF20];
	v26 =	vmul.f32 v32, v26  }
0x620: {  	v30 =	vld [tilespmem:s22+$0x70];
	v24 =	vadd.f32 v24, v57  }
0x621: {  	v52 =	vor.u32 v7, v34;
	[tilespmem:v56+s7+$0x0] =	vst.idx.add.f32.msk $0xffff, v26  }
0x622: {  	v40 =	vmul.f32 v23, v40;
	v24 =	vadd.f32 v24, v21;
	v26 =	vld [tilespmem:s11+$0x40]  }
0x623: {  	v45 =	vmul.f32 v45, v17;
	v28 =	vld [tilespmem:s22+$0x60]  }
0x624: {  	v60 =	vor.u32 v9, v31;
	[tilespmem:v25+s7+$0x0] =	vst.idx.add.f32.msk $0xffff, v40;
	v24 =	vsub.f32 $0.0e+00, v24;
	v59 =	vmul.f32 v27, v50  }
0x625: {  	v41 =	vmul.f32 v41, v18;
	v37 =	vmul.f32 v37, v17;
	v40 =	vld [tilespmem:s11+$0xFFFFFFB0]  }
0x626: {  	v43 =	vmul.f32 v43, v20;
	v24 =	vmul.f32 $1.442695020e+00, v24;
	[tilespmem:v52+s7+$0x0] =	vst.idx.add.f32.msk $0xffff, v59  }
0x627: {  	v42 =	vmul.f32 v42, v16;
	v61 =	vor.u32 v8, v47;
	v52 =	vld [tilespmem:s11+$0xFFFFFF30];
	v26 =	vmul.f32 v32, v26  }
0x628: {  	v44 =	vmul.f32 v44, v16;
	(erf) = vpow2.f32 v24;
	v24 =	vld [tilespmem:s22+$0x0]  }
0x629: {  	v30 =	vmul.f32 v30, v20;
	v28 =	vmul.f32 v28, v19;
	[tilespmem:v60+s7+$0x0] =	vst.idx.add.f32.msk $0xffff, v26  }
0x62a: {  	v55 =	vor.u32 v8, v34;
	v40 =	vmul.f32 v23, v40;
	v26 =	vmul.f32 v58, v18;
	v58 =	vld [tilespmem:s22+$0xFFFFFFA0]  }
0x62b: {  	v46 =	vmul.f32 v63, v15;
	v49 =	vor.u32 v11, v29;
	v28 =	vadd.f32 v30, v28;
	v60 =	vld [tilespmem:s22+$0xFFFFFF90]  }
0x62c: {  	v30 =	vor.u32 v12, v29;
	v29 =	vmul.f32 v51, v17;
	[tilespmem:v61+s7+$0x0] =	vst.idx.add.f32.msk $0xffff, v40  }
0x62d: {  	v37 =	vadd.f32 v41, v37;
	v44 =	vadd.f32 v44, v46;
	v62 =	vmul.f32 v27, v52;
	v40 =	vld [tilespmem:s11+$0xFFFFFFC0]  }
0x62e: {  	v46 =	vor.u32 v9, v47;
	v53 =	vmul.f32 v53, v19;
	v26 =	vadd.f32 v26, v29;
	v29 =	vld [tilespmem:s11+$0x50]  }
0x62f: {  	v54 =	vmul.f32 v54, v14;
	[tilespmem:v55+s7+$0x0] =	vst.idx.add.f32.msk $0xffff, v62;
	v55 =	vmul.f32 v24, v13  }
0x630: {  	v39 =	vmul.f32 v39, v16;
	v38 =	vmul.f32 v38, v15;
	v61 =	vld [tilespmem:s22+$0xFFFFFF70];
	v62 =	vor.u32 v10, v31  }
0x631: {  	v35 =	vmul.f32 v35, v18;
	v43 =	vadd.f32 v43, v53;
	v57 =	vld [tilespmem:s11+$0xFFFFFF40];
	v54 =	vadd.f32 v54, v55  }
0x632: {  	v56 =	vor.u32 v9, v34;
	v28 =	vadd.f32 v28, v26;
	v26 =	vld [tilespmem:s22+$0xFFFFFF80];
	v59 =	vpop (erf);
	v40 =	vmul.f32 v23, v40  }
0x633: {  	v55 =	vadd.f32 $1.000000000e+00, v59;
	v59 =	vmul.f32 v32, v29;
	v44 =	vadd.f32 v44, v54;
	v54 =	vld [tilespmem:s22+$0xFFFFFF60]  }
0x634: {  	v35 =	vadd.f32 v35, v45;
	v37 =	vadd.f32 v43, v37;
	[tilespmem:v46+s7+$0x0] =	vst.idx.add.f32.msk $0xffff, v40  }
0x635: {  	v48 =	vor.u32 v10, v34;
	v51 =	vor.u32 v11, v34;
	[tilespmem:v62+s7+$0x0] =	vst.idx.add.f32.msk $0xffff, v59  }
0x636: {  	v34 =	vor.u32 v12, v34;
	v25 =	vor.u32 v12, v47;
	v62 =	vld [tilespmem:s11+$0xE0];
	v57 =	vmul.f32 v27, v57  }
0x637: {  	v50 =	vor.u32 v11, v47;
	v63 =	vmul.f32 v58, v15;
	v28 =	vadd.f32 v28, v44;
	v44 =	vld [tilespmem:s11+$0xFFFFFFD0]  }
0x638: {  	v58 =	vmul.f32 v26, v13;
	v40 =	vmul.f32 v60, v14;
	[tilespmem:v56+s7+$0x0] =	vst.idx.add.f32.msk $0xffff, v57  }
0x639: {  	v52 =	vor.u32 v10, v47;
	(erf) = vrcp.f32 v55;
	v60 =	vperm.xlane v28, v1;
	v57 =	vld [tilespmem:s22+$0xFFFFFF10]  }
0x63a: {  	v29 =	vshll.u32 v36, $0x7;
	v36 =	vadd.f32 v42, v63;
	v40 =	vadd.f32 v40, v58;
	v63 =	vld [tilespmem:s11+$0xFFFFFF50]  }
0x63b: {  	v47 =	vor.u32 v11, v31;
	v61 =	vmul.f32 v61, v20;
	v58 =	vadd.f32 v28, v60;
	v28 =	vld [tilespmem:s22+$0xFFFFFF00]  }
0x63c: {  	v42 =	vor.u32 v3, v29;
	v54 =	vmul.f32 v54, v19;
	v36 =	vadd.f32 v36, v40  }
0x63d: {  	v55 =	vor.u32 v6, v29;
	v45 =	vld [tilespmem:s11+$0x60];
	v62 =	vmul.f32 v62, v22;
	v60 =	vperm.xlane v58, v2  }
0x63e: {  	v43 =	vadd.f32 v61, v54;
	v44 =	vmul.f32 v23, v44;
	v36 =	vadd.f32 v37, v36  }
0x63f: {  	[tilespmem:v49+s7+$0x0] =	vst.idx.add.f32.msk $0xffff, v62;
	v61 =	vmul.f32 v27, v63;
	v41 =	vadd.f32 v58, v60  }
0x640: {  	[tilespmem:v52+s7+$0x0] =	vst.idx.add.f32.msk $0xffff, v44;
	v63 =	vmul.f32 v57, v14;
	v56 =	vmul.f32 v28, v13  }
0x641: {  	v57 =	vperm.xlane v36, v1;
	[tilespmem:v48+s7+$0x0] =	vst.idx.add.f32.msk $0xffff, v61;
	v59 =	vperm.xlane v41, v4  }
0x642: {  	v45 =	vmul.f32 v45, v32;
	v40 =	vpop (erf);
	v58 =	vadd.f32 v39, v38;
	v60 =	vld [tilespmem:s11+$0xFFFFFF60];
	v44 =	vadd.f32 v63, v56  }
0x643: {  	v33 =	vmul.f32 v40, v33;
	v36 =	vadd.f32 v36, v57;
	v61 =	vld [tilespmem:s11+$0xFFFFFFE0];
	v38 =	vadd.f32 v41, v59  }
0x644: {  	s5 =	sadd.s32 $0xD1, s23;
	v35 =	vadd.f32 v43, v35;
	[tilespmem:v47+s7+$0x0] =	vst.idx.add.f32.msk $0xffff, v45;
	v37 =	vadd.f32 v58, v44  }
0x645: {  	s4 =	sadd.s32 $0xD0, s23;
	v53 =	vmov s5;
	[tilespmem:v42+s7+$0x0] =	vst.idx.add.f32.msk $0xffff, v33;
	v63 =	vperm.xlane v36, v2;
	v54 =	vperm.xlane v38, v5  }
0x646: {  	v52 =	vmov s4;
	v43 =	vand.u32 $0xFFFFFFFD, v53;
	v42 =	vld [tilespmem:s22+$0x90];
	v35 =	vadd.f32 v35, v37  }
0x647: {  	v57 =	vld [tilespmem:s11+$0x70];
	v36 =	vadd.f32 v36, v63;
	v56 =	vmul.f32 v60, v27;
	v38 =	vadd.f32 v38, v54  }
0x648: {  	p4 =	sgt.u32 s21, $0x8;
	v62 =	vand.u32 $0xFFFFFFFC, v52;
	v59 =	vmul.f32 v61, v23;
	v37 =	vld [tilespmem:s11+$0xF0];
	v60 =	vperm.xlane v35, v1  }
.Ltmp31:
0x649: {  	v39 =	vbroadcast v62, $0x0;
	v61 =	vperm.xlane v36, v4;
	[tilespmem:v51+s7+$0x0] =	vst.idx.add.f32.msk $0xffff, v56;
	v38 =	vadd.f32 v38, v21;
	(pc) =	sbr.rel @!p4 .LBB2_20-.Ltmp31, $4  }
0x64a: {  	v41 =	vbroadcast v43, $0x0;
	v44 =	vadd.f32 v35, v60;
	v33 =	vld [tilespmem:s11+$0xFFFFFF70];
	v35 =	vor.u32 v12, v31  }
0x64b: {  	s23 =	sadd.s32 $0xD2, s23;
	v63 =	vmul.f32 v40, v42;
	[tilespmem:v50+s7+$0x0] =	vst.idx.add.f32.msk $0xffff, v59;
	v42 =	vadd.f32 v36, v61;
	v38 =	vsub.f32 $0.0e+00, v38  }
0x64c: {  	v58 =	vmov s23;
	v36 =	vmul.f32 v57, v32;
	v32 =	vld [tilespmem:s11+$0xFFFFFFF0];
	v46 =	vperm.xlane v44, v2  }
0x64d: {  	s31 =	simm.s32 $0x8;
	p3 =	por $0x1, $0x1;
	s23 =	simm.s32 $0x16B00;
	[tilespmem:v55+s7+$0x0] =	vst.idx.add.f32.msk $0xffff, v63;
	v31 =	vand.u32 $0xFFFFFFFE, v58;
	v45 =	vperm.xlane v42, v5;
	v43 =	vmul.f32 $1.442695020e+00, v38  }
.LBB2_21:
0x64e: {  	v38 =	vadd.f32 v44, v46;
	v44 =	vld [tilespmem:s22+$0xA0];
	v37 =	vmul.f32 v37, v22;
	v22 =	vmov v40;
	s3 =	smov.u32 s31;
	s31 =	sadd.s32 $0x4, s31  }
0x64f: {  	v40 =	vadd.f32 v42, v45;
	p4 =	slt.u32 s31, s21;
	(erf) = vpow2.f32 v43;
	v27 =	vmul.f32 v33, v27;
	[tilespmem:v35+s7+$0x0] =	vst.idx.add.f32.msk $0xffff, v36  }
0x650: {  	v35 =	vor.u32 v7, v29;
	v33 =	vperm.xlane v38, v4;
	[tilespmem:v30+s7+$0x0] =	vst.idx.add.f32.msk $0xffff, v37  }
0x651: {  	v36 =	vbroadcast v31, $0x0;
	v30 =	vadd.f32 v40, v21;
	[tilespmem:v34+s7+$0x0] =	vst.idx.add.f32.msk $0xffff, v27  }
0x652: {  	s3 =	sadd.s32 s3, s29;
	v27 =	vld.idx.msk [tilespmem:v39+s8+$0x0], $0xffff;
	v34 =	vadd.f32 v38, v33;
	v23 =	vmul.f32 v32, v23  }
0x653: {  	s4 =	sadd.s32 $0xD0, s3;
	s11 =	sadd.s32 $0xD1, s3;
	s5 =	sadd.s32 $0xD3, s3;
	v30 =	vsub.f32 $0.0e+00, v30;
	v40 =	vld.idx.msk [tilespmem:v41+s8+$0x0], $0xffff;
	v31 =	vmul.f32 v22, v44  }
0x654: {  	s3 =	sadd.s32 $0xD2, s3;
	v37 =	vmov s5;
	v33 =	vmov s4;
	v38 =	vperm.xlane v34, v5;
	[tilespmem:v25+s7+$0x0] =	vst.idx.add.f32.msk $0xffff, v23  }
0x655: {  	v23 =	vmov s11;
	v25 =	vmov s3;
	v0 =	vmul.f32 $1.442695020e+00, v30;
	[tilespmem:v35+s7+$0x0] =	vst.idx.add.f32.msk $0xffff, v31  }
0x656: {  	v32 =	vand.u32 $0xFFFFFFFD, v23;
	v31 =	vand.u32 $0xFFFFFFFE, v25;
	v23 =	vadd.f32 v34, v38;
	v25 =	vld [tilespmem:s22+$0xB0]  }
0x657: {  	s22 =	sadd.s32 $0x200, s22;
	v35 =	vld.idx.msk [tilespmem:v36+s8+$0x0], $0xffff;
	(erf) = vpow2.f32 v0  }
0x658: {  	v34 =	vshll.u32 v27, $0x7;
	v27 =	vor.u32 v8, v29;
	v38 =	vld [tilespmem:s22+$0xFFFFFF50];
	v23 =	vadd.f32 v23, v21;
	v30 =	vpop (erf)  }
0x659: {  	v36 =	vld.idx.msk [tilespmem:v37+s8+$0x0], $0xffff;
	v30 =	vadd.f32 $1.000000000e+00, v30  }
0x65a: {  	v39 =	vld [tilespmem:s22+$0xFFFFFFC0];
	v23 =	vsub.f32 $0.0e+00, v23  }
0x65b: {  	v37 =	vld [tilespmem:s22+$0x80];
	v25 =	vmul.f32 v22, v25;
	(erf) = vrcp.f32 v30  }
0x65c: {  	v30 =	vld [tilespmem:s22+$0xF0];
	v23 =	vmul.f32 $1.442695020e+00, v23  }
0x65d: {  	v35 =	vshll.u32 v35, $0x7;
	[tilespmem:v27+s7+$0x0] =	vst.idx.add.f32.msk $0xffff, v25  }
0x65e: {  	v25 =	vld [tilespmem:s23+$0xC0];
	(erf) = vpow2.f32 v23  }
0x65f: {  	v43 =	vshll.u32 v36, $0x7;
	v23 =	vld [tilespmem:s22+$0xE0]  }
0x660: {  	v41 =	vor.u32 v9, v29;
	v27 =	vld [tilespmem:s22+$0xD0];
	v36 =	vpop (erf)  }
0x661: {  	v42 =	vld [tilespmem:s22+$0xC0];
	v0 =	vadd.f32 $1.000000000e+00, v36  }
0x662: {  	v45 =	vor.u32 v3, v35;
	v44 =	vld [tilespmem:s22+$0xB0]  }
0x663: {  	v46 =	vld [tilespmem:s22+$0xA0];
	v25 =	vmul.f32 v22, v25;
	(erf) = vrcp.f32 v0  }
0x664: {  	v47 =	vld [tilespmem:s22+$0x90];
	v23 =	vmul.f32 v23, v19;
	v36 =	vpop (erf)  }
0x665: {  	v27 =	vmul.f32 v27, v18;
	v24 =	vmul.f32 v36, v24;
	[tilespmem:v41+s7+$0x0] =	vst.idx.add.f32.msk $0xffff, v25  }
0x666: {  	v25 =	vmul.f32 v42, v17;
	v42 =	vld [tilespmem:s23+$0xD0]  }
0x667: {  	v44 =	vmul.f32 v44, v16;
	[tilespmem:v45+s7+$0x0] =	vst.idx.add.f32.msk $0xffff, v24;
	v24 =	vor.u32 v10, v29;
	v41 =	vpop (erf)  }
0x668: {  	v46 =	vmul.f32 v46, v15;
	v27 =	vadd.f32 v27, v25;
	v25 =	vadd.f32 $1.000000000e+00, v41;
	v48 =	vld [tilespmem:s23+$0x10]  }
0x669: {  	v30 =	vmul.f32 v30, v20;
	v45 =	vshll.u32 v40, $0x7;
	v49 =	vld [tilespmem:s22+$0xFFFFFF40];
	v47 =	vmul.f32 v47, v14  }
0x66a: {  	v50 =	vmul.f32 v37, v13;
	v41 =	vld [tilespmem:s22+$0xFFFFFF30];
	v46 =	vadd.f32 v44, v46;
	(erf) = vrcp.f32 v25  }
0x66b: {  	v51 =	vor.u32 v3, v45;
	v25 =	vor.u32 v12, v45;
	v40 =	vld [tilespmem:s22+$0xFFFFFF20];
	v42 =	vmul.f32 v22, v42  }
0x66c: {  	v52 =	vor.u32 v6, v35;
	v30 =	vadd.f32 v30, v23;
	v50 =	vadd.f32 v47, v50;
	v44 =	vld [tilespmem:s22+$0xFFFFFFB0];
	v23 =	vpop (erf)  }
0x66d: {  	v26 =	vmul.f32 v23, v26;
	v48 =	vmul.f32 v36, v48;
	[tilespmem:v24+s7+$0x0] =	vst.idx.add.f32.msk $0xffff, v42  }
0x66e: {  	v27 =	vadd.f32 v30, v27;
	v24 =	vadd.f32 v46, v50;
	v42 =	vmul.f32 v49, v17;
	v47 =	vld [tilespmem:s22+$0xFFFFFFD0]  }
0x66f: {  	v46 =	vld [tilespmem:s22+$0xFFFFFFF0]  }
0x670: {  	v24 =	vadd.f32 v27, v24;
	[tilespmem:v51+s7+$0x0] =	vst.idx.add.f32.msk $0xffff, v26  }
0x671: {  	v26 =	vor.u32 v3, v34;
	[tilespmem:v52+s7+$0x0] =	vst.idx.add.f32.msk $0xffff, v48  }
0x672: {  	v30 =	vperm.xlane v24, v1;
	v48 =	vld [tilespmem:s23+$0x20]  }
0x673: {  	v50 =	vor.u32 v6, v45;
	v49 =	vld [tilespmem:s23+$0xFFFFFF90];
	v27 =	vpop (erf)  }
0x674: {  	v24 =	vadd.f32 v24, v30;
	v30 =	vor.u32 v7, v35;
	v51 =	vld [tilespmem:s22+$0x30];
	v28 =	vmul.f32 v27, v28  }
0x675: {  	v52 =	vld [tilespmem:s22+$0x20]  }
0x676: {  	v53 =	vperm.xlane v24, v2;
	[tilespmem:v26+s7+$0x0] =	vst.idx.add.f32.msk $0xffff, v28  }
0x677: {  	v26 =	vld [tilespmem:s23+$0xFFFFFF10];
	v28 =	vmul.f32 v36, v48  }
0x678: {  	v24 =	vadd.f32 v24, v53;
	v48 =	vld [tilespmem:s22+$0x70];
	v49 =	vmul.f32 v23, v49  }
0x679: {  	v53 =	vor.u32 v6, v34;
	[tilespmem:v30+s7+$0x0] =	vst.idx.add.f32.msk $0xffff, v28  }
0x67a: {  	v28 =	vperm.xlane v24, v4;
	v30 =	vld [tilespmem:s23+$0x30]  }
0x67b: {  	[tilespmem:v50+s7+$0x0] =	vst.idx.add.f32.msk $0xffff, v49;
	v49 =	vor.u32 v7, v45  }
0x67c: {  	v24 =	vadd.f32 v24, v28;
	v26 =	vmul.f32 v27, v26;
	v28 =	vld [tilespmem:s23+$0xFFFFFFA0]  }
0x67d: {  	v54 =	vor.u32 v8, v35;
	v50 =	vld [tilespmem:s22+$0x60]  }
0x67e: {  	v55 =	vperm.xlane v24, v5;
	[tilespmem:v53+s7+$0x0] =	vst.idx.add.f32.msk $0xffff, v26  }
0x67f: {  	v26 =	vld [tilespmem:s23+$0xFFFFFF20]  }
0x680: {  	v24 =	vadd.f32 v24, v55;
	v30 =	vmul.f32 v36, v30;
	v53 =	vld [tilespmem:s22+$0x40]  }
0x681: {  	v56 =	vor.u32 v7, v34;
	v48 =	vmul.f32 v48, v20;
	v55 =	vld [tilespmem:s22+$0x50];
	v28 =	vmul.f32 v23, v28  }
0x682: {  	v24 =	vadd.f32 v24, v21;
	v50 =	vmul.f32 v50, v19;
	[tilespmem:v54+s7+$0x0] =	vst.idx.add.f32.msk $0xffff, v30  }
0x683: {  	v54 =	vor.u32 v8, v45;
	v30 =	vld [tilespmem:s23+$0x40]  }
0x684: {  	v24 =	vsub.f32 $0.0e+00, v24;
	v50 =	vadd.f32 v48, v50;
	v26 =	vmul.f32 v27, v26;
	[tilespmem:v49+s7+$0x0] =	vst.idx.add.f32.msk $0xffff, v28  }
0x685: {  	v48 =	vor.u32 v9, v35;
	v28 =	vld [tilespmem:s23+$0xFFFFFFB0]  }
0x686: {  	v24 =	vmul.f32 $1.442695020e+00, v24;
	[tilespmem:v56+s7+$0x0] =	vst.idx.add.f32.msk $0xffff, v26  }
0x687: {  	v26 =	vld [tilespmem:s23+$0xFFFFFF30]  }
0x688: {  	v56 =	vld [tilespmem:s22+$0xFFFFFFE0];
	(erf) = vpow2.f32 v24;
	v24 =	vmul.f32 v36, v30  }
0x689: {  	v58 =	vor.u32 v8, v34;
	v57 =	vld [tilespmem:s22+$0x10]  }
0x68a: {  	v28 =	vmul.f32 v23, v28;
	[tilespmem:v48+s7+$0x0] =	vst.idx.add.f32.msk $0xffff, v24  }
0x68b: {  	v55 =	vmul.f32 v55, v18;
	v30 =	vor.u32 v12, v29;
	v48 =	vor.u32 v11, v29;
	v29 =	vmovc v43;
	v24 =	vld [tilespmem:s22+$0x0]  }
0x68c: {  	v43 =	vmul.f32 v53, v17;
	v26 =	vmul.f32 v27, v26;
	[tilespmem:v54+s7+$0x0] =	vst.idx.add.f32.msk $0xffff, v28  }
0x68d: {  	v49 =	vor.u32 v11, v34;
	v53 =	vor.u32 v10, v34;
	v54 =	vor.u32 v10, v45;
	v28 =	vld [tilespmem:s23+$0xFFFFFFC0]  }
0x68e: {  	v59 =	vor.u32 v9, v34;
	v0 =	vmul.f32 v52, v15;
	v55 =	vadd.f32 v55, v43;
	v60 =	vld [tilespmem:s23+$0x50]  }
0x68f: {  	v51 =	vmul.f32 v51, v16;
	v43 =	vor.u32 v11, v45;
	[tilespmem:v58+s7+$0x0] =	vst.idx.add.f32.msk $0xffff, v26  }
0x690: {  	v57 =	vmul.f32 v57, v14;
	v50 =	vadd.f32 v50, v55;
	v26 =	vmul.f32 v24, v13;
	v55 =	vld [tilespmem:s23+$0xFFFFFF40]  }
0x691: {  	v61 =	vor.u32 v11, v35;
	v51 =	vadd.f32 v51, v0;
	v45 =	vor.u32 v9, v45;
	v58 =	vld [tilespmem:s22+$0xFFFFFFA0];
	v52 =	vpop (erf)  }
0x692: {  	v56 =	vmul.f32 v56, v19;
	v62 =	vld [tilespmem:s22+$0xFFFFFF90];
	v57 =	vadd.f32 v57, v26;
	v28 =	vmul.f32 v23, v28  }
0x693: {  	v47 =	vmul.f32 v47, v18;
	v52 =	vadd.f32 $1.000000000e+00, v52;
	v26 =	vld [tilespmem:s22+$0xFFFFFF80];
	v60 =	vmul.f32 v36, v60  }
0x694: {  	v39 =	vmul.f32 v39, v17;
	v46 =	vmul.f32 v46, v20;
	v63 =	vld [tilespmem:s22+$0xFFFFFF70];
	v51 =	vadd.f32 v51, v57  }
0x695: {  	v44 =	vmul.f32 v44, v16;
	v0 =	vor.u32 v10, v35;
	v57 =	vld [tilespmem:s22+$0xFFFFFF60];
	v55 =	vmul.f32 v27, v55  }
0x696: {  	v58 =	vmul.f32 v58, v15;
	v50 =	vadd.f32 v50, v51;
	(erf) = vrcp.f32 v52;
	[tilespmem:v45+s7+$0x0] =	vst.idx.add.f32.msk $0xffff, v28  }
0x697: {  	v39 =	vadd.f32 v47, v39;
	v28 =	vmul.f32 v62, v14;
	[tilespmem:v59+s7+$0x0] =	vst.idx.add.f32.msk $0xffff, v55  }
0x698: {  	v45 =	vmul.f32 v26, v13;
	v44 =	vadd.f32 v44, v58;
	v47 =	vperm.xlane v50, v1;
	v51 =	vld [tilespmem:s23+$0xFFFFFFD0]  }
0x699: {  	v38 =	vmul.f32 v38, v18;
	v46 =	vadd.f32 v46, v56;
	v52 =	vmul.f32 v63, v20;
	v55 =	vld [tilespmem:s23+$0xFFFFFF50]  }
0x69a: {  	v56 =	vld [tilespmem:s22+$0xFFFFFF10];
	v57 =	vmul.f32 v57, v19;
	v45 =	vadd.f32 v28, v45;
	v47 =	vadd.f32 v50, v47  }
0x69b: {  	v41 =	vmul.f32 v41, v16;
	v38 =	vadd.f32 v38, v42;
	v42 =	vor.u32 v3, v29;
	v28 =	vld [tilespmem:s22+$0xFFFFFF00]  }
0x69c: {  	v39 =	vadd.f32 v46, v39;
	v44 =	vadd.f32 v44, v45;
	[tilespmem:v0+s7+$0x0] =	vst.idx.add.f32.msk $0xffff, v60  }
0x69d: {  	v0 =	vadd.f32 v52, v57;
	v45 =	vperm.xlane v47, v2;
	v46 =	vmul.f32 v23, v51;
	v50 =	vld [tilespmem:s23+$0x60]  }
0x69e: {  	v51 =	vmul.f32 v40, v15;
	v39 =	vadd.f32 v39, v44;
	v44 =	vmul.f32 v27, v55;
	v52 =	vld [tilespmem:s23+$0xE0]  }
0x69f: {  	v45 =	vadd.f32 v47, v45;
	v55 =	vmul.f32 v56, v14;
	v40 =	vpop (erf);
	[tilespmem:v54+s7+$0x0] =	vst.idx.add.f32.msk $0xffff, v46  }
0x6a0: {  	v46 =	vmul.f32 v28, v13;
	v47 =	vperm.xlane v39, v1;
	[tilespmem:v53+s7+$0x0] =	vst.idx.add.f32.msk $0xffff, v44  }
0x6a1: {  	v41 =	vadd.f32 v41, v51;
	v44 =	vperm.xlane v45, v4;
	v37 =	vmul.f32 v40, v37;
	v51 =	vld [tilespmem:s23+$0xFFFFFF60]  }
0x6a2: {  	v46 =	vadd.f32 v55, v46;
	v39 =	vadd.f32 v39, v47;
	v47 =	vld [tilespmem:s23+$0xFFFFFFE0];
	v50 =	vmul.f32 v50, v36  }
0x6a3: {  	v44 =	vadd.f32 v45, v44;
	[tilespmem:v42+s7+$0x0] =	vst.idx.add.f32.msk $0xffff, v37;
	v37 =	vmul.f32 v52, v22  }
0x6a4: {  	v0 =	vadd.f32 v0, v38;
	v41 =	vadd.f32 v41, v46;
	v38 =	vperm.xlane v39, v2;
	v42 =	vld [tilespmem:s22+$0x90]  }
0x6a5: {  	v45 =	vperm.xlane v44, v5;
	v46 =	vor.u32 v6, v29;
	[tilespmem:v61+s7+$0x0] =	vst.idx.add.f32.msk $0xffff, v50  }
0x6a6: {  	v0 =	vadd.f32 v0, v41;
	v38 =	vadd.f32 v39, v38;
	v39 =	vmul.f32 v51, v27;
	v41 =	vld [tilespmem:s23+$0x70]  }
0x6a7: {  	v44 =	vadd.f32 v44, v45;
	v47 =	vmul.f32 v47, v23;
	[tilespmem:v48+s7+$0x0] =	vst.idx.add.f32.msk $0xffff, v37  }
0x6a8: {  	v33 =	vand.u32 $0xFFFFFFFC, v33;
	v45 =	vperm.xlane v0, v1;
	v48 =	vperm.xlane v38, v4;
	[tilespmem:v49+s7+$0x0] =	vst.idx.add.f32.msk $0xffff, v39  }
.Ltmp32:
0x6a9: {  	v39 =	vbroadcast v33, $0x0;
	v49 =	vadd.f32 v44, v21;
	v50 =	vmul.f32 v40, v42;
	v37 =	vld [tilespmem:s23+$0xF0];
	(pc) =	sbr.rel @p4 .LBB2_21-.Ltmp32, $4  }
0x6aa: {  	v35 =	vor.u32 v12, v35;
	v44 =	vadd.f32 v0, v45;
	v42 =	vadd.f32 v38, v48;
	v33 =	vld [tilespmem:s23+$0xFFFFFF70]  }
0x6ab: {  	v34 =	vor.u32 v12, v34;
	v0 =	vsub.f32 $0.0e+00, v49;
	[tilespmem:v46+s7+$0x0] =	vst.idx.add.f32.msk $0xffff, v50;
	v36 =	vmul.f32 v41, v36  }
0x6ac: {  	v46 =	vperm.xlane v44, v2;
	v45 =	vperm.xlane v42, v5;
	[tilespmem:v43+s7+$0x0] =	vst.idx.add.f32.msk $0xffff, v47  }
0x6ad: {  	v41 =	vbroadcast v32, $0x0;
	v43 =	vmul.f32 $1.442695020e+00, v0;
	v32 =	vld [tilespmem:s23+$0xFFFFFFF0];
	s23 =	smov.u32 s22  }
.Ltmp33:
0x6ae: {  	(pc) =	sbr.rel .LBB2_23-.Ltmp33, $2  }
0x6af: {  	_ =	sdelay $0x2  }
0x6b0: {  	v38 =	vmov v22;
	s11 =	smov.u32 s22;
	v22 =	vmov v40;
	v62 =	vimm.f32 $0.0e+00  }
.LBB2_8:
.Ltmp34:
0x6b1: {  	(pc) =	sbr.rel .LBB2_13-.Ltmp34, $2  }
0x6b2: {  	_ =	sdelay $0x2  }
0x6b3: {  	_ = 	snop  }
.LBB2_10:
.Ltmp35:
0x6b4: {  	(pc) =	sbr.rel .LBB2_13-.Ltmp35, $2  }
0x6b5: {  	_ =	sdelay $0x2  }
0x6b6: {  	s11 =	simm.s32 $0x10100;
	s23 =	simm.s32 $0x10300;
	v34 =	vmov v31  }
.LBB2_20:
.Ltmp36:
0x6b7: {  	(pc) =	sbr.rel .LBB2_23-.Ltmp36, $2  }
0x6b8: {  	_ =	sdelay $0x2  }
0x6b9: {  	v38 =	vmov v22;
	s11 =	simm.s32 $0x16B00;
	v22 =	vmov v40;
	s23 =	simm.s32 $0x16B00;
	v62 =	vimm.f32 $0.0e+00  }
.LBB2_26:
.Ltmp37:
0x6ba: {  	(pc) =	sbr.rel .LBB2_52-.Ltmp37, $2  }
0x6bb: {  	_ =	sdelay $0x2  }
0x6bc: {  	s11 =	rddreg [dreg:$0x7];
	s5 =	simm.s32 $0x1EA80;
	s19 =	simm.s32 $0x1EB00  }
.LBB2_53:
0x6bd: {  	_ =	sfence.sel $0x180000  }
0x6be: {  	[bflag:$0x0] =	sbarrier.arrive $0xFFFF  }
0x6bf: {  	_ =	strace $0x90000047  }
0x6c0: {  	[bflag:$0x2] =	sbarrier.arrive $0xFFFF  }
0x6c1: {  	s0 =	rddreg [dreg:$0x9]  }
0x6c2: {  	s0 =	sadd.s32 @!p1 $0x100000, s0  }
0x6c3: {  	[sflag:s0] =	ssyncadd.tile.s32 @!p1 $0x1;
	_ =	shalt  }
.Lfunc_end2:
_tile_overlayer_lowered:
.L_overlay_start_2:
0x6c4: {  	(tag) =	ssettag $0x2  }
0x6c5: {  	s0 =	rddreg [dreg:$0x0];
	s2 =	stileid.u32  }
0x6c6: {  	s1 =	rddreg [dreg:$0x1];
	p0 =	sne.s32 s2, $0x0  }
0x6c7: {  	s3 =	rddreg [dreg:$0x2];
	[bflag:$0x3] =	sbarrier.arrive $0xFFFF;
	s2 =	simm.s32 @!p0 $0x1C03  }
0x6c8: {  	[timem:s3], [sflag:s2] =	dma.local @!p0 [hbm:s0], s1  }
0x6c9: {  	s0 =	simm.s32 @!p0 $0x3  }
0x6ca: {  	_ =	swait.ge @!p0 [sflag:s0], s1  }
0x6cb: {  	s1 =	ssub.s32 @!p0 $0x0, s1;
	[sflag:s0] =	ssyncset.done @!p0 $0x0  }
0x6cc: {  	[sflag:s0] =	ssyncadd.s32 @!p0 s1  }
0x6cd: {  	[bflag:$0x3] =	sbarrier.arrive $0xFFFF  }
0x6ce: {  	_ =	shalt  }

</sc_bundles>
